<compile_context>
chip_gen: v7x
topology: tpu7x:2x2x1
jax: 0.10.2.dev20260603
libtpu: 0.0.44.dev20260713+nightly
codegen_flags: <defaults>
</compile_context>

<pallas_src>
import functools

import jax
import jax.numpy as jnp
from jax import lax
from jax.experimental import pallas as pl
from jax.experimental.pallas import tpu as pltpu
from jax.experimental.pallas import tpu_sc as plsc

N = 10000
E = 160000
G = 16
D = 128
DA = 8
DE = 64
DSH = 16
DS = 64
DT = 4
T = 128
H = 8
DH = 16
MID = 128

NC = 2
NS = 16
NW = NC * NS
EPAD = 163840
PER_W = EPAD // NW
CH = 128
NCHUNK = PER_W // CH
K0 = 40
K1 = (2 * NCHUNK) - K0
NP = 10240
NPS = NP // NS

EBLK = 2048
EGRID = EPAD // EBLK
EBLK4 = 2000
NBLK = 80
NGRID = N // NBLK
NEG = -1e30


def _mesh():
    return plsc.VectorSubcoreMesh(core_axis_name="c", subcore_axis_name="s",
                                  num_cores=NC, num_subcores=NS)



def _sc_gather_add(table_a, table_b, idx_a, idx_b):
    W = table_a.shape[1]
    dt = table_a.dtype
    VL = 32 if dt == jnp.bfloat16 else 16

    @functools.partial(
        pl.kernel, mesh=_mesh(),
        out_type=jax.ShapeDtypeStruct((EPAD, W), dt),
        scratch_types=[
            [pltpu.VMEM((CH,), jnp.int32)] * 2,
            [pltpu.VMEM((CH,), jnp.int32)] * 2,
            [pltpu.VMEM((CH, W), dt)] * 2,
            [pltpu.VMEM((CH, W), dt)] * 2,
            [pltpu.VMEM((CH, W), dt)] * 2,
            [pltpu.SemaphoreType.DMA] * 2, [pltpu.SemaphoreType.DMA] * 2,
            [pltpu.SemaphoreType.DMA] * 2,
        ])
    def k(ta, tb, ia, ib, out, iva, ivb, ra, rb, ro, sema, semb, semo):
        cid = lax.axis_index("c")
        sid = lax.axis_index("s")
        nch = jnp.where(cid == 0, K0, K1)
        cbase = jnp.where(cid == 0, sid * K0, NS * K0 + sid * K1)

        def issue(g, p):
            off = (cbase + g) * CH
            pltpu.sync_copy(ia.at[pl.ds(off, CH)], iva[p])
            pltpu.sync_copy(ib.at[pl.ds(off, CH)], ivb[p])
            pltpu.async_copy(ta.at[iva[p]], ra[p], sema[p])
            pltpu.async_copy(tb.at[ivb[p]], rb[p], semb[p])

        def drain(g, p):
            pltpu.make_async_copy(ta.at[iva[p]], ra[p], sema[p]).wait()
            pltpu.make_async_copy(tb.at[ivb[p]], rb[p], semb[p]).wait()

            @pl.when(g >= 2)
            def _():
                pltpu.make_async_copy(
                    ro[p], out.at[pl.ds(cbase * CH, CH)], semo[p]).wait()

            def add_rows(r2, c2):
                for rr in range(2):
                    for j in range(W // VL):
                        ro[p][2 * r2 + rr, pl.ds(j * VL, VL)] = (
                            ra[p][2 * r2 + rr, pl.ds(j * VL, VL)]
                            + rb[p][2 * r2 + rr, pl.ds(j * VL, VL)])
                return c2

            lax.fori_loop(0, CH // 2, add_rows, 0)
            pltpu.async_copy(ro[p], out.at[pl.ds((cbase + g) * CH, CH)],
                             semo[p])

        issue(0, 0)

        def body(i, carry):
            g0 = 2 * i

            @pl.when(g0 + 1 < nch)
            def _():
                issue(g0 + 1, 1)

            @pl.when(g0 < nch)
            def _():
                drain(g0, 0)

            @pl.when(g0 + 2 < nch)
            def _():
                issue(g0 + 2, 0)

            @pl.when(g0 + 1 < nch)
            def _():
                drain(g0 + 1, 1)

            return carry

        lax.fori_loop(0, (K0 + 1) // 2, body, 0)
        for p in range(2):
            pltpu.make_async_copy(
                ro[p], out.at[pl.ds(cbase * CH, CH)], semo[p]).wait()

    return k(table_a, table_b, idx_a, idx_b)


def _sc_scatter_add(vals, idx, zeros):
    W = vals.shape[1]

    @functools.partial(
        pl.kernel, mesh=_mesh(),
        out_type=jax.ShapeDtypeStruct((NC * NP, W), jnp.float32),
        scratch_types=[
            [pltpu.VMEM((CH,), jnp.int32)] * 2,
            [pltpu.VMEM((CH, W), jnp.float32)] * 2,
            [pltpu.SemaphoreType.DMA] * 2,
            [pltpu.SemaphoreType.DMA] * 2,
            pltpu.VMEM_SHARED((NP, W), jnp.float32),
        ])
    def k(vv, ia, zer, out, idx_v, v_v, semi, semv, shared):
        cid = lax.axis_index("c")
        sid = lax.axis_index("s")
        wid = sid * NC + cid
        base = wid * PER_W
        pltpu.sync_copy(zer, shared.at[pl.ds(sid * NPS, NPS)])
        plsc.subcore_barrier()

        def issue(g, p):
            off = base + g * CH
            pltpu.async_copy(ia.at[pl.ds(off, CH)], idx_v[p], semi[p])
            pltpu.async_copy(vv.at[pl.ds(off, CH)], v_v[p], semv[p])

        def drain(g, p):
            pltpu.make_async_copy(ia.at[pl.ds(base, CH)], idx_v[p],
                                  semi[p]).wait()
            pltpu.make_async_copy(vv.at[pl.ds(base, CH)], v_v[p],
                                  semv[p]).wait()
            pltpu.sync_copy(v_v[p], shared.at[idx_v[p]], add=True)

        issue(0, 0)

        def body(i, carry):
            g0 = 2 * i

            @pl.when(g0 + 1 < NCHUNK)
            def _():
                issue(g0 + 1, 1)

            drain(g0, 0)

            @pl.when(g0 + 2 < NCHUNK)
            def _():
                issue(g0 + 2, 0)

            @pl.when(g0 + 1 < NCHUNK)
            def _():
                drain(g0 + 1, 1)

            return carry

        lax.fori_loop(0, (NCHUNK + 1) // 2, body, 0)
        plsc.subcore_barrier()
        pltpu.sync_copy(shared.at[pl.ds(sid * NPS, NPS)],
                        out.at[pl.ds(cid * NP + sid * NPS, NPS)])

    return k(vals, idx, zeros)



def _adaln(x, oh, sc, sh):
    mu = jnp.mean(x, axis=-1, keepdims=True)
    d = x - mu
    va = jnp.mean(d * d, axis=-1, keepdims=True)
    xn = d * lax.rsqrt(va + 1e-5)
    return xn * jnp.dot(oh, sc, preferred_element_type=jnp.float32) \
        + jnp.dot(oh, sh, preferred_element_type=jnp.float32)


def _onehot(b_col):
    rows = b_col.shape[0]
    io = lax.broadcasted_iota(jnp.int32, (rows, G), 1)
    return (b_col == io).astype(jnp.float32)


def _mm(a, b):
    return jnp.dot(a, b, preferred_element_type=jnp.float32)


def _t1_body(ni, bcol, t, ws, bs, wb, bb, wsrc, wdst, q, k, pcnt):
    tv = t[...]
    sc1 = 1.0 + _mm(tv, ws[...]) + bs[...]
    sh1 = _mm(tv, wb[...]) + bb[...]
    oh = _onehot(bcol[...])
    x = _adaln(ni[...], oh, sc1, sh1)
    q[...] = _mm(x, wsrc[...])
    k[...] = _mm(x, wdst[...])
    io = lax.broadcasted_iota(jnp.int32, (NBLK, G), 1)
    le = (bcol[...] <= io).astype(jnp.float32)
    pcnt[...] = jnp.sum(le, axis=0)[None, None, :]


def _tc_node_pre(ni, bcol, t, ws, bs, wb, bb, wsrc, wdst):
    full = lambda s: pl.BlockSpec(s, lambda i: tuple(0 for _ in s))
    row = lambda w: pl.BlockSpec((NBLK, w), lambda i: (i, 0))
    return pl.pallas_call(
        _t1_body,
        grid=(NGRID,),
        in_specs=[row(D), pl.BlockSpec((NBLK, 1), lambda i: (i, 0)),
                  full((G, T)), full((T, D)), full((1, D)), full((T, D)),
                  full((1, D)), full((D, D)), full((D, D))],
        out_specs=[row(D), row(D),
                   pl.BlockSpec((1, 1, G), lambda i: (i, 0, 0))],
        out_shape=[jax.ShapeDtypeStruct((N, D), jnp.float32),
                   jax.ShapeDtypeStruct((N, D), jnp.float32),
                   jax.ShapeDtypeStruct((NGRID, 1, G), jnp.float32)],
    )(ni, bcol, t, ws, bs, wb, bb, wsrc, wdst)


def _t2_body(msg0, esc, ea, ws1, bs1, ws2, bs2, wsh, wmask,
             msg, logits, pmax):
    i = pl.program_id(0)
    g1 = jax.nn.silu(_mm(esc[...], ws1[...]) + bs1[...])
    gate = jax.nn.silu(_mm(g1, ws2[...]) + bs2[...])
    m = msg0[...].astype(jnp.float32) * gate + _mm(ea[...], wsh[...])
    lg = _mm(m, wmask[...])
    lg = jnp.where(lg > 0, lg, 0.2 * lg)
    rowid = i * EBLK + lax.broadcasted_iota(jnp.int32, (EBLK, 16), 0)
    lg = jnp.where(rowid < E, lg, NEG)
    msg[...] = m
    logits[...] = lg
    pmax[...] = jnp.max(lg, axis=0)[None, None, :]


def _tc_edge_attn(msg0, esc, ea, ws1, bs1, ws2, bs2, wsh, wmask):
    full = lambda s: pl.BlockSpec(s, lambda i: tuple(0 for _ in s))
    row = lambda w: pl.BlockSpec((EBLK, w), lambda i: (i, 0))
    clamped = lambda w: pl.BlockSpec(
        (EBLK, w), lambda i: (jnp.minimum(i, (E // EBLK) - 1), 0))
    return pl.pallas_call(
        _t2_body,
        grid=(EGRID,),
        in_specs=[row(D), clamped(DS), clamped(DSH),
                  full((DS, 64)), full((1, 64)), full((64, D)), full((1, D)),
                  full((DSH, D)), full((D, 16))],
        out_specs=[row(D), row(16),
                   pl.BlockSpec((1, 1, 16), lambda i: (i, 0, 0))],
        out_shape=[jax.ShapeDtypeStruct((EPAD, D), jnp.float32),
                   jax.ShapeDtypeStruct((EPAD, 16), jnp.float32),
                   jax.ShapeDtypeStruct((EGRID, 1, 16), jnp.float32)],
    )(msg0, esc, ea, ws1, bs1, ws2, bs2, wsh, wmask)


def _t2b_body(logits, msg, pmax, expand, wmsg, e128):
    cg = jnp.max(pmax[...], axis=0, keepdims=True)
    e = jnp.exp(logits[...] - cg)
    ee = _mm(e, expand[...])
    wmsg[...] = ee * msg[...]
    e128[...] = ee


def _tc_alpha_wmsg(logits, msg, pmax2d, expand):
    full = lambda s: pl.BlockSpec(s, lambda i: tuple(0 for _ in s))
    row = lambda w: pl.BlockSpec((EBLK, w), lambda i: (i, 0))
    return pl.pallas_call(
        _t2b_body,
        grid=(EGRID,),
        in_specs=[row(16), row(D), full((EGRID, 16)), full((16, D))],
        out_specs=[row(D), row(D)],
        out_shape=[jax.ShapeDtypeStruct((EPAD, D), jnp.float32),
                   jax.ShapeDtypeStruct((EPAD, D), jnp.float32)],
    )(logits, msg, pmax2d, expand)


def _t3_body(p0, p1, s0, s1, ni, na, bcol, t, ws, bs, wb, bb,
             wout, bout, w1t, w2t, w1a, w1b, gga, gnf, nout2, aout, bout2):
    den = s0[...] + s1[...] + 1e-9
    agg = (p0[...] + p1[...]) / den
    attn = _mm(agg, wout[...]) + bout[...]
    nout = ni[...] + attn * gga[0, 0]
    tv = t[...]
    sc2 = 1.0 + _mm(tv, ws[...]) + bs[...]
    sh2 = _mm(tv, wb[...]) + bb[...]
    oh = _onehot(bcol[...])
    x2 = _adaln(nout, oh, sc2, sh2)
    nav = na[...]
    h = jnp.zeros((NBLK, MID), jnp.float32)
    for j in range(DA):
        h = h + _mm(x2 * nav[:, j:j + 1], w1t[j])
    h = jax.nn.silu(h)
    ffn = jnp.zeros((NBLK, D), jnp.float32)
    for j in range(DA):
        ffn = ffn + _mm(h * nav[:, j:j + 1], w2t[j])
    n2 = nout + ffn * gnf[0, 0]
    nout2[...] = n2
    aout[...] = _mm(n2, w1a[...])
    bout2[...] = _mm(n2, w1b[...])


def _tc_node_post(p0, p1, s0, s1, ni, na, bcol, t, ws, bs, wb, bb,
                  wout, bout, w1t, w2t, w1a, w1b, gga, gnf):
    full = lambda s: pl.BlockSpec(s, lambda i: tuple(0 for _ in s))
    row = lambda w: pl.BlockSpec((NBLK, w), lambda i: (i, 0))
    return pl.pallas_call(
        _t3_body,
        grid=(NGRID,),
        in_specs=[row(D),
                  pl.BlockSpec((NBLK, D), lambda i: (NP // NBLK + i, 0)),
                  row(D),
                  pl.BlockSpec((NBLK, D), lambda i: (NP // NBLK + i, 0)),
                  row(D), row(DA),
                  pl.BlockSpec((NBLK, 1), lambda i: (i, 0)),
                  full((G, T)), full((T, D)), full((1, D)), full((T, D)),
                  full((1, D)), full((D, D)), full((1, D)),
                  full((DA, D, MID)), full((DA, MID, D)),
                  full((D, D)), full((D, D)), full((1, 1)), full((1, 1))],
        out_specs=[row(D), row(D), row(D)],
        out_shape=[jax.ShapeDtypeStruct((N, D), jnp.float32)] * 3,
    )(p0, p1, s0, s1, ni, na, bcol, t, ws, bs, wb, bb, wout, bout,
      w1t, w2t, w1a, w1b, gga, gnf)


def _t4_body(ab, ei, escol, pcnt, shiftm, eat, t, e1ws, e1bs, e1wb, e1bb,
             w1c, b1, wt, w2, b2, e2ws, e2bs, e2wb, e2bb,
             ew1t, ew2t, geu, gef, eout):
    tv = t[...]
    cnt = jnp.sum(pcnt[...], axis=0, keepdims=True)
    esf = escol[...].astype(jnp.float32)
    oha = (esf < cnt).astype(jnp.float32)
    oh = oha - _mm(oha, shiftm[...])
    sc1 = 1.0 + _mm(tv, e1ws[...]) + e1bs[...]
    sh1 = _mm(tv, e1wb[...]) + e1bb[...]
    en = _adaln(ei[...], oh, sc1, sh1)
    tb = _mm(tv, wt[...])
    hid = jax.nn.silu(ab[...].astype(jnp.float32) + _mm(en, w1c[...])
                      + b1[...] + _mm(oh, tb))
    upd = _mm(hid, w2[...]) + b2[...]
    eo = ei[...] + upd * geu[0, 0]
    sc2 = 1.0 + _mm(tv, e2ws[...]) + e2bs[...]
    sh2 = _mm(tv, e2wb[...]) + e2bb[...]
    en2 = _adaln(eo, oh, sc2, sh2)
    eav = eat[...]
    h2 = jnp.zeros((EBLK4, MID), jnp.float32)
    for j in range(DT):
        h2 = h2 + _mm(en2 * eav[:, j:j + 1], ew1t[j])
    h2 = jax.nn.silu(h2)
    effn = jnp.zeros((EBLK4, DE), jnp.float32)
    for j in range(DT):
        effn = effn + _mm(h2 * eav[:, j:j + 1], ew2t[j])
    eout[...] = eo + effn * gef[0, 0]


def _tc_edge_update(ab, ei, escol, pcnt, shiftm, eat, t, e1ws, e1bs, e1wb, e1bb,
                    w1c, b1, wt, w2, b2, e2ws, e2bs, e2wb, e2bb,
                    ew1t, ew2t, geu, gef):
    full = lambda s: pl.BlockSpec(s, lambda i: tuple(0 for _ in s))
    row = lambda w: pl.BlockSpec((EBLK4, w), lambda i: (i, 0))
    return pl.pallas_call(
        _t4_body,
        grid=(E // EBLK4,),
        in_specs=[row(D), row(DE),
                  pl.BlockSpec((EBLK4, 1), lambda i: (i, 0)),
                  full((NGRID, G)), full((G, G)), row(DT),
                  full((G, T)), full((T, DE)), full((1, DE)), full((T, DE)),
                  full((1, DE)), full((DE, D)), full((1, D)), full((T, D)),
                  full((D, DE)), full((1, DE)), full((T, DE)), full((1, DE)),
                  full((T, DE)), full((1, DE)),
                  full((DT, DE, MID)), full((DT, MID, DE)),
                  full((1, 1)), full((1, 1))],
        out_specs=row(DE),
        out_shape=jax.ShapeDtypeStruct((E, DE), jnp.float32),
    )(ab, ei, escol, pcnt, shiftm, eat, t, e1ws, e1bs, e1wb, e1bb,
      w1c, b1, wt, w2, b2, e2ws, e2bs, e2wb, e2bb,
      ew1t, ew2t, geu, gef)



def kernel(node_input, node_attr, edge_src, edge_dst, edge_index, edge_attr,
           edge_scalars, edge_input, edge_attr_type, t, batch,
           nn1_Ws, nn1_bs, nn1_Wb, nn1_bb, nn2_Ws, nn2_bs, nn2_Wb, nn2_bb,
           en1_Ws, en1_bs, en1_Wb, en1_bb, en2_Ws, en2_bs, en2_Wb, en2_bb,
           ga_Wsrc, ga_Wdst, ga_Ws1, ga_bs1, ga_Ws2, ga_bs2, ga_Wsh,
           ga_walpha, ga_Wout, ga_bout, nffn_W1, nffn_W2, effn_W1, effn_W2,
           eu_W1, eu_b1, eu_Wt, eu_W2, eu_b2, g_ga, g_nffn, g_eu, g_effn):
    pad = EPAD - E
    esP = jnp.pad(edge_src.astype(jnp.int32), (0, pad))
    edP = jnp.pad(edge_dst.astype(jnp.int32), (0, pad))
    bcol = batch.astype(jnp.int32).reshape(N, 1)
    r2 = lambda v: v.reshape(1, -1)

    eh = (jnp.arange(D)[:, None] // DH
          == jnp.arange(16)[None, :]).astype(jnp.float32)
    wmask = ga_walpha.reshape(D)[:, None] * eh
    expand = eh.T

    q, k, pcnt = _tc_node_pre(node_input, bcol, t, nn1_Ws, r2(nn1_bs),
                              nn1_Wb, r2(nn1_bb), ga_Wsrc, ga_Wdst)
    pcnt2 = pcnt.reshape(NGRID, G)
    shiftm = (jnp.arange(G)[:, None]
              == (jnp.arange(G)[None, :] - 1)).astype(jnp.float32)
    msg0 = _sc_gather_add(q, k, esP, edP)
    msg, logits, pmax = _tc_edge_attn(
        msg0, edge_scalars, edge_attr, ga_Ws1, r2(ga_bs1), ga_Ws2,
        r2(ga_bs2), ga_Wsh, wmask)
    zeros128 = jnp.zeros((NPS, D), jnp.float32)
    wmsg, e128 = _tc_alpha_wmsg(logits, msg, pmax.reshape(EGRID, 16), expand)
    sp = _sc_scatter_add(e128, edP, zeros128)
    aggp = _sc_scatter_add(wmsg, edP, zeros128)
    w1t = jnp.transpose(nffn_W1, (1, 0, 2))
    w2t = jnp.transpose(nffn_W2, (1, 0, 2))
    nout2, a, b = _tc_node_post(
        aggp, aggp, sp, sp, node_input, node_attr, bcol, t,
        nn2_Ws, r2(nn2_bs), nn2_Wb, r2(nn2_bb), ga_Wout, r2(ga_bout),
        w1t, w2t, eu_W1[:D], eu_W1[D:2 * D],
        g_ga.reshape(1, 1), g_nffn.reshape(1, 1))
    ab = _sc_gather_add(a, b, esP, edP)
    ew1t = jnp.transpose(effn_W1, (1, 0, 2))
    ew2t = jnp.transpose(effn_W2, (1, 0, 2))
    eout = _tc_edge_update(
        ab, edge_input, edge_src.astype(jnp.int32).reshape(E, 1), pcnt2,
        shiftm, edge_attr_type, t,
        en1_Ws, r2(en1_bs), en1_Wb, r2(en1_bb),
        eu_W1[2 * D:], r2(eu_b1), eu_Wt, eu_W2, r2(eu_b2),
        en2_Ws, r2(en2_bs), en2_Wb, r2(en2_bb),
        ew1t, ew2t, g_eu.reshape(1, 1), g_effn.reshape(1, 1))
    return nout2, eout

# --- scband reference (transcript-rebuilt; emitter-appended) ---
"""Pipeline reference for scband-e-di-t-block-86749749444869 (READ-ONLY COPY).

The authoritative reference and input builder live on the scoring server;
editing this copy changes nothing except your own understanding.
"""

import jax, jax.numpy as jnp
import numpy as np

N=10000; E=160000; G=16; D=128; DA=8; DE=64; DSH=16; DS=64; DT=4; T=128; H=8; DH=16; MID=128

FLOAT_KEYS=['node_input','node_attr','edge_attr','edge_scalars','edge_input','edge_attr_type','t','nn1_Ws','nn1_bs','nn1_Wb','nn1_bb','nn2_Ws','nn2_bs','nn2_Wb','nn2_bb','en1_Ws','en1_bs','en1_Wb','en1_bb','en2_Ws','en2_bs','en2_Wb','en2_bb','ga_Wsrc','ga_Wdst','ga_Ws1','ga_bs1','ga_Ws2','ga_bs2','ga_Wsh','ga_walpha','ga_Wout','ga_bout','nffn_W1','nffn_W2','effn_W1','effn_W2','eu_W1','eu_b1','eu_Wt','eu_W2','eu_b2','g_ga','g_nffn','g_eu','g_effn']
INT_KEYS=['edge_src','edge_dst','edge_index','batch']

def _k(i):
    return jax.random.fold_in(jax.random.key(0), i)

def _w(i, shape):
    fan=float(np.prod(shape[:-1])) if len(shape)>1 else 1.0
    return jax.random.normal(_k(i), shape, jnp.float32)/np.sqrt(fan)

def setup_inputs():
    inp={}
    inp['node_input']=jax.random.normal(_k(1),(N,D),jnp.float32)
    inp['node_attr']=jax.random.uniform(_k(2),(N,DA),jnp.float32)
    es=jax.random.randint(_k(3),(E,),0,N)
    ed=jax.random.randint(_k(4),(E,),0,N)
    inp['edge_src']=es; inp['edge_dst']=ed; inp['edge_index']=jnp.stack([es,ed])
    inp['edge_attr']=jax.random.normal(_k(5),(E,DSH),jnp.float32)
    inp['edge_scalars']=jax.random.normal(_k(6),(E,DS),jnp.float32)
    inp['edge_input']=jax.random.normal(_k(7),(E,DE),jnp.float32)
    inp['edge_attr_type']=jax.random.uniform(_k(8),(E,DT),jnp.float32)
    inp['t']=jax.random.normal(_k(9),(G,T),jnp.float32)
    inp['batch']=jnp.sort(jax.random.randint(_k(10),(N,),0,G))
    i=100
    for nm,dim in [('nn1',D),('nn2',D),('en1',DE),('en2',DE)]:
        inp[nm+'_Ws']=_w(i,(T,dim))*0.1; i+=1
        inp[nm+'_bs']=jnp.zeros((dim,),jnp.float32)
        inp[nm+'_Wb']=_w(i,(T,dim))*0.1; i+=1
        inp[nm+'_bb']=jnp.zeros((dim,),jnp.float32)
    inp['ga_Wsrc']=_w(120,(D,H*DH)); inp['ga_Wdst']=_w(121,(D,H*DH))
    inp['ga_Ws1']=_w(122,(DS,64)); inp['ga_bs1']=jnp.zeros((64,),jnp.float32)
    inp['ga_Ws2']=_w(123,(64,H*DH)); inp['ga_bs2']=jnp.zeros((H*DH,),jnp.float32)
    inp['ga_Wsh']=_w(124,(DSH,H*DH))
    inp['ga_walpha']=_w(125,(H,DH))
    inp['ga_Wout']=_w(126,(H*DH,D)); inp['ga_bout']=jnp.zeros((D,),jnp.float32)
    inp['nffn_W1']=_w(127,(D,DA,MID)); inp['nffn_W2']=_w(128,(MID,DA,D))
    inp['effn_W1']=_w(129,(DE,DT,MID)); inp['effn_W2']=_w(130,(MID,DT,DE))
    inp['eu_W1']=_w(131,(2*D+DE,128)); inp['eu_b1']=jnp.zeros((128,),jnp.float32)
    inp['eu_Wt']=_w(132,(T,128))
    inp['eu_W2']=_w(133,(128,DE)); inp['eu_b2']=jnp.zeros((DE,),jnp.float32)
    for g in ['g_ga','g_nffn','g_eu','g_effn']:
        inp[g]=jnp.array([0.001],jnp.float32)
    return inp

def _ada_ln(x,t,seg,Ws,bs,Wb,bb):
    mu=jnp.mean(x,axis=-1,keepdims=True)
    va=jnp.var(x,axis=-1,keepdims=True)
    xn=(x-mu)/jnp.sqrt(va+1e-5)
    return xn*(1.0+(t@Ws+bs)[seg])+(t@Wb+bb)[seg]

def _seg_softmax(logits,seg,num):
    m=jax.ops.segment_max(logits,seg,num_segments=num)
    m=jnp.where(jnp.isfinite(m),m,0.0)
    e=jnp.exp(logits-m[seg])
    s=jax.ops.segment_sum(e,seg,num_segments=num)
    return e/(s[seg]+1e-9)

def _forward(p):
    nb=p['batch']; es=p['edge_src']; ed=p['edge_dst']; ei=p['edge_index']; t=p['t']
    n=p['node_input'].shape[0]
    x=_ada_ln(p['node_input'],t,nb,p['nn1_Ws'],p['nn1_bs'],p['nn1_Wb'],p['nn1_bb'])
    msg=x[es]@p['ga_Wsrc']+x[ed]@p['ga_Wdst']
    gate=jax.nn.silu(jax.nn.silu(p['edge_scalars']@p['ga_Ws1']+p['ga_bs1'])@p['ga_Ws2']+p['ga_bs2'])
    msg=msg*gate+p['edge_attr']@p['ga_Wsh']
    msg=msg.reshape(msg.shape[0],H,DH)
    logits=jax.nn.leaky_relu(jnp.einsum('ehd,hd->eh',msg,p['ga_walpha']),negative_slope=0.2)
    alpha=_seg_softmax(logits,ed,n)
    agg=jax.ops.segment_sum(alpha[:,:,None]*msg,ed,num_segments=n).reshape(n,H*DH)
    attn=agg@p['ga_Wout']+p['ga_bout']
    node_out=p['node_input']+attn*p['g_ga']
    x2=_ada_ln(node_out,t,nb,p['nn2_Ws'],p['nn2_bs'],p['nn2_Wb'],p['nn2_bb'])
    h=jax.nn.silu(jnp.einsum('ni,nj,ijk->nk',x2,p['node_attr'],p['nffn_W1']))
    ffn=jnp.einsum('nk,nj,kjo->no',h,p['node_attr'],p['nffn_W2'])
    node_out=node_out+ffn*p['g_nffn']
    eb=nb[es]
    en=_ada_ln(p['edge_input'],t,eb,p['en1_Ws'],p['en1_bs'],p['en1_Wb'],p['en1_bb'])
    cat=jnp.concatenate([node_out[ei[0]],node_out[ei[1]],en],axis=-1)
    hid=jax.nn.silu(cat@p['eu_W1']+p['eu_b1']+(t@p['eu_Wt'])[eb])
    upd=hid@p['eu_W2']+p['eu_b2']
    e_out=p['edge_input']+upd*p['g_eu']
    en2=_ada_ln(e_out,t,eb,p['en2_Ws'],p['en2_bs'],p['en2_Wb'],p['en2_bb'])
    h2=jax.nn.silu(jnp.einsum('ni,nj,ijk->nk',en2,p['edge_attr_type'],p['effn_W1']))
    effn=jnp.einsum('nk,nj,kjo->no',h2,p['edge_attr_type'],p['effn_W2'])
    e_out=e_out+effn*p['g_effn']
    return (node_out,e_out)

def reference(node_input,node_attr,edge_src,edge_dst,edge_index,edge_attr,edge_scalars,edge_input,edge_attr_type,t,batch,nn1_Ws,nn1_bs,nn1_Wb,nn1_bb,nn2_Ws,nn2_bs,nn2_Wb,nn2_bb,en1_Ws,en1_bs,en1_Wb,en1_bb,en2_Ws,en2_bs,en2_Wb,en2_bb,ga_Wsrc,ga_Wdst,ga_Ws1,ga_bs1,ga_Ws2,ga_bs2,ga_Wsh,ga_walpha,ga_Wout,ga_bout,nffn_W1,nffn_W2,effn_W1,effn_W2,eu_W1,eu_b1,eu_Wt,eu_W2,eu_b2,g_ga,g_nffn,g_eu,g_effn):
    return _forward(dict(locals()))

if __name__ == "__main__":
    import jax
    _d = setup_inputs()
    print(jax.jit(kernel)(*tuple(_d.values())))

</pallas_src>

<mosaic_0001>
#map = affine_map<(d0, d1) -> (0, 0)>
#map1 = affine_map<(d0, d1) -> (0)>
module attributes {stable_mosaic.version = 14 : i64} {
  func.func @k(%arg0: i32, %arg1: i32, %arg2: memref<10000x128xf32, #tpu.memory_space<hbm>>, %arg3: memref<10000x128xf32, #tpu.memory_space<hbm>>, %arg4: memref<163840xi32, #tpu.memory_space<hbm>>, %arg5: memref<163840xi32, #tpu.memory_space<hbm>>, %arg6: memref<163840x128xf32, #tpu.memory_space<hbm>>, %arg7: memref<128xi32, #tpu.memory_space<vmem>>, %arg8: memref<128xi32, #tpu.memory_space<vmem>>, %arg9: memref<128xi32, #tpu.memory_space<vmem>>, %arg10: memref<128xi32, #tpu.memory_space<vmem>>, %arg11: memref<128x128xf32, #tpu.memory_space<vmem>>, %arg12: memref<128x128xf32, #tpu.memory_space<vmem>>, %arg13: memref<128x128xf32, #tpu.memory_space<vmem>>, %arg14: memref<128x128xf32, #tpu.memory_space<vmem>>, %arg15: memref<128x128xf32, #tpu.memory_space<vmem>>, %arg16: memref<128x128xf32, #tpu.memory_space<vmem>>, %arg17: memref<!tpu.dma_semaphore, #tpu.memory_space<semaphore_mem>>, %arg18: memref<!tpu.dma_semaphore, #tpu.memory_space<semaphore_mem>>, %arg19: memref<!tpu.dma_semaphore, #tpu.memory_space<semaphore_mem>>, %arg20: memref<!tpu.dma_semaphore, #tpu.memory_space<semaphore_mem>>, %arg21: memref<!tpu.dma_semaphore, #tpu.memory_space<semaphore_mem>>, %arg22: memref<!tpu.dma_semaphore, #tpu.memory_space<semaphore_mem>>) attributes {dimension_semantics = [#tpu.dimension_semantics<core_parallel>, #tpu.dimension_semantics<subcore_parallel>], iteration_bounds = array<i64: 2, 16>, scalar_prefetch = 0 : i64, scratch_operands = 16 : i64, tpu.core_type = #tpu.core_type<sc_vector_subcore>, window_params = [{transform_indices = #map}, {transform_indices = #map}, {transform_indices = #map1}, {transform_indices = #map1}, {transform_indices = #map}]} {
    %eq3A = arith.constant 0 : i32
    %eq3A_0 = arith.cmpi eq, %arg0, %eq3A : i32
    %jit3A = arith.constant 40 : i32
    %jit3A_1 = arith.constant 40 : i32
    %select_n3A = arith.select %eq3A_0, %jit3A, %jit3A_1 : i32
    %eq3A_2 = arith.constant 0 : i32
    %eq3A_3 = arith.cmpi eq, %arg0, %eq3A_2 : i32
    %mul3A = arith.constant 40 : i32
    %mul3A_4 = arith.muli %arg1, %mul3A : i32
    %mul3A_5 = arith.constant 40 : i32
    %mul3A_6 = arith.muli %arg1, %mul3A_5 : i32
    %add3A = arith.constant 640 : i32
    %add3A_7 = arith.addi %add3A, %mul3A_6 : i32
    %select_n3A_8 = arith.select %eq3A_3, %mul3A_4, %add3A_7 : i32
    %add3A_9 = arith.constant 0 : i32
    %add3A_10 = arith.addi %select_n3A_8, %add3A_9 : i32
    %mul3A_11 = arith.constant 128 : i32
    %mul3A_12 = arith.muli %add3A_10, %mul3A_11 : i32
    "tpu.region"() ({
      %run_scoped3A = tpu.sem_alloc : memref<!tpu.dma_semaphore, #tpu.memory_space<semaphore_mem>>
      %dma_start3A_34 = tpu.memref_slice %arg4[%mul3A_12] : memref<163840xi32, #tpu.memory_space<hbm>> -> memref<128xi32, #tpu.memory_space<hbm>>
      %dma_start3A_35 = tpu.memref_slice %arg4[%mul3A_12] : memref<163840xi32, #tpu.memory_space<hbm>> -> memref<128xi32, #tpu.memory_space<hbm>>
      tpu.enqueue_dma source(%dma_start3A_35 : memref<128xi32, #tpu.memory_space<hbm>>) target(%arg7 : memref<128xi32, #tpu.memory_space<vmem>>) target_semaphore(%run_scoped3A : memref<!tpu.dma_semaphore, #tpu.memory_space<semaphore_mem>>)
      %dma_wait3A_36 = tpu.memref_slice %arg4[%mul3A_12] : memref<163840xi32, #tpu.memory_space<hbm>> -> memref<128xi32, #tpu.memory_space<hbm>>
      %dma_wait3A_37 = tpu.memref_slice %arg4[%mul3A_12] : memref<163840xi32, #tpu.memory_space<hbm>> -> memref<128xi32, #tpu.memory_space<hbm>>
      tpu.wait_dma2 semaphore(%run_scoped3A : memref<!tpu.dma_semaphore, #tpu.memory_space<semaphore_mem>>) src(%dma_wait3A_37 : memref<128xi32, #tpu.memory_space<hbm>>) dst(%arg7 : memref<128xi32, #tpu.memory_space<vmem>>)
      tpu.yield
    }) : () -> ()
    "tpu.region"() ({
      %run_scoped3A = tpu.sem_alloc : memref<!tpu.dma_semaphore, #tpu.memory_space<semaphore_mem>>
      %dma_start3A_34 = tpu.memref_slice %arg5[%mul3A_12] : memref<163840xi32, #tpu.memory_space<hbm>> -> memref<128xi32, #tpu.memory_space<hbm>>
      %dma_start3A_35 = tpu.memref_slice %arg5[%mul3A_12] : memref<163840xi32, #tpu.memory_space<hbm>> -> memref<128xi32, #tpu.memory_space<hbm>>
      tpu.enqueue_dma source(%dma_start3A_35 : memref<128xi32, #tpu.memory_space<hbm>>) target(%arg9 : memref<128xi32, #tpu.memory_space<vmem>>) target_semaphore(%run_scoped3A : memref<!tpu.dma_semaphore, #tpu.memory_space<semaphore_mem>>)
      %dma_wait3A_36 = tpu.memref_slice %arg5[%mul3A_12] : memref<163840xi32, #tpu.memory_space<hbm>> -> memref<128xi32, #tpu.memory_space<hbm>>
      %dma_wait3A_37 = tpu.memref_slice %arg5[%mul3A_12] : memref<163840xi32, #tpu.memory_space<hbm>> -> memref<128xi32, #tpu.memory_space<hbm>>
      tpu.wait_dma2 semaphore(%run_scoped3A : memref<!tpu.dma_semaphore, #tpu.memory_space<semaphore_mem>>) src(%dma_wait3A_37 : memref<128xi32, #tpu.memory_space<hbm>>) dst(%arg9 : memref<128xi32, #tpu.memory_space<vmem>>)
      tpu.yield
    }) : () -> ()
    %dma_start3A = arith.constant 0 : i32
    %dma_start3A_13 = arith.constant 0 : i32
    %dma_start3A_14 = tpu.memref_slice %arg2[%dma_start3A, %dma_start3A_13] : memref<10000x128xf32, #tpu.memory_space<hbm>> -> memref<10000x128xf32, #tpu.memory_space<hbm>>
    tpu.enqueue_indirect_dma source(%dma_start3A_14 : memref<10000x128xf32, #tpu.memory_space<hbm>>) target(%arg11 : memref<128x128xf32, #tpu.memory_space<vmem>>) offsets(%arg7 : memref<128xi32, #tpu.memory_space<vmem>>) semaphore(%arg17 : memref<!tpu.dma_semaphore, #tpu.memory_space<semaphore_mem>>)
    %dma_start3A_15 = arith.constant 0 : i32
    %dma_start3A_16 = arith.constant 0 : i32
    %dma_start3A_17 = tpu.memref_slice %arg3[%dma_start3A_15, %dma_start3A_16] : memref<10000x128xf32, #tpu.memory_space<hbm>> -> memref<10000x128xf32, #tpu.memory_space<hbm>>
    tpu.enqueue_indirect_dma source(%dma_start3A_17 : memref<10000x128xf32, #tpu.memory_space<hbm>>) target(%arg13 : memref<128x128xf32, #tpu.memory_space<vmem>>) offsets(%arg9 : memref<128xi32, #tpu.memory_space<vmem>>) semaphore(%arg19 : memref<!tpu.dma_semaphore, #tpu.memory_space<semaphore_mem>>)
    %scan3A = arith.constant 0 : i32
    %scan3A_18 = arith.constant 0 : i32
    %scan3A_19 = arith.constant 20 : i32
    %scan3A_20 = arith.addi %scan3A_18, %scan3A_19 : i32
    %scan3A_21 = arith.constant 1 : i32
    scf.for %scan3A_34 = %scan3A_18 to %scan3A_20 step %scan3A_21  : i32 {
      %mul3A_35 = arith.constant 2 : i32
      %mul3A_36 = arith.muli %mul3A_35, %scan3A_34 : i32
      %add3A_37 = arith.constant 1 : i32
      %add3A_38 = arith.addi %mul3A_36, %add3A_37 : i32
      %lt3A = arith.cmpi slt, %add3A_38, %select_n3A : i32
      %convert_element_type3A = arith.extui %lt3A : i1 to i32
      %cond3A = arith.constant 0 : i32
      %cond3A_39 = arith.cmpi ne, %convert_element_type3A, %cond3A : i32
      scf.if %cond3A_39 {
        %add3A_56 = arith.constant 1 : i32
        %add3A_57 = arith.addi %mul3A_36, %add3A_56 : i32
        %add3A_58 = arith.addi %select_n3A_8, %add3A_57 : i32
        %mul3A_59 = arith.constant 128 : i32
        %mul3A_60 = arith.muli %add3A_58, %mul3A_59 : i32
        "tpu.region"() ({
          %run_scoped3A = tpu.sem_alloc : memref<!tpu.dma_semaphore, #tpu.memory_space<semaphore_mem>>
          %dma_start3A_67 = tpu.memref_slice %arg4[%mul3A_60] : memref<163840xi32, #tpu.memory_space<hbm>> -> memref<128xi32, #tpu.memory_space<hbm>>
          %dma_start3A_68 = tpu.memref_slice %arg4[%mul3A_60] : memref<163840xi32, #tpu.memory_space<hbm>> -> memref<128xi32, #tpu.memory_space<hbm>>
          tpu.enqueue_dma source(%dma_start3A_68 : memref<128xi32, #tpu.memory_space<hbm>>) target(%arg8 : memref<128xi32, #tpu.memory_space<vmem>>) target_semaphore(%run_scoped3A : memref<!tpu.dma_semaphore, #tpu.memory_space<semaphore_mem>>)
          %dma_wait3A_69 = tpu.memref_slice %arg4[%mul3A_60] : memref<163840xi32, #tpu.memory_space<hbm>> -> memref<128xi32, #tpu.memory_space<hbm>>
          %dma_wait3A_70 = tpu.memref_slice %arg4[%mul3A_60] : memref<163840xi32, #tpu.memory_space<hbm>> -> memref<128xi32, #tpu.memory_space<hbm>>
          tpu.wait_dma2 semaphore(%run_scoped3A : memref<!tpu.dma_semaphore, #tpu.memory_space<semaphore_mem>>) src(%dma_wait3A_70 : memref<128xi32, #tpu.memory_space<hbm>>) dst(%arg8 : memref<128xi32, #tpu.memory_space<vmem>>)
          tpu.yield
        }) : () -> ()
        "tpu.region"() ({
          %run_scoped3A = tpu.sem_alloc : memref<!tpu.dma_semaphore, #tpu.memory_space<semaphore_mem>>
          %dma_start3A_67 = tpu.memref_slice %arg5[%mul3A_60] : memref<163840xi32, #tpu.memory_space<hbm>> -> memref<128xi32, #tpu.memory_space<hbm>>
          %dma_start3A_68 = tpu.memref_slice %arg5[%mul3A_60] : memref<163840xi32, #tpu.memory_space<hbm>> -> memref<128xi32, #tpu.memory_space<hbm>>
          tpu.enqueue_dma source(%dma_start3A_68 : memref<128xi32, #tpu.memory_space<hbm>>) target(%arg10 : memref<128xi32, #tpu.memory_space<vmem>>) target_semaphore(%run_scoped3A : memref<!tpu.dma_semaphore, #tpu.memory_space<semaphore_mem>>)
          %dma_wait3A_69 = tpu.memref_slice %arg5[%mul3A_60] : memref<163840xi32, #tpu.memory_space<hbm>> -> memref<128xi32, #tpu.memory_space<hbm>>
          %dma_wait3A_70 = tpu.memref_slice %arg5[%mul3A_60] : memref<163840xi32, #tpu.memory_space<hbm>> -> memref<128xi32, #tpu.memory_space<hbm>>
          tpu.wait_dma2 semaphore(%run_scoped3A : memref<!tpu.dma_semaphore, #tpu.memory_space<semaphore_mem>>) src(%dma_wait3A_70 : memref<128xi32, #tpu.memory_space<hbm>>) dst(%arg10 : memref<128xi32, #tpu.memory_space<vmem>>)
          tpu.yield
        }) : () -> ()
        %dma_start3A_61 = arith.constant 0 : i32
        %dma_start3A_62 = arith.constant 0 : i32
        %dma_start3A_63 = tpu.memref_slice %arg2[%dma_start3A_61, %dma_start3A_62] : memref<10000x128xf32, #tpu.memory_space<hbm>> -> memref<10000x128xf32, #tpu.memory_space<hbm>>
        tpu.enqueue_indirect_dma source(%dma_start3A_63 : memref<10000x128xf32, #tpu.memory_space<hbm>>) target(%arg12 : memref<128x128xf32, #tpu.memory_space<vmem>>) offsets(%arg8 : memref<128xi32, #tpu.memory_space<vmem>>) semaphore(%arg18 : memref<!tpu.dma_semaphore, #tpu.memory_space<semaphore_mem>>)
        %dma_start3A_64 = arith.constant 0 : i32
        %dma_start3A_65 = arith.constant 0 : i32
        %dma_start3A_66 = tpu.memref_slice %arg3[%dma_start3A_64, %dma_start3A_65] : memref<10000x128xf32, #tpu.memory_space<hbm>> -> memref<10000x128xf32, #tpu.memory_space<hbm>>
        tpu.enqueue_indirect_dma source(%dma_start3A_66 : memref<10000x128xf32, #tpu.memory_space<hbm>>) target(%arg14 : memref<128x128xf32, #tpu.memory_space<vmem>>) offsets(%arg10 : memref<128xi32, #tpu.memory_space<vmem>>) semaphore(%arg20 : memref<!tpu.dma_semaphore, #tpu.memory_space<semaphore_mem>>)
      } else {
      }
      %lt3A_40 = arith.cmpi slt, %mul3A_36, %select_n3A : i32
      %convert_element_type3A_41 = arith.extui %lt3A_40 : i1 to i32
      %cond3A_42 = arith.constant 0 : i32
      %cond3A_43 = arith.cmpi ne, %convert_element_type3A_41, %cond3A_42 : i32
      scf.if %cond3A_43 {
        %dma_wait3A_56 = arith.constant 0 : i32
        %dma_wait3A_57 = arith.constant 0 : i32
        %dma_wait3A_58 = tpu.memref_slice %arg2[%dma_wait3A_56, %dma_wait3A_57] : memref<10000x128xf32, #tpu.memory_space<hbm>> -> memref<10000x128xf32, #tpu.memory_space<hbm>>
        tpu.wait_indirect_dma semaphore(%arg17 : memref<!tpu.dma_semaphore, #tpu.memory_space<semaphore_mem>>) src(%dma_wait3A_58 : memref<10000x128xf32, #tpu.memory_space<hbm>>) dst(%arg11 : memref<128x128xf32, #tpu.memory_space<vmem>>)
        %dma_wait3A_59 = arith.constant 0 : i32
        %dma_wait3A_60 = arith.constant 0 : i32
        %dma_wait3A_61 = tpu.memref_slice %arg3[%dma_wait3A_59, %dma_wait3A_60] : memref<10000x128xf32, #tpu.memory_space<hbm>> -> memref<10000x128xf32, #tpu.memory_space<hbm>>
        tpu.wait_indirect_dma semaphore(%arg19 : memref<!tpu.dma_semaphore, #tpu.memory_space<semaphore_mem>>) src(%dma_wait3A_61 : memref<10000x128xf32, #tpu.memory_space<hbm>>) dst(%arg13 : memref<128x128xf32, #tpu.memory_space<vmem>>)
        %ge3A = arith.constant 2 : i32
        %ge3A_62 = arith.cmpi sge, %mul3A_36, %ge3A : i32
        %convert_element_type3A_63 = arith.extui %ge3A_62 : i1 to i32
        %cond3A_64 = arith.constant 0 : i32
        %cond3A_65 = arith.cmpi ne, %convert_element_type3A_63, %cond3A_64 : i32
        scf.if %cond3A_65 {
          %mul3A_79 = arith.constant 128 : i32
          %mul3A_80 = arith.muli %select_n3A_8, %mul3A_79 : i32
          %dma_wait3A_81 = arith.constant 0 : i32
          %dma_wait3A_82 = tpu.memref_slice %arg6[%mul3A_80, %dma_wait3A_81] : memref<163840x128xf32, #tpu.memory_space<hbm>> -> memref<128x128xf32, #tpu.memory_space<hbm>>
          %dma_wait3A_83 = arith.constant 0 : i32
          %dma_wait3A_84 = tpu.memref_slice %arg6[%mul3A_80, %dma_wait3A_83] : memref<163840x128xf32, #tpu.memory_space<hbm>> -> memref<128x128xf32, #tpu.memory_space<hbm>>
          tpu.wait_dma2 semaphore(%arg21 : memref<!tpu.dma_semaphore, #tpu.memory_space<semaphore_mem>>) src(%arg15 : memref<128x128xf32, #tpu.memory_space<vmem>>) dst(%dma_wait3A_84 : memref<128x128xf32, #tpu.memory_space<hbm>>)
        } else {
        }
        %scan3A_66 = arith.constant 0 : i32
        %scan3A_67 = arith.constant 0 : i32
        %scan3A_68 = arith.constant 64 : i32
        %scan3A_69 = arith.addi %scan3A_67, %scan3A_68 : i32
        %scan3A_70 = arith.constant 1 : i32
        scf.for %scan3A_79 = %scan3A_67 to %scan3A_69 step %scan3A_70  : i32 {
          %mul3A_80 = arith.constant 2 : i32
          %mul3A_81 = arith.muli %mul3A_80, %scan3A_79 : i32
          %add3A_82 = arith.constant 0 : i32
          %add3A_83 = arith.addi %mul3A_81, %add3A_82 : i32
          %get3A = arith.index_cast %add3A_83 : i32 to index
          %get3A_84 = arith.constant 0 : index
          %get3A_85 = tpu.vector_load %arg11[%get3A, %get3A_84] {strides = array<i32>} : memref<128x128xf32, #tpu.memory_space<vmem>>, vector<1x16xf32>,
          %get3A_86 = vector.shape_cast %get3A_85 : vector<1x16xf32> to vector<16xf32>
          %mul3A_87 = arith.constant 2 : i32
          %mul3A_88 = arith.muli %mul3A_87, %scan3A_79 : i32
          %add3A_89 = arith.constant 0 : i32
          %add3A_90 = arith.addi %mul3A_88, %add3A_89 : i32
          %get3A_91 = arith.index_cast %add3A_90 : i32 to index
          %get3A_92 = arith.constant 0 : index
          %get3A_93 = tpu.vector_load %arg13[%get3A_91, %get3A_92] {strides = array<i32>} : memref<128x128xf32, #tpu.memory_space<vmem>>, vector<1x16xf32>,
          %get3A_94 = vector.shape_cast %get3A_93 : vector<1x16xf32> to vector<16xf32>
          %add3A_95 = arith.addf %get3A_86, %get3A_94 : vector<16xf32>
          %mul3A_96 = arith.constant 2 : i32
          %mul3A_97 = arith.muli %mul3A_96, %scan3A_79 : i32
          %add3A_98 = arith.constant 0 : i32
          %add3A_99 = arith.addi %mul3A_97, %add3A_98 : i32
          %swap3A = arith.index_cast %add3A_99 : i32 to index
          %swap3A_100 = arith.constant 0 : index
          %swap3A_101 = tpu.vector_load %arg15[%swap3A, %swap3A_100] {strides = array<i32>} : memref<128x128xf32, #tpu.memory_space<vmem>>, vector<1x16xf32>,
          %swap3A_102 = vector.shape_cast %swap3A_101 : vector<1x16xf32> to vector<16xf32>
          %swap3A_103 = vector.shape_cast %add3A_95 : vector<16xf32> to vector<1x16xf32>
          tpu.vector_store %arg15[%swap3A, %swap3A_100], %swap3A_103 {strides = array<i32>} : memref<128x128xf32, #tpu.memory_space<vmem>>, vector<1x16xf32>,
          %mul3A_104 = arith.constant 2 : i32
          %mul3A_105 = arith.muli %mul3A_104, %scan3A_79 : i32
          %add3A_106 = arith.constant 0 : i32
          %add3A_107 = arith.addi %mul3A_105, %add3A_106 : i32
          %get3A_108 = arith.index_cast %add3A_107 : i32 to index
          %get3A_109 = arith.constant 16 : index
          %get3A_110 = tpu.vector_load %arg11[%get3A_108, %get3A_109] {strides = array<i32>} : memref<128x128xf32, #tpu.memory_space<vmem>>, vector<1x16xf32>,
          %get3A_111 = vector.shape_cast %get3A_110 : vector<1x16xf32> to vector<16xf32>
          %mul3A_112 = arith.constant 2 : i32
          %mul3A_113 = arith.muli %mul3A_112, %scan3A_79 : i32
          %add3A_114 = arith.constant 0 : i32
          %add3A_115 = arith.addi %mul3A_113, %add3A_114 : i32
          %get3A_116 = arith.index_cast %add3A_115 : i32 to index
          %get3A_117 = arith.constant 16 : index
          %get3A_118 = tpu.vector_load %arg13[%get3A_116, %get3A_117] {strides = array<i32>} : memref<128x128xf32, #tpu.memory_space<vmem>>, vector<1x16xf32>,
          %get3A_119 = vector.shape_cast %get3A_118 : vector<1x16xf32> to vector<16xf32>
          %add3A_120 = arith.addf %get3A_111, %get3A_119 : vector<16xf32>
          %mul3A_121 = arith.constant 2 : i32
          %mul3A_122 = arith.muli %mul3A_121, %scan3A_79 : i32
          %add3A_123 = arith.constant 0 : i32
          %add3A_124 = arith.addi %mul3A_122, %add3A_123 : i32
          %swap3A_125 = arith.index_cast %add3A_124 : i32 to index
          %swap3A_126 = arith.constant 16 : index
          %swap3A_127 = tpu.vector_load %arg15[%swap3A_125, %swap3A_126] {strides = array<i32>} : memref<128x128xf32, #tpu.memory_space<vmem>>, vector<1x16xf32>,
          %swap3A_128 = vector.shape_cast %swap3A_127 : vector<1x16xf32> to vector<16xf32>
          %swap3A_129 = vector.shape_cast %add3A_120 : vector<16xf32> to vector<1x16xf32>
          tpu.vector_store %arg15[%swap3A_125, %swap3A_126], %swap3A_129 {strides = array<i32>} : memref<128x128xf32, #tpu.memory_space<vmem>>, vector<1x16xf32>,
          %mul3A_130 = arith.constant 2 : i32
          %mul3A_131 = arith.muli %mul3A_130, %scan3A_79 : i32
          %add3A_132 = arith.constant 0 : i32
          %add3A_133 = arith.addi %mul3A_131, %add3A_132 : i32
          %get3A_134 = arith.index_cast %add3A_133 : i32 to index
          %get3A_135 = arith.constant 32 : index
          %get3A_136 = tpu.vector_load %arg11[%get3A_134, %get3A_135] {strides = array<i32>} : memref<128x128xf32, #tpu.memory_space<vmem>>, vector<1x16xf32>,
          %get3A_137 = vector.shape_cast %get3A_136 : vector<1x16xf32> to vector<16xf32>
          %mul3A_138 = arith.constant 2 : i32
          %mul3A_139 = arith.muli %mul3A_138, %scan3A_79 : i32
          %add3A_140 = arith.constant 0 : i32
          %add3A_141 = arith.addi %mul3A_139, %add3A_140 : i32
          %get3A_142 = arith.index_cast %add3A_141 : i32 to index
          %get3A_143 = arith.constant 32 : index
          %get3A_144 = tpu.vector_load %arg13[%get3A_142, %get3A_143] {strides = array<i32>} : memref<128x128xf32, #tpu.memory_space<vmem>>, vector<1x16xf32>,
          %get3A_145 = vector.shape_cast %get3A_144 : vector<1x16xf32> to vector<16xf32>
          %add3A_146 = arith.addf %get3A_137, %get3A_145 : vector<16xf32>
          %mul3A_147 = arith.constant 2 : i32
          %mul3A_148 = arith.muli %mul3A_147, %scan3A_79 : i32
          %add3A_149 = arith.constant 0 : i32
          %add3A_150 = arith.addi %mul3A_148, %add3A_149 : i32
          %swap3A_151 = arith.index_cast %add3A_150 : i32 to index
          %swap3A_152 = arith.constant 32 : index
          %swap3A_153 = tpu.vector_load %arg15[%swap3A_151, %swap3A_152] {strides = array<i32>} : memref<128x128xf32, #tpu.memory_space<vmem>>, vector<1x16xf32>,
          %swap3A_154 = vector.shape_cast %swap3A_153 : vector<1x16xf32> to vector<16xf32>
          %swap3A_155 = vector.shape_cast %add3A_146 : vector<16xf32> to vector<1x16xf32>
          tpu.vector_store %arg15[%swap3A_151, %swap3A_152], %swap3A_155 {strides = array<i32>} : memref<128x128xf32, #tpu.memory_space<vmem>>, vector<1x16xf32>,
          %mul3A_156 = arith.constant 2 : i32
          %mul3A_157 = arith.muli %mul3A_156, %scan3A_79 : i32
          %add3A_158 = arith.constant 0 : i32
          %add3A_159 = arith.addi %mul3A_157, %add3A_158 : i32
          %get3A_160 = arith.index_cast %add3A_159 : i32 to index
          %get3A_161 = arith.constant 48 : index
          %get3A_162 = tpu.vector_load %arg11[%get3A_160, %get3A_161] {strides = array<i32>} : memref<128x128xf32, #tpu.memory_space<vmem>>, vector<1x16xf32>,
          %get3A_163 = vector.shape_cast %get3A_162 : vector<1x16xf32> to vector<16xf32>
          %mul3A_164 = arith.constant 2 : i32
          %mul3A_165 = arith.muli %mul3A_164, %scan3A_79 : i32
          %add3A_166 = arith.constant 0 : i32
          %add3A_167 = arith.addi %mul3A_165, %add3A_166 : i32
          %get3A_168 = arith.index_cast %add3A_167 : i32 to index
          %get3A_169 = arith.constant 48 : index
          %get3A_170 = tpu.vector_load %arg13[%get3A_168, %get3A_169] {strides = array<i32>} : memref<128x128xf32, #tpu.memory_space<vmem>>, vector<1x16xf32>,
          %get3A_171 = vector.shape_cast %get3A_170 : vector<1x16xf32> to vector<16xf32>
          %add3A_172 = arith.addf %get3A_163, %get3A_171 : vector<16xf32>
          %mul3A_173 = arith.constant 2 : i32
          %mul3A_174 = arith.muli %mul3A_173, %scan3A_79 : i32
          %add3A_175 = arith.constant 0 : i32
          %add3A_176 = arith.addi %mul3A_174, %add3A_175 : i32
          %swap3A_177 = arith.index_cast %add3A_176 : i32 to index
          %swap3A_178 = arith.constant 48 : index
          %swap3A_179 = tpu.vector_load %arg15[%swap3A_177, %swap3A_178] {strides = array<i32>} : memref<128x128xf32, #tpu.memory_space<vmem>>, vector<1x16xf32>,
          %swap3A_180 = vector.shape_cast %swap3A_179 : vector<1x16xf32> to vector<16xf32>
          %swap3A_181 = vector.shape_cast %add3A_172 : vector<16xf32> to vector<1x16xf32>
          tpu.vector_store %arg15[%swap3A_177, %swap3A_178], %swap3A_181 {strides = array<i32>} : memref<128x128xf32, #tpu.memory_space<vmem>>, vector<1x16xf32>,
          %mul3A_182 = arith.constant 2 : i32
          %mul3A_183 = arith.muli %mul3A_182, %scan3A_79 : i32
          %add3A_184 = arith.constant 0 : i32
          %add3A_185 = arith.addi %mul3A_183, %add3A_184 : i32
          %get3A_186 = arith.index_cast %add3A_185 : i32 to index
          %get3A_187 = arith.constant 64 : index
          %get3A_188 = tpu.vector_load %arg11[%get3A_186, %get3A_187] {strides = array<i32>} : memref<128x128xf32, #tpu.memory_space<vmem>>, vector<1x16xf32>,
          %get3A_189 = vector.shape_cast %get3A_188 : vector<1x16xf32> to vector<16xf32>
          %mul3A_190 = arith.constant 2 : i32
          %mul3A_191 = arith.muli %mul3A_190, %scan3A_79 : i32
          %add3A_192 = arith.constant 0 : i32
          %add3A_193 = arith.addi %mul3A_191, %add3A_192 : i32
          %get3A_194 = arith.index_cast %add3A_193 : i32 to index
          %get3A_195 = arith.constant 64 : index
          %get3A_196 = tpu.vector_load %arg13[%get3A_194, %get3A_195] {strides = array<i32>} : memref<128x128xf32, #tpu.memory_space<vmem>>, vector<1x16xf32>,
          %get3A_197 = vector.shape_cast %get3A_196 : vector<1x16xf32> to vector<16xf32>
          %add3A_198 = arith.addf %get3A_189, %get3A_197 : vector<16xf32>
          %mul3A_199 = arith.constant 2 : i32
          %mul3A_200 = arith.muli %mul3A_199, %scan3A_79 : i32
          %add3A_201 = arith.constant 0 : i32
          %add3A_202 = arith.addi %mul3A_200, %add3A_201 : i32
          %swap3A_203 = arith.index_cast %add3A_202 : i32 to index
          %swap3A_204 = arith.constant 64 : index
          %swap3A_205 = tpu.vector_load %arg15[%swap3A_203, %swap3A_204] {strides = array<i32>} : memref<128x128xf32, #tpu.memory_space<vmem>>, vector<1x16xf32>,
          %swap3A_206 = vector.shape_cast %swap3A_205 : vector<1x16xf32> to vector<16xf32>
          %swap3A_207 = vector.shape_cast %add3A_198 : vector<16xf32> to vector<1x16xf32>
          tpu.vector_store %arg15[%swap3A_203, %swap3A_204], %swap3A_207 {strides = array<i32>} : memref<128x128xf32, #tpu.memory_space<vmem>>, vector<1x16xf32>,
          %mul3A_208 = arith.constant 2 : i32
          %mul3A_209 = arith.muli %mul3A_208, %scan3A_79 : i32
          %add3A_210 = arith.constant 0 : i32
          %add3A_211 = arith.addi %mul3A_209, %add3A_210 : i32
          %get3A_212 = arith.index_cast %add3A_211 : i32 to index
          %get3A_213 = arith.constant 80 : index
          %get3A_214 = tpu.vector_load %arg11[%get3A_212, %get3A_213] {strides = array<i32>} : memref<128x128xf32, #tpu.memory_space<vmem>>, vector<1x16xf32>,
          %get3A_215 = vector.shape_cast %get3A_214 : vector<1x16xf32> to vector<16xf32>
          %mul3A_216 = arith.constant 2 : i32
          %mul3A_217 = arith.muli %mul3A_216, %scan3A_79 : i32
          %add3A_218 = arith.constant 0 : i32
          %add3A_219 = arith.addi %mul3A_217, %add3A_218 : i32
          %get3A_220 = arith.index_cast %add3A_219 : i32 to index
          %get3A_221 = arith.constant 80 : index
          %get3A_222 = tpu.vector_load %arg13[%get3A_220, %get3A_221] {strides = array<i32>} : memref<128x128xf32, #tpu.memory_space<vmem>>, vector<1x16xf32>,
          %get3A_223 = vector.shape_cast %get3A_222 : vector<1x16xf32> to vector<16xf32>
          %add3A_224 = arith.addf %get3A_215, %get3A_223 : vector<16xf32>
          %mul3A_225 = arith.constant 2 : i32
          %mul3A_226 = arith.muli %mul3A_225, %scan3A_79 : i32
          %add3A_227 = arith.constant 0 : i32
          %add3A_228 = arith.addi %mul3A_226, %add3A_227 : i32
          %swap3A_229 = arith.index_cast %add3A_228 : i32 to index
          %swap3A_230 = arith.constant 80 : index
          %swap3A_231 = tpu.vector_load %arg15[%swap3A_229, %swap3A_230] {strides = array<i32>} : memref<128x128xf32, #tpu.memory_space<vmem>>, vector<1x16xf32>,
          %swap3A_232 = vector.shape_cast %swap3A_231 : vector<1x16xf32> to vector<16xf32>
          %swap3A_233 = vector.shape_cast %add3A_224 : vector<16xf32> to vector<1x16xf32>
          tpu.vector_store %arg15[%swap3A_229, %swap3A_230], %swap3A_233 {strides = array<i32>} : memref<128x128xf32, #tpu.memory_space<vmem>>, vector<1x16xf32>,
          %mul3A_234 = arith.constant 2 : i32
          %mul3A_235 = arith.muli %mul3A_234, %scan3A_79 : i32
          %add3A_236 = arith.constant 0 : i32
          %add3A_237 = arith.addi %mul3A_235, %add3A_236 : i32
          %get3A_238 = arith.index_cast %add3A_237 : i32 to index
          %get3A_239 = arith.constant 96 : index
          %get3A_240 = tpu.vector_load %arg11[%get3A_238, %get3A_239] {strides = array<i32>} : memref<128x128xf32, #tpu.memory_space<vmem>>, vector<1x16xf32>,
          %get3A_241 = vector.shape_cast %get3A_240 : vector<1x16xf32> to vector<16xf32>
          %mul3A_242 = arith.constant 2 : i32
          %mul3A_243 = arith.muli %mul3A_242, %scan3A_79 : i32
          %add3A_244 = arith.constant 0 : i32
          %add3A_245 = arith.addi %mul3A_243, %add3A_244 : i32
          %get3A_246 = arith.index_cast %add3A_245 : i32 to index
          %get3A_247 = arith.constant 96 : index
          %get3A_248 = tpu.vector_load %arg13[%get3A_246, %get3A_247] {strides = array<i32>} : memref<128x128xf32, #tpu.memory_space<vmem>>, vector<1x16xf32>,
          %get3A_249 = vector.shape_cast %get3A_248 : vector<1x16xf32> to vector<16xf32>
          %add3A_250 = arith.addf %get3A_241, %get3A_249 : vector<16xf32>
          %mul3A_251 = arith.constant 2 : i32
          %mul3A_252 = arith.muli %mul3A_251, %scan3A_79 : i32
          %add3A_253 = arith.constant 0 : i32
          %add3A_254 = arith.addi %mul3A_252, %add3A_253 : i32
          %swap3A_255 = arith.index_cast %add3A_254 : i32 to index
          %swap3A_256 = arith.constant 96 : index
          %swap3A_257 = tpu.vector_load %arg15[%swap3A_255, %swap3A_256] {strides = array<i32>} : memref<128x128xf32, #tpu.memory_space<vmem>>, vector<1x16xf32>,
          %swap3A_258 = vector.shape_cast %swap3A_257 : vector<1x16xf32> to vector<16xf32>
          %swap3A_259 = vector.shape_cast %add3A_250 : vector<16xf32> to vector<1x16xf32>
          tpu.vector_store %arg15[%swap3A_255, %swap3A_256], %swap3A_259 {strides = array<i32>} : memref<128x128xf32, #tpu.memory_space<vmem>>, vector<1x16xf32>,
          %mul3A_260 = arith.constant 2 : i32
          %mul3A_261 = arith.muli %mul3A_260, %scan3A_79 : i32
          %add3A_262 = arith.constant 0 : i32
          %add3A_263 = arith.addi %mul3A_261, %add3A_262 : i32
          %get3A_264 = arith.index_cast %add3A_263 : i32 to index
          %get3A_265 = arith.constant 112 : index
          %get3A_266 = tpu.vector_load %arg11[%get3A_264, %get3A_265] {strides = array<i32>} : memref<128x128xf32, #tpu.memory_space<vmem>>, vector<1x16xf32>,
          %get3A_267 = vector.shape_cast %get3A_266 : vector<1x16xf32> to vector<16xf32>
          %mul3A_268 = arith.constant 2 : i32
          %mul3A_269 = arith.muli %mul3A_268, %scan3A_79 : i32
          %add3A_270 = arith.constant 0 : i32
          %add3A_271 = arith.addi %mul3A_269, %add3A_270 : i32
          %get3A_272 = arith.index_cast %add3A_271 : i32 to index
          %get3A_273 = arith.constant 112 : index
          %get3A_274 = tpu.vector_load %arg13[%get3A_272, %get3A_273] {strides = array<i32>} : memref<128x128xf32, #tpu.memory_space<vmem>>, vector<1x16xf32>,
          %get3A_275 = vector.shape_cast %get3A_274 : vector<1x16xf32> to vector<16xf32>
          %add3A_276 = arith.addf %get3A_267, %get3A_275 : vector<16xf32>
          %mul3A_277 = arith.constant 2 : i32
          %mul3A_278 = arith.muli %mul3A_277, %scan3A_79 : i32
          %add3A_279 = arith.constant 0 : i32
          %add3A_280 = arith.addi %mul3A_278, %add3A_279 : i32
          %swap3A_281 = arith.index_cast %add3A_280 : i32 to index
          %swap3A_282 = arith.constant 112 : index
          %swap3A_283 = tpu.vector_load %arg15[%swap3A_281, %swap3A_282] {strides = array<i32>} : memref<128x128xf32, #tpu.memory_space<vmem>>, vector<1x16xf32>,
          %swap3A_284 = vector.shape_cast %swap3A_283 : vector<1x16xf32> to vector<16xf32>
          %swap3A_285 = vector.shape_cast %add3A_276 : vector<16xf32> to vector<1x16xf32>
          tpu.vector_store %arg15[%swap3A_281, %swap3A_282], %swap3A_285 {strides = array<i32>} : memref<128x128xf32, #tpu.memory_space<vmem>>, vector<1x16xf32>,
          %mul3A_286 = arith.constant 2 : i32
          %mul3A_287 = arith.muli %mul3A_286, %scan3A_79 : i32
          %add3A_288 = arith.constant 1 : i32
          %add3A_289 = arith.addi %mul3A_287, %add3A_288 : i32
          %get3A_290 = arith.index_cast %add3A_289 : i32 to index
          %get3A_291 = arith.constant 0 : index
          %get3A_292 = tpu.vector_load %arg11[%get3A_290, %get3A_291] {strides = array<i32>} : memref<128x128xf32, #tpu.memory_space<vmem>>, vector<1x16xf32>,
          %get3A_293 = vector.shape_cast %get3A_292 : vector<1x16xf32> to vector<16xf32>
          %mul3A_294 = arith.constant 2 : i32
          %mul3A_295 = arith.muli %mul3A_294, %scan3A_79 : i32
          %add3A_296 = arith.constant 1 : i32
          %add3A_297 = arith.addi %mul3A_295, %add3A_296 : i32
          %get3A_298 = arith.index_cast %add3A_297 : i32 to index
          %get3A_299 = arith.constant 0 : index
          %get3A_300 = tpu.vector_load %arg13[%get3A_298, %get3A_299] {strides = array<i32>} : memref<128x128xf32, #tpu.memory_space<vmem>>, vector<1x16xf32>,
          %get3A_301 = vector.shape_cast %get3A_300 : vector<1x16xf32> to vector<16xf32>
          %add3A_302 = arith.addf %get3A_293, %get3A_301 : vector<16xf32>
          %mul3A_303 = arith.constant 2 : i32
          %mul3A_304 = arith.muli %mul3A_303, %scan3A_79 : i32
          %add3A_305 = arith.constant 1 : i32
          %add3A_306 = arith.addi %mul3A_304, %add3A_305 : i32
          %swap3A_307 = arith.index_cast %add3A_306 : i32 to index
          %swap3A_308 = arith.constant 0 : index
          %swap3A_309 = tpu.vector_load %arg15[%swap3A_307, %swap3A_308] {strides = array<i32>} : memref<128x128xf32, #tpu.memory_space<vmem>>, vector<1x16xf32>,
          %swap3A_310 = vector.shape_cast %swap3A_309 : vector<1x16xf32> to vector<16xf32>
          %swap3A_311 = vector.shape_cast %add3A_302 : vector<16xf32> to vector<1x16xf32>
          tpu.vector_store %arg15[%swap3A_307, %swap3A_308], %swap3A_311 {strides = array<i32>} : memref<128x128xf32, #tpu.memory_space<vmem>>, vector<1x16xf32>,
          %mul3A_312 = arith.constant 2 : i32
          %mul3A_313 = arith.muli %mul3A_312, %scan3A_79 : i32
          %add3A_314 = arith.constant 1 : i32
          %add3A_315 = arith.addi %mul3A_313, %add3A_314 : i32
          %get3A_316 = arith.index_cast %add3A_315 : i32 to index
          %get3A_317 = arith.constant 16 : index
          %get3A_318 = tpu.vector_load %arg11[%get3A_316, %get3A_317] {strides = array<i32>} : memref<128x128xf32, #tpu.memory_space<vmem>>, vector<1x16xf32>,
          %get3A_319 = vector.shape_cast %get3A_318 : vector<1x16xf32> to vector<16xf32>
          %mul3A_320 = arith.constant 2 : i32
          %mul3A_321 = arith.muli %mul3A_320, %scan3A_79 : i32
          %add3A_322 = arith.constant 1 : i32
          %add3A_323 = arith.addi %mul3A_321, %add3A_322 : i32
          %get3A_324 = arith.index_cast %add3A_323 : i32 to index
          %get3A_325 = arith.constant 16 : index
          %get3A_326 = tpu.vector_load %arg13[%get3A_324, %get3A_325] {strides = array<i32>} : memref<128x128xf32, #tpu.memory_space<vmem>>, vector<1x16xf32>,
          %get3A_327 = vector.shape_cast %get3A_326 : vector<1x16xf32> to vector<16xf32>
          %add3A_328 = arith.addf %get3A_319, %get3A_327 : vector<16xf32>
          %mul3A_329 = arith.constant 2 : i32
          %mul3A_330 = arith.muli %mul3A_329, %scan3A_79 : i32
          %add3A_331 = arith.constant 1 : i32
          %add3A_332 = arith.addi %mul3A_330, %add3A_331 : i32
          %swap3A_333 = arith.index_cast %add3A_332 : i32 to index
          %swap3A_334 = arith.constant 16 : index
          %swap3A_335 = tpu.vector_load %arg15[%swap3A_333, %swap3A_334] {strides = array<i32>} : memref<128x128xf32, #tpu.memory_space<vmem>>, vector<1x16xf32>,
          %swap3A_336 = vector.shape_cast %swap3A_335 : vector<1x16xf32> to vector<16xf32>
          %swap3A_337 = vector.shape_cast %add3A_328 : vector<16xf32> to vector<1x16xf32>
          tpu.vector_store %arg15[%swap3A_333, %swap3A_334], %swap3A_337 {strides = array<i32>} : memref<128x128xf32, #tpu.memory_space<vmem>>, vector<1x16xf32>,
          %mul3A_338 = arith.constant 2 : i32
          %mul3A_339 = arith.muli %mul3A_338, %scan3A_79 : i32
          %add3A_340 = arith.constant 1 : i32
          %add3A_341 = arith.addi %mul3A_339, %add3A_340 : i32
          %get3A_342 = arith.index_cast %add3A_341 : i32 to index
          %get3A_343 = arith.constant 32 : index
          %get3A_344 = tpu.vector_load %arg11[%get3A_342, %get3A_343] {strides = array<i32>} : memref<128x128xf32, #tpu.memory_space<vmem>>, vector<1x16xf32>,
          %get3A_345 = vector.shape_cast %get3A_344 : vector<1x16xf32> to vector<16xf32>
          %mul3A_346 = arith.constant 2 : i32
          %mul3A_347 = arith.muli %mul3A_346, %scan3A_79 : i32
          %add3A_348 = arith.constant 1 : i32
          %add3A_349 = arith.addi %mul3A_347, %add3A_348 : i32
          %get3A_350 = arith.index_cast %add3A_349 : i32 to index
          %get3A_351 = arith.constant 32 : index
          %get3A_352 = tpu.vector_load %arg13[%get3A_350, %get3A_351] {strides = array<i32>} : memref<128x128xf32, #tpu.memory_space<vmem>>, vector<1x16xf32>,
          %get3A_353 = vector.shape_cast %get3A_352 : vector<1x16xf32> to vector<16xf32>
          %add3A_354 = arith.addf %get3A_345, %get3A_353 : vector<16xf32>
          %mul3A_355 = arith.constant 2 : i32
          %mul3A_356 = arith.muli %mul3A_355, %scan3A_79 : i32
          %add3A_357 = arith.constant 1 : i32
          %add3A_358 = arith.addi %mul3A_356, %add3A_357 : i32
          %swap3A_359 = arith.index_cast %add3A_358 : i32 to index
          %swap3A_360 = arith.constant 32 : index
          %swap3A_361 = tpu.vector_load %arg15[%swap3A_359, %swap3A_360] {strides = array<i32>} : memref<128x128xf32, #tpu.memory_space<vmem>>, vector<1x16xf32>,
          %swap3A_362 = vector.shape_cast %swap3A_361 : vector<1x16xf32> to vector<16xf32>
          %swap3A_363 = vector.shape_cast %add3A_354 : vector<16xf32> to vector<1x16xf32>
          tpu.vector_store %arg15[%swap3A_359, %swap3A_360], %swap3A_363 {strides = array<i32>} : memref<128x128xf32, #tpu.memory_space<vmem>>, vector<1x16xf32>,
          %mul3A_364 = arith.constant 2 : i32
          %mul3A_365 = arith.muli %mul3A_364, %scan3A_79 : i32
          %add3A_366 = arith.constant 1 : i32
          %add3A_367 = arith.addi %mul3A_365, %add3A_366 : i32
          %get3A_368 = arith.index_cast %add3A_367 : i32 to index
          %get3A_369 = arith.constant 48 : index
          %get3A_370 = tpu.vector_load %arg11[%get3A_368, %get3A_369] {strides = array<i32>} : memref<128x128xf32, #tpu.memory_space<vmem>>, vector<1x16xf32>,
          %get3A_371 = vector.shape_cast %get3A_370 : vector<1x16xf32> to vector<16xf32>
          %mul3A_372 = arith.constant 2 : i32
          %mul3A_373 = arith.muli %mul3A_372, %scan3A_79 : i32
          %add3A_374 = arith.constant 1 : i32
          %add3A_375 = arith.addi %mul3A_373, %add3A_374 : i32
          %get3A_376 = arith.index_cast %add3A_375 : i32 to index
          %get3A_377 = arith.constant 48 : index
          %get3A_378 = tpu.vector_load %arg13[%get3A_376, %get3A_377] {strides = array<i32>} : memref<128x128xf32, #tpu.memory_space<vmem>>, vector<1x16xf32>,
          %get3A_379 = vector.shape_cast %get3A_378 : vector<1x16xf32> to vector<16xf32>
          %add3A_380 = arith.addf %get3A_371, %get3A_379 : vector<16xf32>
          %mul3A_381 = arith.constant 2 : i32
          %mul3A_382 = arith.muli %mul3A_381, %scan3A_79 : i32
          %add3A_383 = arith.constant 1 : i32
          %add3A_384 = arith.addi %mul3A_382, %add3A_383 : i32
          %swap3A_385 = arith.index_cast %add3A_384 : i32 to index
          %swap3A_386 = arith.constant 48 : index
          %swap3A_387 = tpu.vector_load %arg15[%swap3A_385, %swap3A_386] {strides = array<i32>} : memref<128x128xf32, #tpu.memory_space<vmem>>, vector<1x16xf32>,
          %swap3A_388 = vector.shape_cast %swap3A_387 : vector<1x16xf32> to vector<16xf32>
          %swap3A_389 = vector.shape_cast %add3A_380 : vector<16xf32> to vector<1x16xf32>
          tpu.vector_store %arg15[%swap3A_385, %swap3A_386], %swap3A_389 {strides = array<i32>} : memref<128x128xf32, #tpu.memory_space<vmem>>, vector<1x16xf32>,
          %mul3A_390 = arith.constant 2 : i32
          %mul3A_391 = arith.muli %mul3A_390, %scan3A_79 : i32
          %add3A_392 = arith.constant 1 : i32
          %add3A_393 = arith.addi %mul3A_391, %add3A_392 : i32
          %get3A_394 = arith.index_cast %add3A_393 : i32 to index
          %get3A_395 = arith.constant 64 : index
          %get3A_396 = tpu.vector_load %arg11[%get3A_394, %get3A_395] {strides = array<i32>} : memref<128x128xf32, #tpu.memory_space<vmem>>, vector<1x16xf32>,
          %get3A_397 = vector.shape_cast %get3A_396 : vector<1x16xf32> to vector<16xf32>
          %mul3A_398 = arith.constant 2 : i32
          %mul3A_399 = arith.muli %mul3A_398, %scan3A_79 : i32
          %add3A_400 = arith.constant 1 : i32
          %add3A_401 = arith.addi %mul3A_399, %add3A_400 : i32
          %get3A_402 = arith.index_cast %add3A_401 : i32 to index
          %get3A_403 = arith.constant 64 : index
          %get3A_404 = tpu.vector_load %arg13[%get3A_402, %get3A_403] {strides = array<i32>} : memref<128x128xf32, #tpu.memory_space<vmem>>, vector<1x16xf32>,
          %get3A_405 = vector.shape_cast %get3A_404 : vector<1x16xf32> to vector<16xf32>
          %add3A_406 = arith.addf %get3A_397, %get3A_405 : vector<16xf32>
          %mul3A_407 = arith.constant 2 : i32
          %mul3A_408 = arith.muli %mul3A_407, %scan3A_79 : i32
          %add3A_409 = arith.constant 1 : i32
          %add3A_410 = arith.addi %mul3A_408, %add3A_409 : i32
          %swap3A_411 = arith.index_cast %add3A_410 : i32 to index
          %swap3A_412 = arith.constant 64 : index
          %swap3A_413 = tpu.vector_load %arg15[%swap3A_411, %swap3A_412] {strides = array<i32>} : memref<128x128xf32, #tpu.memory_space<vmem>>, vector<1x16xf32>,
          %swap3A_414 = vector.shape_cast %swap3A_413 : vector<1x16xf32> to vector<16xf32>
          %swap3A_415 = vector.shape_cast %add3A_406 : vector<16xf32> to vector<1x16xf32>
          tpu.vector_store %arg15[%swap3A_411, %swap3A_412], %swap3A_415 {strides = array<i32>} : memref<128x128xf32, #tpu.memory_space<vmem>>, vector<1x16xf32>,
          %mul3A_416 = arith.constant 2 : i32
          %mul3A_417 = arith.muli %mul3A_416, %scan3A_79 : i32
          %add3A_418 = arith.constant 1 : i32
          %add3A_419 = arith.addi %mul3A_417, %add3A_418 : i32
          %get3A_420 = arith.index_cast %add3A_419 : i32 to index
          %get3A_421 = arith.constant 80 : index
          %get3A_422 = tpu.vector_load %arg11[%get3A_420, %get3A_421] {strides = array<i32>} : memref<128x128xf32, #tpu.memory_space<vmem>>, vector<1x16xf32>,
          %get3A_423 = vector.shape_cast %get3A_422 : vector<1x16xf32> to vector<16xf32>
          %mul3A_424 = arith.constant 2 : i32
          %mul3A_425 = arith.muli %mul3A_424, %scan3A_79 : i32
          %add3A_426 = arith.constant 1 : i32
          %add3A_427 = arith.addi %mul3A_425, %add3A_426 : i32
          %get3A_428 = arith.index_cast %add3A_427 : i32 to index
          %get3A_429 = arith.constant 80 : index
          %get3A_430 = tpu.vector_load %arg13[%get3A_428, %get3A_429] {strides = array<i32>} : memref<128x128xf32, #tpu.memory_space<vmem>>, vector<1x16xf32>,
          %get3A_431 = vector.shape_cast %get3A_430 : vector<1x16xf32> to vector<16xf32>
          %add3A_432 = arith.addf %get3A_423, %get3A_431 : vector<16xf32>
          %mul3A_433 = arith.constant 2 : i32
          %mul3A_434 = arith.muli %mul3A_433, %scan3A_79 : i32
          %add3A_435 = arith.constant 1 : i32
          %add3A_436 = arith.addi %mul3A_434, %add3A_435 : i32
          %swap3A_437 = arith.index_cast %add3A_436 : i32 to index
          %swap3A_438 = arith.constant 80 : index
          %swap3A_439 = tpu.vector_load %arg15[%swap3A_437, %swap3A_438] {strides = array<i32>} : memref<128x128xf32, #tpu.memory_space<vmem>>, vector<1x16xf32>,
          %swap3A_440 = vector.shape_cast %swap3A_439 : vector<1x16xf32> to vector<16xf32>
          %swap3A_441 = vector.shape_cast %add3A_432 : vector<16xf32> to vector<1x16xf32>
          tpu.vector_store %arg15[%swap3A_437, %swap3A_438], %swap3A_441 {strides = array<i32>} : memref<128x128xf32, #tpu.memory_space<vmem>>, vector<1x16xf32>,
          %mul3A_442 = arith.constant 2 : i32
          %mul3A_443 = arith.muli %mul3A_442, %scan3A_79 : i32
          %add3A_444 = arith.constant 1 : i32
          %add3A_445 = arith.addi %mul3A_443, %add3A_444 : i32
          %get3A_446 = arith.index_cast %add3A_445 : i32 to index
          %get3A_447 = arith.constant 96 : index
          %get3A_448 = tpu.vector_load %arg11[%get3A_446, %get3A_447] {strides = array<i32>} : memref<128x128xf32, #tpu.memory_space<vmem>>, vector<1x16xf32>,
          %get3A_449 = vector.shape_cast %get3A_448 : vector<1x16xf32> to vector<16xf32>
          %mul3A_450 = arith.constant 2 : i32
          %mul3A_451 = arith.muli %mul3A_450, %scan3A_79 : i32
          %add3A_452 = arith.constant 1 : i32
          %add3A_453 = arith.addi %mul3A_451, %add3A_452 : i32
          %get3A_454 = arith.index_cast %add3A_453 : i32 to index
          %get3A_455 = arith.constant 96 : index
          %get3A_456 = tpu.vector_load %arg13[%get3A_454, %get3A_455] {strides = array<i32>} : memref<128x128xf32, #tpu.memory_space<vmem>>, vector<1x16xf32>,
          %get3A_457 = vector.shape_cast %get3A_456 : vector<1x16xf32> to vector<16xf32>
          %add3A_458 = arith.addf %get3A_449, %get3A_457 : vector<16xf32>
          %mul3A_459 = arith.constant 2 : i32
          %mul3A_460 = arith.muli %mul3A_459, %scan3A_79 : i32
          %add3A_461 = arith.constant 1 : i32
          %add3A_462 = arith.addi %mul3A_460, %add3A_461 : i32
          %swap3A_463 = arith.index_cast %add3A_462 : i32 to index
          %swap3A_464 = arith.constant 96 : index
          %swap3A_465 = tpu.vector_load %arg15[%swap3A_463, %swap3A_464] {strides = array<i32>} : memref<128x128xf32, #tpu.memory_space<vmem>>, vector<1x16xf32>,
          %swap3A_466 = vector.shape_cast %swap3A_465 : vector<1x16xf32> to vector<16xf32>
          %swap3A_467 = vector.shape_cast %add3A_458 : vector<16xf32> to vector<1x16xf32>
          tpu.vector_store %arg15[%swap3A_463, %swap3A_464], %swap3A_467 {strides = array<i32>} : memref<128x128xf32, #tpu.memory_space<vmem>>, vector<1x16xf32>,
          %mul3A_468 = arith.constant 2 : i32
          %mul3A_469 = arith.muli %mul3A_468, %scan3A_79 : i32
          %add3A_470 = arith.constant 1 : i32
          %add3A_471 = arith.addi %mul3A_469, %add3A_470 : i32
          %get3A_472 = arith.index_cast %add3A_471 : i32 to index
          %get3A_473 = arith.constant 112 : index
          %get3A_474 = tpu.vector_load %arg11[%get3A_472, %get3A_473] {strides = array<i32>} : memref<128x128xf32, #tpu.memory_space<vmem>>, vector<1x16xf32>,
          %get3A_475 = vector.shape_cast %get3A_474 : vector<1x16xf32> to vector<16xf32>
          %mul3A_476 = arith.constant 2 : i32
          %mul3A_477 = arith.muli %mul3A_476, %scan3A_79 : i32
          %add3A_478 = arith.constant 1 : i32
          %add3A_479 = arith.addi %mul3A_477, %add3A_478 : i32
          %get3A_480 = arith.index_cast %add3A_479 : i32 to index
          %get3A_481 = arith.constant 112 : index
          %get3A_482 = tpu.vector_load %arg13[%get3A_480, %get3A_481] {strides = array<i32>} : memref<128x128xf32, #tpu.memory_space<vmem>>, vector<1x16xf32>,
          %get3A_483 = vector.shape_cast %get3A_482 : vector<1x16xf32> to vector<16xf32>
          %add3A_484 = arith.addf %get3A_475, %get3A_483 : vector<16xf32>
          %mul3A_485 = arith.constant 2 : i32
          %mul3A_486 = arith.muli %mul3A_485, %scan3A_79 : i32
          %add3A_487 = arith.constant 1 : i32
          %add3A_488 = arith.addi %mul3A_486, %add3A_487 : i32
          %swap3A_489 = arith.index_cast %add3A_488 : i32 to index
          %swap3A_490 = arith.constant 112 : index
          %swap3A_491 = tpu.vector_load %arg15[%swap3A_489, %swap3A_490] {strides = array<i32>} : memref<128x128xf32, #tpu.memory_space<vmem>>, vector<1x16xf32>,
          %swap3A_492 = vector.shape_cast %swap3A_491 : vector<1x16xf32> to vector<16xf32>
          %swap3A_493 = vector.shape_cast %add3A_484 : vector<16xf32> to vector<1x16xf32>
          tpu.vector_store %arg15[%swap3A_489, %swap3A_490], %swap3A_493 {strides = array<i32>} : memref<128x128xf32, #tpu.memory_space<vmem>>, vector<1x16xf32>,
        }
        %scan3A_71 = arith.constant 64 : i32
        %add3A_72 = arith.addi %select_n3A_8, %mul3A_36 : i32
        %mul3A_73 = arith.constant 128 : i32
        %mul3A_74 = arith.muli %add3A_72, %mul3A_73 : i32
        %dma_start3A_75 = arith.constant 0 : i32
        %dma_start3A_76 = tpu.memref_slice %arg6[%mul3A_74, %dma_start3A_75] : memref<163840x128xf32, #tpu.memory_space<hbm>> -> memref<128x128xf32, #tpu.memory_space<hbm>>
        %dma_start3A_77 = arith.constant 0 : i32
        %dma_start3A_78 = tpu.memref_slice %arg6[%mul3A_74, %dma_start3A_77] : memref<163840x128xf32, #tpu.memory_space<hbm>> -> memref<128x128xf32, #tpu.memory_space<hbm>>
        tpu.enqueue_dma source(%arg15 : memref<128x128xf32, #tpu.memory_space<vmem>>) target(%dma_start3A_78 : memref<128x128xf32, #tpu.memory_space<hbm>>) target_semaphore(%arg21 : memref<!tpu.dma_semaphore, #tpu.memory_space<semaphore_mem>>)
      } else {
      }
      %add3A_44 = arith.constant 2 : i32
      %add3A_45 = arith.addi %mul3A_36, %add3A_44 : i32
      %lt3A_46 = arith.cmpi slt, %add3A_45, %select_n3A : i32
      %convert_element_type3A_47 = arith.extui %lt3A_46 : i1 to i32
      %cond3A_48 = arith.constant 0 : i32
      %cond3A_49 = arith.cmpi ne, %convert_element_type3A_47, %cond3A_48 : i32
      scf.if %cond3A_49 {
        %add3A_56 = arith.constant 2 : i32
        %add3A_57 = arith.addi %mul3A_36, %add3A_56 : i32
        %add3A_58 = arith.addi %select_n3A_8, %add3A_57 : i32
        %mul3A_59 = arith.constant 128 : i32
        %mul3A_60 = arith.muli %add3A_58, %mul3A_59 : i32
        "tpu.region"() ({
          %run_scoped3A = tpu.sem_alloc : memref<!tpu.dma_semaphore, #tpu.memory_space<semaphore_mem>>
          %dma_start3A_67 = tpu.memref_slice %arg4[%mul3A_60] : memref<163840xi32, #tpu.memory_space<hbm>> -> memref<128xi32, #tpu.memory_space<hbm>>
          %dma_start3A_68 = tpu.memref_slice %arg4[%mul3A_60] : memref<163840xi32, #tpu.memory_space<hbm>> -> memref<128xi32, #tpu.memory_space<hbm>>
          tpu.enqueue_dma source(%dma_start3A_68 : memref<128xi32, #tpu.memory_space<hbm>>) target(%arg7 : memref<128xi32, #tpu.memory_space<vmem>>) target_semaphore(%run_scoped3A : memref<!tpu.dma_semaphore, #tpu.memory_space<semaphore_mem>>)
          %dma_wait3A_69 = tpu.memref_slice %arg4[%mul3A_60] : memref<163840xi32, #tpu.memory_space<hbm>> -> memref<128xi32, #tpu.memory_space<hbm>>
          %dma_wait3A_70 = tpu.memref_slice %arg4[%mul3A_60] : memref<163840xi32, #tpu.memory_space<hbm>> -> memref<128xi32, #tpu.memory_space<hbm>>
          tpu.wait_dma2 semaphore(%run_scoped3A : memref<!tpu.dma_semaphore, #tpu.memory_space<semaphore_mem>>) src(%dma_wait3A_70 : memref<128xi32, #tpu.memory_space<hbm>>) dst(%arg7 : memref<128xi32, #tpu.memory_space<vmem>>)
          tpu.yield
        }) : () -> ()
        "tpu.region"() ({
          %run_scoped3A = tpu.sem_alloc : memref<!tpu.dma_semaphore, #tpu.memory_space<semaphore_mem>>
          %dma_start3A_67 = tpu.memref_slice %arg5[%mul3A_60] : memref<163840xi32, #tpu.memory_space<hbm>> -> memref<128xi32, #tpu.memory_space<hbm>>
          %dma_start3A_68 = tpu.memref_slice %arg5[%mul3A_60] : memref<163840xi32, #tpu.memory_space<hbm>> -> memref<128xi32, #tpu.memory_space<hbm>>
          tpu.enqueue_dma source(%dma_start3A_68 : memref<128xi32, #tpu.memory_space<hbm>>) target(%arg9 : memref<128xi32, #tpu.memory_space<vmem>>) target_semaphore(%run_scoped3A : memref<!tpu.dma_semaphore, #tpu.memory_space<semaphore_mem>>)
          %dma_wait3A_69 = tpu.memref_slice %arg5[%mul3A_60] : memref<163840xi32, #tpu.memory_space<hbm>> -> memref<128xi32, #tpu.memory_space<hbm>>
          %dma_wait3A_70 = tpu.memref_slice %arg5[%mul3A_60] : memref<163840xi32, #tpu.memory_space<hbm>> -> memref<128xi32, #tpu.memory_space<hbm>>
          tpu.wait_dma2 semaphore(%run_scoped3A : memref<!tpu.dma_semaphore, #tpu.memory_space<semaphore_mem>>) src(%dma_wait3A_70 : memref<128xi32, #tpu.memory_space<hbm>>) dst(%arg9 : memref<128xi32, #tpu.memory_space<vmem>>)
          tpu.yield
        }) : () -> ()
        %dma_start3A_61 = arith.constant 0 : i32
        %dma_start3A_62 = arith.constant 0 : i32
        %dma_start3A_63 = tpu.memref_slice %arg2[%dma_start3A_61, %dma_start3A_62] : memref<10000x128xf32, #tpu.memory_space<hbm>> -> memref<10000x128xf32, #tpu.memory_space<hbm>>
        tpu.enqueue_indirect_dma source(%dma_start3A_63 : memref<10000x128xf32, #tpu.memory_space<hbm>>) target(%arg11 : memref<128x128xf32, #tpu.memory_space<vmem>>) offsets(%arg7 : memref<128xi32, #tpu.memory_space<vmem>>) semaphore(%arg17 : memref<!tpu.dma_semaphore, #tpu.memory_space<semaphore_mem>>)
        %dma_start3A_64 = arith.constant 0 : i32
        %dma_start3A_65 = arith.constant 0 : i32
        %dma_start3A_66 = tpu.memref_slice %arg3[%dma_start3A_64, %dma_start3A_65] : memref<10000x128xf32, #tpu.memory_space<hbm>> -> memref<10000x128xf32, #tpu.memory_space<hbm>>
        tpu.enqueue_indirect_dma source(%dma_start3A_66 : memref<10000x128xf32, #tpu.memory_space<hbm>>) target(%arg13 : memref<128x128xf32, #tpu.memory_space<vmem>>) offsets(%arg9 : memref<128xi32, #tpu.memory_space<vmem>>) semaphore(%arg19 : memref<!tpu.dma_semaphore, #tpu.memory_space<semaphore_mem>>)
      } else {
      }
      %add3A_50 = arith.constant 1 : i32
      %add3A_51 = arith.addi %mul3A_36, %add3A_50 : i32
      %lt3A_52 = arith.cmpi slt, %add3A_51, %select_n3A : i32
      %convert_element_type3A_53 = arith.extui %lt3A_52 : i1 to i32
      %cond3A_54 = arith.constant 0 : i32
      %cond3A_55 = arith.cmpi ne, %convert_element_type3A_53, %cond3A_54 : i32
      scf.if %cond3A_55 {
        %add3A_56 = arith.constant 1 : i32
        %add3A_57 = arith.addi %mul3A_36, %add3A_56 : i32
        %dma_wait3A_58 = arith.constant 0 : i32
        %dma_wait3A_59 = arith.constant 0 : i32
        %dma_wait3A_60 = tpu.memref_slice %arg2[%dma_wait3A_58, %dma_wait3A_59] : memref<10000x128xf32, #tpu.memory_space<hbm>> -> memref<10000x128xf32, #tpu.memory_space<hbm>>
        tpu.wait_indirect_dma semaphore(%arg18 : memref<!tpu.dma_semaphore, #tpu.memory_space<semaphore_mem>>) src(%dma_wait3A_60 : memref<10000x128xf32, #tpu.memory_space<hbm>>) dst(%arg12 : memref<128x128xf32, #tpu.memory_space<vmem>>)
        %dma_wait3A_61 = arith.constant 0 : i32
        %dma_wait3A_62 = arith.constant 0 : i32
        %dma_wait3A_63 = tpu.memref_slice %arg3[%dma_wait3A_61, %dma_wait3A_62] : memref<10000x128xf32, #tpu.memory_space<hbm>> -> memref<10000x128xf32, #tpu.memory_space<hbm>>
        tpu.wait_indirect_dma semaphore(%arg20 : memref<!tpu.dma_semaphore, #tpu.memory_space<semaphore_mem>>) src(%dma_wait3A_63 : memref<10000x128xf32, #tpu.memory_space<hbm>>) dst(%arg14 : memref<128x128xf32, #tpu.memory_space<vmem>>)
        %ge3A = arith.constant 2 : i32
        %ge3A_64 = arith.cmpi sge, %add3A_57, %ge3A : i32
        %convert_element_type3A_65 = arith.extui %ge3A_64 : i1 to i32
        %cond3A_66 = arith.constant 0 : i32
        %cond3A_67 = arith.cmpi ne, %convert_element_type3A_65, %cond3A_66 : i32
        scf.if %cond3A_67 {
          %mul3A_81 = arith.constant 128 : i32
          %mul3A_82 = arith.muli %select_n3A_8, %mul3A_81 : i32
          %dma_wait3A_83 = arith.constant 0 : i32
          %dma_wait3A_84 = tpu.memref_slice %arg6[%mul3A_82, %dma_wait3A_83] : memref<163840x128xf32, #tpu.memory_space<hbm>> -> memref<128x128xf32, #tpu.memory_space<hbm>>
          %dma_wait3A_85 = arith.constant 0 : i32
          %dma_wait3A_86 = tpu.memref_slice %arg6[%mul3A_82, %dma_wait3A_85] : memref<163840x128xf32, #tpu.memory_space<hbm>> -> memref<128x128xf32, #tpu.memory_space<hbm>>
          tpu.wait_dma2 semaphore(%arg22 : memref<!tpu.dma_semaphore, #tpu.memory_space<semaphore_mem>>) src(%arg16 : memref<128x128xf32, #tpu.memory_space<vmem>>) dst(%dma_wait3A_86 : memref<128x128xf32, #tpu.memory_space<hbm>>)
        } else {
        }
        %scan3A_68 = arith.constant 0 : i32
        %scan3A_69 = arith.constant 0 : i32
        %scan3A_70 = arith.constant 64 : i32
        %scan3A_71 = arith.addi %scan3A_69, %scan3A_70 : i32
        %scan3A_72 = arith.constant 1 : i32
        scf.for %scan3A_81 = %scan3A_69 to %scan3A_71 step %scan3A_72  : i32 {
          %mul3A_82 = arith.constant 2 : i32
          %mul3A_83 = arith.muli %mul3A_82, %scan3A_81 : i32
          %add3A_84 = arith.constant 0 : i32
          %add3A_85 = arith.addi %mul3A_83, %add3A_84 : i32
          %get3A = arith.index_cast %add3A_85 : i32 to index
          %get3A_86 = arith.constant 0 : index
          %get3A_87 = tpu.vector_load %arg12[%get3A, %get3A_86] {strides = array<i32>} : memref<128x128xf32, #tpu.memory_space<vmem>>, vector<1x16xf32>,
          %get3A_88 = vector.shape_cast %get3A_87 : vector<1x16xf32> to vector<16xf32>
          %mul3A_89 = arith.constant 2 : i32
          %mul3A_90 = arith.muli %mul3A_89, %scan3A_81 : i32
          %add3A_91 = arith.constant 0 : i32
          %add3A_92 = arith.addi %mul3A_90, %add3A_91 : i32
          %get3A_93 = arith.index_cast %add3A_92 : i32 to index
          %get3A_94 = arith.constant 0 : index
          %get3A_95 = tpu.vector_load %arg14[%get3A_93, %get3A_94] {strides = array<i32>} : memref<128x128xf32, #tpu.memory_space<vmem>>, vector<1x16xf32>,
          %get3A_96 = vector.shape_cast %get3A_95 : vector<1x16xf32> to vector<16xf32>
          %add3A_97 = arith.addf %get3A_88, %get3A_96 : vector<16xf32>
          %mul3A_98 = arith.constant 2 : i32
          %mul3A_99 = arith.muli %mul3A_98, %scan3A_81 : i32
          %add3A_100 = arith.constant 0 : i32
          %add3A_101 = arith.addi %mul3A_99, %add3A_100 : i32
          %swap3A = arith.index_cast %add3A_101 : i32 to index
          %swap3A_102 = arith.constant 0 : index
          %swap3A_103 = tpu.vector_load %arg16[%swap3A, %swap3A_102] {strides = array<i32>} : memref<128x128xf32, #tpu.memory_space<vmem>>, vector<1x16xf32>,
          %swap3A_104 = vector.shape_cast %swap3A_103 : vector<1x16xf32> to vector<16xf32>
          %swap3A_105 = vector.shape_cast %add3A_97 : vector<16xf32> to vector<1x16xf32>
          tpu.vector_store %arg16[%swap3A, %swap3A_102], %swap3A_105 {strides = array<i32>} : memref<128x128xf32, #tpu.memory_space<vmem>>, vector<1x16xf32>,
          %mul3A_106 = arith.constant 2 : i32
          %mul3A_107 = arith.muli %mul3A_106, %scan3A_81 : i32
          %add3A_108 = arith.constant 0 : i32
          %add3A_109 = arith.addi %mul3A_107, %add3A_108 : i32
          %get3A_110 = arith.index_cast %add3A_109 : i32 to index
          %get3A_111 = arith.constant 16 : index
          %get3A_112 = tpu.vector_load %arg12[%get3A_110, %get3A_111] {strides = array<i32>} : memref<128x128xf32, #tpu.memory_space<vmem>>, vector<1x16xf32>,
          %get3A_113 = vector.shape_cast %get3A_112 : vector<1x16xf32> to vector<16xf32>
          %mul3A_114 = arith.constant 2 : i32
          %mul3A_115 = arith.muli %mul3A_114, %scan3A_81 : i32
          %add3A_116 = arith.constant 0 : i32
          %add3A_117 = arith.addi %mul3A_115, %add3A_116 : i32
          %get3A_118 = arith.index_cast %add3A_117 : i32 to index
          %get3A_119 = arith.constant 16 : index
          %get3A_120 = tpu.vector_load %arg14[%get3A_118, %get3A_119] {strides = array<i32>} : memref<128x128xf32, #tpu.memory_space<vmem>>, vector<1x16xf32>,
          %get3A_121 = vector.shape_cast %get3A_120 : vector<1x16xf32> to vector<16xf32>
          %add3A_122 = arith.addf %get3A_113, %get3A_121 : vector<16xf32>
          %mul3A_123 = arith.constant 2 : i32
          %mul3A_124 = arith.muli %mul3A_123, %scan3A_81 : i32
          %add3A_125 = arith.constant 0 : i32
          %add3A_126 = arith.addi %mul3A_124, %add3A_125 : i32
          %swap3A_127 = arith.index_cast %add3A_126 : i32 to index
          %swap3A_128 = arith.constant 16 : index
          %swap3A_129 = tpu.vector_load %arg16[%swap3A_127, %swap3A_128] {strides = array<i32>} : memref<128x128xf32, #tpu.memory_space<vmem>>, vector<1x16xf32>,
          %swap3A_130 = vector.shape_cast %swap3A_129 : vector<1x16xf32> to vector<16xf32>
          %swap3A_131 = vector.shape_cast %add3A_122 : vector<16xf32> to vector<1x16xf32>
          tpu.vector_store %arg16[%swap3A_127, %swap3A_128], %swap3A_131 {strides = array<i32>} : memref<128x128xf32, #tpu.memory_space<vmem>>, vector<1x16xf32>,
          %mul3A_132 = arith.constant 2 : i32
          %mul3A_133 = arith.muli %mul3A_132, %scan3A_81 : i32
          %add3A_134 = arith.constant 0 : i32
          %add3A_135 = arith.addi %mul3A_133, %add3A_134 : i32
          %get3A_136 = arith.index_cast %add3A_135 : i32 to index
          %get3A_137 = arith.constant 32 : index
          %get3A_138 = tpu.vector_load %arg12[%get3A_136, %get3A_137] {strides = array<i32>} : memref<128x128xf32, #tpu.memory_space<vmem>>, vector<1x16xf32>,
          %get3A_139 = vector.shape_cast %get3A_138 : vector<1x16xf32> to vector<16xf32>
          %mul3A_140 = arith.constant 2 : i32
          %mul3A_141 = arith.muli %mul3A_140, %scan3A_81 : i32
          %add3A_142 = arith.constant 0 : i32
          %add3A_143 = arith.addi %mul3A_141, %add3A_142 : i32
          %get3A_144 = arith.index_cast %add3A_143 : i32 to index
          %get3A_145 = arith.constant 32 : index
          %get3A_146 = tpu.vector_load %arg14[%get3A_144, %get3A_145] {strides = array<i32>} : memref<128x128xf32, #tpu.memory_space<vmem>>, vector<1x16xf32>,
          %get3A_147 = vector.shape_cast %get3A_146 : vector<1x16xf32> to vector<16xf32>
          %add3A_148 = arith.addf %get3A_139, %get3A_147 : vector<16xf32>
          %mul3A_149 = arith.constant 2 : i32
          %mul3A_150 = arith.muli %mul3A_149, %scan3A_81 : i32
          %add3A_151 = arith.constant 0 : i32
          %add3A_152 = arith.addi %mul3A_150, %add3A_151 : i32
          %swap3A_153 = arith.index_cast %add3A_152 : i32 to index
          %swap3A_154 = arith.constant 32 : index
          %swap3A_155 = tpu.vector_load %arg16[%swap3A_153, %swap3A_154] {strides = array<i32>} : memref<128x128xf32, #tpu.memory_space<vmem>>, vector<1x16xf32>,
          %swap3A_156 = vector.shape_cast %swap3A_155 : vector<1x16xf32> to vector<16xf32>
          %swap3A_157 = vector.shape_cast %add3A_148 : vector<16xf32> to vector<1x16xf32>
          tpu.vector_store %arg16[%swap3A_153, %swap3A_154], %swap3A_157 {strides = array<i32>} : memref<128x128xf32, #tpu.memory_space<vmem>>, vector<1x16xf32>,
          %mul3A_158 = arith.constant 2 : i32
          %mul3A_159 = arith.muli %mul3A_158, %scan3A_81 : i32
          %add3A_160 = arith.constant 0 : i32
          %add3A_161 = arith.addi %mul3A_159, %add3A_160 : i32
          %get3A_162 = arith.index_cast %add3A_161 : i32 to index
          %get3A_163 = arith.constant 48 : index
          %get3A_164 = tpu.vector_load %arg12[%get3A_162, %get3A_163] {strides = array<i32>} : memref<128x128xf32, #tpu.memory_space<vmem>>, vector<1x16xf32>,
          %get3A_165 = vector.shape_cast %get3A_164 : vector<1x16xf32> to vector<16xf32>
          %mul3A_166 = arith.constant 2 : i32
          %mul3A_167 = arith.muli %mul3A_166, %scan3A_81 : i32
          %add3A_168 = arith.constant 0 : i32
          %add3A_169 = arith.addi %mul3A_167, %add3A_168 : i32
          %get3A_170 = arith.index_cast %add3A_169 : i32 to index
          %get3A_171 = arith.constant 48 : index
          %get3A_172 = tpu.vector_load %arg14[%get3A_170, %get3A_171] {strides = array<i32>} : memref<128x128xf32, #tpu.memory_space<vmem>>, vector<1x16xf32>,
          %get3A_173 = vector.shape_cast %get3A_172 : vector<1x16xf32> to vector<16xf32>
          %add3A_174 = arith.addf %get3A_165, %get3A_173 : vector<16xf32>
          %mul3A_175 = arith.constant 2 : i32
          %mul3A_176 = arith.muli %mul3A_175, %scan3A_81 : i32
          %add3A_177 = arith.constant 0 : i32
          %add3A_178 = arith.addi %mul3A_176, %add3A_177 : i32
          %swap3A_179 = arith.index_cast %add3A_178 : i32 to index
          %swap3A_180 = arith.constant 48 : index
          %swap3A_181 = tpu.vector_load %arg16[%swap3A_179, %swap3A_180] {strides = array<i32>} : memref<128x128xf32, #tpu.memory_space<vmem>>, vector<1x16xf32>,
          %swap3A_182 = vector.shape_cast %swap3A_181 : vector<1x16xf32> to vector<16xf32>
          %swap3A_183 = vector.shape_cast %add3A_174 : vector<16xf32> to vector<1x16xf32>
          tpu.vector_store %arg16[%swap3A_179, %swap3A_180], %swap3A_183 {strides = array<i32>} : memref<128x128xf32, #tpu.memory_space<vmem>>, vector<1x16xf32>,
          %mul3A_184 = arith.constant 2 : i32
          %mul3A_185 = arith.muli %mul3A_184, %scan3A_81 : i32
          %add3A_186 = arith.constant 0 : i32
          %add3A_187 = arith.addi %mul3A_185, %add3A_186 : i32
          %get3A_188 = arith.index_cast %add3A_187 : i32 to index
          %get3A_189 = arith.constant 64 : index
          %get3A_190 = tpu.vector_load %arg12[%get3A_188, %get3A_189] {strides = array<i32>} : memref<128x128xf32, #tpu.memory_space<vmem>>, vector<1x16xf32>,
          %get3A_191 = vector.shape_cast %get3A_190 : vector<1x16xf32> to vector<16xf32>
          %mul3A_192 = arith.constant 2 : i32
          %mul3A_193 = arith.muli %mul3A_192, %scan3A_81 : i32
          %add3A_194 = arith.constant 0 : i32
          %add3A_195 = arith.addi %mul3A_193, %add3A_194 : i32
          %get3A_196 = arith.index_cast %add3A_195 : i32 to index
          %get3A_197 = arith.constant 64 : index
          %get3A_198 = tpu.vector_load %arg14[%get3A_196, %get3A_197] {strides = array<i32>} : memref<128x128xf32, #tpu.memory_space<vmem>>, vector<1x16xf32>,
          %get3A_199 = vector.shape_cast %get3A_198 : vector<1x16xf32> to vector<16xf32>
          %add3A_200 = arith.addf %get3A_191, %get3A_199 : vector<16xf32>
          %mul3A_201 = arith.constant 2 : i32
          %mul3A_202 = arith.muli %mul3A_201, %scan3A_81 : i32
          %add3A_203 = arith.constant 0 : i32
          %add3A_204 = arith.addi %mul3A_202, %add3A_203 : i32
          %swap3A_205 = arith.index_cast %add3A_204 : i32 to index
          %swap3A_206 = arith.constant 64 : index
          %swap3A_207 = tpu.vector_load %arg16[%swap3A_205, %swap3A_206] {strides = array<i32>} : memref<128x128xf32, #tpu.memory_space<vmem>>, vector<1x16xf32>,
          %swap3A_208 = vector.shape_cast %swap3A_207 : vector<1x16xf32> to vector<16xf32>
          %swap3A_209 = vector.shape_cast %add3A_200 : vector<16xf32> to vector<1x16xf32>
          tpu.vector_store %arg16[%swap3A_205, %swap3A_206], %swap3A_209 {strides = array<i32>} : memref<128x128xf32, #tpu.memory_space<vmem>>, vector<1x16xf32>,
          %mul3A_210 = arith.constant 2 : i32
          %mul3A_211 = arith.muli %mul3A_210, %scan3A_81 : i32
          %add3A_212 = arith.constant 0 : i32
          %add3A_213 = arith.addi %mul3A_211, %add3A_212 : i32
          %get3A_214 = arith.index_cast %add3A_213 : i32 to index
          %get3A_215 = arith.constant 80 : index
          %get3A_216 = tpu.vector_load %arg12[%get3A_214, %get3A_215] {strides = array<i32>} : memref<128x128xf32, #tpu.memory_space<vmem>>, vector<1x16xf32>,
          %get3A_217 = vector.shape_cast %get3A_216 : vector<1x16xf32> to vector<16xf32>
          %mul3A_218 = arith.constant 2 : i32
          %mul3A_219 = arith.muli %mul3A_218, %scan3A_81 : i32
          %add3A_220 = arith.constant 0 : i32
          %add3A_221 = arith.addi %mul3A_219, %add3A_220 : i32
          %get3A_222 = arith.index_cast %add3A_221 : i32 to index
          %get3A_223 = arith.constant 80 : index
          %get3A_224 = tpu.vector_load %arg14[%get3A_222, %get3A_223] {strides = array<i32>} : memref<128x128xf32, #tpu.memory_space<vmem>>, vector<1x16xf32>,
          %get3A_225 = vector.shape_cast %get3A_224 : vector<1x16xf32> to vector<16xf32>
          %add3A_226 = arith.addf %get3A_217, %get3A_225 : vector<16xf32>
          %mul3A_227 = arith.constant 2 : i32
          %mul3A_228 = arith.muli %mul3A_227, %scan3A_81 : i32
          %add3A_229 = arith.constant 0 : i32
          %add3A_230 = arith.addi %mul3A_228, %add3A_229 : i32
          %swap3A_231 = arith.index_cast %add3A_230 : i32 to index
          %swap3A_232 = arith.constant 80 : index
          %swap3A_233 = tpu.vector_load %arg16[%swap3A_231, %swap3A_232] {strides = array<i32>} : memref<128x128xf32, #tpu.memory_space<vmem>>, vector<1x16xf32>,
          %swap3A_234 = vector.shape_cast %swap3A_233 : vector<1x16xf32> to vector<16xf32>
          %swap3A_235 = vector.shape_cast %add3A_226 : vector<16xf32> to vector<1x16xf32>
          tpu.vector_store %arg16[%swap3A_231, %swap3A_232], %swap3A_235 {strides = array<i32>} : memref<128x128xf32, #tpu.memory_space<vmem>>, vector<1x16xf32>,
          %mul3A_236 = arith.constant 2 : i32
          %mul3A_237 = arith.muli %mul3A_236, %scan3A_81 : i32
          %add3A_238 = arith.constant 0 : i32
          %add3A_239 = arith.addi %mul3A_237, %add3A_238 : i32
          %get3A_240 = arith.index_cast %add3A_239 : i32 to index
          %get3A_241 = arith.constant 96 : index
          %get3A_242 = tpu.vector_load %arg12[%get3A_240, %get3A_241] {strides = array<i32>} : memref<128x128xf32, #tpu.memory_space<vmem>>, vector<1x16xf32>,
          %get3A_243 = vector.shape_cast %get3A_242 : vector<1x16xf32> to vector<16xf32>
          %mul3A_244 = arith.constant 2 : i32
          %mul3A_245 = arith.muli %mul3A_244, %scan3A_81 : i32
          %add3A_246 = arith.constant 0 : i32
          %add3A_247 = arith.addi %mul3A_245, %add3A_246 : i32
          %get3A_248 = arith.index_cast %add3A_247 : i32 to index
          %get3A_249 = arith.constant 96 : index
          %get3A_250 = tpu.vector_load %arg14[%get3A_248, %get3A_249] {strides = array<i32>} : memref<128x128xf32, #tpu.memory_space<vmem>>, vector<1x16xf32>,
          %get3A_251 = vector.shape_cast %get3A_250 : vector<1x16xf32> to vector<16xf32>
          %add3A_252 = arith.addf %get3A_243, %get3A_251 : vector<16xf32>
          %mul3A_253 = arith.constant 2 : i32
          %mul3A_254 = arith.muli %mul3A_253, %scan3A_81 : i32
          %add3A_255 = arith.constant 0 : i32
          %add3A_256 = arith.addi %mul3A_254, %add3A_255 : i32
          %swap3A_257 = arith.index_cast %add3A_256 : i32 to index
          %swap3A_258 = arith.constant 96 : index
          %swap3A_259 = tpu.vector_load %arg16[%swap3A_257, %swap3A_258] {strides = array<i32>} : memref<128x128xf32, #tpu.memory_space<vmem>>, vector<1x16xf32>,
          %swap3A_260 = vector.shape_cast %swap3A_259 : vector<1x16xf32> to vector<16xf32>
          %swap3A_261 = vector.shape_cast %add3A_252 : vector<16xf32> to vector<1x16xf32>
          tpu.vector_store %arg16[%swap3A_257, %swap3A_258], %swap3A_261 {strides = array<i32>} : memref<128x128xf32, #tpu.memory_space<vmem>>, vector<1x16xf32>,
          %mul3A_262 = arith.constant 2 : i32
          %mul3A_263 = arith.muli %mul3A_262, %scan3A_81 : i32
          %add3A_264 = arith.constant 0 : i32
          %add3A_265 = arith.addi %mul3A_263, %add3A_264 : i32
          %get3A_266 = arith.index_cast %add3A_265 : i32 to index
          %get3A_267 = arith.constant 112 : index
          %get3A_268 = tpu.vector_load %arg12[%get3A_266, %get3A_267] {strides = array<i32>} : memref<128x128xf32, #tpu.memory_space<vmem>>, vector<1x16xf32>,
          %get3A_269 = vector.shape_cast %get3A_268 : vector<1x16xf32> to vector<16xf32>
          %mul3A_270 = arith.constant 2 : i32
          %mul3A_271 = arith.muli %mul3A_270, %scan3A_81 : i32
          %add3A_272 = arith.constant 0 : i32
          %add3A_273 = arith.addi %mul3A_271, %add3A_272 : i32
          %get3A_274 = arith.index_cast %add3A_273 : i32 to index
          %get3A_275 = arith.constant 112 : index
          %get3A_276 = tpu.vector_load %arg14[%get3A_274, %get3A_275] {strides = array<i32>} : memref<128x128xf32, #tpu.memory_space<vmem>>, vector<1x16xf32>,
          %get3A_277 = vector.shape_cast %get3A_276 : vector<1x16xf32> to vector<16xf32>
          %add3A_278 = arith.addf %get3A_269, %get3A_277 : vector<16xf32>
          %mul3A_279 = arith.constant 2 : i32
          %mul3A_280 = arith.muli %mul3A_279, %scan3A_81 : i32
          %add3A_281 = arith.constant 0 : i32
          %add3A_282 = arith.addi %mul3A_280, %add3A_281 : i32
          %swap3A_283 = arith.index_cast %add3A_282 : i32 to index
          %swap3A_284 = arith.constant 112 : index
          %swap3A_285 = tpu.vector_load %arg16[%swap3A_283, %swap3A_284] {strides = array<i32>} : memref<128x128xf32, #tpu.memory_space<vmem>>, vector<1x16xf32>,
          %swap3A_286 = vector.shape_cast %swap3A_285 : vector<1x16xf32> to vector<16xf32>
          %swap3A_287 = vector.shape_cast %add3A_278 : vector<16xf32> to vector<1x16xf32>
          tpu.vector_store %arg16[%swap3A_283, %swap3A_284], %swap3A_287 {strides = array<i32>} : memref<128x128xf32, #tpu.memory_space<vmem>>, vector<1x16xf32>,
          %mul3A_288 = arith.constant 2 : i32
          %mul3A_289 = arith.muli %mul3A_288, %scan3A_81 : i32
          %add3A_290 = arith.constant 1 : i32
          %add3A_291 = arith.addi %mul3A_289, %add3A_290 : i32
          %get3A_292 = arith.index_cast %add3A_291 : i32 to index
          %get3A_293 = arith.constant 0 : index
          %get3A_294 = tpu.vector_load %arg12[%get3A_292, %get3A_293] {strides = array<i32>} : memref<128x128xf32, #tpu.memory_space<vmem>>, vector<1x16xf32>,
          %get3A_295 = vector.shape_cast %get3A_294 : vector<1x16xf32> to vector<16xf32>
          %mul3A_296 = arith.constant 2 : i32
          %mul3A_297 = arith.muli %mul3A_296, %scan3A_81 : i32
          %add3A_298 = arith.constant 1 : i32
          %add3A_299 = arith.addi %mul3A_297, %add3A_298 : i32
          %get3A_300 = arith.index_cast %add3A_299 : i32 to index
          %get3A_301 = arith.constant 0 : index
          %get3A_302 = tpu.vector_load %arg14[%get3A_300, %get3A_301] {strides = array<i32>} : memref<128x128xf32, #tpu.memory_space<vmem>>, vector<1x16xf32>,
          %get3A_303 = vector.shape_cast %get3A_302 : vector<1x16xf32> to vector<16xf32>
          %add3A_304 = arith.addf %get3A_295, %get3A_303 : vector<16xf32>
          %mul3A_305 = arith.constant 2 : i32
          %mul3A_306 = arith.muli %mul3A_305, %scan3A_81 : i32
          %add3A_307 = arith.constant 1 : i32
          %add3A_308 = arith.addi %mul3A_306, %add3A_307 : i32
          %swap3A_309 = arith.index_cast %add3A_308 : i32 to index
          %swap3A_310 = arith.constant 0 : index
          %swap3A_311 = tpu.vector_load %arg16[%swap3A_309, %swap3A_310] {strides = array<i32>} : memref<128x128xf32, #tpu.memory_space<vmem>>, vector<1x16xf32>,
          %swap3A_312 = vector.shape_cast %swap3A_311 : vector<1x16xf32> to vector<16xf32>
          %swap3A_313 = vector.shape_cast %add3A_304 : vector<16xf32> to vector<1x16xf32>
          tpu.vector_store %arg16[%swap3A_309, %swap3A_310], %swap3A_313 {strides = array<i32>} : memref<128x128xf32, #tpu.memory_space<vmem>>, vector<1x16xf32>,
          %mul3A_314 = arith.constant 2 : i32
          %mul3A_315 = arith.muli %mul3A_314, %scan3A_81 : i32
          %add3A_316 = arith.constant 1 : i32
          %add3A_317 = arith.addi %mul3A_315, %add3A_316 : i32
          %get3A_318 = arith.index_cast %add3A_317 : i32 to index
          %get3A_319 = arith.constant 16 : index
          %get3A_320 = tpu.vector_load %arg12[%get3A_318, %get3A_319] {strides = array<i32>} : memref<128x128xf32, #tpu.memory_space<vmem>>, vector<1x16xf32>,
          %get3A_321 = vector.shape_cast %get3A_320 : vector<1x16xf32> to vector<16xf32>
          %mul3A_322 = arith.constant 2 : i32
          %mul3A_323 = arith.muli %mul3A_322, %scan3A_81 : i32
          %add3A_324 = arith.constant 1 : i32
          %add3A_325 = arith.addi %mul3A_323, %add3A_324 : i32
          %get3A_326 = arith.index_cast %add3A_325 : i32 to index
          %get3A_327 = arith.constant 16 : index
          %get3A_328 = tpu.vector_load %arg14[%get3A_326, %get3A_327] {strides = array<i32>} : memref<128x128xf32, #tpu.memory_space<vmem>>, vector<1x16xf32>,
          %get3A_329 = vector.shape_cast %get3A_328 : vector<1x16xf32> to vector<16xf32>
          %add3A_330 = arith.addf %get3A_321, %get3A_329 : vector<16xf32>
          %mul3A_331 = arith.constant 2 : i32
          %mul3A_332 = arith.muli %mul3A_331, %scan3A_81 : i32
          %add3A_333 = arith.constant 1 : i32
          %add3A_334 = arith.addi %mul3A_332, %add3A_333 : i32
          %swap3A_335 = arith.index_cast %add3A_334 : i32 to index
          %swap3A_336 = arith.constant 16 : index
          %swap3A_337 = tpu.vector_load %arg16[%swap3A_335, %swap3A_336] {strides = array<i32>} : memref<128x128xf32, #tpu.memory_space<vmem>>, vector<1x16xf32>,
          %swap3A_338 = vector.shape_cast %swap3A_337 : vector<1x16xf32> to vector<16xf32>
          %swap3A_339 = vector.shape_cast %add3A_330 : vector<16xf32> to vector<1x16xf32>
          tpu.vector_store %arg16[%swap3A_335, %swap3A_336], %swap3A_339 {strides = array<i32>} : memref<128x128xf32, #tpu.memory_space<vmem>>, vector<1x16xf32>,
          %mul3A_340 = arith.constant 2 : i32
          %mul3A_341 = arith.muli %mul3A_340, %scan3A_81 : i32
          %add3A_342 = arith.constant 1 : i32
          %add3A_343 = arith.addi %mul3A_341, %add3A_342 : i32
          %get3A_344 = arith.index_cast %add3A_343 : i32 to index
          %get3A_345 = arith.constant 32 : index
          %get3A_346 = tpu.vector_load %arg12[%get3A_344, %get3A_345] {strides = array<i32>} : memref<128x128xf32, #tpu.memory_space<vmem>>, vector<1x16xf32>,
          %get3A_347 = vector.shape_cast %get3A_346 : vector<1x16xf32> to vector<16xf32>
          %mul3A_348 = arith.constant 2 : i32
          %mul3A_349 = arith.muli %mul3A_348, %scan3A_81 : i32
          %add3A_350 = arith.constant 1 : i32
          %add3A_351 = arith.addi %mul3A_349, %add3A_350 : i32
          %get3A_352 = arith.index_cast %add3A_351 : i32 to index
          %get3A_353 = arith.constant 32 : index
          %get3A_354 = tpu.vector_load %arg14[%get3A_352, %get3A_353] {strides = array<i32>} : memref<128x128xf32, #tpu.memory_space<vmem>>, vector<1x16xf32>,
          %get3A_355 = vector.shape_cast %get3A_354 : vector<1x16xf32> to vector<16xf32>
          %add3A_356 = arith.addf %get3A_347, %get3A_355 : vector<16xf32>
          %mul3A_357 = arith.constant 2 : i32
          %mul3A_358 = arith.muli %mul3A_357, %scan3A_81 : i32
          %add3A_359 = arith.constant 1 : i32
          %add3A_360 = arith.addi %mul3A_358, %add3A_359 : i32
          %swap3A_361 = arith.index_cast %add3A_360 : i32 to index
          %swap3A_362 = arith.constant 32 : index
          %swap3A_363 = tpu.vector_load %arg16[%swap3A_361, %swap3A_362] {strides = array<i32>} : memref<128x128xf32, #tpu.memory_space<vmem>>, vector<1x16xf32>,
          %swap3A_364 = vector.shape_cast %swap3A_363 : vector<1x16xf32> to vector<16xf32>
          %swap3A_365 = vector.shape_cast %add3A_356 : vector<16xf32> to vector<1x16xf32>
          tpu.vector_store %arg16[%swap3A_361, %swap3A_362], %swap3A_365 {strides = array<i32>} : memref<128x128xf32, #tpu.memory_space<vmem>>, vector<1x16xf32>,
          %mul3A_366 = arith.constant 2 : i32
          %mul3A_367 = arith.muli %mul3A_366, %scan3A_81 : i32
          %add3A_368 = arith.constant 1 : i32
          %add3A_369 = arith.addi %mul3A_367, %add3A_368 : i32
          %get3A_370 = arith.index_cast %add3A_369 : i32 to index
          %get3A_371 = arith.constant 48 : index
          %get3A_372 = tpu.vector_load %arg12[%get3A_370, %get3A_371] {strides = array<i32>} : memref<128x128xf32, #tpu.memory_space<vmem>>, vector<1x16xf32>,
          %get3A_373 = vector.shape_cast %get3A_372 : vector<1x16xf32> to vector<16xf32>
          %mul3A_374 = arith.constant 2 : i32
          %mul3A_375 = arith.muli %mul3A_374, %scan3A_81 : i32
          %add3A_376 = arith.constant 1 : i32
          %add3A_377 = arith.addi %mul3A_375, %add3A_376 : i32
          %get3A_378 = arith.index_cast %add3A_377 : i32 to index
          %get3A_379 = arith.constant 48 : index
          %get3A_380 = tpu.vector_load %arg14[%get3A_378, %get3A_379] {strides = array<i32>} : memref<128x128xf32, #tpu.memory_space<vmem>>, vector<1x16xf32>,
          %get3A_381 = vector.shape_cast %get3A_380 : vector<1x16xf32> to vector<16xf32>
          %add3A_382 = arith.addf %get3A_373, %get3A_381 : vector<16xf32>
          %mul3A_383 = arith.constant 2 : i32
          %mul3A_384 = arith.muli %mul3A_383, %scan3A_81 : i32
          %add3A_385 = arith.constant 1 : i32
          %add3A_386 = arith.addi %mul3A_384, %add3A_385 : i32
          %swap3A_387 = arith.index_cast %add3A_386 : i32 to index
          %swap3A_388 = arith.constant 48 : index
          %swap3A_389 = tpu.vector_load %arg16[%swap3A_387, %swap3A_388] {strides = array<i32>} : memref<128x128xf32, #tpu.memory_space<vmem>>, vector<1x16xf32>,
          %swap3A_390 = vector.shape_cast %swap3A_389 : vector<1x16xf32> to vector<16xf32>
          %swap3A_391 = vector.shape_cast %add3A_382 : vector<16xf32> to vector<1x16xf32>
          tpu.vector_store %arg16[%swap3A_387, %swap3A_388], %swap3A_391 {strides = array<i32>} : memref<128x128xf32, #tpu.memory_space<vmem>>, vector<1x16xf32>,
          %mul3A_392 = arith.constant 2 : i32
          %mul3A_393 = arith.muli %mul3A_392, %scan3A_81 : i32
          %add3A_394 = arith.constant 1 : i32
          %add3A_395 = arith.addi %mul3A_393, %add3A_394 : i32
          %get3A_396 = arith.index_cast %add3A_395 : i32 to index
          %get3A_397 = arith.constant 64 : index
          %get3A_398 = tpu.vector_load %arg12[%get3A_396, %get3A_397] {strides = array<i32>} : memref<128x128xf32, #tpu.memory_space<vmem>>, vector<1x16xf32>,
          %get3A_399 = vector.shape_cast %get3A_398 : vector<1x16xf32> to vector<16xf32>
          %mul3A_400 = arith.constant 2 : i32
          %mul3A_401 = arith.muli %mul3A_400, %scan3A_81 : i32
          %add3A_402 = arith.constant 1 : i32
          %add3A_403 = arith.addi %mul3A_401, %add3A_402 : i32
          %get3A_404 = arith.index_cast %add3A_403 : i32 to index
          %get3A_405 = arith.constant 64 : index
          %get3A_406 = tpu.vector_load %arg14[%get3A_404, %get3A_405] {strides = array<i32>} : memref<128x128xf32, #tpu.memory_space<vmem>>, vector<1x16xf32>,
          %get3A_407 = vector.shape_cast %get3A_406 : vector<1x16xf32> to vector<16xf32>
          %add3A_408 = arith.addf %get3A_399, %get3A_407 : vector<16xf32>
          %mul3A_409 = arith.constant 2 : i32
          %mul3A_410 = arith.muli %mul3A_409, %scan3A_81 : i32
          %add3A_411 = arith.constant 1 : i32
          %add3A_412 = arith.addi %mul3A_410, %add3A_411 : i32
          %swap3A_413 = arith.index_cast %add3A_412 : i32 to index
          %swap3A_414 = arith.constant 64 : index
          %swap3A_415 = tpu.vector_load %arg16[%swap3A_413, %swap3A_414] {strides = array<i32>} : memref<128x128xf32, #tpu.memory_space<vmem>>, vector<1x16xf32>,
          %swap3A_416 = vector.shape_cast %swap3A_415 : vector<1x16xf32> to vector<16xf32>
          %swap3A_417 = vector.shape_cast %add3A_408 : vector<16xf32> to vector<1x16xf32>
          tpu.vector_store %arg16[%swap3A_413, %swap3A_414], %swap3A_417 {strides = array<i32>} : memref<128x128xf32, #tpu.memory_space<vmem>>, vector<1x16xf32>,
          %mul3A_418 = arith.constant 2 : i32
          %mul3A_419 = arith.muli %mul3A_418, %scan3A_81 : i32
          %add3A_420 = arith.constant 1 : i32
          %add3A_421 = arith.addi %mul3A_419, %add3A_420 : i32
          %get3A_422 = arith.index_cast %add3A_421 : i32 to index
          %get3A_423 = arith.constant 80 : index
          %get3A_424 = tpu.vector_load %arg12[%get3A_422, %get3A_423] {strides = array<i32>} : memref<128x128xf32, #tpu.memory_space<vmem>>, vector<1x16xf32>,
          %get3A_425 = vector.shape_cast %get3A_424 : vector<1x16xf32> to vector<16xf32>
          %mul3A_426 = arith.constant 2 : i32
          %mul3A_427 = arith.muli %mul3A_426, %scan3A_81 : i32
          %add3A_428 = arith.constant 1 : i32
          %add3A_429 = arith.addi %mul3A_427, %add3A_428 : i32
          %get3A_430 = arith.index_cast %add3A_429 : i32 to index
          %get3A_431 = arith.constant 80 : index
          %get3A_432 = tpu.vector_load %arg14[%get3A_430, %get3A_431] {strides = array<i32>} : memref<128x128xf32, #tpu.memory_space<vmem>>, vector<1x16xf32>,
          %get3A_433 = vector.shape_cast %get3A_432 : vector<1x16xf32> to vector<16xf32>
          %add3A_434 = arith.addf %get3A_425, %get3A_433 : vector<16xf32>
          %mul3A_435 = arith.constant 2 : i32
          %mul3A_436 = arith.muli %mul3A_435, %scan3A_81 : i32
          %add3A_437 = arith.constant 1 : i32
          %add3A_438 = arith.addi %mul3A_436, %add3A_437 : i32
          %swap3A_439 = arith.index_cast %add3A_438 : i32 to index
          %swap3A_440 = arith.constant 80 : index
          %swap3A_441 = tpu.vector_load %arg16[%swap3A_439, %swap3A_440] {strides = array<i32>} : memref<128x128xf32, #tpu.memory_space<vmem>>, vector<1x16xf32>,
          %swap3A_442 = vector.shape_cast %swap3A_441 : vector<1x16xf32> to vector<16xf32>
          %swap3A_443 = vector.shape_cast %add3A_434 : vector<16xf32> to vector<1x16xf32>
          tpu.vector_store %arg16[%swap3A_439, %swap3A_440], %swap3A_443 {strides = array<i32>} : memref<128x128xf32, #tpu.memory_space<vmem>>, vector<1x16xf32>,
          %mul3A_444 = arith.constant 2 : i32
          %mul3A_445 = arith.muli %mul3A_444, %scan3A_81 : i32
          %add3A_446 = arith.constant 1 : i32
          %add3A_447 = arith.addi %mul3A_445, %add3A_446 : i32
          %get3A_448 = arith.index_cast %add3A_447 : i32 to index
          %get3A_449 = arith.constant 96 : index
          %get3A_450 = tpu.vector_load %arg12[%get3A_448, %get3A_449] {strides = array<i32>} : memref<128x128xf32, #tpu.memory_space<vmem>>, vector<1x16xf32>,
          %get3A_451 = vector.shape_cast %get3A_450 : vector<1x16xf32> to vector<16xf32>
          %mul3A_452 = arith.constant 2 : i32
          %mul3A_453 = arith.muli %mul3A_452, %scan3A_81 : i32
          %add3A_454 = arith.constant 1 : i32
          %add3A_455 = arith.addi %mul3A_453, %add3A_454 : i32
          %get3A_456 = arith.index_cast %add3A_455 : i32 to index
          %get3A_457 = arith.constant 96 : index
          %get3A_458 = tpu.vector_load %arg14[%get3A_456, %get3A_457] {strides = array<i32>} : memref<128x128xf32, #tpu.memory_space<vmem>>, vector<1x16xf32>,
          %get3A_459 = vector.shape_cast %get3A_458 : vector<1x16xf32> to vector<16xf32>
          %add3A_460 = arith.addf %get3A_451, %get3A_459 : vector<16xf32>
          %mul3A_461 = arith.constant 2 : i32
          %mul3A_462 = arith.muli %mul3A_461, %scan3A_81 : i32
          %add3A_463 = arith.constant 1 : i32
          %add3A_464 = arith.addi %mul3A_462, %add3A_463 : i32
          %swap3A_465 = arith.index_cast %add3A_464 : i32 to index
          %swap3A_466 = arith.constant 96 : index
          %swap3A_467 = tpu.vector_load %arg16[%swap3A_465, %swap3A_466] {strides = array<i32>} : memref<128x128xf32, #tpu.memory_space<vmem>>, vector<1x16xf32>,
          %swap3A_468 = vector.shape_cast %swap3A_467 : vector<1x16xf32> to vector<16xf32>
          %swap3A_469 = vector.shape_cast %add3A_460 : vector<16xf32> to vector<1x16xf32>
          tpu.vector_store %arg16[%swap3A_465, %swap3A_466], %swap3A_469 {strides = array<i32>} : memref<128x128xf32, #tpu.memory_space<vmem>>, vector<1x16xf32>,
          %mul3A_470 = arith.constant 2 : i32
          %mul3A_471 = arith.muli %mul3A_470, %scan3A_81 : i32
          %add3A_472 = arith.constant 1 : i32
          %add3A_473 = arith.addi %mul3A_471, %add3A_472 : i32
          %get3A_474 = arith.index_cast %add3A_473 : i32 to index
          %get3A_475 = arith.constant 112 : index
          %get3A_476 = tpu.vector_load %arg12[%get3A_474, %get3A_475] {strides = array<i32>} : memref<128x128xf32, #tpu.memory_space<vmem>>, vector<1x16xf32>,
          %get3A_477 = vector.shape_cast %get3A_476 : vector<1x16xf32> to vector<16xf32>
          %mul3A_478 = arith.constant 2 : i32
          %mul3A_479 = arith.muli %mul3A_478, %scan3A_81 : i32
          %add3A_480 = arith.constant 1 : i32
          %add3A_481 = arith.addi %mul3A_479, %add3A_480 : i32
          %get3A_482 = arith.index_cast %add3A_481 : i32 to index
          %get3A_483 = arith.constant 112 : index
          %get3A_484 = tpu.vector_load %arg14[%get3A_482, %get3A_483] {strides = array<i32>} : memref<128x128xf32, #tpu.memory_space<vmem>>, vector<1x16xf32>,
          %get3A_485 = vector.shape_cast %get3A_484 : vector<1x16xf32> to vector<16xf32>
          %add3A_486 = arith.addf %get3A_477, %get3A_485 : vector<16xf32>
          %mul3A_487 = arith.constant 2 : i32
          %mul3A_488 = arith.muli %mul3A_487, %scan3A_81 : i32
          %add3A_489 = arith.constant 1 : i32
          %add3A_490 = arith.addi %mul3A_488, %add3A_489 : i32
          %swap3A_491 = arith.index_cast %add3A_490 : i32 to index
          %swap3A_492 = arith.constant 112 : index
          %swap3A_493 = tpu.vector_load %arg16[%swap3A_491, %swap3A_492] {strides = array<i32>} : memref<128x128xf32, #tpu.memory_space<vmem>>, vector<1x16xf32>,
          %swap3A_494 = vector.shape_cast %swap3A_493 : vector<1x16xf32> to vector<16xf32>
          %swap3A_495 = vector.shape_cast %add3A_486 : vector<16xf32> to vector<1x16xf32>
          tpu.vector_store %arg16[%swap3A_491, %swap3A_492], %swap3A_495 {strides = array<i32>} : memref<128x128xf32, #tpu.memory_space<vmem>>, vector<1x16xf32>,
        }
        %scan3A_73 = arith.constant 64 : i32
        %add3A_74 = arith.addi %select_n3A_8, %add3A_57 : i32
        %mul3A_75 = arith.constant 128 : i32
        %mul3A_76 = arith.muli %add3A_74, %mul3A_75 : i32
        %dma_start3A_77 = arith.constant 0 : i32
        %dma_start3A_78 = tpu.memref_slice %arg6[%mul3A_76, %dma_start3A_77] : memref<163840x128xf32, #tpu.memory_space<hbm>> -> memref<128x128xf32, #tpu.memory_space<hbm>>
        %dma_start3A_79 = arith.constant 0 : i32
        %dma_start3A_80 = tpu.memref_slice %arg6[%mul3A_76, %dma_start3A_79] : memref<163840x128xf32, #tpu.memory_space<hbm>> -> memref<128x128xf32, #tpu.memory_space<hbm>>
        tpu.enqueue_dma source(%arg16 : memref<128x128xf32, #tpu.memory_space<vmem>>) target(%dma_start3A_80 : memref<128x128xf32, #tpu.memory_space<hbm>>) target_semaphore(%arg22 : memref<!tpu.dma_semaphore, #tpu.memory_space<semaphore_mem>>)
      } else {
      }
    }
    %scan3A_22 = arith.constant 20 : i32
    %mul3A_23 = arith.constant 128 : i32
    %mul3A_24 = arith.muli %select_n3A_8, %mul3A_23 : i32
    %dma_wait3A = arith.constant 0 : i32
    %dma_wait3A_25 = tpu.memref_slice %arg6[%mul3A_24, %dma_wait3A] : memref<163840x128xf32, #tpu.memory_space<hbm>> -> memref<128x128xf32, #tpu.memory_space<hbm>>
    %dma_wait3A_26 = arith.constant 0 : i32
    %dma_wait3A_27 = tpu.memref_slice %arg6[%mul3A_24, %dma_wait3A_26] : memref<163840x128xf32, #tpu.memory_space<hbm>> -> memref<128x128xf32, #tpu.memory_space<hbm>>
    tpu.wait_dma2 semaphore(%arg21 : memref<!tpu.dma_semaphore, #tpu.memory_space<semaphore_mem>>) src(%arg15 : memref<128x128xf32, #tpu.memory_space<vmem>>) dst(%dma_wait3A_27 : memref<128x128xf32, #tpu.memory_space<hbm>>)
    %mul3A_28 = arith.constant 128 : i32
    %mul3A_29 = arith.muli %select_n3A_8, %mul3A_28 : i32
    %dma_wait3A_30 = arith.constant 0 : i32
    %dma_wait3A_31 = tpu.memref_slice %arg6[%mul3A_29, %dma_wait3A_30] : memref<163840x128xf32, #tpu.memory_space<hbm>> -> memref<128x128xf32, #tpu.memory_space<hbm>>
    %dma_wait3A_32 = arith.constant 0 : i32
    %dma_wait3A_33 = tpu.memref_slice %arg6[%mul3A_29, %dma_wait3A_32] : memref<163840x128xf32, #tpu.memory_space<hbm>> -> memref<128x128xf32, #tpu.memory_space<hbm>>
    tpu.wait_dma2 semaphore(%arg22 : memref<!tpu.dma_semaphore, #tpu.memory_space<semaphore_mem>>) src(%arg16 : memref<128x128xf32, #tpu.memory_space<vmem>>) dst(%dma_wait3A_33 : memref<128x128xf32, #tpu.memory_space<hbm>>)
    return
  }
}

#map = affine_map<(d0, d1) -> (0, 0)>
#map1 = affine_map<(d0, d1) -> (0)>
module attributes {stable_mosaic.version = 14 : i64} {
  func.func @k(%arg0: i32, %arg1: i32, %arg2: memref<163840x128xf32, #tpu.memory_space<hbm>>, %arg3: memref<163840xi32, #tpu.memory_space<hbm>>, %arg4: memref<640x128xf32, #tpu.memory_space<hbm>>, %arg5: memref<20480x128xf32, #tpu.memory_space<hbm>>, %arg6: memref<128xi32, #tpu.memory_space<vmem>>, %arg7: memref<128xi32, #tpu.memory_space<vmem>>, %arg8: memref<128x128xf32, #tpu.memory_space<vmem>>, %arg9: memref<128x128xf32, #tpu.memory_space<vmem>>, %arg10: memref<!tpu.dma_semaphore, #tpu.memory_space<semaphore_mem>>, %arg11: memref<!tpu.dma_semaphore, #tpu.memory_space<semaphore_mem>>, %arg12: memref<!tpu.dma_semaphore, #tpu.memory_space<semaphore_mem>>, %arg13: memref<!tpu.dma_semaphore, #tpu.memory_space<semaphore_mem>>, %arg14: memref<10240x128xf32, #tpu.memory_space<vmem_shared>>) attributes {dimension_semantics = [#tpu.dimension_semantics<core_parallel>, #tpu.dimension_semantics<subcore_parallel>], iteration_bounds = array<i64: 2, 16>, scalar_prefetch = 0 : i64, scratch_operands = 9 : i64, tpu.core_type = #tpu.core_type<sc_vector_subcore>, window_params = [{transform_indices = #map}, {transform_indices = #map1}, {transform_indices = #map}, {transform_indices = #map}]} {
    %mul3A = arith.constant 2 : i32
    %mul3A_0 = arith.muli %arg1, %mul3A : i32
    %add3A = arith.addi %mul3A_0, %arg0 : i32
    %mul3A_1 = arith.constant 5120 : i32
    %mul3A_2 = arith.muli %add3A, %mul3A_1 : i32
    %mul3A_3 = arith.constant 640 : i32
    %mul3A_4 = arith.muli %arg1, %mul3A_3 : i32
    "tpu.region"() ({
      %run_scoped3A = tpu.sem_alloc : memref<!tpu.dma_semaphore, #tpu.memory_space<semaphore_mem>>
      %dma_start3A_25 = arith.constant 0 : i32
      %dma_start3A_26 = tpu.memref_slice %arg14[%mul3A_4, %dma_start3A_25] : memref<10240x128xf32, #tpu.memory_space<vmem_shared>> -> memref<640x128xf32, #tpu.memory_space<vmem_shared>>
      tpu.enqueue_dma source(%arg4 : memref<640x128xf32, #tpu.memory_space<hbm>>) target(%dma_start3A_26 : memref<640x128xf32, #tpu.memory_space<vmem_shared>>) target_semaphore(%run_scoped3A : memref<!tpu.dma_semaphore, #tpu.memory_space<semaphore_mem>>)
      %dma_wait3A = arith.constant 0 : i32
      %dma_wait3A_27 = tpu.memref_slice %arg14[%mul3A_4, %dma_wait3A] : memref<10240x128xf32, #tpu.memory_space<vmem_shared>> -> memref<640x128xf32, #tpu.memory_space<vmem_shared>>
      tpu.wait_dma2 semaphore(%run_scoped3A : memref<!tpu.dma_semaphore, #tpu.memory_space<semaphore_mem>>) src(%arg4 : memref<640x128xf32, #tpu.memory_space<hbm>>) dst(%dma_wait3A_27 : memref<640x128xf32, #tpu.memory_space<vmem_shared>>)
      tpu.yield
    }) : () -> ()
    %barrier3A = arith.constant 0 : index
    tpu.barrier barrier_id(%barrier3A)
    %add3A_5 = arith.constant 0 : i32
    %add3A_6 = arith.addi %mul3A_2, %add3A_5 : i32
    %dma_start3A = tpu.memref_slice %arg3[%add3A_6] : memref<163840xi32, #tpu.memory_space<hbm>> -> memref<128xi32, #tpu.memory_space<hbm>>
    %dma_start3A_7 = tpu.memref_slice %arg3[%add3A_6] : memref<163840xi32, #tpu.memory_space<hbm>> -> memref<128xi32, #tpu.memory_space<hbm>>
    tpu.enqueue_dma source(%dma_start3A_7 : memref<128xi32, #tpu.memory_space<hbm>>) target(%arg6 : memref<128xi32, #tpu.memory_space<vmem>>) target_semaphore(%arg10 : memref<!tpu.dma_semaphore, #tpu.memory_space<semaphore_mem>>)
    %dma_start3A_8 = arith.constant 0 : i32
    %dma_start3A_9 = tpu.memref_slice %arg2[%add3A_6, %dma_start3A_8] : memref<163840x128xf32, #tpu.memory_space<hbm>> -> memref<128x128xf32, #tpu.memory_space<hbm>>
    %dma_start3A_10 = arith.constant 0 : i32
    %dma_start3A_11 = tpu.memref_slice %arg2[%add3A_6, %dma_start3A_10] : memref<163840x128xf32, #tpu.memory_space<hbm>> -> memref<128x128xf32, #tpu.memory_space<hbm>>
    tpu.enqueue_dma source(%dma_start3A_11 : memref<128x128xf32, #tpu.memory_space<hbm>>) target(%arg8 : memref<128x128xf32, #tpu.memory_space<vmem>>) target_semaphore(%arg12 : memref<!tpu.dma_semaphore, #tpu.memory_space<semaphore_mem>>)
    %scan3A = arith.constant 0 : i32
    %scan3A_12 = arith.constant 0 : i32
    %scan3A_13 = arith.constant 20 : i32
    %scan3A_14 = arith.addi %scan3A_12, %scan3A_13 : i32
    %scan3A_15 = arith.constant 1 : i32
    scf.for %scan3A_25 = %scan3A_12 to %scan3A_14 step %scan3A_15  : i32 {
      %mul3A_26 = arith.constant 2 : i32
      %mul3A_27 = arith.muli %mul3A_26, %scan3A_25 : i32
      %add3A_28 = arith.constant 1 : i32
      %add3A_29 = arith.addi %mul3A_27, %add3A_28 : i32
      %lt3A = arith.constant 40 : i32
      %lt3A_30 = arith.cmpi slt, %add3A_29, %lt3A : i32
      %convert_element_type3A = arith.extui %lt3A_30 : i1 to i32
      %cond3A = arith.constant 0 : i32
      %cond3A_31 = arith.cmpi ne, %convert_element_type3A, %cond3A : i32
      scf.if %cond3A_31 {
        %add3A_51 = arith.constant 1 : i32
        %add3A_52 = arith.addi %mul3A_27, %add3A_51 : i32
        %mul3A_53 = arith.constant 128 : i32
        %mul3A_54 = arith.muli %add3A_52, %mul3A_53 : i32
        %add3A_55 = arith.addi %mul3A_2, %mul3A_54 : i32
        %dma_start3A_56 = tpu.memref_slice %arg3[%add3A_55] : memref<163840xi32, #tpu.memory_space<hbm>> -> memref<128xi32, #tpu.memory_space<hbm>>
        %dma_start3A_57 = tpu.memref_slice %arg3[%add3A_55] : memref<163840xi32, #tpu.memory_space<hbm>> -> memref<128xi32, #tpu.memory_space<hbm>>
        tpu.enqueue_dma source(%dma_start3A_57 : memref<128xi32, #tpu.memory_space<hbm>>) target(%arg7 : memref<128xi32, #tpu.memory_space<vmem>>) target_semaphore(%arg11 : memref<!tpu.dma_semaphore, #tpu.memory_space<semaphore_mem>>)
        %dma_start3A_58 = arith.constant 0 : i32
        %dma_start3A_59 = tpu.memref_slice %arg2[%add3A_55, %dma_start3A_58] : memref<163840x128xf32, #tpu.memory_space<hbm>> -> memref<128x128xf32, #tpu.memory_space<hbm>>
        %dma_start3A_60 = arith.constant 0 : i32
        %dma_start3A_61 = tpu.memref_slice %arg2[%add3A_55, %dma_start3A_60] : memref<163840x128xf32, #tpu.memory_space<hbm>> -> memref<128x128xf32, #tpu.memory_space<hbm>>
        tpu.enqueue_dma source(%dma_start3A_61 : memref<128x128xf32, #tpu.memory_space<hbm>>) target(%arg9 : memref<128x128xf32, #tpu.memory_space<vmem>>) target_semaphore(%arg13 : memref<!tpu.dma_semaphore, #tpu.memory_space<semaphore_mem>>)
      } else {
      }
      %dma_wait3A = tpu.memref_slice %arg3[%mul3A_2] : memref<163840xi32, #tpu.memory_space<hbm>> -> memref<128xi32, #tpu.memory_space<hbm>>
      %dma_wait3A_32 = tpu.memref_slice %arg3[%mul3A_2] : memref<163840xi32, #tpu.memory_space<hbm>> -> memref<128xi32, #tpu.memory_space<hbm>>
      tpu.wait_dma2 semaphore(%arg10 : memref<!tpu.dma_semaphore, #tpu.memory_space<semaphore_mem>>) src(%dma_wait3A_32 : memref<128xi32, #tpu.memory_space<hbm>>) dst(%arg6 : memref<128xi32, #tpu.memory_space<vmem>>)
      %dma_wait3A_33 = arith.constant 0 : i32
      %dma_wait3A_34 = tpu.memref_slice %arg2[%mul3A_2, %dma_wait3A_33] : memref<163840x128xf32, #tpu.memory_space<hbm>> -> memref<128x128xf32, #tpu.memory_space<hbm>>
      %dma_wait3A_35 = arith.constant 0 : i32
      %dma_wait3A_36 = tpu.memref_slice %arg2[%mul3A_2, %dma_wait3A_35] : memref<163840x128xf32, #tpu.memory_space<hbm>> -> memref<128x128xf32, #tpu.memory_space<hbm>>
      tpu.wait_dma2 semaphore(%arg12 : memref<!tpu.dma_semaphore, #tpu.memory_space<semaphore_mem>>) src(%dma_wait3A_36 : memref<128x128xf32, #tpu.memory_space<hbm>>) dst(%arg8 : memref<128x128xf32, #tpu.memory_space<vmem>>)
      "tpu.region"() ({
        %run_scoped3A = tpu.sem_alloc : memref<!tpu.dma_semaphore, #tpu.memory_space<semaphore_mem>>
        %dma_start3A_51 = arith.constant 0 : i32
        %dma_start3A_52 = arith.constant 0 : i32
        %dma_start3A_53 = tpu.memref_slice %arg14[%dma_start3A_51, %dma_start3A_52] : memref<10240x128xf32, #tpu.memory_space<vmem_shared>> -> memref<10240x128xf32, #tpu.memory_space<vmem_shared>>
        tpu.enqueue_indirect_dma source(%arg8 : memref<128x128xf32, #tpu.memory_space<vmem>>) target(%dma_start3A_53 : memref<10240x128xf32, #tpu.memory_space<vmem_shared>>) offsets(%arg6 : memref<128xi32, #tpu.memory_space<vmem>>) semaphore(%run_scoped3A : memref<!tpu.dma_semaphore, #tpu.memory_space<semaphore_mem>>) {add = true}
        %dma_wait3A_54 = arith.constant 0 : i32
        %dma_wait3A_55 = arith.constant 0 : i32
        %dma_wait3A_56 = tpu.memref_slice %arg14[%dma_wait3A_54, %dma_wait3A_55] : memref<10240x128xf32, #tpu.memory_space<vmem_shared>> -> memref<10240x128xf32, #tpu.memory_space<vmem_shared>>
        tpu.wait_indirect_dma semaphore(%run_scoped3A : memref<!tpu.dma_semaphore, #tpu.memory_space<semaphore_mem>>) src(%arg8 : memref<128x128xf32, #tpu.memory_space<vmem>>) dst(%dma_wait3A_56 : memref<10240x128xf32, #tpu.memory_space<vmem_shared>>)
        tpu.yield
      }) : () -> ()
      %add3A_37 = arith.constant 2 : i32
      %add3A_38 = arith.addi %mul3A_27, %add3A_37 : i32
      %lt3A_39 = arith.constant 40 : i32
      %lt3A_40 = arith.cmpi slt, %add3A_38, %lt3A_39 : i32
      %convert_element_type3A_41 = arith.extui %lt3A_40 : i1 to i32
      %cond3A_42 = arith.constant 0 : i32
      %cond3A_43 = arith.cmpi ne, %convert_element_type3A_41, %cond3A_42 : i32
      scf.if %cond3A_43 {
        %add3A_51 = arith.constant 2 : i32
        %add3A_52 = arith.addi %mul3A_27, %add3A_51 : i32
        %mul3A_53 = arith.constant 128 : i32
        %mul3A_54 = arith.muli %add3A_52, %mul3A_53 : i32
        %add3A_55 = arith.addi %mul3A_2, %mul3A_54 : i32
        %dma_start3A_56 = tpu.memref_slice %arg3[%add3A_55] : memref<163840xi32, #tpu.memory_space<hbm>> -> memref<128xi32, #tpu.memory_space<hbm>>
        %dma_start3A_57 = tpu.memref_slice %arg3[%add3A_55] : memref<163840xi32, #tpu.memory_space<hbm>> -> memref<128xi32, #tpu.memory_space<hbm>>
        tpu.enqueue_dma source(%dma_start3A_57 : memref<128xi32, #tpu.memory_space<hbm>>) target(%arg6 : memref<128xi32, #tpu.memory_space<vmem>>) target_semaphore(%arg10 : memref<!tpu.dma_semaphore, #tpu.memory_space<semaphore_mem>>)
        %dma_start3A_58 = arith.constant 0 : i32
        %dma_start3A_59 = tpu.memref_slice %arg2[%add3A_55, %dma_start3A_58] : memref<163840x128xf32, #tpu.memory_space<hbm>> -> memref<128x128xf32, #tpu.memory_space<hbm>>
        %dma_start3A_60 = arith.constant 0 : i32
        %dma_start3A_61 = tpu.memref_slice %arg2[%add3A_55, %dma_start3A_60] : memref<163840x128xf32, #tpu.memory_space<hbm>> -> memref<128x128xf32, #tpu.memory_space<hbm>>
        tpu.enqueue_dma source(%dma_start3A_61 : memref<128x128xf32, #tpu.memory_space<hbm>>) target(%arg8 : memref<128x128xf32, #tpu.memory_space<vmem>>) target_semaphore(%arg12 : memref<!tpu.dma_semaphore, #tpu.memory_space<semaphore_mem>>)
      } else {
      }
      %add3A_44 = arith.constant 1 : i32
      %add3A_45 = arith.addi %mul3A_27, %add3A_44 : i32
      %lt3A_46 = arith.constant 40 : i32
      %lt3A_47 = arith.cmpi slt, %add3A_45, %lt3A_46 : i32
      %convert_element_type3A_48 = arith.extui %lt3A_47 : i1 to i32
      %cond3A_49 = arith.constant 0 : i32
      %cond3A_50 = arith.cmpi ne, %convert_element_type3A_48, %cond3A_49 : i32
      scf.if %cond3A_50 {
        %add3A_51 = arith.constant 1 : i32
        %add3A_52 = arith.addi %mul3A_27, %add3A_51 : i32
        %dma_wait3A_53 = tpu.memref_slice %arg3[%mul3A_2] : memref<163840xi32, #tpu.memory_space<hbm>> -> memref<128xi32, #tpu.memory_space<hbm>>
        %dma_wait3A_54 = tpu.memref_slice %arg3[%mul3A_2] : memref<163840xi32, #tpu.memory_space<hbm>> -> memref<128xi32, #tpu.memory_space<hbm>>
        tpu.wait_dma2 semaphore(%arg11 : memref<!tpu.dma_semaphore, #tpu.memory_space<semaphore_mem>>) src(%dma_wait3A_54 : memref<128xi32, #tpu.memory_space<hbm>>) dst(%arg7 : memref<128xi32, #tpu.memory_space<vmem>>)
        %dma_wait3A_55 = arith.constant 0 : i32
        %dma_wait3A_56 = tpu.memref_slice %arg2[%mul3A_2, %dma_wait3A_55] : memref<163840x128xf32, #tpu.memory_space<hbm>> -> memref<128x128xf32, #tpu.memory_space<hbm>>
        %dma_wait3A_57 = arith.constant 0 : i32
        %dma_wait3A_58 = tpu.memref_slice %arg2[%mul3A_2, %dma_wait3A_57] : memref<163840x128xf32, #tpu.memory_space<hbm>> -> memref<128x128xf32, #tpu.memory_space<hbm>>
        tpu.wait_dma2 semaphore(%arg13 : memref<!tpu.dma_semaphore, #tpu.memory_space<semaphore_mem>>) src(%dma_wait3A_58 : memref<128x128xf32, #tpu.memory_space<hbm>>) dst(%arg9 : memref<128x128xf32, #tpu.memory_space<vmem>>)
        "tpu.region"() ({
          %run_scoped3A = tpu.sem_alloc : memref<!tpu.dma_semaphore, #tpu.memory_space<semaphore_mem>>
          %dma_start3A_59 = arith.constant 0 : i32
          %dma_start3A_60 = arith.constant 0 : i32
          %dma_start3A_61 = tpu.memref_slice %arg14[%dma_start3A_59, %dma_start3A_60] : memref<10240x128xf32, #tpu.memory_space<vmem_shared>> -> memref<10240x128xf32, #tpu.memory_space<vmem_shared>>
          tpu.enqueue_indirect_dma source(%arg9 : memref<128x128xf32, #tpu.memory_space<vmem>>) target(%dma_start3A_61 : memref<10240x128xf32, #tpu.memory_space<vmem_shared>>) offsets(%arg7 : memref<128xi32, #tpu.memory_space<vmem>>) semaphore(%run_scoped3A : memref<!tpu.dma_semaphore, #tpu.memory_space<semaphore_mem>>) {add = true}
          %dma_wait3A_62 = arith.constant 0 : i32
          %dma_wait3A_63 = arith.constant 0 : i32
          %dma_wait3A_64 = tpu.memref_slice %arg14[%dma_wait3A_62, %dma_wait3A_63] : memref<10240x128xf32, #tpu.memory_space<vmem_shared>> -> memref<10240x128xf32, #tpu.memory_space<vmem_shared>>
          tpu.wait_indirect_dma semaphore(%run_scoped3A : memref<!tpu.dma_semaphore, #tpu.memory_space<semaphore_mem>>) src(%arg9 : memref<128x128xf32, #tpu.memory_space<vmem>>) dst(%dma_wait3A_64 : memref<10240x128xf32, #tpu.memory_space<vmem_shared>>)
          tpu.yield
        }) : () -> ()
      } else {
      }
    }
    %scan3A_16 = arith.constant 20 : i32
    %barrier3A_17 = arith.constant 0 : index
    tpu.barrier barrier_id(%barrier3A_17)
    %mul3A_18 = arith.constant 640 : i32
    %mul3A_19 = arith.muli %arg1, %mul3A_18 : i32
    %mul3A_20 = arith.constant 10240 : i32
    %mul3A_21 = arith.muli %arg0, %mul3A_20 : i32
    %mul3A_22 = arith.constant 640 : i32
    %mul3A_23 = arith.muli %arg1, %mul3A_22 : i32
    %add3A_24 = arith.addi %mul3A_21, %mul3A_23 : i32
    "tpu.region"() ({
      %run_scoped3A = tpu.sem_alloc : memref<!tpu.dma_semaphore, #tpu.memory_space<semaphore_mem>>
      %dma_start3A_25 = arith.constant 0 : i32
      %dma_start3A_26 = tpu.memref_slice %arg5[%add3A_24, %dma_start3A_25] : memref<20480x128xf32, #tpu.memory_space<hbm>> -> memref<640x128xf32, #tpu.memory_space<hbm>>
      %dma_start3A_27 = arith.constant 0 : i32
      %dma_start3A_28 = tpu.memref_slice %arg14[%mul3A_19, %dma_start3A_27] : memref<10240x128xf32, #tpu.memory_space<vmem_shared>> -> memref<640x128xf32, #tpu.memory_space<vmem_shared>>
      tpu.enqueue_dma source(%dma_start3A_28 : memref<640x128xf32, #tpu.memory_space<vmem_shared>>) target(%dma_start3A_26 : memref<640x128xf32, #tpu.memory_space<hbm>>) target_semaphore(%run_scoped3A : memref<!tpu.dma_semaphore, #tpu.memory_space<semaphore_mem>>)
      %dma_wait3A = arith.constant 0 : i32
      %dma_wait3A_29 = tpu.memref_slice %arg5[%add3A_24, %dma_wait3A] : memref<20480x128xf32, #tpu.memory_space<hbm>> -> memref<640x128xf32, #tpu.memory_space<hbm>>
      %dma_wait3A_30 = arith.constant 0 : i32
      %dma_wait3A_31 = tpu.memref_slice %arg14[%mul3A_19, %dma_wait3A_30] : memref<10240x128xf32, #tpu.memory_space<vmem_shared>> -> memref<640x128xf32, #tpu.memory_space<vmem_shared>>
      tpu.wait_dma2 semaphore(%run_scoped3A : memref<!tpu.dma_semaphore, #tpu.memory_space<semaphore_mem>>) src(%dma_wait3A_31 : memref<640x128xf32, #tpu.memory_space<vmem_shared>>) dst(%dma_wait3A_29 : memref<640x128xf32, #tpu.memory_space<hbm>>)
      tpu.yield
    }) : () -> ()
    return
  }
}

#map = affine_map<(d0, d1) -> (0, 0)>
#map1 = affine_map<(d0, d1) -> (0)>
module attributes {stable_mosaic.version = 14 : i64} {
  func.func @k(%arg0: i32, %arg1: i32, %arg2: memref<10000x128xf32, #tpu.memory_space<hbm>>, %arg3: memref<10000x128xf32, #tpu.memory_space<hbm>>, %arg4: memref<163840xi32, #tpu.memory_space<hbm>>, %arg5: memref<163840xi32, #tpu.memory_space<hbm>>, %arg6: memref<163840x128xf32, #tpu.memory_space<hbm>>, %arg7: memref<128xi32, #tpu.memory_space<vmem>>, %arg8: memref<128xi32, #tpu.memory_space<vmem>>, %arg9: memref<128xi32, #tpu.memory_space<vmem>>, %arg10: memref<128xi32, #tpu.memory_space<vmem>>, %arg11: memref<128x128xf32, #tpu.memory_space<vmem>>, %arg12: memref<128x128xf32, #tpu.memory_space<vmem>>, %arg13: memref<128x128xf32, #tpu.memory_space<vmem>>, %arg14: memref<128x128xf32, #tpu.memory_space<vmem>>, %arg15: memref<128x128xf32, #tpu.memory_space<vmem>>, %arg16: memref<128x128xf32, #tpu.memory_space<vmem>>, %arg17: memref<!tpu.dma_semaphore, #tpu.memory_space<semaphore_mem>>, %arg18: memref<!tpu.dma_semaphore, #tpu.memory_space<semaphore_mem>>, %arg19: memref<!tpu.dma_semaphore, #tpu.memory_space<semaphore_mem>>, %arg20: memref<!tpu.dma_semaphore, #tpu.memory_space<semaphore_mem>>, %arg21: memref<!tpu.dma_semaphore, #tpu.memory_space<semaphore_mem>>, %arg22: memref<!tpu.dma_semaphore, #tpu.memory_space<semaphore_mem>>) attributes {dimension_semantics = [#tpu.dimension_semantics<core_parallel>, #tpu.dimension_semantics<subcore_parallel>], iteration_bounds = array<i64: 2, 16>, scalar_prefetch = 0 : i64, scratch_operands = 16 : i64, tpu.core_type = #tpu.core_type<sc_vector_subcore>, window_params = [{transform_indices = #map}, {transform_indices = #map}, {transform_indices = #map1}, {transform_indices = #map1}, {transform_indices = #map}]} {
    %eq3A = arith.constant 0 : i32
    %eq3A_0 = arith.cmpi eq, %arg0, %eq3A : i32
    %jit3A = arith.constant 40 : i32
    %jit3A_1 = arith.constant 40 : i32
    %select_n3A = arith.select %eq3A_0, %jit3A, %jit3A_1 : i32
    %eq3A_2 = arith.constant 0 : i32
    %eq3A_3 = arith.cmpi eq, %arg0, %eq3A_2 : i32
    %mul3A = arith.constant 40 : i32
    %mul3A_4 = arith.muli %arg1, %mul3A : i32
    %mul3A_5 = arith.constant 40 : i32
    %mul3A_6 = arith.muli %arg1, %mul3A_5 : i32
    %add3A = arith.constant 640 : i32
    %add3A_7 = arith.addi %add3A, %mul3A_6 : i32
    %select_n3A_8 = arith.select %eq3A_3, %mul3A_4, %add3A_7 : i32
    %add3A_9 = arith.constant 0 : i32
    %add3A_10 = arith.addi %select_n3A_8, %add3A_9 : i32
    %mul3A_11 = arith.constant 128 : i32
    %mul3A_12 = arith.muli %add3A_10, %mul3A_11 : i32
    "tpu.region"() ({
      %run_scoped3A = tpu.sem_alloc : memref<!tpu.dma_semaphore, #tpu.memory_space<semaphore_mem>>
      %dma_start3A_34 = tpu.memref_slice %arg4[%mul3A_12] : memref<163840xi32, #tpu.memory_space<hbm>> -> memref<128xi32, #tpu.memory_space<hbm>>
      %dma_start3A_35 = tpu.memref_slice %arg4[%mul3A_12] : memref<163840xi32, #tpu.memory_space<hbm>> -> memref<128xi32, #tpu.memory_space<hbm>>
      tpu.enqueue_dma source(%dma_start3A_35 : memref<128xi32, #tpu.memory_space<hbm>>) target(%arg7 : memref<128xi32, #tpu.memory_space<vmem>>) target_semaphore(%run_scoped3A : memref<!tpu.dma_semaphore, #tpu.memory_space<semaphore_mem>>)
      %dma_wait3A_36 = tpu.memref_slice %arg4[%mul3A_12] : memref<163840xi32, #tpu.memory_space<hbm>> -> memref<128xi32, #tpu.memory_space<hbm>>
      %dma_wait3A_37 = tpu.memref_slice %arg4[%mul3A_12] : memref<163840xi32, #tpu.memory_space<hbm>> -> memref<128xi32, #tpu.memory_space<hbm>>
      tpu.wait_dma2 semaphore(%run_scoped3A : memref<!tpu.dma_semaphore, #tpu.memory_space<semaphore_mem>>) src(%dma_wait3A_37 : memref<128xi32, #tpu.memory_space<hbm>>) dst(%arg7 : memref<128xi32, #tpu.memory_space<vmem>>)
      tpu.yield
    }) : () -> ()
    "tpu.region"() ({
      %run_scoped3A = tpu.sem_alloc : memref<!tpu.dma_semaphore, #tpu.memory_space<semaphore_mem>>
      %dma_start3A_34 = tpu.memref_slice %arg5[%mul3A_12] : memref<163840xi32, #tpu.memory_space<hbm>> -> memref<128xi32, #tpu.memory_space<hbm>>
      %dma_start3A_35 = tpu.memref_slice %arg5[%mul3A_12] : memref<163840xi32, #tpu.memory_space<hbm>> -> memref<128xi32, #tpu.memory_space<hbm>>
      tpu.enqueue_dma source(%dma_start3A_35 : memref<128xi32, #tpu.memory_space<hbm>>) target(%arg9 : memref<128xi32, #tpu.memory_space<vmem>>) target_semaphore(%run_scoped3A : memref<!tpu.dma_semaphore, #tpu.memory_space<semaphore_mem>>)
      %dma_wait3A_36 = tpu.memref_slice %arg5[%mul3A_12] : memref<163840xi32, #tpu.memory_space<hbm>> -> memref<128xi32, #tpu.memory_space<hbm>>
      %dma_wait3A_37 = tpu.memref_slice %arg5[%mul3A_12] : memref<163840xi32, #tpu.memory_space<hbm>> -> memref<128xi32, #tpu.memory_space<hbm>>
      tpu.wait_dma2 semaphore(%run_scoped3A : memref<!tpu.dma_semaphore, #tpu.memory_space<semaphore_mem>>) src(%dma_wait3A_37 : memref<128xi32, #tpu.memory_space<hbm>>) dst(%arg9 : memref<128xi32, #tpu.memory_space<vmem>>)
      tpu.yield
    }) : () -> ()
    %dma_start3A = arith.constant 0 : i32
    %dma_start3A_13 = arith.constant 0 : i32
    %dma_start3A_14 = tpu.memref_slice %arg2[%dma_start3A, %dma_start3A_13] : memref<10000x128xf32, #tpu.memory_space<hbm>> -> memref<10000x128xf32, #tpu.memory_space<hbm>>
    tpu.enqueue_indirect_dma source(%dma_start3A_14 : memref<10000x128xf32, #tpu.memory_space<hbm>>) target(%arg11 : memref<128x128xf32, #tpu.memory_space<vmem>>) offsets(%arg7 : memref<128xi32, #tpu.memory_space<vmem>>) semaphore(%arg17 : memref<!tpu.dma_semaphore, #tpu.memory_space<semaphore_mem>>)
    %dma_start3A_15 = arith.constant 0 : i32
    %dma_start3A_16 = arith.constant 0 : i32
    %dma_start3A_17 = tpu.memref_slice %arg3[%dma_start3A_15, %dma_start3A_16] : memref<10000x128xf32, #tpu.memory_space<hbm>> -> memref<10000x128xf32, #tpu.memory_space<hbm>>
    tpu.enqueue_indirect_dma source(%dma_start3A_17 : memref<10000x128xf32, #tpu.memory_space<hbm>>) target(%arg13 : memref<128x128xf32, #tpu.memory_space<vmem>>) offsets(%arg9 : memref<128xi32, #tpu.memory_space<vmem>>) semaphore(%arg19 : memref<!tpu.dma_semaphore, #tpu.memory_space<semaphore_mem>>)
    %scan3A = arith.constant 0 : i32
    %scan3A_18 = arith.constant 0 : i32
    %scan3A_19 = arith.constant 20 : i32
    %scan3A_20 = arith.addi %scan3A_18, %scan3A_19 : i32
    %scan3A_21 = arith.constant 1 : i32
    scf.for %scan3A_34 = %scan3A_18 to %scan3A_20 step %scan3A_21  : i32 {
      %mul3A_35 = arith.constant 2 : i32
      %mul3A_36 = arith.muli %mul3A_35, %scan3A_34 : i32
      %add3A_37 = arith.constant 1 : i32
      %add3A_38 = arith.addi %mul3A_36, %add3A_37 : i32
      %lt3A = arith.cmpi slt, %add3A_38, %select_n3A : i32
      %convert_element_type3A = arith.extui %lt3A : i1 to i32
      %cond3A = arith.constant 0 : i32
      %cond3A_39 = arith.cmpi ne, %convert_element_type3A, %cond3A : i32
      scf.if %cond3A_39 {
        %add3A_56 = arith.constant 1 : i32
        %add3A_57 = arith.addi %mul3A_36, %add3A_56 : i32
        %add3A_58 = arith.addi %select_n3A_8, %add3A_57 : i32
        %mul3A_59 = arith.constant 128 : i32
        %mul3A_60 = arith.muli %add3A_58, %mul3A_59 : i32
        "tpu.region"() ({
          %run_scoped3A = tpu.sem_alloc : memref<!tpu.dma_semaphore, #tpu.memory_space<semaphore_mem>>
          %dma_start3A_67 = tpu.memref_slice %arg4[%mul3A_60] : memref<163840xi32, #tpu.memory_space<hbm>> -> memref<128xi32, #tpu.memory_space<hbm>>
          %dma_start3A_68 = tpu.memref_slice %arg4[%mul3A_60] : memref<163840xi32, #tpu.memory_space<hbm>> -> memref<128xi32, #tpu.memory_space<hbm>>
          tpu.enqueue_dma source(%dma_start3A_68 : memref<128xi32, #tpu.memory_space<hbm>>) target(%arg8 : memref<128xi32, #tpu.memory_space<vmem>>) target_semaphore(%run_scoped3A : memref<!tpu.dma_semaphore, #tpu.memory_space<semaphore_mem>>)
          %dma_wait3A_69 = tpu.memref_slice %arg4[%mul3A_60] : memref<163840xi32, #tpu.memory_space<hbm>> -> memref<128xi32, #tpu.memory_space<hbm>>
          %dma_wait3A_70 = tpu.memref_slice %arg4[%mul3A_60] : memref<163840xi32, #tpu.memory_space<hbm>> -> memref<128xi32, #tpu.memory_space<hbm>>
          tpu.wait_dma2 semaphore(%run_scoped3A : memref<!tpu.dma_semaphore, #tpu.memory_space<semaphore_mem>>) src(%dma_wait3A_70 : memref<128xi32, #tpu.memory_space<hbm>>) dst(%arg8 : memref<128xi32, #tpu.memory_space<vmem>>)
          tpu.yield
        }) : () -> ()
        "tpu.region"() ({
          %run_scoped3A = tpu.sem_alloc : memref<!tpu.dma_semaphore, #tpu.memory_space<semaphore_mem>>
          %dma_start3A_67 = tpu.memref_slice %arg5[%mul3A_60] : memref<163840xi32, #tpu.memory_space<hbm>> -> memref<128xi32, #tpu.memory_space<hbm>>
          %dma_start3A_68 = tpu.memref_slice %arg5[%mul3A_60] : memref<163840xi32, #tpu.memory_space<hbm>> -> memref<128xi32, #tpu.memory_space<hbm>>
          tpu.enqueue_dma source(%dma_start3A_68 : memref<128xi32, #tpu.memory_space<hbm>>) target(%arg10 : memref<128xi32, #tpu.memory_space<vmem>>) target_semaphore(%run_scoped3A : memref<!tpu.dma_semaphore, #tpu.memory_space<semaphore_mem>>)
          %dma_wait3A_69 = tpu.memref_slice %arg5[%mul3A_60] : memref<163840xi32, #tpu.memory_space<hbm>> -> memref<128xi32, #tpu.memory_space<hbm>>
          %dma_wait3A_70 = tpu.memref_slice %arg5[%mul3A_60] : memref<163840xi32, #tpu.memory_space<hbm>> -> memref<128xi32, #tpu.memory_space<hbm>>
          tpu.wait_dma2 semaphore(%run_scoped3A : memref<!tpu.dma_semaphore, #tpu.memory_space<semaphore_mem>>) src(%dma_wait3A_70 : memref<128xi32, #tpu.memory_space<hbm>>) dst(%arg10 : memref<128xi32, #tpu.memory_space<vmem>>)
          tpu.yield
        }) : () -> ()
        %dma_start3A_61 = arith.constant 0 : i32
        %dma_start3A_62 = arith.constant 0 : i32
        %dma_start3A_63 = tpu.memref_slice %arg2[%dma_start3A_61, %dma_start3A_62] : memref<10000x128xf32, #tpu.memory_space<hbm>> -> memref<10000x128xf32, #tpu.memory_space<hbm>>
        tpu.enqueue_indirect_dma source(%dma_start3A_63 : memref<10000x128xf32, #tpu.memory_space<hbm>>) target(%arg12 : memref<128x128xf32, #tpu.memory_space<vmem>>) offsets(%arg8 : memref<128xi32, #tpu.memory_space<vmem>>) semaphore(%arg18 : memref<!tpu.dma_semaphore, #tpu.memory_space<semaphore_mem>>)
        %dma_start3A_64 = arith.constant 0 : i32
        %dma_start3A_65 = arith.constant 0 : i32
        %dma_start3A_66 = tpu.memref_slice %arg3[%dma_start3A_64, %dma_start3A_65] : memref<10000x128xf32, #tpu.memory_space<hbm>> -> memref<10000x128xf32, #tpu.memory_space<hbm>>
        tpu.enqueue_indirect_dma source(%dma_start3A_66 : memref<10000x128xf32, #tpu.memory_space<hbm>>) target(%arg14 : memref<128x128xf32, #tpu.memory_space<vmem>>) offsets(%arg10 : memref<128xi32, #tpu.memory_space<vmem>>) semaphore(%arg20 : memref<!tpu.dma_semaphore, #tpu.memory_space<semaphore_mem>>)
      } else {
      }
      %lt3A_40 = arith.cmpi slt, %mul3A_36, %select_n3A : i32
      %convert_element_type3A_41 = arith.extui %lt3A_40 : i1 to i32
      %cond3A_42 = arith.constant 0 : i32
      %cond3A_43 = arith.cmpi ne, %convert_element_type3A_41, %cond3A_42 : i32
      scf.if %cond3A_43 {
        %dma_wait3A_56 = arith.constant 0 : i32
        %dma_wait3A_57 = arith.constant 0 : i32
        %dma_wait3A_58 = tpu.memref_slice %arg2[%dma_wait3A_56, %dma_wait3A_57] : memref<10000x128xf32, #tpu.memory_space<hbm>> -> memref<10000x128xf32, #tpu.memory_space<hbm>>
        tpu.wait_indirect_dma semaphore(%arg17 : memref<!tpu.dma_semaphore, #tpu.memory_space<semaphore_mem>>) src(%dma_wait3A_58 : memref<10000x128xf32, #tpu.memory_space<hbm>>) dst(%arg11 : memref<128x128xf32, #tpu.memory_space<vmem>>)
        %dma_wait3A_59 = arith.constant 0 : i32
        %dma_wait3A_60 = arith.constant 0 : i32
        %dma_wait3A_61 = tpu.memref_slice %arg3[%dma_wait3A_59, %dma_wait3A_60] : memref<10000x128xf32, #tpu.memory_space<hbm>> -> memref<10000x128xf32, #tpu.memory_space<hbm>>
        tpu.wait_indirect_dma semaphore(%arg19 : memref<!tpu.dma_semaphore, #tpu.memory_space<semaphore_mem>>) src(%dma_wait3A_61 : memref<10000x128xf32, #tpu.memory_space<hbm>>) dst(%arg13 : memref<128x128xf32, #tpu.memory_space<vmem>>)
        %ge3A = arith.constant 2 : i32
        %ge3A_62 = arith.cmpi sge, %mul3A_36, %ge3A : i32
        %convert_element_type3A_63 = arith.extui %ge3A_62 : i1 to i32
        %cond3A_64 = arith.constant 0 : i32
        %cond3A_65 = arith.cmpi ne, %convert_element_type3A_63, %cond3A_64 : i32
        scf.if %cond3A_65 {
          %mul3A_79 = arith.constant 128 : i32
          %mul3A_80 = arith.muli %select_n3A_8, %mul3A_79 : i32
          %dma_wait3A_81 = arith.constant 0 : i32
          %dma_wait3A_82 = tpu.memref_slice %arg6[%mul3A_80, %dma_wait3A_81] : memref<163840x128xf32, #tpu.memory_space<hbm>> -> memref<128x128xf32, #tpu.memory_space<hbm>>
          %dma_wait3A_83 = arith.constant 0 : i32
          %dma_wait3A_84 = tpu.memref_slice %arg6[%mul3A_80, %dma_wait3A_83] : memref<163840x128xf32, #tpu.memory_space<hbm>> -> memref<128x128xf32, #tpu.memory_space<hbm>>
          tpu.wait_dma2 semaphore(%arg21 : memref<!tpu.dma_semaphore, #tpu.memory_space<semaphore_mem>>) src(%arg15 : memref<128x128xf32, #tpu.memory_space<vmem>>) dst(%dma_wait3A_84 : memref<128x128xf32, #tpu.memory_space<hbm>>)
        } else {
        }
        %scan3A_66 = arith.constant 0 : i32
        %scan3A_67 = arith.constant 0 : i32
        %scan3A_68 = arith.constant 64 : i32
        %scan3A_69 = arith.addi %scan3A_67, %scan3A_68 : i32
        %scan3A_70 = arith.constant 1 : i32
        scf.for %scan3A_79 = %scan3A_67 to %scan3A_69 step %scan3A_70  : i32 {
          %mul3A_80 = arith.constant 2 : i32
          %mul3A_81 = arith.muli %mul3A_80, %scan3A_79 : i32
          %add3A_82 = arith.constant 0 : i32
          %add3A_83 = arith.addi %mul3A_81, %add3A_82 : i32
          %get3A = arith.index_cast %add3A_83 : i32 to index
          %get3A_84 = arith.constant 0 : index
          %get3A_85 = tpu.vector_load %arg11[%get3A, %get3A_84] {strides = array<i32>} : memref<128x128xf32, #tpu.memory_space<vmem>>, vector<1x16xf32>,
          %get3A_86 = vector.shape_cast %get3A_85 : vector<1x16xf32> to vector<16xf32>
          %mul3A_87 = arith.constant 2 : i32
          %mul3A_88 = arith.muli %mul3A_87, %scan3A_79 : i32
          %add3A_89 = arith.constant 0 : i32
          %add3A_90 = arith.addi %mul3A_88, %add3A_89 : i32
          %get3A_91 = arith.index_cast %add3A_90 : i32 to index
          %get3A_92 = arith.constant 0 : index
          %get3A_93 = tpu.vector_load %arg13[%get3A_91, %get3A_92] {strides = array<i32>} : memref<128x128xf32, #tpu.memory_space<vmem>>, vector<1x16xf32>,
          %get3A_94 = vector.shape_cast %get3A_93 : vector<1x16xf32> to vector<16xf32>
          %add3A_95 = arith.addf %get3A_86, %get3A_94 : vector<16xf32>
          %mul3A_96 = arith.constant 2 : i32
          %mul3A_97 = arith.muli %mul3A_96, %scan3A_79 : i32
          %add3A_98 = arith.constant 0 : i32
          %add3A_99 = arith.addi %mul3A_97, %add3A_98 : i32
          %swap3A = arith.index_cast %add3A_99 : i32 to index
          %swap3A_100 = arith.constant 0 : index
          %swap3A_101 = tpu.vector_load %arg15[%swap3A, %swap3A_100] {strides = array<i32>} : memref<128x128xf32, #tpu.memory_space<vmem>>, vector<1x16xf32>,
          %swap3A_102 = vector.shape_cast %swap3A_101 : vector<1x16xf32> to vector<16xf32>
          %swap3A_103 = vector.shape_cast %add3A_95 : vector<16xf32> to vector<1x16xf32>
          tpu.vector_store %arg15[%swap3A, %swap3A_100], %swap3A_103 {strides = array<i32>} : memref<128x128xf32, #tpu.memory_space<vmem>>, vector<1x16xf32>,
          %mul3A_104 = arith.constant 2 : i32
          %mul3A_105 = arith.muli %mul3A_104, %scan3A_79 : i32
          %add3A_106 = arith.constant 0 : i32
          %add3A_107 = arith.addi %mul3A_105, %add3A_106 : i32
          %get3A_108 = arith.index_cast %add3A_107 : i32 to index
          %get3A_109 = arith.constant 16 : index
          %get3A_110 = tpu.vector_load %arg11[%get3A_108, %get3A_109] {strides = array<i32>} : memref<128x128xf32, #tpu.memory_space<vmem>>, vector<1x16xf32>,
          %get3A_111 = vector.shape_cast %get3A_110 : vector<1x16xf32> to vector<16xf32>
          %mul3A_112 = arith.constant 2 : i32
          %mul3A_113 = arith.muli %mul3A_112, %scan3A_79 : i32
          %add3A_114 = arith.constant 0 : i32
          %add3A_115 = arith.addi %mul3A_113, %add3A_114 : i32
          %get3A_116 = arith.index_cast %add3A_115 : i32 to index
          %get3A_117 = arith.constant 16 : index
          %get3A_118 = tpu.vector_load %arg13[%get3A_116, %get3A_117] {strides = array<i32>} : memref<128x128xf32, #tpu.memory_space<vmem>>, vector<1x16xf32>,
          %get3A_119 = vector.shape_cast %get3A_118 : vector<1x16xf32> to vector<16xf32>
          %add3A_120 = arith.addf %get3A_111, %get3A_119 : vector<16xf32>
          %mul3A_121 = arith.constant 2 : i32
          %mul3A_122 = arith.muli %mul3A_121, %scan3A_79 : i32
          %add3A_123 = arith.constant 0 : i32
          %add3A_124 = arith.addi %mul3A_122, %add3A_123 : i32
          %swap3A_125 = arith.index_cast %add3A_124 : i32 to index
          %swap3A_126 = arith.constant 16 : index
          %swap3A_127 = tpu.vector_load %arg15[%swap3A_125, %swap3A_126] {strides = array<i32>} : memref<128x128xf32, #tpu.memory_space<vmem>>, vector<1x16xf32>,
          %swap3A_128 = vector.shape_cast %swap3A_127 : vector<1x16xf32> to vector<16xf32>
          %swap3A_129 = vector.shape_cast %add3A_120 : vector<16xf32> to vector<1x16xf32>
          tpu.vector_store %arg15[%swap3A_125, %swap3A_126], %swap3A_129 {strides = array<i32>} : memref<128x128xf32, #tpu.memory_space<vmem>>, vector<1x16xf32>,
          %mul3A_130 = arith.constant 2 : i32
          %mul3A_131 = arith.muli %mul3A_130, %scan3A_79 : i32
          %add3A_132 = arith.constant 0 : i32
          %add3A_133 = arith.addi %mul3A_131, %add3A_132 : i32
          %get3A_134 = arith.index_cast %add3A_133 : i32 to index
          %get3A_135 = arith.constant 32 : index
          %get3A_136 = tpu.vector_load %arg11[%get3A_134, %get3A_135] {strides = array<i32>} : memref<128x128xf32, #tpu.memory_space<vmem>>, vector<1x16xf32>,
          %get3A_137 = vector.shape_cast %get3A_136 : vector<1x16xf32> to vector<16xf32>
          %mul3A_138 = arith.constant 2 : i32
          %mul3A_139 = arith.muli %mul3A_138, %scan3A_79 : i32
          %add3A_140 = arith.constant 0 : i32
          %add3A_141 = arith.addi %mul3A_139, %add3A_140 : i32
          %get3A_142 = arith.index_cast %add3A_141 : i32 to index
          %get3A_143 = arith.constant 32 : index
          %get3A_144 = tpu.vector_load %arg13[%get3A_142, %get3A_143] {strides = array<i32>} : memref<128x128xf32, #tpu.memory_space<vmem>>, vector<1x16xf32>,
          %get3A_145 = vector.shape_cast %get3A_144 : vector<1x16xf32> to vector<16xf32>
          %add3A_146 = arith.addf %get3A_137, %get3A_145 : vector<16xf32>
          %mul3A_147 = arith.constant 2 : i32
          %mul3A_148 = arith.muli %mul3A_147, %scan3A_79 : i32
          %add3A_149 = arith.constant 0 : i32
          %add3A_150 = arith.addi %mul3A_148, %add3A_149 : i32
          %swap3A_151 = arith.index_cast %add3A_150 : i32 to index
          %swap3A_152 = arith.constant 32 : index
          %swap3A_153 = tpu.vector_load %arg15[%swap3A_151, %swap3A_152] {strides = array<i32>} : memref<128x128xf32, #tpu.memory_space<vmem>>, vector<1x16xf32>,
          %swap3A_154 = vector.shape_cast %swap3A_153 : vector<1x16xf32> to vector<16xf32>
          %swap3A_155 = vector.shape_cast %add3A_146 : vector<16xf32> to vector<1x16xf32>
          tpu.vector_store %arg15[%swap3A_151, %swap3A_152], %swap3A_155 {strides = array<i32>} : memref<128x128xf32, #tpu.memory_space<vmem>>, vector<1x16xf32>,
          %mul3A_156 = arith.constant 2 : i32
          %mul3A_157 = arith.muli %mul3A_156, %scan3A_79 : i32
          %add3A_158 = arith.constant 0 : i32
          %add3A_159 = arith.addi %mul3A_157, %add3A_158 : i32
          %get3A_160 = arith.index_cast %add3A_159 : i32 to index
          %get3A_161 = arith.constant 48 : index
          %get3A_162 = tpu.vector_load %arg11[%get3A_160, %get3A_161] {strides = array<i32>} : memref<128x128xf32, #tpu.memory_space<vmem>>, vector<1x16xf32>,
          %get3A_163 = vector.shape_cast %get3A_162 : vector<1x16xf32> to vector<16xf32>
          %mul3A_164 = arith.constant 2 : i32
          %mul3A_165 = arith.muli %mul3A_164, %scan3A_79 : i32
          %add3A_166 = arith.constant 0 : i32
          %add3A_167 = arith.addi %mul3A_165, %add3A_166 : i32
          %get3A_168 = arith.index_cast %add3A_167 : i32 to index
          %get3A_169 = arith.constant 48 : index
          %get3A_170 = tpu.vector_load %arg13[%get3A_168, %get3A_169] {strides = array<i32>} : memref<128x128xf32, #tpu.memory_space<vmem>>, vector<1x16xf32>,
          %get3A_171 = vector.shape_cast %get3A_170 : vector<1x16xf32> to vector<16xf32>
          %add3A_172 = arith.addf %get3A_163, %get3A_171 : vector<16xf32>
          %mul3A_173 = arith.constant 2 : i32
          %mul3A_174 = arith.muli %mul3A_173, %scan3A_79 : i32
          %add3A_175 = arith.constant 0 : i32
          %add3A_176 = arith.addi %mul3A_174, %add3A_175 : i32
          %swap3A_177 = arith.index_cast %add3A_176 : i32 to index
          %swap3A_178 = arith.constant 48 : index
          %swap3A_179 = tpu.vector_load %arg15[%swap3A_177, %swap3A_178] {strides = array<i32>} : memref<128x128xf32, #tpu.memory_space<vmem>>, vector<1x16xf32>,
          %swap3A_180 = vector.shape_cast %swap3A_179 : vector<1x16xf32> to vector<16xf32>
          %swap3A_181 = vector.shape_cast %add3A_172 : vector<16xf32> to vector<1x16xf32>
          tpu.vector_store %arg15[%swap3A_177, %swap3A_178], %swap3A_181 {strides = array<i32>} : memref<128x128xf32, #tpu.memory_space<vmem>>, vector<1x16xf32>,
          %mul3A_182 = arith.constant 2 : i32
          %mul3A_183 = arith.muli %mul3A_182, %scan3A_79 : i32
          %add3A_184 = arith.constant 0 : i32
          %add3A_185 = arith.addi %mul3A_183, %add3A_184 : i32
          %get3A_186 = arith.index_cast %add3A_185 : i32 to index
          %get3A_187 = arith.constant 64 : index
          %get3A_188 = tpu.vector_load %arg11[%get3A_186, %get3A_187] {strides = array<i32>} : memref<128x128xf32, #tpu.memory_space<vmem>>, vector<1x16xf32>,
          %get3A_189 = vector.shape_cast %get3A_188 : vector<1x16xf32> to vector<16xf32>
          %mul3A_190 = arith.constant 2 : i32
          %mul3A_191 = arith.muli %mul3A_190, %scan3A_79 : i32
          %add3A_192 = arith.constant 0 : i32
          %add3A_193 = arith.addi %mul3A_191, %add3A_192 : i32
          %get3A_194 = arith.index_cast %add3A_193 : i32 to index
          %get3A_195 = arith.constant 64 : index
          %get3A_196 = tpu.vector_load %arg13[%get3A_194, %get3A_195] {strides = array<i32>} : memref<128x128xf32, #tpu.memory_space<vmem>>, vector<1x16xf32>,
          %get3A_197 = vector.shape_cast %get3A_196 : vector<1x16xf32> to vector<16xf32>
          %add3A_198 = arith.addf %get3A_189, %get3A_197 : vector<16xf32>
          %mul3A_199 = arith.constant 2 : i32
          %mul3A_200 = arith.muli %mul3A_199, %scan3A_79 : i32
          %add3A_201 = arith.constant 0 : i32
          %add3A_202 = arith.addi %mul3A_200, %add3A_201 : i32
          %swap3A_203 = arith.index_cast %add3A_202 : i32 to index
          %swap3A_204 = arith.constant 64 : index
          %swap3A_205 = tpu.vector_load %arg15[%swap3A_203, %swap3A_204] {strides = array<i32>} : memref<128x128xf32, #tpu.memory_space<vmem>>, vector<1x16xf32>,
          %swap3A_206 = vector.shape_cast %swap3A_205 : vector<1x16xf32> to vector<16xf32>
          %swap3A_207 = vector.shape_cast %add3A_198 : vector<16xf32> to vector<1x16xf32>
          tpu.vector_store %arg15[%swap3A_203, %swap3A_204], %swap3A_207 {strides = array<i32>} : memref<128x128xf32, #tpu.memory_space<vmem>>, vector<1x16xf32>,
          %mul3A_208 = arith.constant 2 : i32
          %mul3A_209 = arith.muli %mul3A_208, %scan3A_79 : i32
          %add3A_210 = arith.constant 0 : i32
          %add3A_211 = arith.addi %mul3A_209, %add3A_210 : i32
          %get3A_212 = arith.index_cast %add3A_211 : i32 to index
          %get3A_213 = arith.constant 80 : index
          %get3A_214 = tpu.vector_load %arg11[%get3A_212, %get3A_213] {strides = array<i32>} : memref<128x128xf32, #tpu.memory_space<vmem>>, vector<1x16xf32>,
          %get3A_215 = vector.shape_cast %get3A_214 : vector<1x16xf32> to vector<16xf32>
          %mul3A_216 = arith.constant 2 : i32
          %mul3A_217 = arith.muli %mul3A_216, %scan3A_79 : i32
          %add3A_218 = arith.constant 0 : i32
          %add3A_219 = arith.addi %mul3A_217, %add3A_218 : i32
          %get3A_220 = arith.index_cast %add3A_219 : i32 to index
          %get3A_221 = arith.constant 80 : index
          %get3A_222 = tpu.vector_load %arg13[%get3A_220, %get3A_221] {strides = array<i32>} : memref<128x128xf32, #tpu.memory_space<vmem>>, vector<1x16xf32>,
          %get3A_223 = vector.shape_cast %get3A_222 : vector<1x16xf32> to vector<16xf32>
          %add3A_224 = arith.addf %get3A_215, %get3A_223 : vector<16xf32>
          %mul3A_225 = arith.constant 2 : i32
          %mul3A_226 = arith.muli %mul3A_225, %scan3A_79 : i32
          %add3A_227 = arith.constant 0 : i32
          %add3A_228 = arith.addi %mul3A_226, %add3A_227 : i32
          %swap3A_229 = arith.index_cast %add3A_228 : i32 to index
          %swap3A_230 = arith.constant 80 : index
          %swap3A_231 = tpu.vector_load %arg15[%swap3A_229, %swap3A_230] {strides = array<i32>} : memref<128x128xf32, #tpu.memory_space<vmem>>, vector<1x16xf32>,
          %swap3A_232 = vector.shape_cast %swap3A_231 : vector<1x16xf32> to vector<16xf32>
          %swap3A_233 = vector.shape_cast %add3A_224 : vector<16xf32> to vector<1x16xf32>
          tpu.vector_store %arg15[%swap3A_229, %swap3A_230], %swap3A_233 {strides = array<i32>} : memref<128x128xf32, #tpu.memory_space<vmem>>, vector<1x16xf32>,
          %mul3A_234 = arith.constant 2 : i32
          %mul3A_235 = arith.muli %mul3A_234, %scan3A_79 : i32
          %add3A_236 = arith.constant 0 : i32
          %add3A_237 = arith.addi %mul3A_235, %add3A_236 : i32
          %get3A_238 = arith.index_cast %add3A_237 : i32 to index
          %get3A_239 = arith.constant 96 : index
          %get3A_240 = tpu.vector_load %arg11[%get3A_238, %get3A_239] {strides = array<i32>} : memref<128x128xf32, #tpu.memory_space<vmem>>, vector<1x16xf32>,
          %get3A_241 = vector.shape_cast %get3A_240 : vector<1x16xf32> to vector<16xf32>
          %mul3A_242 = arith.constant 2 : i32
          %mul3A_243 = arith.muli %mul3A_242, %scan3A_79 : i32
          %add3A_244 = arith.constant 0 : i32
          %add3A_245 = arith.addi %mul3A_243, %add3A_244 : i32
          %get3A_246 = arith.index_cast %add3A_245 : i32 to index
          %get3A_247 = arith.constant 96 : index
          %get3A_248 = tpu.vector_load %arg13[%get3A_246, %get3A_247] {strides = array<i32>} : memref<128x128xf32, #tpu.memory_space<vmem>>, vector<1x16xf32>,
          %get3A_249 = vector.shape_cast %get3A_248 : vector<1x16xf32> to vector<16xf32>
          %add3A_250 = arith.addf %get3A_241, %get3A_249 : vector<16xf32>
          %mul3A_251 = arith.constant 2 : i32
          %mul3A_252 = arith.muli %mul3A_251, %scan3A_79 : i32
          %add3A_253 = arith.constant 0 : i32
          %add3A_254 = arith.addi %mul3A_252, %add3A_253 : i32
          %swap3A_255 = arith.index_cast %add3A_254 : i32 to index
          %swap3A_256 = arith.constant 96 : index
          %swap3A_257 = tpu.vector_load %arg15[%swap3A_255, %swap3A_256] {strides = array<i32>} : memref<128x128xf32, #tpu.memory_space<vmem>>, vector<1x16xf32>,
          %swap3A_258 = vector.shape_cast %swap3A_257 : vector<1x16xf32> to vector<16xf32>
          %swap3A_259 = vector.shape_cast %add3A_250 : vector<16xf32> to vector<1x16xf32>
          tpu.vector_store %arg15[%swap3A_255, %swap3A_256], %swap3A_259 {strides = array<i32>} : memref<128x128xf32, #tpu.memory_space<vmem>>, vector<1x16xf32>,
          %mul3A_260 = arith.constant 2 : i32
          %mul3A_261 = arith.muli %mul3A_260, %scan3A_79 : i32
          %add3A_262 = arith.constant 0 : i32
          %add3A_263 = arith.addi %mul3A_261, %add3A_262 : i32
          %get3A_264 = arith.index_cast %add3A_263 : i32 to index
          %get3A_265 = arith.constant 112 : index
          %get3A_266 = tpu.vector_load %arg11[%get3A_264, %get3A_265] {strides = array<i32>} : memref<128x128xf32, #tpu.memory_space<vmem>>, vector<1x16xf32>,
          %get3A_267 = vector.shape_cast %get3A_266 : vector<1x16xf32> to vector<16xf32>
          %mul3A_268 = arith.constant 2 : i32
          %mul3A_269 = arith.muli %mul3A_268, %scan3A_79 : i32
          %add3A_270 = arith.constant 0 : i32
          %add3A_271 = arith.addi %mul3A_269, %add3A_270 : i32
          %get3A_272 = arith.index_cast %add3A_271 : i32 to index
          %get3A_273 = arith.constant 112 : index
          %get3A_274 = tpu.vector_load %arg13[%get3A_272, %get3A_273] {strides = array<i32>} : memref<128x128xf32, #tpu.memory_space<vmem>>, vector<1x16xf32>,
          %get3A_275 = vector.shape_cast %get3A_274 : vector<1x16xf32> to vector<16xf32>
          %add3A_276 = arith.addf %get3A_267, %get3A_275 : vector<16xf32>
          %mul3A_277 = arith.constant 2 : i32
          %mul3A_278 = arith.muli %mul3A_277, %scan3A_79 : i32
          %add3A_279 = arith.constant 0 : i32
          %add3A_280 = arith.addi %mul3A_278, %add3A_279 : i32
          %swap3A_281 = arith.index_cast %add3A_280 : i32 to index
          %swap3A_282 = arith.constant 112 : index
          %swap3A_283 = tpu.vector_load %arg15[%swap3A_281, %swap3A_282] {strides = array<i32>} : memref<128x128xf32, #tpu.memory_space<vmem>>, vector<1x16xf32>,
          %swap3A_284 = vector.shape_cast %swap3A_283 : vector<1x16xf32> to vector<16xf32>
          %swap3A_285 = vector.shape_cast %add3A_276 : vector<16xf32> to vector<1x16xf32>
          tpu.vector_store %arg15[%swap3A_281, %swap3A_282], %swap3A_285 {strides = array<i32>} : memref<128x128xf32, #tpu.memory_space<vmem>>, vector<1x16xf32>,
          %mul3A_286 = arith.constant 2 : i32
          %mul3A_287 = arith.muli %mul3A_286, %scan3A_79 : i32
          %add3A_288 = arith.constant 1 : i32
          %add3A_289 = arith.addi %mul3A_287, %add3A_288 : i32
          %get3A_290 = arith.index_cast %add3A_289 : i32 to index
          %get3A_291 = arith.constant 0 : index
          %get3A_292 = tpu.vector_load %arg11[%get3A_290, %get3A_291] {strides = array<i32>} : memref<128x128xf32, #tpu.memory_space<vmem>>, vector<1x16xf32>,
          %get3A_293 = vector.shape_cast %get3A_292 : vector<1x16xf32> to vector<16xf32>
          %mul3A_294 = arith.constant 2 : i32
          %mul3A_295 = arith.muli %mul3A_294, %scan3A_79 : i32
          %add3A_296 = arith.constant 1 : i32
          %add3A_297 = arith.addi %mul3A_295, %add3A_296 : i32
          %get3A_298 = arith.index_cast %add3A_297 : i32 to index
          %get3A_299 = arith.constant 0 : index
          %get3A_300 = tpu.vector_load %arg13[%get3A_298, %get3A_299] {strides = array<i32>} : memref<128x128xf32, #tpu.memory_space<vmem>>, vector<1x16xf32>,
          %get3A_301 = vector.shape_cast %get3A_300 : vector<1x16xf32> to vector<16xf32>
          %add3A_302 = arith.addf %get3A_293, %get3A_301 : vector<16xf32>
          %mul3A_303 = arith.constant 2 : i32
          %mul3A_304 = arith.muli %mul3A_303, %scan3A_79 : i32
          %add3A_305 = arith.constant 1 : i32
          %add3A_306 = arith.addi %mul3A_304, %add3A_305 : i32
          %swap3A_307 = arith.index_cast %add3A_306 : i32 to index
          %swap3A_308 = arith.constant 0 : index
          %swap3A_309 = tpu.vector_load %arg15[%swap3A_307, %swap3A_308] {strides = array<i32>} : memref<128x128xf32, #tpu.memory_space<vmem>>, vector<1x16xf32>,
          %swap3A_310 = vector.shape_cast %swap3A_309 : vector<1x16xf32> to vector<16xf32>
          %swap3A_311 = vector.shape_cast %add3A_302 : vector<16xf32> to vector<1x16xf32>
          tpu.vector_store %arg15[%swap3A_307, %swap3A_308], %swap3A_311 {strides = array<i32>} : memref<128x128xf32, #tpu.memory_space<vmem>>, vector<1x16xf32>,
          %mul3A_312 = arith.constant 2 : i32
          %mul3A_313 = arith.muli %mul3A_312, %scan3A_79 : i32
          %add3A_314 = arith.constant 1 : i32
          %add3A_315 = arith.addi %mul3A_313, %add3A_314 : i32
          %get3A_316 = arith.index_cast %add3A_315 : i32 to index
          %get3A_317 = arith.constant 16 : index
          %get3A_318 = tpu.vector_load %arg11[%get3A_316, %get3A_317] {strides = array<i32>} : memref<128x128xf32, #tpu.memory_space<vmem>>, vector<1x16xf32>,
          %get3A_319 = vector.shape_cast %get3A_318 : vector<1x16xf32> to vector<16xf32>
          %mul3A_320 = arith.constant 2 : i32
          %mul3A_321 = arith.muli %mul3A_320, %scan3A_79 : i32
          %add3A_322 = arith.constant 1 : i32
          %add3A_323 = arith.addi %mul3A_321, %add3A_322 : i32
          %get3A_324 = arith.index_cast %add3A_323 : i32 to index
          %get3A_325 = arith.constant 16 : index
          %get3A_326 = tpu.vector_load %arg13[%get3A_324, %get3A_325] {strides = array<i32>} : memref<128x128xf32, #tpu.memory_space<vmem>>, vector<1x16xf32>,
          %get3A_327 = vector.shape_cast %get3A_326 : vector<1x16xf32> to vector<16xf32>
          %add3A_328 = arith.addf %get3A_319, %get3A_327 : vector<16xf32>
          %mul3A_329 = arith.constant 2 : i32
          %mul3A_330 = arith.muli %mul3A_329, %scan3A_79 : i32
          %add3A_331 = arith.constant 1 : i32
          %add3A_332 = arith.addi %mul3A_330, %add3A_331 : i32
          %swap3A_333 = arith.index_cast %add3A_332 : i32 to index
          %swap3A_334 = arith.constant 16 : index
          %swap3A_335 = tpu.vector_load %arg15[%swap3A_333, %swap3A_334] {strides = array<i32>} : memref<128x128xf32, #tpu.memory_space<vmem>>, vector<1x16xf32>,
          %swap3A_336 = vector.shape_cast %swap3A_335 : vector<1x16xf32> to vector<16xf32>
          %swap3A_337 = vector.shape_cast %add3A_328 : vector<16xf32> to vector<1x16xf32>
          tpu.vector_store %arg15[%swap3A_333, %swap3A_334], %swap3A_337 {strides = array<i32>} : memref<128x128xf32, #tpu.memory_space<vmem>>, vector<1x16xf32>,
          %mul3A_338 = arith.constant 2 : i32
          %mul3A_339 = arith.muli %mul3A_338, %scan3A_79 : i32
          %add3A_340 = arith.constant 1 : i32
          %add3A_341 = arith.addi %mul3A_339, %add3A_340 : i32
          %get3A_342 = arith.index_cast %add3A_341 : i32 to index
          %get3A_343 = arith.constant 32 : index
          %get3A_344 = tpu.vector_load %arg11[%get3A_342, %get3A_343] {strides = array<i32>} : memref<128x128xf32, #tpu.memory_space<vmem>>, vector<1x16xf32>,
          %get3A_345 = vector.shape_cast %get3A_344 : vector<1x16xf32> to vector<16xf32>
          %mul3A_346 = arith.constant 2 : i32
          %mul3A_347 = arith.muli %mul3A_346, %scan3A_79 : i32
          %add3A_348 = arith.constant 1 : i32
          %add3A_349 = arith.addi %mul3A_347, %add3A_348 : i32
          %get3A_350 = arith.index_cast %add3A_349 : i32 to index
          %get3A_351 = arith.constant 32 : index
          %get3A_352 = tpu.vector_load %arg13[%get3A_350, %get3A_351] {strides = array<i32>} : memref<128x128xf32, #tpu.memory_space<vmem>>, vector<1x16xf32>,
          %get3A_353 = vector.shape_cast %get3A_352 : vector<1x16xf32> to vector<16xf32>
          %add3A_354 = arith.addf %get3A_345, %get3A_353 : vector<16xf32>
          %mul3A_355 = arith.constant 2 : i32
          %mul3A_356 = arith.muli %mul3A_355, %scan3A_79 : i32
          %add3A_357 = arith.constant 1 : i32
          %add3A_358 = arith.addi %mul3A_356, %add3A_357 : i32
          %swap3A_359 = arith.index_cast %add3A_358 : i32 to index
          %swap3A_360 = arith.constant 32 : index
          %swap3A_361 = tpu.vector_load %arg15[%swap3A_359, %swap3A_360] {strides = array<i32>} : memref<128x128xf32, #tpu.memory_space<vmem>>, vector<1x16xf32>,
          %swap3A_362 = vector.shape_cast %swap3A_361 : vector<1x16xf32> to vector<16xf32>
          %swap3A_363 = vector.shape_cast %add3A_354 : vector<16xf32> to vector<1x16xf32>
          tpu.vector_store %arg15[%swap3A_359, %swap3A_360], %swap3A_363 {strides = array<i32>} : memref<128x128xf32, #tpu.memory_space<vmem>>, vector<1x16xf32>,
          %mul3A_364 = arith.constant 2 : i32
          %mul3A_365 = arith.muli %mul3A_364, %scan3A_79 : i32
          %add3A_366 = arith.constant 1 : i32
          %add3A_367 = arith.addi %mul3A_365, %add3A_366 : i32
          %get3A_368 = arith.index_cast %add3A_367 : i32 to index
          %get3A_369 = arith.constant 48 : index
          %get3A_370 = tpu.vector_load %arg11[%get3A_368, %get3A_369] {strides = array<i32>} : memref<128x128xf32, #tpu.memory_space<vmem>>, vector<1x16xf32>,
          %get3A_371 = vector.shape_cast %get3A_370 : vector<1x16xf32> to vector<16xf32>
          %mul3A_372 = arith.constant 2 : i32
          %mul3A_373 = arith.muli %mul3A_372, %scan3A_79 : i32
          %add3A_374 = arith.constant 1 : i32
          %add3A_375 = arith.addi %mul3A_373, %add3A_374 : i32
          %get3A_376 = arith.index_cast %add3A_375 : i32 to index
          %get3A_377 = arith.constant 48 : index
          %get3A_378 = tpu.vector_load %arg13[%get3A_376, %get3A_377] {strides = array<i32>} : memref<128x128xf32, #tpu.memory_space<vmem>>, vector<1x16xf32>,
          %get3A_379 = vector.shape_cast %get3A_378 : vector<1x16xf32> to vector<16xf32>
          %add3A_380 = arith.addf %get3A_371, %get3A_379 : vector<16xf32>
          %mul3A_381 = arith.constant 2 : i32
          %mul3A_382 = arith.muli %mul3A_381, %scan3A_79 : i32
          %add3A_383 = arith.constant 1 : i32
          %add3A_384 = arith.addi %mul3A_382, %add3A_383 : i32
          %swap3A_385 = arith.index_cast %add3A_384 : i32 to index
          %swap3A_386 = arith.constant 48 : index
          %swap3A_387 = tpu.vector_load %arg15[%swap3A_385, %swap3A_386] {strides = array<i32>} : memref<128x128xf32, #tpu.memory_space<vmem>>, vector<1x16xf32>,
          %swap3A_388 = vector.shape_cast %swap3A_387 : vector<1x16xf32> to vector<16xf32>
          %swap3A_389 = vector.shape_cast %add3A_380 : vector<16xf32> to vector<1x16xf32>
          tpu.vector_store %arg15[%swap3A_385, %swap3A_386], %swap3A_389 {strides = array<i32>} : memref<128x128xf32, #tpu.memory_space<vmem>>, vector<1x16xf32>,
          %mul3A_390 = arith.constant 2 : i32
          %mul3A_391 = arith.muli %mul3A_390, %scan3A_79 : i32
          %add3A_392 = arith.constant 1 : i32
          %add3A_393 = arith.addi %mul3A_391, %add3A_392 : i32
          %get3A_394 = arith.index_cast %add3A_393 : i32 to index
          %get3A_395 = arith.constant 64 : index
          %get3A_396 = tpu.vector_load %arg11[%get3A_394, %get3A_395] {strides = array<i32>} : memref<128x128xf32, #tpu.memory_space<vmem>>, vector<1x16xf32>,
          %get3A_397 = vector.shape_cast %get3A_396 : vector<1x16xf32> to vector<16xf32>
          %mul3A_398 = arith.constant 2 : i32
          %mul3A_399 = arith.muli %mul3A_398, %scan3A_79 : i32
          %add3A_400 = arith.constant 1 : i32
          %add3A_401 = arith.addi %mul3A_399, %add3A_400 : i32
          %get3A_402 = arith.index_cast %add3A_401 : i32 to index
          %get3A_403 = arith.constant 64 : index
          %get3A_404 = tpu.vector_load %arg13[%get3A_402, %get3A_403] {strides = array<i32>} : memref<128x128xf32, #tpu.memory_space<vmem>>, vector<1x16xf32>,
          %get3A_405 = vector.shape_cast %get3A_404 : vector<1x16xf32> to vector<16xf32>
          %add3A_406 = arith.addf %get3A_397, %get3A_405 : vector<16xf32>
          %mul3A_407 = arith.constant 2 : i32
          %mul3A_408 = arith.muli %mul3A_407, %scan3A_79 : i32
          %add3A_409 = arith.constant 1 : i32
          %add3A_410 = arith.addi %mul3A_408, %add3A_409 : i32
          %swap3A_411 = arith.index_cast %add3A_410 : i32 to index
          %swap3A_412 = arith.constant 64 : index
          %swap3A_413 = tpu.vector_load %arg15[%swap3A_411, %swap3A_412] {strides = array<i32>} : memref<128x128xf32, #tpu.memory_space<vmem>>, vector<1x16xf32>,
          %swap3A_414 = vector.shape_cast %swap3A_413 : vector<1x16xf32> to vector<16xf32>
          %swap3A_415 = vector.shape_cast %add3A_406 : vector<16xf32> to vector<1x16xf32>
          tpu.vector_store %arg15[%swap3A_411, %swap3A_412], %swap3A_415 {strides = array<i32>} : memref<128x128xf32, #tpu.memory_space<vmem>>, vector<1x16xf32>,
          %mul3A_416 = arith.constant 2 : i32
          %mul3A_417 = arith.muli %mul3A_416, %scan3A_79 : i32
          %add3A_418 = arith.constant 1 : i32
          %add3A_419 = arith.addi %mul3A_417, %add3A_418 : i32
          %get3A_420 = arith.index_cast %add3A_419 : i32 to index
          %get3A_421 = arith.constant 80 : index
          %get3A_422 = tpu.vector_load %arg11[%get3A_420, %get3A_421] {strides = array<i32>} : memref<128x128xf32, #tpu.memory_space<vmem>>, vector<1x16xf32>,
          %get3A_423 = vector.shape_cast %get3A_422 : vector<1x16xf32> to vector<16xf32>
          %mul3A_424 = arith.constant 2 : i32
          %mul3A_425 = arith.muli %mul3A_424, %scan3A_79 : i32
          %add3A_426 = arith.constant 1 : i32
          %add3A_427 = arith.addi %mul3A_425, %add3A_426 : i32
          %get3A_428 = arith.index_cast %add3A_427 : i32 to index
          %get3A_429 = arith.constant 80 : index
          %get3A_430 = tpu.vector_load %arg13[%get3A_428, %get3A_429] {strides = array<i32>} : memref<128x128xf32, #tpu.memory_space<vmem>>, vector<1x16xf32>,
          %get3A_431 = vector.shape_cast %get3A_430 : vector<1x16xf32> to vector<16xf32>
          %add3A_432 = arith.addf %get3A_423, %get3A_431 : vector<16xf32>
          %mul3A_433 = arith.constant 2 : i32
          %mul3A_434 = arith.muli %mul3A_433, %scan3A_79 : i32
          %add3A_435 = arith.constant 1 : i32
          %add3A_436 = arith.addi %mul3A_434, %add3A_435 : i32
          %swap3A_437 = arith.index_cast %add3A_436 : i32 to index
          %swap3A_438 = arith.constant 80 : index
          %swap3A_439 = tpu.vector_load %arg15[%swap3A_437, %swap3A_438] {strides = array<i32>} : memref<128x128xf32, #tpu.memory_space<vmem>>, vector<1x16xf32>,
          %swap3A_440 = vector.shape_cast %swap3A_439 : vector<1x16xf32> to vector<16xf32>
          %swap3A_441 = vector.shape_cast %add3A_432 : vector<16xf32> to vector<1x16xf32>
          tpu.vector_store %arg15[%swap3A_437, %swap3A_438], %swap3A_441 {strides = array<i32>} : memref<128x128xf32, #tpu.memory_space<vmem>>, vector<1x16xf32>,
          %mul3A_442 = arith.constant 2 : i32
          %mul3A_443 = arith.muli %mul3A_442, %scan3A_79 : i32
          %add3A_444 = arith.constant 1 : i32
          %add3A_445 = arith.addi %mul3A_443, %add3A_444 : i32
          %get3A_446 = arith.index_cast %add3A_445 : i32 to index
          %get3A_447 = arith.constant 96 : index
          %get3A_448 = tpu.vector_load %arg11[%get3A_446, %get3A_447] {strides = array<i32>} : memref<128x128xf32, #tpu.memory_space<vmem>>, vector<1x16xf32>,
          %get3A_449 = vector.shape_cast %get3A_448 : vector<1x16xf32> to vector<16xf32>
          %mul3A_450 = arith.constant 2 : i32
          %mul3A_451 = arith.muli %mul3A_450, %scan3A_79 : i32
          %add3A_452 = arith.constant 1 : i32
          %add3A_453 = arith.addi %mul3A_451, %add3A_452 : i32
          %get3A_454 = arith.index_cast %add3A_453 : i32 to index
          %get3A_455 = arith.constant 96 : index
          %get3A_456 = tpu.vector_load %arg13[%get3A_454, %get3A_455] {strides = array<i32>} : memref<128x128xf32, #tpu.memory_space<vmem>>, vector<1x16xf32>,
          %get3A_457 = vector.shape_cast %get3A_456 : vector<1x16xf32> to vector<16xf32>
          %add3A_458 = arith.addf %get3A_449, %get3A_457 : vector<16xf32>
          %mul3A_459 = arith.constant 2 : i32
          %mul3A_460 = arith.muli %mul3A_459, %scan3A_79 : i32
          %add3A_461 = arith.constant 1 : i32
          %add3A_462 = arith.addi %mul3A_460, %add3A_461 : i32
          %swap3A_463 = arith.index_cast %add3A_462 : i32 to index
          %swap3A_464 = arith.constant 96 : index
          %swap3A_465 = tpu.vector_load %arg15[%swap3A_463, %swap3A_464] {strides = array<i32>} : memref<128x128xf32, #tpu.memory_space<vmem>>, vector<1x16xf32>,
          %swap3A_466 = vector.shape_cast %swap3A_465 : vector<1x16xf32> to vector<16xf32>
          %swap3A_467 = vector.shape_cast %add3A_458 : vector<16xf32> to vector<1x16xf32>
          tpu.vector_store %arg15[%swap3A_463, %swap3A_464], %swap3A_467 {strides = array<i32>} : memref<128x128xf32, #tpu.memory_space<vmem>>, vector<1x16xf32>,
          %mul3A_468 = arith.constant 2 : i32
          %mul3A_469 = arith.muli %mul3A_468, %scan3A_79 : i32
          %add3A_470 = arith.constant 1 : i32
          %add3A_471 = arith.addi %mul3A_469, %add3A_470 : i32
          %get3A_472 = arith.index_cast %add3A_471 : i32 to index
          %get3A_473 = arith.constant 112 : index
          %get3A_474 = tpu.vector_load %arg11[%get3A_472, %get3A_473] {strides = array<i32>} : memref<128x128xf32, #tpu.memory_space<vmem>>, vector<1x16xf32>,
          %get3A_475 = vector.shape_cast %get3A_474 : vector<1x16xf32> to vector<16xf32>
          %mul3A_476 = arith.constant 2 : i32
          %mul3A_477 = arith.muli %mul3A_476, %scan3A_79 : i32
          %add3A_478 = arith.constant 1 : i32
          %add3A_479 = arith.addi %mul3A_477, %add3A_478 : i32
          %get3A_480 = arith.index_cast %add3A_479 : i32 to index
          %get3A_481 = arith.constant 112 : index
          %get3A_482 = tpu.vector_load %arg13[%get3A_480, %get3A_481] {strides = array<i32>} : memref<128x128xf32, #tpu.memory_space<vmem>>, vector<1x16xf32>,
          %get3A_483 = vector.shape_cast %get3A_482 : vector<1x16xf32> to vector<16xf32>
          %add3A_484 = arith.addf %get3A_475, %get3A_483 : vector<16xf32>
          %mul3A_485 = arith.constant 2 : i32
          %mul3A_486 = arith.muli %mul3A_485, %scan3A_79 : i32
          %add3A_487 = arith.constant 1 : i32
          %add3A_488 = arith.addi %mul3A_486, %add3A_487 : i32
          %swap3A_489 = arith.index_cast %add3A_488 : i32 to index
          %swap3A_490 = arith.constant 112 : index
          %swap3A_491 = tpu.vector_load %arg15[%swap3A_489, %swap3A_490] {strides = array<i32>} : memref<128x128xf32, #tpu.memory_space<vmem>>, vector<1x16xf32>,
          %swap3A_492 = vector.shape_cast %swap3A_491 : vector<1x16xf32> to vector<16xf32>
          %swap3A_493 = vector.shape_cast %add3A_484 : vector<16xf32> to vector<1x16xf32>
          tpu.vector_store %arg15[%swap3A_489, %swap3A_490], %swap3A_493 {strides = array<i32>} : memref<128x128xf32, #tpu.memory_space<vmem>>, vector<1x16xf32>,
        }
        %scan3A_71 = arith.constant 64 : i32
        %add3A_72 = arith.addi %select_n3A_8, %mul3A_36 : i32
        %mul3A_73 = arith.constant 128 : i32
        %mul3A_74 = arith.muli %add3A_72, %mul3A_73 : i32
        %dma_start3A_75 = arith.constant 0 : i32
        %dma_start3A_76 = tpu.memref_slice %arg6[%mul3A_74, %dma_start3A_75] : memref<163840x128xf32, #tpu.memory_space<hbm>> -> memref<128x128xf32, #tpu.memory_space<hbm>>
        %dma_start3A_77 = arith.constant 0 : i32
        %dma_start3A_78 = tpu.memref_slice %arg6[%mul3A_74, %dma_start3A_77] : memref<163840x128xf32, #tpu.memory_space<hbm>> -> memref<128x128xf32, #tpu.memory_space<hbm>>
        tpu.enqueue_dma source(%arg15 : memref<128x128xf32, #tpu.memory_space<vmem>>) target(%dma_start3A_78 : memref<128x128xf32, #tpu.memory_space<hbm>>) target_semaphore(%arg21 : memref<!tpu.dma_semaphore, #tpu.memory_space<semaphore_mem>>)
      } else {
      }
      %add3A_44 = arith.constant 2 : i32
      %add3A_45 = arith.addi %mul3A_36, %add3A_44 : i32
      %lt3A_46 = arith.cmpi slt, %add3A_45, %select_n3A : i32
      %convert_element_type3A_47 = arith.extui %lt3A_46 : i1 to i32
      %cond3A_48 = arith.constant 0 : i32
      %cond3A_49 = arith.cmpi ne, %convert_element_type3A_47, %cond3A_48 : i32
      scf.if %cond3A_49 {
        %add3A_56 = arith.constant 2 : i32
        %add3A_57 = arith.addi %mul3A_36, %add3A_56 : i32
        %add3A_58 = arith.addi %select_n3A_8, %add3A_57 : i32
        %mul3A_59 = arith.constant 128 : i32
        %mul3A_60 = arith.muli %add3A_58, %mul3A_59 : i32
        "tpu.region"() ({
          %run_scoped3A = tpu.sem_alloc : memref<!tpu.dma_semaphore, #tpu.memory_space<semaphore_mem>>
          %dma_start3A_67 = tpu.memref_slice %arg4[%mul3A_60] : memref<163840xi32, #tpu.memory_space<hbm>> -> memref<128xi32, #tpu.memory_space<hbm>>
          %dma_start3A_68 = tpu.memref_slice %arg4[%mul3A_60] : memref<163840xi32, #tpu.memory_space<hbm>> -> memref<128xi32, #tpu.memory_space<hbm>>
          tpu.enqueue_dma source(%dma_start3A_68 : memref<128xi32, #tpu.memory_space<hbm>>) target(%arg7 : memref<128xi32, #tpu.memory_space<vmem>>) target_semaphore(%run_scoped3A : memref<!tpu.dma_semaphore, #tpu.memory_space<semaphore_mem>>)
          %dma_wait3A_69 = tpu.memref_slice %arg4[%mul3A_60] : memref<163840xi32, #tpu.memory_space<hbm>> -> memref<128xi32, #tpu.memory_space<hbm>>
          %dma_wait3A_70 = tpu.memref_slice %arg4[%mul3A_60] : memref<163840xi32, #tpu.memory_space<hbm>> -> memref<128xi32, #tpu.memory_space<hbm>>
          tpu.wait_dma2 semaphore(%run_scoped3A : memref<!tpu.dma_semaphore, #tpu.memory_space<semaphore_mem>>) src(%dma_wait3A_70 : memref<128xi32, #tpu.memory_space<hbm>>) dst(%arg7 : memref<128xi32, #tpu.memory_space<vmem>>)
          tpu.yield
        }) : () -> ()
        "tpu.region"() ({
          %run_scoped3A = tpu.sem_alloc : memref<!tpu.dma_semaphore, #tpu.memory_space<semaphore_mem>>
          %dma_start3A_67 = tpu.memref_slice %arg5[%mul3A_60] : memref<163840xi32, #tpu.memory_space<hbm>> -> memref<128xi32, #tpu.memory_space<hbm>>
          %dma_start3A_68 = tpu.memref_slice %arg5[%mul3A_60] : memref<163840xi32, #tpu.memory_space<hbm>> -> memref<128xi32, #tpu.memory_space<hbm>>
          tpu.enqueue_dma source(%dma_start3A_68 : memref<128xi32, #tpu.memory_space<hbm>>) target(%arg9 : memref<128xi32, #tpu.memory_space<vmem>>) target_semaphore(%run_scoped3A : memref<!tpu.dma_semaphore, #tpu.memory_space<semaphore_mem>>)
          %dma_wait3A_69 = tpu.memref_slice %arg5[%mul3A_60] : memref<163840xi32, #tpu.memory_space<hbm>> -> memref<128xi32, #tpu.memory_space<hbm>>
          %dma_wait3A_70 = tpu.memref_slice %arg5[%mul3A_60] : memref<163840xi32, #tpu.memory_space<hbm>> -> memref<128xi32, #tpu.memory_space<hbm>>
          tpu.wait_dma2 semaphore(%run_scoped3A : memref<!tpu.dma_semaphore, #tpu.memory_space<semaphore_mem>>) src(%dma_wait3A_70 : memref<128xi32, #tpu.memory_space<hbm>>) dst(%arg9 : memref<128xi32, #tpu.memory_space<vmem>>)
          tpu.yield
        }) : () -> ()
        %dma_start3A_61 = arith.constant 0 : i32
        %dma_start3A_62 = arith.constant 0 : i32
        %dma_start3A_63 = tpu.memref_slice %arg2[%dma_start3A_61, %dma_start3A_62] : memref<10000x128xf32, #tpu.memory_space<hbm>> -> memref<10000x128xf32, #tpu.memory_space<hbm>>
        tpu.enqueue_indirect_dma source(%dma_start3A_63 : memref<10000x128xf32, #tpu.memory_space<hbm>>) target(%arg11 : memref<128x128xf32, #tpu.memory_space<vmem>>) offsets(%arg7 : memref<128xi32, #tpu.memory_space<vmem>>) semaphore(%arg17 : memref<!tpu.dma_semaphore, #tpu.memory_space<semaphore_mem>>)
        %dma_start3A_64 = arith.constant 0 : i32
        %dma_start3A_65 = arith.constant 0 : i32
        %dma_start3A_66 = tpu.memref_slice %arg3[%dma_start3A_64, %dma_start3A_65] : memref<10000x128xf32, #tpu.memory_space<hbm>> -> memref<10000x128xf32, #tpu.memory_space<hbm>>
        tpu.enqueue_indirect_dma source(%dma_start3A_66 : memref<10000x128xf32, #tpu.memory_space<hbm>>) target(%arg13 : memref<128x128xf32, #tpu.memory_space<vmem>>) offsets(%arg9 : memref<128xi32, #tpu.memory_space<vmem>>) semaphore(%arg19 : memref<!tpu.dma_semaphore, #tpu.memory_space<semaphore_mem>>)
      } else {
      }
      %add3A_50 = arith.constant 1 : i32
      %add3A_51 = arith.addi %mul3A_36, %add3A_50 : i32
      %lt3A_52 = arith.cmpi slt, %add3A_51, %select_n3A : i32
      %convert_element_type3A_53 = arith.extui %lt3A_52 : i1 to i32
      %cond3A_54 = arith.constant 0 : i32
      %cond3A_55 = arith.cmpi ne, %convert_element_type3A_53, %cond3A_54 : i32
      scf.if %cond3A_55 {
        %add3A_56 = arith.constant 1 : i32
        %add3A_57 = arith.addi %mul3A_36, %add3A_56 : i32
        %dma_wait3A_58 = arith.constant 0 : i32
        %dma_wait3A_59 = arith.constant 0 : i32
        %dma_wait3A_60 = tpu.memref_slice %arg2[%dma_wait3A_58, %dma_wait3A_59] : memref<10000x128xf32, #tpu.memory_space<hbm>> -> memref<10000x128xf32, #tpu.memory_space<hbm>>
        tpu.wait_indirect_dma semaphore(%arg18 : memref<!tpu.dma_semaphore, #tpu.memory_space<semaphore_mem>>) src(%dma_wait3A_60 : memref<10000x128xf32, #tpu.memory_space<hbm>>) dst(%arg12 : memref<128x128xf32, #tpu.memory_space<vmem>>)
        %dma_wait3A_61 = arith.constant 0 : i32
        %dma_wait3A_62 = arith.constant 0 : i32
        %dma_wait3A_63 = tpu.memref_slice %arg3[%dma_wait3A_61, %dma_wait3A_62] : memref<10000x128xf32, #tpu.memory_space<hbm>> -> memref<10000x128xf32, #tpu.memory_space<hbm>>
        tpu.wait_indirect_dma semaphore(%arg20 : memref<!tpu.dma_semaphore, #tpu.memory_space<semaphore_mem>>) src(%dma_wait3A_63 : memref<10000x128xf32, #tpu.memory_space<hbm>>) dst(%arg14 : memref<128x128xf32, #tpu.memory_space<vmem>>)
        %ge3A = arith.constant 2 : i32
        %ge3A_64 = arith.cmpi sge, %add3A_57, %ge3A : i32
        %convert_element_type3A_65 = arith.extui %ge3A_64 : i1 to i32
        %cond3A_66 = arith.constant 0 : i32
        %cond3A_67 = arith.cmpi ne, %convert_element_type3A_65, %cond3A_66 : i32
        scf.if %cond3A_67 {
          %mul3A_81 = arith.constant 128 : i32
          %mul3A_82 = arith.muli %select_n3A_8, %mul3A_81 : i32
          %dma_wait3A_83 = arith.constant 0 : i32
          %dma_wait3A_84 = tpu.memref_slice %arg6[%mul3A_82, %dma_wait3A_83] : memref<163840x128xf32, #tpu.memory_space<hbm>> -> memref<128x128xf32, #tpu.memory_space<hbm>>
          %dma_wait3A_85 = arith.constant 0 : i32
          %dma_wait3A_86 = tpu.memref_slice %arg6[%mul3A_82, %dma_wait3A_85] : memref<163840x128xf32, #tpu.memory_space<hbm>> -> memref<128x128xf32, #tpu.memory_space<hbm>>
          tpu.wait_dma2 semaphore(%arg22 : memref<!tpu.dma_semaphore, #tpu.memory_space<semaphore_mem>>) src(%arg16 : memref<128x128xf32, #tpu.memory_space<vmem>>) dst(%dma_wait3A_86 : memref<128x128xf32, #tpu.memory_space<hbm>>)
        } else {
        }
        %scan3A_68 = arith.constant 0 : i32
        %scan3A_69 = arith.constant 0 : i32
        %scan3A_70 = arith.constant 64 : i32
        %scan3A_71 = arith.addi %scan3A_69, %scan3A_70 : i32
        %scan3A_72 = arith.constant 1 : i32
        scf.for %scan3A_81 = %scan3A_69 to %scan3A_71 step %scan3A_72  : i32 {
          %mul3A_82 = arith.constant 2 : i32
          %mul3A_83 = arith.muli %mul3A_82, %scan3A_81 : i32
          %add3A_84 = arith.constant 0 : i32
          %add3A_85 = arith.addi %mul3A_83, %add3A_84 : i32
          %get3A = arith.index_cast %add3A_85 : i32 to index
          %get3A_86 = arith.constant 0 : index
          %get3A_87 = tpu.vector_load %arg12[%get3A, %get3A_86] {strides = array<i32>} : memref<128x128xf32, #tpu.memory_space<vmem>>, vector<1x16xf32>,
          %get3A_88 = vector.shape_cast %get3A_87 : vector<1x16xf32> to vector<16xf32>
          %mul3A_89 = arith.constant 2 : i32
          %mul3A_90 = arith.muli %mul3A_89, %scan3A_81 : i32
          %add3A_91 = arith.constant 0 : i32
          %add3A_92 = arith.addi %mul3A_90, %add3A_91 : i32
          %get3A_93 = arith.index_cast %add3A_92 : i32 to index
          %get3A_94 = arith.constant 0 : index
          %get3A_95 = tpu.vector_load %arg14[%get3A_93, %get3A_94] {strides = array<i32>} : memref<128x128xf32, #tpu.memory_space<vmem>>, vector<1x16xf32>,
          %get3A_96 = vector.shape_cast %get3A_95 : vector<1x16xf32> to vector<16xf32>
          %add3A_97 = arith.addf %get3A_88, %get3A_96 : vector<16xf32>
          %mul3A_98 = arith.constant 2 : i32
          %mul3A_99 = arith.muli %mul3A_98, %scan3A_81 : i32
          %add3A_100 = arith.constant 0 : i32
          %add3A_101 = arith.addi %mul3A_99, %add3A_100 : i32
          %swap3A = arith.index_cast %add3A_101 : i32 to index
          %swap3A_102 = arith.constant 0 : index
          %swap3A_103 = tpu.vector_load %arg16[%swap3A, %swap3A_102] {strides = array<i32>} : memref<128x128xf32, #tpu.memory_space<vmem>>, vector<1x16xf32>,
          %swap3A_104 = vector.shape_cast %swap3A_103 : vector<1x16xf32> to vector<16xf32>
          %swap3A_105 = vector.shape_cast %add3A_97 : vector<16xf32> to vector<1x16xf32>
          tpu.vector_store %arg16[%swap3A, %swap3A_102], %swap3A_105 {strides = array<i32>} : memref<128x128xf32, #tpu.memory_space<vmem>>, vector<1x16xf32>,
          %mul3A_106 = arith.constant 2 : i32
          %mul3A_107 = arith.muli %mul3A_106, %scan3A_81 : i32
          %add3A_108 = arith.constant 0 : i32
          %add3A_109 = arith.addi %mul3A_107, %add3A_108 : i32
          %get3A_110 = arith.index_cast %add3A_109 : i32 to index
          %get3A_111 = arith.constant 16 : index
          %get3A_112 = tpu.vector_load %arg12[%get3A_110, %get3A_111] {strides = array<i32>} : memref<128x128xf32, #tpu.memory_space<vmem>>, vector<1x16xf32>,
          %get3A_113 = vector.shape_cast %get3A_112 : vector<1x16xf32> to vector<16xf32>
          %mul3A_114 = arith.constant 2 : i32
          %mul3A_115 = arith.muli %mul3A_114, %scan3A_81 : i32
          %add3A_116 = arith.constant 0 : i32
          %add3A_117 = arith.addi %mul3A_115, %add3A_116 : i32
          %get3A_118 = arith.index_cast %add3A_117 : i32 to index
          %get3A_119 = arith.constant 16 : index
          %get3A_120 = tpu.vector_load %arg14[%get3A_118, %get3A_119] {strides = array<i32>} : memref<128x128xf32, #tpu.memory_space<vmem>>, vector<1x16xf32>,
          %get3A_121 = vector.shape_cast %get3A_120 : vector<1x16xf32> to vector<16xf32>
          %add3A_122 = arith.addf %get3A_113, %get3A_121 : vector<16xf32>
          %mul3A_123 = arith.constant 2 : i32
          %mul3A_124 = arith.muli %mul3A_123, %scan3A_81 : i32
          %add3A_125 = arith.constant 0 : i32
          %add3A_126 = arith.addi %mul3A_124, %add3A_125 : i32
          %swap3A_127 = arith.index_cast %add3A_126 : i32 to index
          %swap3A_128 = arith.constant 16 : index
          %swap3A_129 = tpu.vector_load %arg16[%swap3A_127, %swap3A_128] {strides = array<i32>} : memref<128x128xf32, #tpu.memory_space<vmem>>, vector<1x16xf32>,
          %swap3A_130 = vector.shape_cast %swap3A_129 : vector<1x16xf32> to vector<16xf32>
          %swap3A_131 = vector.shape_cast %add3A_122 : vector<16xf32> to vector<1x16xf32>
          tpu.vector_store %arg16[%swap3A_127, %swap3A_128], %swap3A_131 {strides = array<i32>} : memref<128x128xf32, #tpu.memory_space<vmem>>, vector<1x16xf32>,
          %mul3A_132 = arith.constant 2 : i32
          %mul3A_133 = arith.muli %mul3A_132, %scan3A_81 : i32
          %add3A_134 = arith.constant 0 : i32
          %add3A_135 = arith.addi %mul3A_133, %add3A_134 : i32
          %get3A_136 = arith.index_cast %add3A_135 : i32 to index
          %get3A_137 = arith.constant 32 : index
          %get3A_138 = tpu.vector_load %arg12[%get3A_136, %get3A_137] {strides = array<i32>} : memref<128x128xf32, #tpu.memory_space<vmem>>, vector<1x16xf32>,
          %get3A_139 = vector.shape_cast %get3A_138 : vector<1x16xf32> to vector<16xf32>
          %mul3A_140 = arith.constant 2 : i32
          %mul3A_141 = arith.muli %mul3A_140, %scan3A_81 : i32
          %add3A_142 = arith.constant 0 : i32
          %add3A_143 = arith.addi %mul3A_141, %add3A_142 : i32
          %get3A_144 = arith.index_cast %add3A_143 : i32 to index
          %get3A_145 = arith.constant 32 : index
          %get3A_146 = tpu.vector_load %arg14[%get3A_144, %get3A_145] {strides = array<i32>} : memref<128x128xf32, #tpu.memory_space<vmem>>, vector<1x16xf32>,
          %get3A_147 = vector.shape_cast %get3A_146 : vector<1x16xf32> to vector<16xf32>
          %add3A_148 = arith.addf %get3A_139, %get3A_147 : vector<16xf32>
          %mul3A_149 = arith.constant 2 : i32
          %mul3A_150 = arith.muli %mul3A_149, %scan3A_81 : i32
          %add3A_151 = arith.constant 0 : i32
          %add3A_152 = arith.addi %mul3A_150, %add3A_151 : i32
          %swap3A_153 = arith.index_cast %add3A_152 : i32 to index
          %swap3A_154 = arith.constant 32 : index
          %swap3A_155 = tpu.vector_load %arg16[%swap3A_153, %swap3A_154] {strides = array<i32>} : memref<128x128xf32, #tpu.memory_space<vmem>>, vector<1x16xf32>,
          %swap3A_156 = vector.shape_cast %swap3A_155 : vector<1x16xf32> to vector<16xf32>
          %swap3A_157 = vector.shape_cast %add3A_148 : vector<16xf32> to vector<1x16xf32>
          tpu.vector_store %arg16[%swap3A_153, %swap3A_154], %swap3A_157 {strides = array<i32>} : memref<128x128xf32, #tpu.memory_space<vmem>>, vector<1x16xf32>,
          %mul3A_158 = arith.constant 2 : i32
          %mul3A_159 = arith.muli %mul3A_158, %scan3A_81 : i32
          %add3A_160 = arith.constant 0 : i32
          %add3A_161 = arith.addi %mul3A_159, %add3A_160 : i32
          %get3A_162 = arith.index_cast %add3A_161 : i32 to index
          %get3A_163 = arith.constant 48 : index
          %get3A_164 = tpu.vector_load %arg12[%get3A_162, %get3A_163] {strides = array<i32>} : memref<128x128xf32, #tpu.memory_space<vmem>>, vector<1x16xf32>,
          %get3A_165 = vector.shape_cast %get3A_164 : vector<1x16xf32> to vector<16xf32>
          %mul3A_166 = arith.constant 2 : i32
          %mul3A_167 = arith.muli %mul3A_166, %scan3A_81 : i32
          %add3A_168 = arith.constant 0 : i32
          %add3A_169 = arith.addi %mul3A_167, %add3A_168 : i32
          %get3A_170 = arith.index_cast %add3A_169 : i32 to index
          %get3A_171 = arith.constant 48 : index
          %get3A_172 = tpu.vector_load %arg14[%get3A_170, %get3A_171] {strides = array<i32>} : memref<128x128xf32, #tpu.memory_space<vmem>>, vector<1x16xf32>,
          %get3A_173 = vector.shape_cast %get3A_172 : vector<1x16xf32> to vector<16xf32>
          %add3A_174 = arith.addf %get3A_165, %get3A_173 : vector<16xf32>
          %mul3A_175 = arith.constant 2 : i32
          %mul3A_176 = arith.muli %mul3A_175, %scan3A_81 : i32
          %add3A_177 = arith.constant 0 : i32
          %add3A_178 = arith.addi %mul3A_176, %add3A_177 : i32
          %swap3A_179 = arith.index_cast %add3A_178 : i32 to index
          %swap3A_180 = arith.constant 48 : index
          %swap3A_181 = tpu.vector_load %arg16[%swap3A_179, %swap3A_180] {strides = array<i32>} : memref<128x128xf32, #tpu.memory_space<vmem>>, vector<1x16xf32>,
          %swap3A_182 = vector.shape_cast %swap3A_181 : vector<1x16xf32> to vector<16xf32>
          %swap3A_183 = vector.shape_cast %add3A_174 : vector<16xf32> to vector<1x16xf32>
          tpu.vector_store %arg16[%swap3A_179, %swap3A_180], %swap3A_183 {strides = array<i32>} : memref<128x128xf32, #tpu.memory_space<vmem>>, vector<1x16xf32>,
          %mul3A_184 = arith.constant 2 : i32
          %mul3A_185 = arith.muli %mul3A_184, %scan3A_81 : i32
          %add3A_186 = arith.constant 0 : i32
          %add3A_187 = arith.addi %mul3A_185, %add3A_186 : i32
          %get3A_188 = arith.index_cast %add3A_187 : i32 to index
          %get3A_189 = arith.constant 64 : index
          %get3A_190 = tpu.vector_load %arg12[%get3A_188, %get3A_189] {strides = array<i32>} : memref<128x128xf32, #tpu.memory_space<vmem>>, vector<1x16xf32>,
          %get3A_191 = vector.shape_cast %get3A_190 : vector<1x16xf32> to vector<16xf32>
          %mul3A_192 = arith.constant 2 : i32
          %mul3A_193 = arith.muli %mul3A_192, %scan3A_81 : i32
          %add3A_194 = arith.constant 0 : i32
          %add3A_195 = arith.addi %mul3A_193, %add3A_194 : i32
          %get3A_196 = arith.index_cast %add3A_195 : i32 to index
          %get3A_197 = arith.constant 64 : index
          %get3A_198 = tpu.vector_load %arg14[%get3A_196, %get3A_197] {strides = array<i32>} : memref<128x128xf32, #tpu.memory_space<vmem>>, vector<1x16xf32>,
          %get3A_199 = vector.shape_cast %get3A_198 : vector<1x16xf32> to vector<16xf32>
          %add3A_200 = arith.addf %get3A_191, %get3A_199 : vector<16xf32>
          %mul3A_201 = arith.constant 2 : i32
          %mul3A_202 = arith.muli %mul3A_201, %scan3A_81 : i32
          %add3A_203 = arith.constant 0 : i32
          %add3A_204 = arith.addi %mul3A_202, %add3A_203 : i32
          %swap3A_205 = arith.index_cast %add3A_204 : i32 to index
          %swap3A_206 = arith.constant 64 : index
          %swap3A_207 = tpu.vector_load %arg16[%swap3A_205, %swap3A_206] {strides = array<i32>} : memref<128x128xf32, #tpu.memory_space<vmem>>, vector<1x16xf32>,
          %swap3A_208 = vector.shape_cast %swap3A_207 : vector<1x16xf32> to vector<16xf32>
          %swap3A_209 = vector.shape_cast %add3A_200 : vector<16xf32> to vector<1x16xf32>
          tpu.vector_store %arg16[%swap3A_205, %swap3A_206], %swap3A_209 {strides = array<i32>} : memref<128x128xf32, #tpu.memory_space<vmem>>, vector<1x16xf32>,
          %mul3A_210 = arith.constant 2 : i32
          %mul3A_211 = arith.muli %mul3A_210, %scan3A_81 : i32
          %add3A_212 = arith.constant 0 : i32
          %add3A_213 = arith.addi %mul3A_211, %add3A_212 : i32
          %get3A_214 = arith.index_cast %add3A_213 : i32 to index
          %get3A_215 = arith.constant 80 : index
          %get3A_216 = tpu.vector_load %arg12[%get3A_214, %get3A_215] {strides = array<i32>} : memref<128x128xf32, #tpu.memory_space<vmem>>, vector<1x16xf32>,
          %get3A_217 = vector.shape_cast %get3A_216 : vector<1x16xf32> to vector<16xf32>
          %mul3A_218 = arith.constant 2 : i32
          %mul3A_219 = arith.muli %mul3A_218, %scan3A_81 : i32
          %add3A_220 = arith.constant 0 : i32
          %add3A_221 = arith.addi %mul3A_219, %add3A_220 : i32
          %get3A_222 = arith.index_cast %add3A_221 : i32 to index
          %get3A_223 = arith.constant 80 : index
          %get3A_224 = tpu.vector_load %arg14[%get3A_222, %get3A_223] {strides = array<i32>} : memref<128x128xf32, #tpu.memory_space<vmem>>, vector<1x16xf32>,
          %get3A_225 = vector.shape_cast %get3A_224 : vector<1x16xf32> to vector<16xf32>
          %add3A_226 = arith.addf %get3A_217, %get3A_225 : vector<16xf32>
          %mul3A_227 = arith.constant 2 : i32
          %mul3A_228 = arith.muli %mul3A_227, %scan3A_81 : i32
          %add3A_229 = arith.constant 0 : i32
          %add3A_230 = arith.addi %mul3A_228, %add3A_229 : i32
          %swap3A_231 = arith.index_cast %add3A_230 : i32 to index
          %swap3A_232 = arith.constant 80 : index
          %swap3A_233 = tpu.vector_load %arg16[%swap3A_231, %swap3A_232] {strides = array<i32>} : memref<128x128xf32, #tpu.memory_space<vmem>>, vector<1x16xf32>,
          %swap3A_234 = vector.shape_cast %swap3A_233 : vector<1x16xf32> to vector<16xf32>
          %swap3A_235 = vector.shape_cast %add3A_226 : vector<16xf32> to vector<1x16xf32>
          tpu.vector_store %arg16[%swap3A_231, %swap3A_232], %swap3A_235 {strides = array<i32>} : memref<128x128xf32, #tpu.memory_space<vmem>>, vector<1x16xf32>,
          %mul3A_236 = arith.constant 2 : i32
          %mul3A_237 = arith.muli %mul3A_236, %scan3A_81 : i32
          %add3A_238 = arith.constant 0 : i32
          %add3A_239 = arith.addi %mul3A_237, %add3A_238 : i32
          %get3A_240 = arith.index_cast %add3A_239 : i32 to index
          %get3A_241 = arith.constant 96 : index
          %get3A_242 = tpu.vector_load %arg12[%get3A_240, %get3A_241] {strides = array<i32>} : memref<128x128xf32, #tpu.memory_space<vmem>>, vector<1x16xf32>,
          %get3A_243 = vector.shape_cast %get3A_242 : vector<1x16xf32> to vector<16xf32>
          %mul3A_244 = arith.constant 2 : i32
          %mul3A_245 = arith.muli %mul3A_244, %scan3A_81 : i32
          %add3A_246 = arith.constant 0 : i32
          %add3A_247 = arith.addi %mul3A_245, %add3A_246 : i32
          %get3A_248 = arith.index_cast %add3A_247 : i32 to index
          %get3A_249 = arith.constant 96 : index
          %get3A_250 = tpu.vector_load %arg14[%get3A_248, %get3A_249] {strides = array<i32>} : memref<128x128xf32, #tpu.memory_space<vmem>>, vector<1x16xf32>,
          %get3A_251 = vector.shape_cast %get3A_250 : vector<1x16xf32> to vector<16xf32>
          %add3A_252 = arith.addf %get3A_243, %get3A_251 : vector<16xf32>
          %mul3A_253 = arith.constant 2 : i32
          %mul3A_254 = arith.muli %mul3A_253, %scan3A_81 : i32
          %add3A_255 = arith.constant 0 : i32
          %add3A_256 = arith.addi %mul3A_254, %add3A_255 : i32
          %swap3A_257 = arith.index_cast %add3A_256 : i32 to index
          %swap3A_258 = arith.constant 96 : index
          %swap3A_259 = tpu.vector_load %arg16[%swap3A_257, %swap3A_258] {strides = array<i32>} : memref<128x128xf32, #tpu.memory_space<vmem>>, vector<1x16xf32>,
          %swap3A_260 = vector.shape_cast %swap3A_259 : vector<1x16xf32> to vector<16xf32>
          %swap3A_261 = vector.shape_cast %add3A_252 : vector<16xf32> to vector<1x16xf32>
          tpu.vector_store %arg16[%swap3A_257, %swap3A_258], %swap3A_261 {strides = array<i32>} : memref<128x128xf32, #tpu.memory_space<vmem>>, vector<1x16xf32>,
          %mul3A_262 = arith.constant 2 : i32
          %mul3A_263 = arith.muli %mul3A_262, %scan3A_81 : i32
          %add3A_264 = arith.constant 0 : i32
          %add3A_265 = arith.addi %mul3A_263, %add3A_264 : i32
          %get3A_266 = arith.index_cast %add3A_265 : i32 to index
          %get3A_267 = arith.constant 112 : index
          %get3A_268 = tpu.vector_load %arg12[%get3A_266, %get3A_267] {strides = array<i32>} : memref<128x128xf32, #tpu.memory_space<vmem>>, vector<1x16xf32>,
          %get3A_269 = vector.shape_cast %get3A_268 : vector<1x16xf32> to vector<16xf32>
          %mul3A_270 = arith.constant 2 : i32
          %mul3A_271 = arith.muli %mul3A_270, %scan3A_81 : i32
          %add3A_272 = arith.constant 0 : i32
          %add3A_273 = arith.addi %mul3A_271, %add3A_272 : i32
          %get3A_274 = arith.index_cast %add3A_273 : i32 to index
          %get3A_275 = arith.constant 112 : index
          %get3A_276 = tpu.vector_load %arg14[%get3A_274, %get3A_275] {strides = array<i32>} : memref<128x128xf32, #tpu.memory_space<vmem>>, vector<1x16xf32>,
          %get3A_277 = vector.shape_cast %get3A_276 : vector<1x16xf32> to vector<16xf32>
          %add3A_278 = arith.addf %get3A_269, %get3A_277 : vector<16xf32>
          %mul3A_279 = arith.constant 2 : i32
          %mul3A_280 = arith.muli %mul3A_279, %scan3A_81 : i32
          %add3A_281 = arith.constant 0 : i32
          %add3A_282 = arith.addi %mul3A_280, %add3A_281 : i32
          %swap3A_283 = arith.index_cast %add3A_282 : i32 to index
          %swap3A_284 = arith.constant 112 : index
          %swap3A_285 = tpu.vector_load %arg16[%swap3A_283, %swap3A_284] {strides = array<i32>} : memref<128x128xf32, #tpu.memory_space<vmem>>, vector<1x16xf32>,
          %swap3A_286 = vector.shape_cast %swap3A_285 : vector<1x16xf32> to vector<16xf32>
          %swap3A_287 = vector.shape_cast %add3A_278 : vector<16xf32> to vector<1x16xf32>
          tpu.vector_store %arg16[%swap3A_283, %swap3A_284], %swap3A_287 {strides = array<i32>} : memref<128x128xf32, #tpu.memory_space<vmem>>, vector<1x16xf32>,
          %mul3A_288 = arith.constant 2 : i32
          %mul3A_289 = arith.muli %mul3A_288, %scan3A_81 : i32
          %add3A_290 = arith.constant 1 : i32
          %add3A_291 = arith.addi %mul3A_289, %add3A_290 : i32
          %get3A_292 = arith.index_cast %add3A_291 : i32 to index
          %get3A_293 = arith.constant 0 : index
          %get3A_294 = tpu.vector_load %arg12[%get3A_292, %get3A_293] {strides = array<i32>} : memref<128x128xf32, #tpu.memory_space<vmem>>, vector<1x16xf32>,
          %get3A_295 = vector.shape_cast %get3A_294 : vector<1x16xf32> to vector<16xf32>
          %mul3A_296 = arith.constant 2 : i32
          %mul3A_297 = arith.muli %mul3A_296, %scan3A_81 : i32
          %add3A_298 = arith.constant 1 : i32
          %add3A_299 = arith.addi %mul3A_297, %add3A_298 : i32
          %get3A_300 = arith.index_cast %add3A_299 : i32 to index
          %get3A_301 = arith.constant 0 : index
          %get3A_302 = tpu.vector_load %arg14[%get3A_300, %get3A_301] {strides = array<i32>} : memref<128x128xf32, #tpu.memory_space<vmem>>, vector<1x16xf32>,
          %get3A_303 = vector.shape_cast %get3A_302 : vector<1x16xf32> to vector<16xf32>
          %add3A_304 = arith.addf %get3A_295, %get3A_303 : vector<16xf32>
          %mul3A_305 = arith.constant 2 : i32
          %mul3A_306 = arith.muli %mul3A_305, %scan3A_81 : i32
          %add3A_307 = arith.constant 1 : i32
          %add3A_308 = arith.addi %mul3A_306, %add3A_307 : i32
          %swap3A_309 = arith.index_cast %add3A_308 : i32 to index
          %swap3A_310 = arith.constant 0 : index
          %swap3A_311 = tpu.vector_load %arg16[%swap3A_309, %swap3A_310] {strides = array<i32>} : memref<128x128xf32, #tpu.memory_space<vmem>>, vector<1x16xf32>,
          %swap3A_312 = vector.shape_cast %swap3A_311 : vector<1x16xf32> to vector<16xf32>
          %swap3A_313 = vector.shape_cast %add3A_304 : vector<16xf32> to vector<1x16xf32>
          tpu.vector_store %arg16[%swap3A_309, %swap3A_310], %swap3A_313 {strides = array<i32>} : memref<128x128xf32, #tpu.memory_space<vmem>>, vector<1x16xf32>,
          %mul3A_314 = arith.constant 2 : i32
          %mul3A_315 = arith.muli %mul3A_314, %scan3A_81 : i32
          %add3A_316 = arith.constant 1 : i32
          %add3A_317 = arith.addi %mul3A_315, %add3A_316 : i32
          %get3A_318 = arith.index_cast %add3A_317 : i32 to index
          %get3A_319 = arith.constant 16 : index
          %get3A_320 = tpu.vector_load %arg12[%get3A_318, %get3A_319] {strides = array<i32>} : memref<128x128xf32, #tpu.memory_space<vmem>>, vector<1x16xf32>,
          %get3A_321 = vector.shape_cast %get3A_320 : vector<1x16xf32> to vector<16xf32>
          %mul3A_322 = arith.constant 2 : i32
          %mul3A_323 = arith.muli %mul3A_322, %scan3A_81 : i32
          %add3A_324 = arith.constant 1 : i32
          %add3A_325 = arith.addi %mul3A_323, %add3A_324 : i32
          %get3A_326 = arith.index_cast %add3A_325 : i32 to index
          %get3A_327 = arith.constant 16 : index
          %get3A_328 = tpu.vector_load %arg14[%get3A_326, %get3A_327] {strides = array<i32>} : memref<128x128xf32, #tpu.memory_space<vmem>>, vector<1x16xf32>,
          %get3A_329 = vector.shape_cast %get3A_328 : vector<1x16xf32> to vector<16xf32>
          %add3A_330 = arith.addf %get3A_321, %get3A_329 : vector<16xf32>
          %mul3A_331 = arith.constant 2 : i32
          %mul3A_332 = arith.muli %mul3A_331, %scan3A_81 : i32
          %add3A_333 = arith.constant 1 : i32
          %add3A_334 = arith.addi %mul3A_332, %add3A_333 : i32
          %swap3A_335 = arith.index_cast %add3A_334 : i32 to index
          %swap3A_336 = arith.constant 16 : index
          %swap3A_337 = tpu.vector_load %arg16[%swap3A_335, %swap3A_336] {strides = array<i32>} : memref<128x128xf32, #tpu.memory_space<vmem>>, vector<1x16xf32>,
          %swap3A_338 = vector.shape_cast %swap3A_337 : vector<1x16xf32> to vector<16xf32>
          %swap3A_339 = vector.shape_cast %add3A_330 : vector<16xf32> to vector<1x16xf32>
          tpu.vector_store %arg16[%swap3A_335, %swap3A_336], %swap3A_339 {strides = array<i32>} : memref<128x128xf32, #tpu.memory_space<vmem>>, vector<1x16xf32>,
          %mul3A_340 = arith.constant 2 : i32
          %mul3A_341 = arith.muli %mul3A_340, %scan3A_81 : i32
          %add3A_342 = arith.constant 1 : i32
          %add3A_343 = arith.addi %mul3A_341, %add3A_342 : i32
          %get3A_344 = arith.index_cast %add3A_343 : i32 to index
          %get3A_345 = arith.constant 32 : index
          %get3A_346 = tpu.vector_load %arg12[%get3A_344, %get3A_345] {strides = array<i32>} : memref<128x128xf32, #tpu.memory_space<vmem>>, vector<1x16xf32>,
          %get3A_347 = vector.shape_cast %get3A_346 : vector<1x16xf32> to vector<16xf32>
          %mul3A_348 = arith.constant 2 : i32
          %mul3A_349 = arith.muli %mul3A_348, %scan3A_81 : i32
          %add3A_350 = arith.constant 1 : i32
          %add3A_351 = arith.addi %mul3A_349, %add3A_350 : i32
          %get3A_352 = arith.index_cast %add3A_351 : i32 to index
          %get3A_353 = arith.constant 32 : index
          %get3A_354 = tpu.vector_load %arg14[%get3A_352, %get3A_353] {strides = array<i32>} : memref<128x128xf32, #tpu.memory_space<vmem>>, vector<1x16xf32>,
          %get3A_355 = vector.shape_cast %get3A_354 : vector<1x16xf32> to vector<16xf32>
          %add3A_356 = arith.addf %get3A_347, %get3A_355 : vector<16xf32>
          %mul3A_357 = arith.constant 2 : i32
          %mul3A_358 = arith.muli %mul3A_357, %scan3A_81 : i32
          %add3A_359 = arith.constant 1 : i32
          %add3A_360 = arith.addi %mul3A_358, %add3A_359 : i32
          %swap3A_361 = arith.index_cast %add3A_360 : i32 to index
          %swap3A_362 = arith.constant 32 : index
          %swap3A_363 = tpu.vector_load %arg16[%swap3A_361, %swap3A_362] {strides = array<i32>} : memref<128x128xf32, #tpu.memory_space<vmem>>, vector<1x16xf32>,
          %swap3A_364 = vector.shape_cast %swap3A_363 : vector<1x16xf32> to vector<16xf32>
          %swap3A_365 = vector.shape_cast %add3A_356 : vector<16xf32> to vector<1x16xf32>
          tpu.vector_store %arg16[%swap3A_361, %swap3A_362], %swap3A_365 {strides = array<i32>} : memref<128x128xf32, #tpu.memory_space<vmem>>, vector<1x16xf32>,
          %mul3A_366 = arith.constant 2 : i32
          %mul3A_367 = arith.muli %mul3A_366, %scan3A_81 : i32
          %add3A_368 = arith.constant 1 : i32
          %add3A_369 = arith.addi %mul3A_367, %add3A_368 : i32
          %get3A_370 = arith.index_cast %add3A_369 : i32 to index
          %get3A_371 = arith.constant 48 : index
          %get3A_372 = tpu.vector_load %arg12[%get3A_370, %get3A_371] {strides = array<i32>} : memref<128x128xf32, #tpu.memory_space<vmem>>, vector<1x16xf32>,
          %get3A_373 = vector.shape_cast %get3A_372 : vector<1x16xf32> to vector<16xf32>
          %mul3A_374 = arith.constant 2 : i32
          %mul3A_375 = arith.muli %mul3A_374, %scan3A_81 : i32
          %add3A_376 = arith.constant 1 : i32
          %add3A_377 = arith.addi %mul3A_375, %add3A_376 : i32
          %get3A_378 = arith.index_cast %add3A_377 : i32 to index
          %get3A_379 = arith.constant 48 : index
          %get3A_380 = tpu.vector_load %arg14[%get3A_378, %get3A_379] {strides = array<i32>} : memref<128x128xf32, #tpu.memory_space<vmem>>, vector<1x16xf32>,
          %get3A_381 = vector.shape_cast %get3A_380 : vector<1x16xf32> to vector<16xf32>
          %add3A_382 = arith.addf %get3A_373, %get3A_381 : vector<16xf32>
          %mul3A_383 = arith.constant 2 : i32
          %mul3A_384 = arith.muli %mul3A_383, %scan3A_81 : i32
          %add3A_385 = arith.constant 1 : i32
          %add3A_386 = arith.addi %mul3A_384, %add3A_385 : i32
          %swap3A_387 = arith.index_cast %add3A_386 : i32 to index
          %swap3A_388 = arith.constant 48 : index
          %swap3A_389 = tpu.vector_load %arg16[%swap3A_387, %swap3A_388] {strides = array<i32>} : memref<128x128xf32, #tpu.memory_space<vmem>>, vector<1x16xf32>,
          %swap3A_390 = vector.shape_cast %swap3A_389 : vector<1x16xf32> to vector<16xf32>
          %swap3A_391 = vector.shape_cast %add3A_382 : vector<16xf32> to vector<1x16xf32>
          tpu.vector_store %arg16[%swap3A_387, %swap3A_388], %swap3A_391 {strides = array<i32>} : memref<128x128xf32, #tpu.memory_space<vmem>>, vector<1x16xf32>,
          %mul3A_392 = arith.constant 2 : i32
          %mul3A_393 = arith.muli %mul3A_392, %scan3A_81 : i32
          %add3A_394 = arith.constant 1 : i32
          %add3A_395 = arith.addi %mul3A_393, %add3A_394 : i32
          %get3A_396 = arith.index_cast %add3A_395 : i32 to index
          %get3A_397 = arith.constant 64 : index
          %get3A_398 = tpu.vector_load %arg12[%get3A_396, %get3A_397] {strides = array<i32>} : memref<128x128xf32, #tpu.memory_space<vmem>>, vector<1x16xf32>,
          %get3A_399 = vector.shape_cast %get3A_398 : vector<1x16xf32> to vector<16xf32>
          %mul3A_400 = arith.constant 2 : i32
          %mul3A_401 = arith.muli %mul3A_400, %scan3A_81 : i32
          %add3A_402 = arith.constant 1 : i32
          %add3A_403 = arith.addi %mul3A_401, %add3A_402 : i32
          %get3A_404 = arith.index_cast %add3A_403 : i32 to index
          %get3A_405 = arith.constant 64 : index
          %get3A_406 = tpu.vector_load %arg14[%get3A_404, %get3A_405] {strides = array<i32>} : memref<128x128xf32, #tpu.memory_space<vmem>>, vector<1x16xf32>,
          %get3A_407 = vector.shape_cast %get3A_406 : vector<1x16xf32> to vector<16xf32>
          %add3A_408 = arith.addf %get3A_399, %get3A_407 : vector<16xf32>
          %mul3A_409 = arith.constant 2 : i32
          %mul3A_410 = arith.muli %mul3A_409, %scan3A_81 : i32
          %add3A_411 = arith.constant 1 : i32
          %add3A_412 = arith.addi %mul3A_410, %add3A_411 : i32
          %swap3A_413 = arith.index_cast %add3A_412 : i32 to index
          %swap3A_414 = arith.constant 64 : index
          %swap3A_415 = tpu.vector_load %arg16[%swap3A_413, %swap3A_414] {strides = array<i32>} : memref<128x128xf32, #tpu.memory_space<vmem>>, vector<1x16xf32>,
          %swap3A_416 = vector.shape_cast %swap3A_415 : vector<1x16xf32> to vector<16xf32>
          %swap3A_417 = vector.shape_cast %add3A_408 : vector<16xf32> to vector<1x16xf32>
          tpu.vector_store %arg16[%swap3A_413, %swap3A_414], %swap3A_417 {strides = array<i32>} : memref<128x128xf32, #tpu.memory_space<vmem>>, vector<1x16xf32>,
          %mul3A_418 = arith.constant 2 : i32
          %mul3A_419 = arith.muli %mul3A_418, %scan3A_81 : i32
          %add3A_420 = arith.constant 1 : i32
          %add3A_421 = arith.addi %mul3A_419, %add3A_420 : i32
          %get3A_422 = arith.index_cast %add3A_421 : i32 to index
          %get3A_423 = arith.constant 80 : index
          %get3A_424 = tpu.vector_load %arg12[%get3A_422, %get3A_423] {strides = array<i32>} : memref<128x128xf32, #tpu.memory_space<vmem>>, vector<1x16xf32>,
          %get3A_425 = vector.shape_cast %get3A_424 : vector<1x16xf32> to vector<16xf32>
          %mul3A_426 = arith.constant 2 : i32
          %mul3A_427 = arith.muli %mul3A_426, %scan3A_81 : i32
          %add3A_428 = arith.constant 1 : i32
          %add3A_429 = arith.addi %mul3A_427, %add3A_428 : i32
          %get3A_430 = arith.index_cast %add3A_429 : i32 to index
          %get3A_431 = arith.constant 80 : index
          %get3A_432 = tpu.vector_load %arg14[%get3A_430, %get3A_431] {strides = array<i32>} : memref<128x128xf32, #tpu.memory_space<vmem>>, vector<1x16xf32>,
          %get3A_433 = vector.shape_cast %get3A_432 : vector<1x16xf32> to vector<16xf32>
          %add3A_434 = arith.addf %get3A_425, %get3A_433 : vector<16xf32>
          %mul3A_435 = arith.constant 2 : i32
          %mul3A_436 = arith.muli %mul3A_435, %scan3A_81 : i32
          %add3A_437 = arith.constant 1 : i32
          %add3A_438 = arith.addi %mul3A_436, %add3A_437 : i32
          %swap3A_439 = arith.index_cast %add3A_438 : i32 to index
          %swap3A_440 = arith.constant 80 : index
          %swap3A_441 = tpu.vector_load %arg16[%swap3A_439, %swap3A_440] {strides = array<i32>} : memref<128x128xf32, #tpu.memory_space<vmem>>, vector<1x16xf32>,
          %swap3A_442 = vector.shape_cast %swap3A_441 : vector<1x16xf32> to vector<16xf32>
          %swap3A_443 = vector.shape_cast %add3A_434 : vector<16xf32> to vector<1x16xf32>
          tpu.vector_store %arg16[%swap3A_439, %swap3A_440], %swap3A_443 {strides = array<i32>} : memref<128x128xf32, #tpu.memory_space<vmem>>, vector<1x16xf32>,
          %mul3A_444 = arith.constant 2 : i32
          %mul3A_445 = arith.muli %mul3A_444, %scan3A_81 : i32
          %add3A_446 = arith.constant 1 : i32
          %add3A_447 = arith.addi %mul3A_445, %add3A_446 : i32
          %get3A_448 = arith.index_cast %add3A_447 : i32 to index
          %get3A_449 = arith.constant 96 : index
          %get3A_450 = tpu.vector_load %arg12[%get3A_448, %get3A_449] {strides = array<i32>} : memref<128x128xf32, #tpu.memory_space<vmem>>, vector<1x16xf32>,
          %get3A_451 = vector.shape_cast %get3A_450 : vector<1x16xf32> to vector<16xf32>
          %mul3A_452 = arith.constant 2 : i32
          %mul3A_453 = arith.muli %mul3A_452, %scan3A_81 : i32
          %add3A_454 = arith.constant 1 : i32
          %add3A_455 = arith.addi %mul3A_453, %add3A_454 : i32
          %get3A_456 = arith.index_cast %add3A_455 : i32 to index
          %get3A_457 = arith.constant 96 : index
          %get3A_458 = tpu.vector_load %arg14[%get3A_456, %get3A_457] {strides = array<i32>} : memref<128x128xf32, #tpu.memory_space<vmem>>, vector<1x16xf32>,
          %get3A_459 = vector.shape_cast %get3A_458 : vector<1x16xf32> to vector<16xf32>
          %add3A_460 = arith.addf %get3A_451, %get3A_459 : vector<16xf32>
          %mul3A_461 = arith.constant 2 : i32
          %mul3A_462 = arith.muli %mul3A_461, %scan3A_81 : i32
          %add3A_463 = arith.constant 1 : i32
          %add3A_464 = arith.addi %mul3A_462, %add3A_463 : i32
          %swap3A_465 = arith.index_cast %add3A_464 : i32 to index
          %swap3A_466 = arith.constant 96 : index
          %swap3A_467 = tpu.vector_load %arg16[%swap3A_465, %swap3A_466] {strides = array<i32>} : memref<128x128xf32, #tpu.memory_space<vmem>>, vector<1x16xf32>,
          %swap3A_468 = vector.shape_cast %swap3A_467 : vector<1x16xf32> to vector<16xf32>
          %swap3A_469 = vector.shape_cast %add3A_460 : vector<16xf32> to vector<1x16xf32>
          tpu.vector_store %arg16[%swap3A_465, %swap3A_466], %swap3A_469 {strides = array<i32>} : memref<128x128xf32, #tpu.memory_space<vmem>>, vector<1x16xf32>,
          %mul3A_470 = arith.constant 2 : i32
          %mul3A_471 = arith.muli %mul3A_470, %scan3A_81 : i32
          %add3A_472 = arith.constant 1 : i32
          %add3A_473 = arith.addi %mul3A_471, %add3A_472 : i32
          %get3A_474 = arith.index_cast %add3A_473 : i32 to index
          %get3A_475 = arith.constant 112 : index
          %get3A_476 = tpu.vector_load %arg12[%get3A_474, %get3A_475] {strides = array<i32>} : memref<128x128xf32, #tpu.memory_space<vmem>>, vector<1x16xf32>,
          %get3A_477 = vector.shape_cast %get3A_476 : vector<1x16xf32> to vector<16xf32>
          %mul3A_478 = arith.constant 2 : i32
          %mul3A_479 = arith.muli %mul3A_478, %scan3A_81 : i32
          %add3A_480 = arith.constant 1 : i32
          %add3A_481 = arith.addi %mul3A_479, %add3A_480 : i32
          %get3A_482 = arith.index_cast %add3A_481 : i32 to index
          %get3A_483 = arith.constant 112 : index
          %get3A_484 = tpu.vector_load %arg14[%get3A_482, %get3A_483] {strides = array<i32>} : memref<128x128xf32, #tpu.memory_space<vmem>>, vector<1x16xf32>,
          %get3A_485 = vector.shape_cast %get3A_484 : vector<1x16xf32> to vector<16xf32>
          %add3A_486 = arith.addf %get3A_477, %get3A_485 : vector<16xf32>
          %mul3A_487 = arith.constant 2 : i32
          %mul3A_488 = arith.muli %mul3A_487, %scan3A_81 : i32
          %add3A_489 = arith.constant 1 : i32
          %add3A_490 = arith.addi %mul3A_488, %add3A_489 : i32
          %swap3A_491 = arith.index_cast %add3A_490 : i32 to index
          %swap3A_492 = arith.constant 112 : index
          %swap3A_493 = tpu.vector_load %arg16[%swap3A_491, %swap3A_492] {strides = array<i32>} : memref<128x128xf32, #tpu.memory_space<vmem>>, vector<1x16xf32>,
          %swap3A_494 = vector.shape_cast %swap3A_493 : vector<1x16xf32> to vector<16xf32>
          %swap3A_495 = vector.shape_cast %add3A_486 : vector<16xf32> to vector<1x16xf32>
          tpu.vector_store %arg16[%swap3A_491, %swap3A_492], %swap3A_495 {strides = array<i32>} : memref<128x128xf32, #tpu.memory_space<vmem>>, vector<1x16xf32>,
        }
        %scan3A_73 = arith.constant 64 : i32
        %add3A_74 = arith.addi %select_n3A_8, %add3A_57 : i32
        %mul3A_75 = arith.constant 128 : i32
        %mul3A_76 = arith.muli %add3A_74, %mul3A_75 : i32
        %dma_start3A_77 = arith.constant 0 : i32
        %dma_start3A_78 = tpu.memref_slice %arg6[%mul3A_76, %dma_start3A_77] : memref<163840x128xf32, #tpu.memory_space<hbm>> -> memref<128x128xf32, #tpu.memory_space<hbm>>
        %dma_start3A_79 = arith.constant 0 : i32
        %dma_start3A_80 = tpu.memref_slice %arg6[%mul3A_76, %dma_start3A_79] : memref<163840x128xf32, #tpu.memory_space<hbm>> -> memref<128x128xf32, #tpu.memory_space<hbm>>
        tpu.enqueue_dma source(%arg16 : memref<128x128xf32, #tpu.memory_space<vmem>>) target(%dma_start3A_80 : memref<128x128xf32, #tpu.memory_space<hbm>>) target_semaphore(%arg22 : memref<!tpu.dma_semaphore, #tpu.memory_space<semaphore_mem>>)
      } else {
      }
    }
    %scan3A_22 = arith.constant 20 : i32
    %mul3A_23 = arith.constant 128 : i32
    %mul3A_24 = arith.muli %select_n3A_8, %mul3A_23 : i32
    %dma_wait3A = arith.constant 0 : i32
    %dma_wait3A_25 = tpu.memref_slice %arg6[%mul3A_24, %dma_wait3A] : memref<163840x128xf32, #tpu.memory_space<hbm>> -> memref<128x128xf32, #tpu.memory_space<hbm>>
    %dma_wait3A_26 = arith.constant 0 : i32
    %dma_wait3A_27 = tpu.memref_slice %arg6[%mul3A_24, %dma_wait3A_26] : memref<163840x128xf32, #tpu.memory_space<hbm>> -> memref<128x128xf32, #tpu.memory_space<hbm>>
    tpu.wait_dma2 semaphore(%arg21 : memref<!tpu.dma_semaphore, #tpu.memory_space<semaphore_mem>>) src(%arg15 : memref<128x128xf32, #tpu.memory_space<vmem>>) dst(%dma_wait3A_27 : memref<128x128xf32, #tpu.memory_space<hbm>>)
    %mul3A_28 = arith.constant 128 : i32
    %mul3A_29 = arith.muli %select_n3A_8, %mul3A_28 : i32
    %dma_wait3A_30 = arith.constant 0 : i32
    %dma_wait3A_31 = tpu.memref_slice %arg6[%mul3A_29, %dma_wait3A_30] : memref<163840x128xf32, #tpu.memory_space<hbm>> -> memref<128x128xf32, #tpu.memory_space<hbm>>
    %dma_wait3A_32 = arith.constant 0 : i32
    %dma_wait3A_33 = tpu.memref_slice %arg6[%mul3A_29, %dma_wait3A_32] : memref<163840x128xf32, #tpu.memory_space<hbm>> -> memref<128x128xf32, #tpu.memory_space<hbm>>
    tpu.wait_dma2 semaphore(%arg22 : memref<!tpu.dma_semaphore, #tpu.memory_space<semaphore_mem>>) src(%arg16 : memref<128x128xf32, #tpu.memory_space<vmem>>) dst(%dma_wait3A_33 : memref<128x128xf32, #tpu.memory_space<hbm>>)
    return
  }
}

#map = affine_map<(d0, d1) -> (0, 0)>
#map1 = affine_map<(d0, d1) -> (0)>
module attributes {stable_mosaic.version = 14 : i64} {
  func.func @k(%arg0: i32, %arg1: i32, %arg2: memref<163840x128xf32, #tpu.memory_space<hbm>>, %arg3: memref<163840xi32, #tpu.memory_space<hbm>>, %arg4: memref<640x128xf32, #tpu.memory_space<hbm>>, %arg5: memref<20480x128xf32, #tpu.memory_space<hbm>>, %arg6: memref<128xi32, #tpu.memory_space<vmem>>, %arg7: memref<128xi32, #tpu.memory_space<vmem>>, %arg8: memref<128x128xf32, #tpu.memory_space<vmem>>, %arg9: memref<128x128xf32, #tpu.memory_space<vmem>>, %arg10: memref<!tpu.dma_semaphore, #tpu.memory_space<semaphore_mem>>, %arg11: memref<!tpu.dma_semaphore, #tpu.memory_space<semaphore_mem>>, %arg12: memref<!tpu.dma_semaphore, #tpu.memory_space<semaphore_mem>>, %arg13: memref<!tpu.dma_semaphore, #tpu.memory_space<semaphore_mem>>, %arg14: memref<10240x128xf32, #tpu.memory_space<vmem_shared>>) attributes {dimension_semantics = [#tpu.dimension_semantics<core_parallel>, #tpu.dimension_semantics<subcore_parallel>], iteration_bounds = array<i64: 2, 16>, scalar_prefetch = 0 : i64, scratch_operands = 9 : i64, tpu.core_type = #tpu.core_type<sc_vector_subcore>, window_params = [{transform_indices = #map}, {transform_indices = #map1}, {transform_indices = #map}, {transform_indices = #map}]} {
    %mul3A = arith.constant 2 : i32
    %mul3A_0 = arith.muli %arg1, %mul3A : i32
    %add3A = arith.addi %mul3A_0, %arg0 : i32
    %mul3A_1 = arith.constant 5120 : i32
    %mul3A_2 = arith.muli %add3A, %mul3A_1 : i32
    %mul3A_3 = arith.constant 640 : i32
    %mul3A_4 = arith.muli %arg1, %mul3A_3 : i32
    "tpu.region"() ({
      %run_scoped3A = tpu.sem_alloc : memref<!tpu.dma_semaphore, #tpu.memory_space<semaphore_mem>>
      %dma_start3A_25 = arith.constant 0 : i32
      %dma_start3A_26 = tpu.memref_slice %arg14[%mul3A_4, %dma_start3A_25] : memref<10240x128xf32, #tpu.memory_space<vmem_shared>> -> memref<640x128xf32, #tpu.memory_space<vmem_shared>>
      tpu.enqueue_dma source(%arg4 : memref<640x128xf32, #tpu.memory_space<hbm>>) target(%dma_start3A_26 : memref<640x128xf32, #tpu.memory_space<vmem_shared>>) target_semaphore(%run_scoped3A : memref<!tpu.dma_semaphore, #tpu.memory_space<semaphore_mem>>)
      %dma_wait3A = arith.constant 0 : i32
      %dma_wait3A_27 = tpu.memref_slice %arg14[%mul3A_4, %dma_wait3A] : memref<10240x128xf32, #tpu.memory_space<vmem_shared>> -> memref<640x128xf32, #tpu.memory_space<vmem_shared>>
      tpu.wait_dma2 semaphore(%run_scoped3A : memref<!tpu.dma_semaphore, #tpu.memory_space<semaphore_mem>>) src(%arg4 : memref<640x128xf32, #tpu.memory_space<hbm>>) dst(%dma_wait3A_27 : memref<640x128xf32, #tpu.memory_space<vmem_shared>>)
      tpu.yield
    }) : () -> ()
    %barrier3A = arith.constant 0 : index
    tpu.barrier barrier_id(%barrier3A)
    %add3A_5 = arith.constant 0 : i32
    %add3A_6 = arith.addi %mul3A_2, %add3A_5 : i32
    %dma_start3A = tpu.memref_slice %arg3[%add3A_6] : memref<163840xi32, #tpu.memory_space<hbm>> -> memref<128xi32, #tpu.memory_space<hbm>>
    %dma_start3A_7 = tpu.memref_slice %arg3[%add3A_6] : memref<163840xi32, #tpu.memory_space<hbm>> -> memref<128xi32, #tpu.memory_space<hbm>>
    tpu.enqueue_dma source(%dma_start3A_7 : memref<128xi32, #tpu.memory_space<hbm>>) target(%arg6 : memref<128xi32, #tpu.memory_space<vmem>>) target_semaphore(%arg10 : memref<!tpu.dma_semaphore, #tpu.memory_space<semaphore_mem>>)
    %dma_start3A_8 = arith.constant 0 : i32
    %dma_start3A_9 = tpu.memref_slice %arg2[%add3A_6, %dma_start3A_8] : memref<163840x128xf32, #tpu.memory_space<hbm>> -> memref<128x128xf32, #tpu.memory_space<hbm>>
    %dma_start3A_10 = arith.constant 0 : i32
    %dma_start3A_11 = tpu.memref_slice %arg2[%add3A_6, %dma_start3A_10] : memref<163840x128xf32, #tpu.memory_space<hbm>> -> memref<128x128xf32, #tpu.memory_space<hbm>>
    tpu.enqueue_dma source(%dma_start3A_11 : memref<128x128xf32, #tpu.memory_space<hbm>>) target(%arg8 : memref<128x128xf32, #tpu.memory_space<vmem>>) target_semaphore(%arg12 : memref<!tpu.dma_semaphore, #tpu.memory_space<semaphore_mem>>)
    %scan3A = arith.constant 0 : i32
    %scan3A_12 = arith.constant 0 : i32
    %scan3A_13 = arith.constant 20 : i32
    %scan3A_14 = arith.addi %scan3A_12, %scan3A_13 : i32
    %scan3A_15 = arith.constant 1 : i32
    scf.for %scan3A_25 = %scan3A_12 to %scan3A_14 step %scan3A_15  : i32 {
      %mul3A_26 = arith.constant 2 : i32
      %mul3A_27 = arith.muli %mul3A_26, %scan3A_25 : i32
      %add3A_28 = arith.constant 1 : i32
      %add3A_29 = arith.addi %mul3A_27, %add3A_28 : i32
      %lt3A = arith.constant 40 : i32
      %lt3A_30 = arith.cmpi slt, %add3A_29, %lt3A : i32
      %convert_element_type3A = arith.extui %lt3A_30 : i1 to i32
      %cond3A = arith.constant 0 : i32
      %cond3A_31 = arith.cmpi ne, %convert_element_type3A, %cond3A : i32
      scf.if %cond3A_31 {
        %add3A_51 = arith.constant 1 : i32
        %add3A_52 = arith.addi %mul3A_27, %add3A_51 : i32
        %mul3A_53 = arith.constant 128 : i32
        %mul3A_54 = arith.muli %add3A_52, %mul3A_53 : i32
        %add3A_55 = arith.addi %mul3A_2, %mul3A_54 : i32
        %dma_start3A_56 = tpu.memref_slice %arg3[%add3A_55] : memref<163840xi32, #tpu.memory_space<hbm>> -> memref<128xi32, #tpu.memory_space<hbm>>
        %dma_start3A_57 = tpu.memref_slice %arg3[%add3A_55] : memref<163840xi32, #tpu.memory_space<hbm>> -> memref<128xi32, #tpu.memory_space<hbm>>
        tpu.enqueue_dma source(%dma_start3A_57 : memref<128xi32, #tpu.memory_space<hbm>>) target(%arg7 : memref<128xi32, #tpu.memory_space<vmem>>) target_semaphore(%arg11 : memref<!tpu.dma_semaphore, #tpu.memory_space<semaphore_mem>>)
        %dma_start3A_58 = arith.constant 0 : i32
        %dma_start3A_59 = tpu.memref_slice %arg2[%add3A_55, %dma_start3A_58] : memref<163840x128xf32, #tpu.memory_space<hbm>> -> memref<128x128xf32, #tpu.memory_space<hbm>>
        %dma_start3A_60 = arith.constant 0 : i32
        %dma_start3A_61 = tpu.memref_slice %arg2[%add3A_55, %dma_start3A_60] : memref<163840x128xf32, #tpu.memory_space<hbm>> -> memref<128x128xf32, #tpu.memory_space<hbm>>
        tpu.enqueue_dma source(%dma_start3A_61 : memref<128x128xf32, #tpu.memory_space<hbm>>) target(%arg9 : memref<128x128xf32, #tpu.memory_space<vmem>>) target_semaphore(%arg13 : memref<!tpu.dma_semaphore, #tpu.memory_space<semaphore_mem>>)
      } else {
      }
      %dma_wait3A = tpu.memref_slice %arg3[%mul3A_2] : memref<163840xi32, #tpu.memory_space<hbm>> -> memref<128xi32, #tpu.memory_space<hbm>>
      %dma_wait3A_32 = tpu.memref_slice %arg3[%mul3A_2] : memref<163840xi32, #tpu.memory_space<hbm>> -> memref<128xi32, #tpu.memory_space<hbm>>
      tpu.wait_dma2 semaphore(%arg10 : memref<!tpu.dma_semaphore, #tpu.memory_space<semaphore_mem>>) src(%dma_wait3A_32 : memref<128xi32, #tpu.memory_space<hbm>>) dst(%arg6 : memref<128xi32, #tpu.memory_space<vmem>>)
      %dma_wait3A_33 = arith.constant 0 : i32
      %dma_wait3A_34 = tpu.memref_slice %arg2[%mul3A_2, %dma_wait3A_33] : memref<163840x128xf32, #tpu.memory_space<hbm>> -> memref<128x128xf32, #tpu.memory_space<hbm>>
      %dma_wait3A_35 = arith.constant 0 : i32
      %dma_wait3A_36 = tpu.memref_slice %arg2[%mul3A_2, %dma_wait3A_35] : memref<163840x128xf32, #tpu.memory_space<hbm>> -> memref<128x128xf32, #tpu.memory_space<hbm>>
      tpu.wait_dma2 semaphore(%arg12 : memref<!tpu.dma_semaphore, #tpu.memory_space<semaphore_mem>>) src(%dma_wait3A_36 : memref<128x128xf32, #tpu.memory_space<hbm>>) dst(%arg8 : memref<128x128xf32, #tpu.memory_space<vmem>>)
      "tpu.region"() ({
        %run_scoped3A = tpu.sem_alloc : memref<!tpu.dma_semaphore, #tpu.memory_space<semaphore_mem>>
        %dma_start3A_51 = arith.constant 0 : i32
        %dma_start3A_52 = arith.constant 0 : i32
        %dma_start3A_53 = tpu.memref_slice %arg14[%dma_start3A_51, %dma_start3A_52] : memref<10240x128xf32, #tpu.memory_space<vmem_shared>> -> memref<10240x128xf32, #tpu.memory_space<vmem_shared>>
        tpu.enqueue_indirect_dma source(%arg8 : memref<128x128xf32, #tpu.memory_space<vmem>>) target(%dma_start3A_53 : memref<10240x128xf32, #tpu.memory_space<vmem_shared>>) offsets(%arg6 : memref<128xi32, #tpu.memory_space<vmem>>) semaphore(%run_scoped3A : memref<!tpu.dma_semaphore, #tpu.memory_space<semaphore_mem>>) {add = true}
        %dma_wait3A_54 = arith.constant 0 : i32
        %dma_wait3A_55 = arith.constant 0 : i32
        %dma_wait3A_56 = tpu.memref_slice %arg14[%dma_wait3A_54, %dma_wait3A_55] : memref<10240x128xf32, #tpu.memory_space<vmem_shared>> -> memref<10240x128xf32, #tpu.memory_space<vmem_shared>>
        tpu.wait_indirect_dma semaphore(%run_scoped3A : memref<!tpu.dma_semaphore, #tpu.memory_space<semaphore_mem>>) src(%arg8 : memref<128x128xf32, #tpu.memory_space<vmem>>) dst(%dma_wait3A_56 : memref<10240x128xf32, #tpu.memory_space<vmem_shared>>)
        tpu.yield
      }) : () -> ()
      %add3A_37 = arith.constant 2 : i32
      %add3A_38 = arith.addi %mul3A_27, %add3A_37 : i32
      %lt3A_39 = arith.constant 40 : i32
      %lt3A_40 = arith.cmpi slt, %add3A_38, %lt3A_39 : i32
      %convert_element_type3A_41 = arith.extui %lt3A_40 : i1 to i32
      %cond3A_42 = arith.constant 0 : i32
      %cond3A_43 = arith.cmpi ne, %convert_element_type3A_41, %cond3A_42 : i32
      scf.if %cond3A_43 {
        %add3A_51 = arith.constant 2 : i32
        %add3A_52 = arith.addi %mul3A_27, %add3A_51 : i32
        %mul3A_53 = arith.constant 128 : i32
        %mul3A_54 = arith.muli %add3A_52, %mul3A_53 : i32
        %add3A_55 = arith.addi %mul3A_2, %mul3A_54 : i32
        %dma_start3A_56 = tpu.memref_slice %arg3[%add3A_55] : memref<163840xi32, #tpu.memory_space<hbm>> -> memref<128xi32, #tpu.memory_space<hbm>>
        %dma_start3A_57 = tpu.memref_slice %arg3[%add3A_55] : memref<163840xi32, #tpu.memory_space<hbm>> -> memref<128xi32, #tpu.memory_space<hbm>>
        tpu.enqueue_dma source(%dma_start3A_57 : memref<128xi32, #tpu.memory_space<hbm>>) target(%arg6 : memref<128xi32, #tpu.memory_space<vmem>>) target_semaphore(%arg10 : memref<!tpu.dma_semaphore, #tpu.memory_space<semaphore_mem>>)
        %dma_start3A_58 = arith.constant 0 : i32
        %dma_start3A_59 = tpu.memref_slice %arg2[%add3A_55, %dma_start3A_58] : memref<163840x128xf32, #tpu.memory_space<hbm>> -> memref<128x128xf32, #tpu.memory_space<hbm>>
        %dma_start3A_60 = arith.constant 0 : i32
        %dma_start3A_61 = tpu.memref_slice %arg2[%add3A_55, %dma_start3A_60] : memref<163840x128xf32, #tpu.memory_space<hbm>> -> memref<128x128xf32, #tpu.memory_space<hbm>>
        tpu.enqueue_dma source(%dma_start3A_61 : memref<128x128xf32, #tpu.memory_space<hbm>>) target(%arg8 : memref<128x128xf32, #tpu.memory_space<vmem>>) target_semaphore(%arg12 : memref<!tpu.dma_semaphore, #tpu.memory_space<semaphore_mem>>)
      } else {
      }
      %add3A_44 = arith.constant 1 : i32
      %add3A_45 = arith.addi %mul3A_27, %add3A_44 : i32
      %lt3A_46 = arith.constant 40 : i32
      %lt3A_47 = arith.cmpi slt, %add3A_45, %lt3A_46 : i32
      %convert_element_type3A_48 = arith.extui %lt3A_47 : i1 to i32
      %cond3A_49 = arith.constant 0 : i32
      %cond3A_50 = arith.cmpi ne, %convert_element_type3A_48, %cond3A_49 : i32
      scf.if %cond3A_50 {
        %add3A_51 = arith.constant 1 : i32
        %add3A_52 = arith.addi %mul3A_27, %add3A_51 : i32
        %dma_wait3A_53 = tpu.memref_slice %arg3[%mul3A_2] : memref<163840xi32, #tpu.memory_space<hbm>> -> memref<128xi32, #tpu.memory_space<hbm>>
        %dma_wait3A_54 = tpu.memref_slice %arg3[%mul3A_2] : memref<163840xi32, #tpu.memory_space<hbm>> -> memref<128xi32, #tpu.memory_space<hbm>>
        tpu.wait_dma2 semaphore(%arg11 : memref<!tpu.dma_semaphore, #tpu.memory_space<semaphore_mem>>) src(%dma_wait3A_54 : memref<128xi32, #tpu.memory_space<hbm>>) dst(%arg7 : memref<128xi32, #tpu.memory_space<vmem>>)
        %dma_wait3A_55 = arith.constant 0 : i32
        %dma_wait3A_56 = tpu.memref_slice %arg2[%mul3A_2, %dma_wait3A_55] : memref<163840x128xf32, #tpu.memory_space<hbm>> -> memref<128x128xf32, #tpu.memory_space<hbm>>
        %dma_wait3A_57 = arith.constant 0 : i32
        %dma_wait3A_58 = tpu.memref_slice %arg2[%mul3A_2, %dma_wait3A_57] : memref<163840x128xf32, #tpu.memory_space<hbm>> -> memref<128x128xf32, #tpu.memory_space<hbm>>
        tpu.wait_dma2 semaphore(%arg13 : memref<!tpu.dma_semaphore, #tpu.memory_space<semaphore_mem>>) src(%dma_wait3A_58 : memref<128x128xf32, #tpu.memory_space<hbm>>) dst(%arg9 : memref<128x128xf32, #tpu.memory_space<vmem>>)
        "tpu.region"() ({
          %run_scoped3A = tpu.sem_alloc : memref<!tpu.dma_semaphore, #tpu.memory_space<semaphore_mem>>
          %dma_start3A_59 = arith.constant 0 : i32
          %dma_start3A_60 = arith.constant 0 : i32
          %dma_start3A_61 = tpu.memref_slice %arg14[%dma_start3A_59, %dma_start3A_60] : memref<10240x128xf32, #tpu.memory_space<vmem_shared>> -> memref<10240x128xf32, #tpu.memory_space<vmem_shared>>
          tpu.enqueue_indirect_dma source(%arg9 : memref<128x128xf32, #tpu.memory_space<vmem>>) target(%dma_start3A_61 : memref<10240x128xf32, #tpu.memory_space<vmem_shared>>) offsets(%arg7 : memref<128xi32, #tpu.memory_space<vmem>>) semaphore(%run_scoped3A : memref<!tpu.dma_semaphore, #tpu.memory_space<semaphore_mem>>) {add = true}
          %dma_wait3A_62 = arith.constant 0 : i32
          %dma_wait3A_63 = arith.constant 0 : i32
          %dma_wait3A_64 = tpu.memref_slice %arg14[%dma_wait3A_62, %dma_wait3A_63] : memref<10240x128xf32, #tpu.memory_space<vmem_shared>> -> memref<10240x128xf32, #tpu.memory_space<vmem_shared>>
          tpu.wait_indirect_dma semaphore(%run_scoped3A : memref<!tpu.dma_semaphore, #tpu.memory_space<semaphore_mem>>) src(%arg9 : memref<128x128xf32, #tpu.memory_space<vmem>>) dst(%dma_wait3A_64 : memref<10240x128xf32, #tpu.memory_space<vmem_shared>>)
          tpu.yield
        }) : () -> ()
      } else {
      }
    }
    %scan3A_16 = arith.constant 20 : i32
    %barrier3A_17 = arith.constant 0 : index
    tpu.barrier barrier_id(%barrier3A_17)
    %mul3A_18 = arith.constant 640 : i32
    %mul3A_19 = arith.muli %arg1, %mul3A_18 : i32
    %mul3A_20 = arith.constant 10240 : i32
    %mul3A_21 = arith.muli %arg0, %mul3A_20 : i32
    %mul3A_22 = arith.constant 640 : i32
    %mul3A_23 = arith.muli %arg1, %mul3A_22 : i32
    %add3A_24 = arith.addi %mul3A_21, %mul3A_23 : i32
    "tpu.region"() ({
      %run_scoped3A = tpu.sem_alloc : memref<!tpu.dma_semaphore, #tpu.memory_space<semaphore_mem>>
      %dma_start3A_25 = arith.constant 0 : i32
      %dma_start3A_26 = tpu.memref_slice %arg5[%add3A_24, %dma_start3A_25] : memref<20480x128xf32, #tpu.memory_space<hbm>> -> memref<640x128xf32, #tpu.memory_space<hbm>>
      %dma_start3A_27 = arith.constant 0 : i32
      %dma_start3A_28 = tpu.memref_slice %arg14[%mul3A_19, %dma_start3A_27] : memref<10240x128xf32, #tpu.memory_space<vmem_shared>> -> memref<640x128xf32, #tpu.memory_space<vmem_shared>>
      tpu.enqueue_dma source(%dma_start3A_28 : memref<640x128xf32, #tpu.memory_space<vmem_shared>>) target(%dma_start3A_26 : memref<640x128xf32, #tpu.memory_space<hbm>>) target_semaphore(%run_scoped3A : memref<!tpu.dma_semaphore, #tpu.memory_space<semaphore_mem>>)
      %dma_wait3A = arith.constant 0 : i32
      %dma_wait3A_29 = tpu.memref_slice %arg5[%add3A_24, %dma_wait3A] : memref<20480x128xf32, #tpu.memory_space<hbm>> -> memref<640x128xf32, #tpu.memory_space<hbm>>
      %dma_wait3A_30 = arith.constant 0 : i32
      %dma_wait3A_31 = tpu.memref_slice %arg14[%mul3A_19, %dma_wait3A_30] : memref<10240x128xf32, #tpu.memory_space<vmem_shared>> -> memref<640x128xf32, #tpu.memory_space<vmem_shared>>
      tpu.wait_dma2 semaphore(%run_scoped3A : memref<!tpu.dma_semaphore, #tpu.memory_space<semaphore_mem>>) src(%dma_wait3A_31 : memref<640x128xf32, #tpu.memory_space<vmem_shared>>) dst(%dma_wait3A_29 : memref<640x128xf32, #tpu.memory_space<hbm>>)
      tpu.yield
    }) : () -> ()
    return
  }
}

module attributes {stable_mosaic.version = 14 : i64} {
  func.func @_t1_body(%arg0: i32, %arg1: memref<80x128xf32, #tpu.memory_space<vmem>>, %arg2: memref<80x1xi32, #tpu.memory_space<vmem>>, %arg3: memref<16x128xf32, #tpu.memory_space<vmem>>, %arg4: memref<128x128xf32, #tpu.memory_space<vmem>>, %arg5: memref<1x128xf32, #tpu.memory_space<vmem>>, %arg6: memref<128x128xf32, #tpu.memory_space<vmem>>, %arg7: memref<1x128xf32, #tpu.memory_space<vmem>>, %arg8: memref<128x128xf32, #tpu.memory_space<vmem>>, %arg9: memref<128x128xf32, #tpu.memory_space<vmem>>, %arg10: memref<80x128xf32, #tpu.memory_space<vmem>>, %arg11: memref<80x128xf32, #tpu.memory_space<vmem>>, %arg12: memref<1x1x16xf32, #tpu.memory_space<vmem>>) attributes {dimension_semantics = [#tpu.dimension_semantics<arbitrary>], iteration_bounds = array<i64: 125>, scalar_prefetch = 0 : i64, scratch_operands = 0 : i64, tpu.core_type = #tpu.core_type<tc>, window_params = [{transform_indices = @transform_0, window_bounds = array<i64: 80, 128>}, {transform_indices = @transform_1, window_bounds = array<i64: 80, 1>}, {pipeline_mode = #tpu.pipeline_mode<synchronous>, transform_indices = @transform_2, window_bounds = array<i64: 16, 128>}, {pipeline_mode = #tpu.pipeline_mode<synchronous>, transform_indices = @transform_3, window_bounds = array<i64: 128, 128>}, {pipeline_mode = #tpu.pipeline_mode<synchronous>, transform_indices = @transform_4, window_bounds = array<i64: 1, 128>}, {pipeline_mode = #tpu.pipeline_mode<synchronous>, transform_indices = @transform_5, window_bounds = array<i64: 128, 128>}, {pipeline_mode = #tpu.pipeline_mode<synchronous>, transform_indices = @transform_6, window_bounds = array<i64: 1, 128>}, {pipeline_mode = #tpu.pipeline_mode<synchronous>, transform_indices = @transform_7, window_bounds = array<i64: 128, 128>}, {pipeline_mode = #tpu.pipeline_mode<synchronous>, transform_indices = @transform_8, window_bounds = array<i64: 128, 128>}, {transform_indices = @transform_9, window_bounds = array<i64: 80, 128>}, {transform_indices = @transform_10, window_bounds = array<i64: 80, 128>}, {transform_indices = @transform_11, window_bounds = array<i64: 1, 1, 16>}]} {
    %get3A = arith.constant 0 : index
    %get3A_0 = arith.constant 0 : index
    %get3A_1 = vector.load %arg3[%get3A, %get3A_0] : memref<16x128xf32, #tpu.memory_space<vmem>>, vector<16x128xf32>
    %get3A_2 = arith.constant 0 : index
    %get3A_3 = arith.constant 0 : index
    %get3A_4 = vector.load %arg4[%get3A_2, %get3A_3] : memref<128x128xf32, #tpu.memory_space<vmem>>, vector<128x128xf32>
    %dot_general3A = arith.constant dense<0.000000e+00> : vector<16x128xf32>
    %dot_general3A_5 = tpu.matmul %get3A_1, %get3A_4, %dot_general3A {dimension_numbers = #tpu.dot_dimension_numbers<[1], [0], [0], [1], [0, 0, 1, 1], [], []>, transpose_lhs_hint = false} : vector<16x128xf32>, vector<128x128xf32>, vector<16x128xf32> -> vector<16x128xf32>
    %add3A = arith.constant 1.000000e+00 : f32
    %add3A_6 = vector.broadcast %add3A : f32 to vector<16x128xf32>
    %add3A_7 = arith.addf %add3A_6, %dot_general3A_5 : vector<16x128xf32>
    %get3A_8 = arith.constant 0 : index
    %get3A_9 = arith.constant 0 : index
    %get3A_10 = vector.load %arg5[%get3A_8, %get3A_9] : memref<1x128xf32, #tpu.memory_space<vmem>>, vector<1x128xf32>
    %add3A_11 = vector.broadcast %get3A_10 : vector<1x128xf32> to vector<16x128xf32>
    %add3A_12 = arith.addf %add3A_7, %add3A_11 : vector<16x128xf32>
    %get3A_13 = arith.constant 0 : index
    %get3A_14 = arith.constant 0 : index
    %get3A_15 = vector.load %arg6[%get3A_13, %get3A_14] : memref<128x128xf32, #tpu.memory_space<vmem>>, vector<128x128xf32>
    %dot_general3A_16 = arith.constant dense<0.000000e+00> : vector<16x128xf32>
    %dot_general3A_17 = tpu.matmul %get3A_1, %get3A_15, %dot_general3A_16 {dimension_numbers = #tpu.dot_dimension_numbers<[1], [0], [0], [1], [0, 0, 1, 1], [], []>, transpose_lhs_hint = false} : vector<16x128xf32>, vector<128x128xf32>, vector<16x128xf32> -> vector<16x128xf32>
    %get3A_18 = arith.constant 0 : index
    %get3A_19 = arith.constant 0 : index
    %get3A_20 = vector.load %arg7[%get3A_18, %get3A_19] : memref<1x128xf32, #tpu.memory_space<vmem>>, vector<1x128xf32>
    %add3A_21 = vector.broadcast %get3A_20 : vector<1x128xf32> to vector<16x128xf32>
    %add3A_22 = arith.addf %dot_general3A_17, %add3A_21 : vector<16x128xf32>
    %get3A_23 = arith.constant 0 : index
    %get3A_24 = arith.constant 0 : index
    %get3A_25 = vector.load %arg2[%get3A_23, %get3A_24] : memref<80x1xi32, #tpu.memory_space<vmem>>, vector<80x1xi32>
    %iota3A = tpu.iota {dimensions = array<i32: 1>} : vector<80x16xi32>
    %eq3A = vector.broadcast %get3A_25 : vector<80x1xi32> to vector<80x16xi32>
    %eq3A_26 = arith.cmpi eq, %eq3A, %iota3A : vector<80x16xi32>
    %convert_element_type3A = arith.extui %eq3A_26 : vector<80x16xi1> to vector<80x16xi32>
    %convert_element_type3A_27 = arith.sitofp %convert_element_type3A : vector<80x16xi32> to vector<80x16xf32>
    %get3A_28 = arith.constant 0 : index
    %get3A_29 = arith.constant 0 : index
    %get3A_30 = vector.load %arg1[%get3A_28, %get3A_29] : memref<80x128xf32, #tpu.memory_space<vmem>>, vector<80x128xf32>
    %reduce_sum3A = arith.constant dense<0.000000e+00> : vector<80xf32>
    %reduce_sum3A_31 = vector.multi_reduction <add>, %get3A_30, %reduce_sum3A [1] : vector<80x128xf32> to vector<80xf32>
    %broadcast_in_dim3A = vector.shape_cast %reduce_sum3A_31 : vector<80xf32> to vector<80x1xf32>
    %div3A = arith.constant 1.280000e+02 : f32
    %div3A_32 = vector.broadcast %div3A : f32 to vector<80x1xf32>
    %div3A_33 = arith.divf %broadcast_in_dim3A, %div3A_32 : vector<80x1xf32>
    %sub3A = vector.broadcast %div3A_33 : vector<80x1xf32> to vector<80x128xf32>
    %sub3A_34 = arith.subf %get3A_30, %sub3A : vector<80x128xf32>
    %mul3A = arith.mulf %sub3A_34, %sub3A_34 : vector<80x128xf32>
    %reduce_sum3A_35 = arith.constant dense<0.000000e+00> : vector<80xf32>
    %reduce_sum3A_36 = vector.multi_reduction <add>, %mul3A, %reduce_sum3A_35 [1] : vector<80x128xf32> to vector<80xf32>
    %broadcast_in_dim3A_37 = vector.shape_cast %reduce_sum3A_36 : vector<80xf32> to vector<80x1xf32>
    %div3A_38 = arith.constant 1.280000e+02 : f32
    %div3A_39 = vector.broadcast %div3A_38 : f32 to vector<80x1xf32>
    %div3A_40 = arith.divf %broadcast_in_dim3A_37, %div3A_39 : vector<80x1xf32>
    %add3A_41 = arith.constant 9.99999974E-6 : f32
    %add3A_42 = vector.broadcast %add3A_41 : f32 to vector<80x1xf32>
    %add3A_43 = arith.addf %div3A_40, %add3A_42 : vector<80x1xf32>
    %rsqrt3A = math.rsqrt %add3A_43 : vector<80x1xf32>
    %mul3A_44 = vector.broadcast %rsqrt3A : vector<80x1xf32> to vector<80x128xf32>
    %mul3A_45 = arith.mulf %sub3A_34, %mul3A_44 : vector<80x128xf32>
    %dot_general3A_46 = arith.constant dense<0.000000e+00> : vector<80x128xf32>
    %dot_general3A_47 = tpu.matmul %convert_element_type3A_27, %add3A_12, %dot_general3A_46 {dimension_numbers = #tpu.dot_dimension_numbers<[1], [0], [0], [1], [0, 0, 1, 1], [], []>, transpose_lhs_hint = false} : vector<80x16xf32>, vector<16x128xf32>, vector<80x128xf32> -> vector<80x128xf32>
    %mul3A_48 = arith.mulf %mul3A_45, %dot_general3A_47 : vector<80x128xf32>
    %dot_general3A_49 = arith.constant dense<0.000000e+00> : vector<80x128xf32>
    %dot_general3A_50 = tpu.matmul %convert_element_type3A_27, %add3A_22, %dot_general3A_49 {dimension_numbers = #tpu.dot_dimension_numbers<[1], [0], [0], [1], [0, 0, 1, 1], [], []>, transpose_lhs_hint = false} : vector<80x16xf32>, vector<16x128xf32>, vector<80x128xf32> -> vector<80x128xf32>
    %add3A_51 = arith.addf %mul3A_48, %dot_general3A_50 : vector<80x128xf32>
    %get3A_52 = arith.constant 0 : index
    %get3A_53 = arith.constant 0 : index
    %get3A_54 = vector.load %arg8[%get3A_52, %get3A_53] : memref<128x128xf32, #tpu.memory_space<vmem>>, vector<128x128xf32>
    %dot_general3A_55 = arith.constant dense<0.000000e+00> : vector<80x128xf32>
    %dot_general3A_56 = tpu.matmul %add3A_51, %get3A_54, %dot_general3A_55 {dimension_numbers = #tpu.dot_dimension_numbers<[1], [0], [0], [1], [0, 0, 1, 1], [], []>, transpose_lhs_hint = false} : vector<80x128xf32>, vector<128x128xf32>, vector<80x128xf32> -> vector<80x128xf32>
    %swap3A = arith.constant 0 : index
    %swap3A_57 = arith.constant 0 : index
    %swap3A_58 = vector.load %arg10[%swap3A, %swap3A_57] : memref<80x128xf32, #tpu.memory_space<vmem>>, vector<80x128xf32>
    tpu.vector_store %arg10[%swap3A, %swap3A_57], %dot_general3A_56 {strides = array<i32>} : memref<80x128xf32, #tpu.memory_space<vmem>>, vector<80x128xf32>,
    %get3A_59 = arith.constant 0 : index
    %get3A_60 = arith.constant 0 : index
    %get3A_61 = vector.load %arg9[%get3A_59, %get3A_60] : memref<128x128xf32, #tpu.memory_space<vmem>>, vector<128x128xf32>
    %dot_general3A_62 = arith.constant dense<0.000000e+00> : vector<80x128xf32>
    %dot_general3A_63 = tpu.matmul %add3A_51, %get3A_61, %dot_general3A_62 {dimension_numbers = #tpu.dot_dimension_numbers<[1], [0], [0], [1], [0, 0, 1, 1], [], []>, transpose_lhs_hint = false} : vector<80x128xf32>, vector<128x128xf32>, vector<80x128xf32> -> vector<80x128xf32>
    %swap3A_64 = arith.constant 0 : index
    %swap3A_65 = arith.constant 0 : index
    %swap3A_66 = vector.load %arg11[%swap3A_64, %swap3A_65] : memref<80x128xf32, #tpu.memory_space<vmem>>, vector<80x128xf32>
    tpu.vector_store %arg11[%swap3A_64, %swap3A_65], %dot_general3A_63 {strides = array<i32>} : memref<80x128xf32, #tpu.memory_space<vmem>>, vector<80x128xf32>,
    %iota3A_67 = tpu.iota {dimensions = array<i32: 1>} : vector<80x16xi32>
    %get3A_68 = arith.constant 0 : index
    %get3A_69 = arith.constant 0 : index
    %get3A_70 = vector.load %arg2[%get3A_68, %get3A_69] : memref<80x1xi32, #tpu.memory_space<vmem>>, vector<80x1xi32>
    %le3A = vector.broadcast %get3A_70 : vector<80x1xi32> to vector<80x16xi32>
    %le3A_71 = arith.cmpi sle, %le3A, %iota3A_67 : vector<80x16xi32>
    %convert_element_type3A_72 = arith.extui %le3A_71 : vector<80x16xi1> to vector<80x16xi32>
    %convert_element_type3A_73 = arith.sitofp %convert_element_type3A_72 : vector<80x16xi32> to vector<80x16xf32>
    %reduce_sum3A_74 = arith.constant dense<0.000000e+00> : vector<16xf32>
    %reduce_sum3A_75 = vector.multi_reduction <add>, %convert_element_type3A_73, %reduce_sum3A_74 [0] : vector<80x16xf32> to vector<16xf32>
    %broadcast_in_dim3A_76 = vector.shape_cast %reduce_sum3A_75 : vector<16xf32> to vector<1x1x16xf32>
    %swap3A_77 = arith.constant 0 : index
    %swap3A_78 = arith.constant 0 : index
    %swap3A_79 = arith.constant 0 : index
    %swap3A_80 = vector.load %arg12[%swap3A_77, %swap3A_78, %swap3A_79] : memref<1x1x16xf32, #tpu.memory_space<vmem>>, vector<1x1x16xf32>
    tpu.vector_store %arg12[%swap3A_77, %swap3A_78, %swap3A_79], %broadcast_in_dim3A_76 {strides = array<i32>} : memref<1x1x16xf32, #tpu.memory_space<vmem>>, vector<1x1x16xf32>,
    return
  }
  func.func @transform_0(%arg0: i32) -> (i32, i32) {
    %c0_i32 = arith.constant 0 : i32
    %c0_i32_0 = arith.constant 0 : i32
    return %arg0, %c0_i32 : i32, i32
  }
  func.func @transform_1(%arg0: i32) -> (i32, i32) {
    %c0_i32 = arith.constant 0 : i32
    %c0_i32_0 = arith.constant 0 : i32
    return %arg0, %c0_i32 : i32, i32
  }
  func.func @transform_2(%arg0: i32) -> (i32, i32) {
    %c0_i32 = arith.constant 0 : i32
    %c0_i32_0 = arith.constant 0 : i32
    %c0_i32_1 = arith.constant 0 : i32
    return %c0_i32, %c0_i32_0 : i32, i32
  }
  func.func @transform_3(%arg0: i32) -> (i32, i32) {
    %c0_i32 = arith.constant 0 : i32
    %c0_i32_0 = arith.constant 0 : i32
    %c0_i32_1 = arith.constant 0 : i32
    return %c0_i32, %c0_i32_0 : i32, i32
  }
  func.func @transform_4(%arg0: i32) -> (i32, i32) {
    %c0_i32 = arith.constant 0 : i32
    %c0_i32_0 = arith.constant 0 : i32
    %c0_i32_1 = arith.constant 0 : i32
    return %c0_i32, %c0_i32_0 : i32, i32
  }
  func.func @transform_5(%arg0: i32) -> (i32, i32) {
    %c0_i32 = arith.constant 0 : i32
    %c0_i32_0 = arith.constant 0 : i32
    %c0_i32_1 = arith.constant 0 : i32
    return %c0_i32, %c0_i32_0 : i32, i32
  }
  func.func @transform_6(%arg0: i32) -> (i32, i32) {
    %c0_i32 = arith.constant 0 : i32
    %c0_i32_0 = arith.constant 0 : i32
    %c0_i32_1 = arith.constant 0 : i32
    return %c0_i32, %c0_i32_0 : i32, i32
  }
  func.func @transform_7(%arg0: i32) -> (i32, i32) {
    %c0_i32 = arith.constant 0 : i32
    %c0_i32_0 = arith.constant 0 : i32
    %c0_i32_1 = arith.constant 0 : i32
    return %c0_i32, %c0_i32_0 : i32, i32
  }
  func.func @transform_8(%arg0: i32) -> (i32, i32) {
    %c0_i32 = arith.constant 0 : i32
    %c0_i32_0 = arith.constant 0 : i32
    %c0_i32_1 = arith.constant 0 : i32
    return %c0_i32, %c0_i32_0 : i32, i32
  }
  func.func @transform_9(%arg0: i32) -> (i32, i32) {
    %c0_i32 = arith.constant 0 : i32
    %c0_i32_0 = arith.constant 0 : i32
    return %arg0, %c0_i32 : i32, i32
  }
  func.func @transform_10(%arg0: i32) -> (i32, i32) {
    %c0_i32 = arith.constant 0 : i32
    %c0_i32_0 = arith.constant 0 : i32
    return %arg0, %c0_i32 : i32, i32
  }
  func.func @transform_11(%arg0: i32) -> (i32, i32, i32) {
    %c0_i32 = arith.constant 0 : i32
    %c0_i32_0 = arith.constant 0 : i32
    %c0_i32_1 = arith.constant 0 : i32
    return %arg0, %c0_i32, %c0_i32_0 : i32, i32, i32
  }
}

module attributes {stable_mosaic.version = 14 : i64} {
  func.func @_t2_body(%arg0: i32, %arg1: memref<2048x128xf32, #tpu.memory_space<vmem>>, %arg2: memref<2048x64xf32, #tpu.memory_space<vmem>>, %arg3: memref<2048x16xf32, #tpu.memory_space<vmem>>, %arg4: memref<64x64xf32, #tpu.memory_space<vmem>>, %arg5: memref<1x64xf32, #tpu.memory_space<vmem>>, %arg6: memref<64x128xf32, #tpu.memory_space<vmem>>, %arg7: memref<1x128xf32, #tpu.memory_space<vmem>>, %arg8: memref<16x128xf32, #tpu.memory_space<vmem>>, %arg9: memref<128x16xf32, #tpu.memory_space<vmem>>, %arg10: memref<2048x128xf32, #tpu.memory_space<vmem>>, %arg11: memref<2048x16xf32, #tpu.memory_space<vmem>>, %arg12: memref<1x1x16xf32, #tpu.memory_space<vmem>>) attributes {dimension_semantics = [#tpu.dimension_semantics<arbitrary>], iteration_bounds = array<i64: 80>, scalar_prefetch = 0 : i64, scratch_operands = 0 : i64, tpu.core_type = #tpu.core_type<tc>, window_params = [{transform_indices = @transform_0, window_bounds = array<i64: 2048, 128>}, {transform_indices = @transform_1, window_bounds = array<i64: 2048, 64>}, {transform_indices = @transform_2, window_bounds = array<i64: 2048, 16>}, {pipeline_mode = #tpu.pipeline_mode<synchronous>, transform_indices = @transform_3, window_bounds = array<i64: 64, 64>}, {pipeline_mode = #tpu.pipeline_mode<synchronous>, transform_indices = @transform_4, window_bounds = array<i64: 1, 64>}, {pipeline_mode = #tpu.pipeline_mode<synchronous>, transform_indices = @transform_5, window_bounds = array<i64: 64, 128>}, {pipeline_mode = #tpu.pipeline_mode<synchronous>, transform_indices = @transform_6, window_bounds = array<i64: 1, 128>}, {pipeline_mode = #tpu.pipeline_mode<synchronous>, transform_indices = @transform_7, window_bounds = array<i64: 16, 128>}, {pipeline_mode = #tpu.pipeline_mode<synchronous>, transform_indices = @transform_8, window_bounds = array<i64: 128, 16>}, {transform_indices = @transform_9, window_bounds = array<i64: 2048, 128>}, {transform_indices = @transform_10, window_bounds = array<i64: 2048, 16>}, {transform_indices = @transform_11, window_bounds = array<i64: 1, 1, 16>}]} {
    %get3A = arith.constant 0 : index
    %get3A_0 = arith.constant 0 : index
    %get3A_1 = vector.load %arg2[%get3A, %get3A_0] : memref<2048x64xf32, #tpu.memory_space<vmem>>, vector<2048x64xf32>
    %get3A_2 = arith.constant 0 : index
    %get3A_3 = arith.constant 0 : index
    %get3A_4 = vector.load %arg4[%get3A_2, %get3A_3] : memref<64x64xf32, #tpu.memory_space<vmem>>, vector<64x64xf32>
    %dot_general3A = arith.constant dense<0.000000e+00> : vector<2048x64xf32>
    %dot_general3A_5 = tpu.matmul %get3A_1, %get3A_4, %dot_general3A {dimension_numbers = #tpu.dot_dimension_numbers<[1], [0], [0], [1], [0, 0, 1, 1], [], []>, transpose_lhs_hint = false} : vector<2048x64xf32>, vector<64x64xf32>, vector<2048x64xf32> -> vector<2048x64xf32>
    %get3A_6 = arith.constant 0 : index
    %get3A_7 = arith.constant 0 : index
    %get3A_8 = vector.load %arg5[%get3A_6, %get3A_7] : memref<1x64xf32, #tpu.memory_space<vmem>>, vector<1x64xf32>
    %add3A = vector.broadcast %get3A_8 : vector<1x64xf32> to vector<2048x64xf32>
    %add3A_9 = arith.addf %dot_general3A_5, %add3A : vector<2048x64xf32>
    %logistic3A = arith.negf %add3A_9 : vector<2048x64xf32>
    %logistic3A_10 = math.exp %logistic3A : vector<2048x64xf32>
    %logistic3A_11 = arith.constant 1.000000e+00 : f32
    %logistic3A_12 = vector.broadcast %logistic3A_11 : f32 to vector<2048x64xf32>
    %logistic3A_13 = arith.addf %logistic3A_12, %logistic3A_10 : vector<2048x64xf32>
    %logistic3A_14 = arith.divf %logistic3A_12, %logistic3A_13 : vector<2048x64xf32>
    %mul3A = arith.mulf %add3A_9, %logistic3A_14 : vector<2048x64xf32>
    %get3A_15 = arith.constant 0 : index
    %get3A_16 = arith.constant 0 : index
    %get3A_17 = vector.load %arg6[%get3A_15, %get3A_16] : memref<64x128xf32, #tpu.memory_space<vmem>>, vector<64x128xf32>
    %dot_general3A_18 = arith.constant dense<0.000000e+00> : vector<2048x128xf32>
    %dot_general3A_19 = tpu.matmul %mul3A, %get3A_17, %dot_general3A_18 {dimension_numbers = #tpu.dot_dimension_numbers<[1], [0], [0], [1], [0, 0, 1, 1], [], []>, transpose_lhs_hint = false} : vector<2048x64xf32>, vector<64x128xf32>, vector<2048x128xf32> -> vector<2048x128xf32>
    %get3A_20 = arith.constant 0 : index
    %get3A_21 = arith.constant 0 : index
    %get3A_22 = vector.load %arg7[%get3A_20, %get3A_21] : memref<1x128xf32, #tpu.memory_space<vmem>>, vector<1x128xf32>
    %add3A_23 = vector.broadcast %get3A_22 : vector<1x128xf32> to vector<2048x128xf32>
    %add3A_24 = arith.addf %dot_general3A_19, %add3A_23 : vector<2048x128xf32>
    %logistic3A_25 = arith.negf %add3A_24 : vector<2048x128xf32>
    %logistic3A_26 = math.exp %logistic3A_25 : vector<2048x128xf32>
    %logistic3A_27 = arith.constant 1.000000e+00 : f32
    %logistic3A_28 = vector.broadcast %logistic3A_27 : f32 to vector<2048x128xf32>
    %logistic3A_29 = arith.addf %logistic3A_28, %logistic3A_26 : vector<2048x128xf32>
    %logistic3A_30 = arith.divf %logistic3A_28, %logistic3A_29 : vector<2048x128xf32>
    %mul3A_31 = arith.mulf %add3A_24, %logistic3A_30 : vector<2048x128xf32>
    %get3A_32 = arith.constant 0 : index
    %get3A_33 = arith.constant 0 : index
    %get3A_34 = vector.load %arg1[%get3A_32, %get3A_33] : memref<2048x128xf32, #tpu.memory_space<vmem>>, vector<2048x128xf32>
    %mul3A_35 = arith.mulf %get3A_34, %mul3A_31 : vector<2048x128xf32>
    %get3A_36 = arith.constant 0 : index
    %get3A_37 = arith.constant 0 : index
    %get3A_38 = vector.load %arg3[%get3A_36, %get3A_37] : memref<2048x16xf32, #tpu.memory_space<vmem>>, vector<2048x16xf32>
    %get3A_39 = arith.constant 0 : index
    %get3A_40 = arith.constant 0 : index
    %get3A_41 = vector.load %arg8[%get3A_39, %get3A_40] : memref<16x128xf32, #tpu.memory_space<vmem>>, vector<16x128xf32>
    %dot_general3A_42 = arith.constant dense<0.000000e+00> : vector<2048x128xf32>
    %dot_general3A_43 = tpu.matmul %get3A_38, %get3A_41, %dot_general3A_42 {dimension_numbers = #tpu.dot_dimension_numbers<[1], [0], [0], [1], [0, 0, 1, 1], [], []>, transpose_lhs_hint = false} : vector<2048x16xf32>, vector<16x128xf32>, vector<2048x128xf32> -> vector<2048x128xf32>
    %add3A_44 = arith.addf %mul3A_35, %dot_general3A_43 : vector<2048x128xf32>
    %get3A_45 = arith.constant 0 : index
    %get3A_46 = arith.constant 0 : index
    %get3A_47 = vector.load %arg9[%get3A_45, %get3A_46] : memref<128x16xf32, #tpu.memory_space<vmem>>, vector<128x16xf32>
    %dot_general3A_48 = arith.constant dense<0.000000e+00> : vector<2048x16xf32>
    %dot_general3A_49 = tpu.matmul %add3A_44, %get3A_47, %dot_general3A_48 {dimension_numbers = #tpu.dot_dimension_numbers<[1], [0], [0], [1], [0, 0, 1, 1], [], []>, transpose_lhs_hint = false} : vector<2048x128xf32>, vector<128x16xf32>, vector<2048x16xf32> -> vector<2048x16xf32>
    %gt3A = arith.constant 0.000000e+00 : f32
    %gt3A_50 = vector.broadcast %gt3A : f32 to vector<2048x16xf32>
    %gt3A_51 = arith.cmpf ogt, %dot_general3A_49, %gt3A_50 : vector<2048x16xf32>
    %mul3A_52 = arith.constant 2.000000e-01 : f32
    %mul3A_53 = vector.broadcast %mul3A_52 : f32 to vector<2048x16xf32>
    %mul3A_54 = arith.mulf %mul3A_53, %dot_general3A_49 : vector<2048x16xf32>
    %select_n3A = arith.select %gt3A_51, %dot_general3A_49, %mul3A_54 : vector<2048x16xi1>, vector<2048x16xf32>
    %mul3A_55 = arith.constant 2048 : i32
    %mul3A_56 = arith.muli %arg0, %mul3A_55 : i32
    %iota3A = tpu.iota {dimensions = array<i32: 0>} : vector<2048x16xi32>
    %add3A_57 = vector.broadcast %mul3A_56 : i32 to vector<2048x16xi32>
    %add3A_58 = arith.addi %add3A_57, %iota3A : vector<2048x16xi32>
    %lt3A = arith.constant 160000 : i32
    %lt3A_59 = vector.broadcast %lt3A : i32 to vector<2048x16xi32>
    %lt3A_60 = arith.cmpi slt, %add3A_58, %lt3A_59 : vector<2048x16xi32>
    %jit3A = arith.constant -1.000000e+30 : f32
    %broadcast_in_dim3A = vector.broadcast %jit3A : f32 to vector<2048x16xf32>
    %select_n3A_61 = arith.select %lt3A_60, %select_n3A, %broadcast_in_dim3A : vector<2048x16xi1>, vector<2048x16xf32>
    %swap3A = arith.constant 0 : index
    %swap3A_62 = arith.constant 0 : index
    %swap3A_63 = vector.load %arg10[%swap3A, %swap3A_62] : memref<2048x128xf32, #tpu.memory_space<vmem>>, vector<2048x128xf32>
    tpu.vector_store %arg10[%swap3A, %swap3A_62], %add3A_44 {strides = array<i32>} : memref<2048x128xf32, #tpu.memory_space<vmem>>, vector<2048x128xf32>,
    %swap3A_64 = arith.constant 0 : index
    %swap3A_65 = arith.constant 0 : index
    %swap3A_66 = vector.load %arg11[%swap3A_64, %swap3A_65] : memref<2048x16xf32, #tpu.memory_space<vmem>>, vector<2048x16xf32>
    tpu.vector_store %arg11[%swap3A_64, %swap3A_65], %select_n3A_61 {strides = array<i32>} : memref<2048x16xf32, #tpu.memory_space<vmem>>, vector<2048x16xf32>,
    %reduce_max3A = arith.constant dense<0xFF800000> : vector<16xf32>
    %reduce_max3A_67 = vector.multi_reduction <maximumf>, %select_n3A_61, %reduce_max3A [0] : vector<2048x16xf32> to vector<16xf32>
    %broadcast_in_dim3A_68 = vector.shape_cast %reduce_max3A_67 : vector<16xf32> to vector<1x1x16xf32>
    %swap3A_69 = arith.constant 0 : index
    %swap3A_70 = arith.constant 0 : index
    %swap3A_71 = arith.constant 0 : index
    %swap3A_72 = vector.load %arg12[%swap3A_69, %swap3A_70, %swap3A_71] : memref<1x1x16xf32, #tpu.memory_space<vmem>>, vector<1x1x16xf32>
    tpu.vector_store %arg12[%swap3A_69, %swap3A_70, %swap3A_71], %broadcast_in_dim3A_68 {strides = array<i32>} : memref<1x1x16xf32, #tpu.memory_space<vmem>>, vector<1x1x16xf32>,
    return
  }
  func.func @transform_0(%arg0: i32) -> (i32, i32) {
    %c0_i32 = arith.constant 0 : i32
    %c0_i32_0 = arith.constant 0 : i32
    return %arg0, %c0_i32 : i32, i32
  }
  func.func @transform_1(%arg0: i32) -> (i32, i32) {
    %min3A = arith.constant 77 : i32
    %min3A_0 = arith.minsi %arg0, %min3A : i32
    %c0_i32 = arith.constant 0 : i32
    %c0_i32_1 = arith.constant 0 : i32
    return %min3A_0, %c0_i32 : i32, i32
  }
  func.func @transform_2(%arg0: i32) -> (i32, i32) {
    %min3A = arith.constant 77 : i32
    %min3A_0 = arith.minsi %arg0, %min3A : i32
    %c0_i32 = arith.constant 0 : i32
    %c0_i32_1 = arith.constant 0 : i32
    return %min3A_0, %c0_i32 : i32, i32
  }
  func.func @transform_3(%arg0: i32) -> (i32, i32) {
    %c0_i32 = arith.constant 0 : i32
    %c0_i32_0 = arith.constant 0 : i32
    %c0_i32_1 = arith.constant 0 : i32
    return %c0_i32, %c0_i32_0 : i32, i32
  }
  func.func @transform_4(%arg0: i32) -> (i32, i32) {
    %c0_i32 = arith.constant 0 : i32
    %c0_i32_0 = arith.constant 0 : i32
    %c0_i32_1 = arith.constant 0 : i32
    return %c0_i32, %c0_i32_0 : i32, i32
  }
  func.func @transform_5(%arg0: i32) -> (i32, i32) {
    %c0_i32 = arith.constant 0 : i32
    %c0_i32_0 = arith.constant 0 : i32
    %c0_i32_1 = arith.constant 0 : i32
    return %c0_i32, %c0_i32_0 : i32, i32
  }
  func.func @transform_6(%arg0: i32) -> (i32, i32) {
    %c0_i32 = arith.constant 0 : i32
    %c0_i32_0 = arith.constant 0 : i32
    %c0_i32_1 = arith.constant 0 : i32
    return %c0_i32, %c0_i32_0 : i32, i32
  }
  func.func @transform_7(%arg0: i32) -> (i32, i32) {
    %c0_i32 = arith.constant 0 : i32
    %c0_i32_0 = arith.constant 0 : i32
    %c0_i32_1 = arith.constant 0 : i32
    return %c0_i32, %c0_i32_0 : i32, i32
  }
  func.func @transform_8(%arg0: i32) -> (i32, i32) {
    %c0_i32 = arith.constant 0 : i32
    %c0_i32_0 = arith.constant 0 : i32
    %c0_i32_1 = arith.constant 0 : i32
    return %c0_i32, %c0_i32_0 : i32, i32
  }
  func.func @transform_9(%arg0: i32) -> (i32, i32) {
    %c0_i32 = arith.constant 0 : i32
    %c0_i32_0 = arith.constant 0 : i32
    return %arg0, %c0_i32 : i32, i32
  }
  func.func @transform_10(%arg0: i32) -> (i32, i32) {
    %c0_i32 = arith.constant 0 : i32
    %c0_i32_0 = arith.constant 0 : i32
    return %arg0, %c0_i32 : i32, i32
  }
  func.func @transform_11(%arg0: i32) -> (i32, i32, i32) {
    %c0_i32 = arith.constant 0 : i32
    %c0_i32_0 = arith.constant 0 : i32
    %c0_i32_1 = arith.constant 0 : i32
    return %arg0, %c0_i32, %c0_i32_0 : i32, i32, i32
  }
}

module attributes {stable_mosaic.version = 14 : i64} {
  func.func @_t2b_body(%arg0: i32, %arg1: memref<2048x16xf32, #tpu.memory_space<vmem>>, %arg2: memref<2048x128xf32, #tpu.memory_space<vmem>>, %arg3: memref<80x16xf32, #tpu.memory_space<vmem>>, %arg4: memref<16x128xf32, #tpu.memory_space<vmem>>, %arg5: memref<2048x128xf32, #tpu.memory_space<vmem>>, %arg6: memref<2048x128xf32, #tpu.memory_space<vmem>>) attributes {dimension_semantics = [#tpu.dimension_semantics<arbitrary>], iteration_bounds = array<i64: 80>, scalar_prefetch = 0 : i64, scratch_operands = 0 : i64, tpu.core_type = #tpu.core_type<tc>, window_params = [{transform_indices = @transform_0, window_bounds = array<i64: 2048, 16>}, {transform_indices = @transform_1, window_bounds = array<i64: 2048, 128>}, {pipeline_mode = #tpu.pipeline_mode<synchronous>, transform_indices = @transform_2, window_bounds = array<i64: 80, 16>}, {pipeline_mode = #tpu.pipeline_mode<synchronous>, transform_indices = @transform_3, window_bounds = array<i64: 16, 128>}, {transform_indices = @transform_4, window_bounds = array<i64: 2048, 128>}, {transform_indices = @transform_5, window_bounds = array<i64: 2048, 128>}]} {
    %get3A = arith.constant 0 : index
    %get3A_0 = arith.constant 0 : index
    %get3A_1 = vector.load %arg3[%get3A, %get3A_0] : memref<80x16xf32, #tpu.memory_space<vmem>>, vector<80x16xf32>
    %reduce_max3A = arith.constant dense<0xFF800000> : vector<16xf32>
    %reduce_max3A_2 = vector.multi_reduction <maximumf>, %get3A_1, %reduce_max3A [0] : vector<80x16xf32> to vector<16xf32>
    %broadcast_in_dim3A = vector.shape_cast %reduce_max3A_2 : vector<16xf32> to vector<1x16xf32>
    %get3A_3 = arith.constant 0 : index
    %get3A_4 = arith.constant 0 : index
    %get3A_5 = vector.load %arg1[%get3A_3, %get3A_4] : memref<2048x16xf32, #tpu.memory_space<vmem>>, vector<2048x16xf32>
    %sub3A = vector.broadcast %broadcast_in_dim3A : vector<1x16xf32> to vector<2048x16xf32>
    %sub3A_6 = arith.subf %get3A_5, %sub3A : vector<2048x16xf32>
    %exp3A = math.exp %sub3A_6 : vector<2048x16xf32>
    %get3A_7 = arith.constant 0 : index
    %get3A_8 = arith.constant 0 : index
    %get3A_9 = vector.load %arg4[%get3A_7, %get3A_8] : memref<16x128xf32, #tpu.memory_space<vmem>>, vector<16x128xf32>
    %dot_general3A = arith.constant dense<0.000000e+00> : vector<2048x128xf32>
    %dot_general3A_10 = tpu.matmul %exp3A, %get3A_9, %dot_general3A {dimension_numbers = #tpu.dot_dimension_numbers<[1], [0], [0], [1], [0, 0, 1, 1], [], []>, transpose_lhs_hint = false} : vector<2048x16xf32>, vector<16x128xf32>, vector<2048x128xf32> -> vector<2048x128xf32>
    %get3A_11 = arith.constant 0 : index
    %get3A_12 = arith.constant 0 : index
    %get3A_13 = vector.load %arg2[%get3A_11, %get3A_12] : memref<2048x128xf32, #tpu.memory_space<vmem>>, vector<2048x128xf32>
    %mul3A = arith.mulf %dot_general3A_10, %get3A_13 : vector<2048x128xf32>
    %swap3A = arith.constant 0 : index
    %swap3A_14 = arith.constant 0 : index
    %swap3A_15 = vector.load %arg5[%swap3A, %swap3A_14] : memref<2048x128xf32, #tpu.memory_space<vmem>>, vector<2048x128xf32>
    tpu.vector_store %arg5[%swap3A, %swap3A_14], %mul3A {strides = array<i32>} : memref<2048x128xf32, #tpu.memory_space<vmem>>, vector<2048x128xf32>,
    %swap3A_16 = arith.constant 0 : index
    %swap3A_17 = arith.constant 0 : index
    %swap3A_18 = vector.load %arg6[%swap3A_16, %swap3A_17] : memref<2048x128xf32, #tpu.memory_space<vmem>>, vector<2048x128xf32>
    tpu.vector_store %arg6[%swap3A_16, %swap3A_17], %dot_general3A_10 {strides = array<i32>} : memref<2048x128xf32, #tpu.memory_space<vmem>>, vector<2048x128xf32>,
    return
  }
  func.func @transform_0(%arg0: i32) -> (i32, i32) {
    %c0_i32 = arith.constant 0 : i32
    %c0_i32_0 = arith.constant 0 : i32
    return %arg0, %c0_i32 : i32, i32
  }
  func.func @transform_1(%arg0: i32) -> (i32, i32) {
    %c0_i32 = arith.constant 0 : i32
    %c0_i32_0 = arith.constant 0 : i32
    return %arg0, %c0_i32 : i32, i32
  }
  func.func @transform_2(%arg0: i32) -> (i32, i32) {
    %c0_i32 = arith.constant 0 : i32
    %c0_i32_0 = arith.constant 0 : i32
    %c0_i32_1 = arith.constant 0 : i32
    return %c0_i32, %c0_i32_0 : i32, i32
  }
  func.func @transform_3(%arg0: i32) -> (i32, i32) {
    %c0_i32 = arith.constant 0 : i32
    %c0_i32_0 = arith.constant 0 : i32
    %c0_i32_1 = arith.constant 0 : i32
    return %c0_i32, %c0_i32_0 : i32, i32
  }
  func.func @transform_4(%arg0: i32) -> (i32, i32) {
    %c0_i32 = arith.constant 0 : i32
    %c0_i32_0 = arith.constant 0 : i32
    return %arg0, %c0_i32 : i32, i32
  }
  func.func @transform_5(%arg0: i32) -> (i32, i32) {
    %c0_i32 = arith.constant 0 : i32
    %c0_i32_0 = arith.constant 0 : i32
    return %arg0, %c0_i32 : i32, i32
  }
}

module attributes {stable_mosaic.version = 14 : i64} {
  func.func @_t3_body(%arg0: i32, %arg1: memref<80x128xf32, #tpu.memory_space<vmem>>, %arg2: memref<80x128xf32, #tpu.memory_space<vmem>>, %arg3: memref<80x128xf32, #tpu.memory_space<vmem>>, %arg4: memref<80x128xf32, #tpu.memory_space<vmem>>, %arg5: memref<80x128xf32, #tpu.memory_space<vmem>>, %arg6: memref<80x8xf32, #tpu.memory_space<vmem>>, %arg7: memref<80x1xi32, #tpu.memory_space<vmem>>, %arg8: memref<16x128xf32, #tpu.memory_space<vmem>>, %arg9: memref<128x128xf32, #tpu.memory_space<vmem>>, %arg10: memref<1x128xf32, #tpu.memory_space<vmem>>, %arg11: memref<128x128xf32, #tpu.memory_space<vmem>>, %arg12: memref<1x128xf32, #tpu.memory_space<vmem>>, %arg13: memref<128x128xf32, #tpu.memory_space<vmem>>, %arg14: memref<1x128xf32, #tpu.memory_space<vmem>>, %arg15: memref<8x128x128xf32, #tpu.memory_space<vmem>>, %arg16: memref<8x128x128xf32, #tpu.memory_space<vmem>>, %arg17: memref<128x128xf32, #tpu.memory_space<vmem>>, %arg18: memref<128x128xf32, #tpu.memory_space<vmem>>, %arg19: memref<1x1xf32, #tpu.memory_space<vmem>>, %arg20: memref<1x1xf32, #tpu.memory_space<vmem>>, %arg21: memref<80x128xf32, #tpu.memory_space<vmem>>, %arg22: memref<80x128xf32, #tpu.memory_space<vmem>>, %arg23: memref<80x128xf32, #tpu.memory_space<vmem>>) attributes {dimension_semantics = [#tpu.dimension_semantics<arbitrary>], iteration_bounds = array<i64: 125>, scalar_prefetch = 0 : i64, scratch_operands = 0 : i64, tpu.core_type = #tpu.core_type<tc>, window_params = [{transform_indices = @transform_0, window_bounds = array<i64: 80, 128>}, {transform_indices = @transform_1, window_bounds = array<i64: 80, 128>}, {transform_indices = @transform_2, window_bounds = array<i64: 80, 128>}, {transform_indices = @transform_3, window_bounds = array<i64: 80, 128>}, {transform_indices = @transform_4, window_bounds = array<i64: 80, 128>}, {transform_indices = @transform_5, window_bounds = array<i64: 80, 8>}, {transform_indices = @transform_6, window_bounds = array<i64: 80, 1>}, {pipeline_mode = #tpu.pipeline_mode<synchronous>, transform_indices = @transform_7, window_bounds = array<i64: 16, 128>}, {pipeline_mode = #tpu.pipeline_mode<synchronous>, transform_indices = @transform_8, window_bounds = array<i64: 128, 128>}, {pipeline_mode = #tpu.pipeline_mode<synchronous>, transform_indices = @transform_9, window_bounds = array<i64: 1, 128>}, {pipeline_mode = #tpu.pipeline_mode<synchronous>, transform_indices = @transform_10, window_bounds = array<i64: 128, 128>}, {pipeline_mode = #tpu.pipeline_mode<synchronous>, transform_indices = @transform_11, window_bounds = array<i64: 1, 128>}, {pipeline_mode = #tpu.pipeline_mode<synchronous>, transform_indices = @transform_12, window_bounds = array<i64: 128, 128>}, {pipeline_mode = #tpu.pipeline_mode<synchronous>, transform_indices = @transform_13, window_bounds = array<i64: 1, 128>}, {pipeline_mode = #tpu.pipeline_mode<synchronous>, transform_indices = @transform_14, window_bounds = array<i64: 8, 128, 128>}, {pipeline_mode = #tpu.pipeline_mode<synchronous>, transform_indices = @transform_15, window_bounds = array<i64: 8, 128, 128>}, {pipeline_mode = #tpu.pipeline_mode<synchronous>, transform_indices = @transform_16, window_bounds = array<i64: 128, 128>}, {pipeline_mode = #tpu.pipeline_mode<synchronous>, transform_indices = @transform_17, window_bounds = array<i64: 128, 128>}, {pipeline_mode = #tpu.pipeline_mode<synchronous>, transform_indices = @transform_18, window_bounds = array<i64: 1, 1>}, {pipeline_mode = #tpu.pipeline_mode<synchronous>, transform_indices = @transform_19, window_bounds = array<i64: 1, 1>}, {transform_indices = @transform_20, window_bounds = array<i64: 80, 128>}, {transform_indices = @transform_21, window_bounds = array<i64: 80, 128>}, {transform_indices = @transform_22, window_bounds = array<i64: 80, 128>}]} {
    %get3A = arith.constant 0 : index
    %get3A_0 = arith.constant 0 : index
    %get3A_1 = vector.load %arg3[%get3A, %get3A_0] : memref<80x128xf32, #tpu.memory_space<vmem>>, vector<80x128xf32>
    %get3A_2 = arith.constant 0 : index
    %get3A_3 = arith.constant 0 : index
    %get3A_4 = vector.load %arg4[%get3A_2, %get3A_3] : memref<80x128xf32, #tpu.memory_space<vmem>>, vector<80x128xf32>
    %add3A = arith.addf %get3A_1, %get3A_4 : vector<80x128xf32>
    %add3A_5 = arith.constant 9.99999971E-10 : f32
    %add3A_6 = vector.broadcast %add3A_5 : f32 to vector<80x128xf32>
    %add3A_7 = arith.addf %add3A, %add3A_6 : vector<80x128xf32>
    %get3A_8 = arith.constant 0 : index
    %get3A_9 = arith.constant 0 : index
    %get3A_10 = vector.load %arg1[%get3A_8, %get3A_9] : memref<80x128xf32, #tpu.memory_space<vmem>>, vector<80x128xf32>
    %get3A_11 = arith.constant 0 : index
    %get3A_12 = arith.constant 0 : index
    %get3A_13 = vector.load %arg2[%get3A_11, %get3A_12] : memref<80x128xf32, #tpu.memory_space<vmem>>, vector<80x128xf32>
    %add3A_14 = arith.addf %get3A_10, %get3A_13 : vector<80x128xf32>
    %div3A = arith.divf %add3A_14, %add3A_7 : vector<80x128xf32>
    %get3A_15 = arith.constant 0 : index
    %get3A_16 = arith.constant 0 : index
    %get3A_17 = vector.load %arg13[%get3A_15, %get3A_16] : memref<128x128xf32, #tpu.memory_space<vmem>>, vector<128x128xf32>
    %dot_general3A = arith.constant dense<0.000000e+00> : vector<80x128xf32>
    %dot_general3A_18 = tpu.matmul %div3A, %get3A_17, %dot_general3A {dimension_numbers = #tpu.dot_dimension_numbers<[1], [0], [0], [1], [0, 0, 1, 1], [], []>, transpose_lhs_hint = false} : vector<80x128xf32>, vector<128x128xf32>, vector<80x128xf32> -> vector<80x128xf32>
    %get3A_19 = arith.constant 0 : index
    %get3A_20 = arith.constant 0 : index
    %get3A_21 = vector.load %arg14[%get3A_19, %get3A_20] : memref<1x128xf32, #tpu.memory_space<vmem>>, vector<1x128xf32>
    %add3A_22 = vector.broadcast %get3A_21 : vector<1x128xf32> to vector<80x128xf32>
    %add3A_23 = arith.addf %dot_general3A_18, %add3A_22 : vector<80x128xf32>
    %get3A_24 = arith.constant 0 : index
    %get3A_25 = arith.constant 0 : index
    %get3A_26 = vector.load %arg5[%get3A_24, %get3A_25] : memref<80x128xf32, #tpu.memory_space<vmem>>, vector<80x128xf32>
    %get3A_27 = arith.constant 0 : index
    %get3A_28 = arith.constant 0 : index
    %get3A_29 = vector.load %arg19[%get3A_27, %get3A_28] : memref<1x1xf32, #tpu.memory_space<vmem>>, vector<1x1xf32>
    %get3A_30 = vector.extract %get3A_29[0, 0] : f32 from vector<1x1xf32>
    %mul3A = vector.broadcast %get3A_30 : f32 to vector<80x128xf32>
    %mul3A_31 = arith.mulf %add3A_23, %mul3A : vector<80x128xf32>
    %add3A_32 = arith.addf %get3A_26, %mul3A_31 : vector<80x128xf32>
    %get3A_33 = arith.constant 0 : index
    %get3A_34 = arith.constant 0 : index
    %get3A_35 = vector.load %arg8[%get3A_33, %get3A_34] : memref<16x128xf32, #tpu.memory_space<vmem>>, vector<16x128xf32>
    %get3A_36 = arith.constant 0 : index
    %get3A_37 = arith.constant 0 : index
    %get3A_38 = vector.load %arg9[%get3A_36, %get3A_37] : memref<128x128xf32, #tpu.memory_space<vmem>>, vector<128x128xf32>
    %dot_general3A_39 = arith.constant dense<0.000000e+00> : vector<16x128xf32>
    %dot_general3A_40 = tpu.matmul %get3A_35, %get3A_38, %dot_general3A_39 {dimension_numbers = #tpu.dot_dimension_numbers<[1], [0], [0], [1], [0, 0, 1, 1], [], []>, transpose_lhs_hint = false} : vector<16x128xf32>, vector<128x128xf32>, vector<16x128xf32> -> vector<16x128xf32>
    %add3A_41 = arith.constant 1.000000e+00 : f32
    %add3A_42 = vector.broadcast %add3A_41 : f32 to vector<16x128xf32>
    %add3A_43 = arith.addf %add3A_42, %dot_general3A_40 : vector<16x128xf32>
    %get3A_44 = arith.constant 0 : index
    %get3A_45 = arith.constant 0 : index
    %get3A_46 = vector.load %arg10[%get3A_44, %get3A_45] : memref<1x128xf32, #tpu.memory_space<vmem>>, vector<1x128xf32>
    %add3A_47 = vector.broadcast %get3A_46 : vector<1x128xf32> to vector<16x128xf32>
    %add3A_48 = arith.addf %add3A_43, %add3A_47 : vector<16x128xf32>
    %get3A_49 = arith.constant 0 : index
    %get3A_50 = arith.constant 0 : index
    %get3A_51 = vector.load %arg11[%get3A_49, %get3A_50] : memref<128x128xf32, #tpu.memory_space<vmem>>, vector<128x128xf32>
    %dot_general3A_52 = arith.constant dense<0.000000e+00> : vector<16x128xf32>
    %dot_general3A_53 = tpu.matmul %get3A_35, %get3A_51, %dot_general3A_52 {dimension_numbers = #tpu.dot_dimension_numbers<[1], [0], [0], [1], [0, 0, 1, 1], [], []>, transpose_lhs_hint = false} : vector<16x128xf32>, vector<128x128xf32>, vector<16x128xf32> -> vector<16x128xf32>
    %get3A_54 = arith.constant 0 : index
    %get3A_55 = arith.constant 0 : index
    %get3A_56 = vector.load %arg12[%get3A_54, %get3A_55] : memref<1x128xf32, #tpu.memory_space<vmem>>, vector<1x128xf32>
    %add3A_57 = vector.broadcast %get3A_56 : vector<1x128xf32> to vector<16x128xf32>
    %add3A_58 = arith.addf %dot_general3A_53, %add3A_57 : vector<16x128xf32>
    %get3A_59 = arith.constant 0 : index
    %get3A_60 = arith.constant 0 : index
    %get3A_61 = vector.load %arg7[%get3A_59, %get3A_60] : memref<80x1xi32, #tpu.memory_space<vmem>>, vector<80x1xi32>
    %iota3A = tpu.iota {dimensions = array<i32: 1>} : vector<80x16xi32>
    %eq3A = vector.broadcast %get3A_61 : vector<80x1xi32> to vector<80x16xi32>
    %eq3A_62 = arith.cmpi eq, %eq3A, %iota3A : vector<80x16xi32>
    %convert_element_type3A = arith.extui %eq3A_62 : vector<80x16xi1> to vector<80x16xi32>
    %convert_element_type3A_63 = arith.sitofp %convert_element_type3A : vector<80x16xi32> to vector<80x16xf32>
    %reduce_sum3A = arith.constant dense<0.000000e+00> : vector<80xf32>
    %reduce_sum3A_64 = vector.multi_reduction <add>, %add3A_32, %reduce_sum3A [1] : vector<80x128xf32> to vector<80xf32>
    %broadcast_in_dim3A = vector.shape_cast %reduce_sum3A_64 : vector<80xf32> to vector<80x1xf32>
    %div3A_65 = arith.constant 1.280000e+02 : f32
    %div3A_66 = vector.broadcast %div3A_65 : f32 to vector<80x1xf32>
    %div3A_67 = arith.divf %broadcast_in_dim3A, %div3A_66 : vector<80x1xf32>
    %sub3A = vector.broadcast %div3A_67 : vector<80x1xf32> to vector<80x128xf32>
    %sub3A_68 = arith.subf %add3A_32, %sub3A : vector<80x128xf32>
    %mul3A_69 = arith.mulf %sub3A_68, %sub3A_68 : vector<80x128xf32>
    %reduce_sum3A_70 = arith.constant dense<0.000000e+00> : vector<80xf32>
    %reduce_sum3A_71 = vector.multi_reduction <add>, %mul3A_69, %reduce_sum3A_70 [1] : vector<80x128xf32> to vector<80xf32>
    %broadcast_in_dim3A_72 = vector.shape_cast %reduce_sum3A_71 : vector<80xf32> to vector<80x1xf32>
    %div3A_73 = arith.constant 1.280000e+02 : f32
    %div3A_74 = vector.broadcast %div3A_73 : f32 to vector<80x1xf32>
    %div3A_75 = arith.divf %broadcast_in_dim3A_72, %div3A_74 : vector<80x1xf32>
    %add3A_76 = arith.constant 9.99999974E-6 : f32
    %add3A_77 = vector.broadcast %add3A_76 : f32 to vector<80x1xf32>
    %add3A_78 = arith.addf %div3A_75, %add3A_77 : vector<80x1xf32>
    %rsqrt3A = math.rsqrt %add3A_78 : vector<80x1xf32>
    %mul3A_79 = vector.broadcast %rsqrt3A : vector<80x1xf32> to vector<80x128xf32>
    %mul3A_80 = arith.mulf %sub3A_68, %mul3A_79 : vector<80x128xf32>
    %dot_general3A_81 = arith.constant dense<0.000000e+00> : vector<80x128xf32>
    %dot_general3A_82 = tpu.matmul %convert_element_type3A_63, %add3A_48, %dot_general3A_81 {dimension_numbers = #tpu.dot_dimension_numbers<[1], [0], [0], [1], [0, 0, 1, 1], [], []>, transpose_lhs_hint = false} : vector<80x16xf32>, vector<16x128xf32>, vector<80x128xf32> -> vector<80x128xf32>
    %mul3A_83 = arith.mulf %mul3A_80, %dot_general3A_82 : vector<80x128xf32>
    %dot_general3A_84 = arith.constant dense<0.000000e+00> : vector<80x128xf32>
    %dot_general3A_85 = tpu.matmul %convert_element_type3A_63, %add3A_58, %dot_general3A_84 {dimension_numbers = #tpu.dot_dimension_numbers<[1], [0], [0], [1], [0, 0, 1, 1], [], []>, transpose_lhs_hint = false} : vector<80x16xf32>, vector<16x128xf32>, vector<80x128xf32> -> vector<80x128xf32>
    %add3A_86 = arith.addf %mul3A_83, %dot_general3A_85 : vector<80x128xf32>
    %get3A_87 = arith.constant 0 : index
    %get3A_88 = arith.constant 0 : index
    %get3A_89 = vector.load %arg6[%get3A_87, %get3A_88] : memref<80x8xf32, #tpu.memory_space<vmem>>, vector<80x8xf32>
    %broadcast_in_dim3A_90 = arith.constant 0.000000e+00 : f32
    %broadcast_in_dim3A_91 = vector.broadcast %broadcast_in_dim3A_90 : f32 to vector<80x128xf32>
    %slice3A = vector.extract_strided_slice %get3A_89 {offsets = [0, 0], sizes = [80, 1], strides = [1, 1]} : vector<80x8xf32> to vector<80x1xf32>
    %mul3A_92 = vector.broadcast %slice3A : vector<80x1xf32> to vector<80x128xf32>
    %mul3A_93 = arith.mulf %add3A_86, %mul3A_92 : vector<80x128xf32>
    %get3A_94 = arith.constant 0 : index
    %get3A_95 = arith.constant 0 : index
    %get3A_96 = arith.constant 0 : index
    %get3A_97 = vector.load %arg15[%get3A_94, %get3A_95, %get3A_96] : memref<8x128x128xf32, #tpu.memory_space<vmem>>, vector<1x128x128xf32>
    %get3A_98 = vector.shape_cast %get3A_97 : vector<1x128x128xf32> to vector<128x128xf32>
    %dot_general3A_99 = arith.constant dense<0.000000e+00> : vector<80x128xf32>
    %dot_general3A_100 = tpu.matmul %mul3A_93, %get3A_98, %dot_general3A_99 {dimension_numbers = #tpu.dot_dimension_numbers<[1], [0], [0], [1], [0, 0, 1, 1], [], []>, transpose_lhs_hint = false} : vector<80x128xf32>, vector<128x128xf32>, vector<80x128xf32> -> vector<80x128xf32>
    %add3A_101 = arith.addf %broadcast_in_dim3A_91, %dot_general3A_100 : vector<80x128xf32>
    %slice3A_102 = vector.extract_strided_slice %get3A_89 {offsets = [0, 1], sizes = [80, 1], strides = [1, 1]} : vector<80x8xf32> to vector<80x1xf32>
    %mul3A_103 = vector.broadcast %slice3A_102 : vector<80x1xf32> to vector<80x128xf32>
    %mul3A_104 = arith.mulf %add3A_86, %mul3A_103 : vector<80x128xf32>
    %get3A_105 = arith.constant 1 : index
    %get3A_106 = arith.constant 0 : index
    %get3A_107 = arith.constant 0 : index
    %get3A_108 = vector.load %arg15[%get3A_105, %get3A_106, %get3A_107] : memref<8x128x128xf32, #tpu.memory_space<vmem>>, vector<1x128x128xf32>
    %get3A_109 = vector.shape_cast %get3A_108 : vector<1x128x128xf32> to vector<128x128xf32>
    %dot_general3A_110 = arith.constant dense<0.000000e+00> : vector<80x128xf32>
    %dot_general3A_111 = tpu.matmul %mul3A_104, %get3A_109, %dot_general3A_110 {dimension_numbers = #tpu.dot_dimension_numbers<[1], [0], [0], [1], [0, 0, 1, 1], [], []>, transpose_lhs_hint = false} : vector<80x128xf32>, vector<128x128xf32>, vector<80x128xf32> -> vector<80x128xf32>
    %add3A_112 = arith.addf %add3A_101, %dot_general3A_111 : vector<80x128xf32>
    %slice3A_113 = vector.extract_strided_slice %get3A_89 {offsets = [0, 2], sizes = [80, 1], strides = [1, 1]} : vector<80x8xf32> to vector<80x1xf32>
    %mul3A_114 = vector.broadcast %slice3A_113 : vector<80x1xf32> to vector<80x128xf32>
    %mul3A_115 = arith.mulf %add3A_86, %mul3A_114 : vector<80x128xf32>
    %get3A_116 = arith.constant 2 : index
    %get3A_117 = arith.constant 0 : index
    %get3A_118 = arith.constant 0 : index
    %get3A_119 = vector.load %arg15[%get3A_116, %get3A_117, %get3A_118] : memref<8x128x128xf32, #tpu.memory_space<vmem>>, vector<1x128x128xf32>
    %get3A_120 = vector.shape_cast %get3A_119 : vector<1x128x128xf32> to vector<128x128xf32>
    %dot_general3A_121 = arith.constant dense<0.000000e+00> : vector<80x128xf32>
    %dot_general3A_122 = tpu.matmul %mul3A_115, %get3A_120, %dot_general3A_121 {dimension_numbers = #tpu.dot_dimension_numbers<[1], [0], [0], [1], [0, 0, 1, 1], [], []>, transpose_lhs_hint = false} : vector<80x128xf32>, vector<128x128xf32>, vector<80x128xf32> -> vector<80x128xf32>
    %add3A_123 = arith.addf %add3A_112, %dot_general3A_122 : vector<80x128xf32>
    %slice3A_124 = vector.extract_strided_slice %get3A_89 {offsets = [0, 3], sizes = [80, 1], strides = [1, 1]} : vector<80x8xf32> to vector<80x1xf32>
    %mul3A_125 = vector.broadcast %slice3A_124 : vector<80x1xf32> to vector<80x128xf32>
    %mul3A_126 = arith.mulf %add3A_86, %mul3A_125 : vector<80x128xf32>
    %get3A_127 = arith.constant 3 : index
    %get3A_128 = arith.constant 0 : index
    %get3A_129 = arith.constant 0 : index
    %get3A_130 = vector.load %arg15[%get3A_127, %get3A_128, %get3A_129] : memref<8x128x128xf32, #tpu.memory_space<vmem>>, vector<1x128x128xf32>
    %get3A_131 = vector.shape_cast %get3A_130 : vector<1x128x128xf32> to vector<128x128xf32>
    %dot_general3A_132 = arith.constant dense<0.000000e+00> : vector<80x128xf32>
    %dot_general3A_133 = tpu.matmul %mul3A_126, %get3A_131, %dot_general3A_132 {dimension_numbers = #tpu.dot_dimension_numbers<[1], [0], [0], [1], [0, 0, 1, 1], [], []>, transpose_lhs_hint = false} : vector<80x128xf32>, vector<128x128xf32>, vector<80x128xf32> -> vector<80x128xf32>
    %add3A_134 = arith.addf %add3A_123, %dot_general3A_133 : vector<80x128xf32>
    %slice3A_135 = vector.extract_strided_slice %get3A_89 {offsets = [0, 4], sizes = [80, 1], strides = [1, 1]} : vector<80x8xf32> to vector<80x1xf32>
    %mul3A_136 = vector.broadcast %slice3A_135 : vector<80x1xf32> to vector<80x128xf32>
    %mul3A_137 = arith.mulf %add3A_86, %mul3A_136 : vector<80x128xf32>
    %get3A_138 = arith.constant 4 : index
    %get3A_139 = arith.constant 0 : index
    %get3A_140 = arith.constant 0 : index
    %get3A_141 = vector.load %arg15[%get3A_138, %get3A_139, %get3A_140] : memref<8x128x128xf32, #tpu.memory_space<vmem>>, vector<1x128x128xf32>
    %get3A_142 = vector.shape_cast %get3A_141 : vector<1x128x128xf32> to vector<128x128xf32>
    %dot_general3A_143 = arith.constant dense<0.000000e+00> : vector<80x128xf32>
    %dot_general3A_144 = tpu.matmul %mul3A_137, %get3A_142, %dot_general3A_143 {dimension_numbers = #tpu.dot_dimension_numbers<[1], [0], [0], [1], [0, 0, 1, 1], [], []>, transpose_lhs_hint = false} : vector<80x128xf32>, vector<128x128xf32>, vector<80x128xf32> -> vector<80x128xf32>
    %add3A_145 = arith.addf %add3A_134, %dot_general3A_144 : vector<80x128xf32>
    %slice3A_146 = vector.extract_strided_slice %get3A_89 {offsets = [0, 5], sizes = [80, 1], strides = [1, 1]} : vector<80x8xf32> to vector<80x1xf32>
    %mul3A_147 = vector.broadcast %slice3A_146 : vector<80x1xf32> to vector<80x128xf32>
    %mul3A_148 = arith.mulf %add3A_86, %mul3A_147 : vector<80x128xf32>
    %get3A_149 = arith.constant 5 : index
    %get3A_150 = arith.constant 0 : index
    %get3A_151 = arith.constant 0 : index
    %get3A_152 = vector.load %arg15[%get3A_149, %get3A_150, %get3A_151] : memref<8x128x128xf32, #tpu.memory_space<vmem>>, vector<1x128x128xf32>
    %get3A_153 = vector.shape_cast %get3A_152 : vector<1x128x128xf32> to vector<128x128xf32>
    %dot_general3A_154 = arith.constant dense<0.000000e+00> : vector<80x128xf32>
    %dot_general3A_155 = tpu.matmul %mul3A_148, %get3A_153, %dot_general3A_154 {dimension_numbers = #tpu.dot_dimension_numbers<[1], [0], [0], [1], [0, 0, 1, 1], [], []>, transpose_lhs_hint = false} : vector<80x128xf32>, vector<128x128xf32>, vector<80x128xf32> -> vector<80x128xf32>
    %add3A_156 = arith.addf %add3A_145, %dot_general3A_155 : vector<80x128xf32>
    %slice3A_157 = vector.extract_strided_slice %get3A_89 {offsets = [0, 6], sizes = [80, 1], strides = [1, 1]} : vector<80x8xf32> to vector<80x1xf32>
    %mul3A_158 = vector.broadcast %slice3A_157 : vector<80x1xf32> to vector<80x128xf32>
    %mul3A_159 = arith.mulf %add3A_86, %mul3A_158 : vector<80x128xf32>
    %get3A_160 = arith.constant 6 : index
    %get3A_161 = arith.constant 0 : index
    %get3A_162 = arith.constant 0 : index
    %get3A_163 = vector.load %arg15[%get3A_160, %get3A_161, %get3A_162] : memref<8x128x128xf32, #tpu.memory_space<vmem>>, vector<1x128x128xf32>
    %get3A_164 = vector.shape_cast %get3A_163 : vector<1x128x128xf32> to vector<128x128xf32>
    %dot_general3A_165 = arith.constant dense<0.000000e+00> : vector<80x128xf32>
    %dot_general3A_166 = tpu.matmul %mul3A_159, %get3A_164, %dot_general3A_165 {dimension_numbers = #tpu.dot_dimension_numbers<[1], [0], [0], [1], [0, 0, 1, 1], [], []>, transpose_lhs_hint = false} : vector<80x128xf32>, vector<128x128xf32>, vector<80x128xf32> -> vector<80x128xf32>
    %add3A_167 = arith.addf %add3A_156, %dot_general3A_166 : vector<80x128xf32>
    %slice3A_168 = vector.extract_strided_slice %get3A_89 {offsets = [0, 7], sizes = [80, 1], strides = [1, 1]} : vector<80x8xf32> to vector<80x1xf32>
    %mul3A_169 = vector.broadcast %slice3A_168 : vector<80x1xf32> to vector<80x128xf32>
    %mul3A_170 = arith.mulf %add3A_86, %mul3A_169 : vector<80x128xf32>
    %get3A_171 = arith.constant 7 : index
    %get3A_172 = arith.constant 0 : index
    %get3A_173 = arith.constant 0 : index
    %get3A_174 = vector.load %arg15[%get3A_171, %get3A_172, %get3A_173] : memref<8x128x128xf32, #tpu.memory_space<vmem>>, vector<1x128x128xf32>
    %get3A_175 = vector.shape_cast %get3A_174 : vector<1x128x128xf32> to vector<128x128xf32>
    %dot_general3A_176 = arith.constant dense<0.000000e+00> : vector<80x128xf32>
    %dot_general3A_177 = tpu.matmul %mul3A_170, %get3A_175, %dot_general3A_176 {dimension_numbers = #tpu.dot_dimension_numbers<[1], [0], [0], [1], [0, 0, 1, 1], [], []>, transpose_lhs_hint = false} : vector<80x128xf32>, vector<128x128xf32>, vector<80x128xf32> -> vector<80x128xf32>
    %add3A_178 = arith.addf %add3A_167, %dot_general3A_177 : vector<80x128xf32>
    %logistic3A = arith.negf %add3A_178 : vector<80x128xf32>
    %logistic3A_179 = math.exp %logistic3A : vector<80x128xf32>
    %logistic3A_180 = arith.constant 1.000000e+00 : f32
    %logistic3A_181 = vector.broadcast %logistic3A_180 : f32 to vector<80x128xf32>
    %logistic3A_182 = arith.addf %logistic3A_181, %logistic3A_179 : vector<80x128xf32>
    %logistic3A_183 = arith.divf %logistic3A_181, %logistic3A_182 : vector<80x128xf32>
    %mul3A_184 = arith.mulf %add3A_178, %logistic3A_183 : vector<80x128xf32>
    %broadcast_in_dim3A_185 = arith.constant 0.000000e+00 : f32
    %broadcast_in_dim3A_186 = vector.broadcast %broadcast_in_dim3A_185 : f32 to vector<80x128xf32>
    %slice3A_187 = vector.extract_strided_slice %get3A_89 {offsets = [0, 0], sizes = [80, 1], strides = [1, 1]} : vector<80x8xf32> to vector<80x1xf32>
    %mul3A_188 = vector.broadcast %slice3A_187 : vector<80x1xf32> to vector<80x128xf32>
    %mul3A_189 = arith.mulf %mul3A_184, %mul3A_188 : vector<80x128xf32>
    %get3A_190 = arith.constant 0 : index
    %get3A_191 = arith.constant 0 : index
    %get3A_192 = arith.constant 0 : index
    %get3A_193 = vector.load %arg16[%get3A_190, %get3A_191, %get3A_192] : memref<8x128x128xf32, #tpu.memory_space<vmem>>, vector<1x128x128xf32>
    %get3A_194 = vector.shape_cast %get3A_193 : vector<1x128x128xf32> to vector<128x128xf32>
    %dot_general3A_195 = arith.constant dense<0.000000e+00> : vector<80x128xf32>
    %dot_general3A_196 = tpu.matmul %mul3A_189, %get3A_194, %dot_general3A_195 {dimension_numbers = #tpu.dot_dimension_numbers<[1], [0], [0], [1], [0, 0, 1, 1], [], []>, transpose_lhs_hint = false} : vector<80x128xf32>, vector<128x128xf32>, vector<80x128xf32> -> vector<80x128xf32>
    %add3A_197 = arith.addf %broadcast_in_dim3A_186, %dot_general3A_196 : vector<80x128xf32>
    %slice3A_198 = vector.extract_strided_slice %get3A_89 {offsets = [0, 1], sizes = [80, 1], strides = [1, 1]} : vector<80x8xf32> to vector<80x1xf32>
    %mul3A_199 = vector.broadcast %slice3A_198 : vector<80x1xf32> to vector<80x128xf32>
    %mul3A_200 = arith.mulf %mul3A_184, %mul3A_199 : vector<80x128xf32>
    %get3A_201 = arith.constant 1 : index
    %get3A_202 = arith.constant 0 : index
    %get3A_203 = arith.constant 0 : index
    %get3A_204 = vector.load %arg16[%get3A_201, %get3A_202, %get3A_203] : memref<8x128x128xf32, #tpu.memory_space<vmem>>, vector<1x128x128xf32>
    %get3A_205 = vector.shape_cast %get3A_204 : vector<1x128x128xf32> to vector<128x128xf32>
    %dot_general3A_206 = arith.constant dense<0.000000e+00> : vector<80x128xf32>
    %dot_general3A_207 = tpu.matmul %mul3A_200, %get3A_205, %dot_general3A_206 {dimension_numbers = #tpu.dot_dimension_numbers<[1], [0], [0], [1], [0, 0, 1, 1], [], []>, transpose_lhs_hint = false} : vector<80x128xf32>, vector<128x128xf32>, vector<80x128xf32> -> vector<80x128xf32>
    %add3A_208 = arith.addf %add3A_197, %dot_general3A_207 : vector<80x128xf32>
    %slice3A_209 = vector.extract_strided_slice %get3A_89 {offsets = [0, 2], sizes = [80, 1], strides = [1, 1]} : vector<80x8xf32> to vector<80x1xf32>
    %mul3A_210 = vector.broadcast %slice3A_209 : vector<80x1xf32> to vector<80x128xf32>
    %mul3A_211 = arith.mulf %mul3A_184, %mul3A_210 : vector<80x128xf32>
    %get3A_212 = arith.constant 2 : index
    %get3A_213 = arith.constant 0 : index
    %get3A_214 = arith.constant 0 : index
    %get3A_215 = vector.load %arg16[%get3A_212, %get3A_213, %get3A_214] : memref<8x128x128xf32, #tpu.memory_space<vmem>>, vector<1x128x128xf32>
    %get3A_216 = vector.shape_cast %get3A_215 : vector<1x128x128xf32> to vector<128x128xf32>
    %dot_general3A_217 = arith.constant dense<0.000000e+00> : vector<80x128xf32>
    %dot_general3A_218 = tpu.matmul %mul3A_211, %get3A_216, %dot_general3A_217 {dimension_numbers = #tpu.dot_dimension_numbers<[1], [0], [0], [1], [0, 0, 1, 1], [], []>, transpose_lhs_hint = false} : vector<80x128xf32>, vector<128x128xf32>, vector<80x128xf32> -> vector<80x128xf32>
    %add3A_219 = arith.addf %add3A_208, %dot_general3A_218 : vector<80x128xf32>
    %slice3A_220 = vector.extract_strided_slice %get3A_89 {offsets = [0, 3], sizes = [80, 1], strides = [1, 1]} : vector<80x8xf32> to vector<80x1xf32>
    %mul3A_221 = vector.broadcast %slice3A_220 : vector<80x1xf32> to vector<80x128xf32>
    %mul3A_222 = arith.mulf %mul3A_184, %mul3A_221 : vector<80x128xf32>
    %get3A_223 = arith.constant 3 : index
    %get3A_224 = arith.constant 0 : index
    %get3A_225 = arith.constant 0 : index
    %get3A_226 = vector.load %arg16[%get3A_223, %get3A_224, %get3A_225] : memref<8x128x128xf32, #tpu.memory_space<vmem>>, vector<1x128x128xf32>
    %get3A_227 = vector.shape_cast %get3A_226 : vector<1x128x128xf32> to vector<128x128xf32>
    %dot_general3A_228 = arith.constant dense<0.000000e+00> : vector<80x128xf32>
    %dot_general3A_229 = tpu.matmul %mul3A_222, %get3A_227, %dot_general3A_228 {dimension_numbers = #tpu.dot_dimension_numbers<[1], [0], [0], [1], [0, 0, 1, 1], [], []>, transpose_lhs_hint = false} : vector<80x128xf32>, vector<128x128xf32>, vector<80x128xf32> -> vector<80x128xf32>
    %add3A_230 = arith.addf %add3A_219, %dot_general3A_229 : vector<80x128xf32>
    %slice3A_231 = vector.extract_strided_slice %get3A_89 {offsets = [0, 4], sizes = [80, 1], strides = [1, 1]} : vector<80x8xf32> to vector<80x1xf32>
    %mul3A_232 = vector.broadcast %slice3A_231 : vector<80x1xf32> to vector<80x128xf32>
    %mul3A_233 = arith.mulf %mul3A_184, %mul3A_232 : vector<80x128xf32>
    %get3A_234 = arith.constant 4 : index
    %get3A_235 = arith.constant 0 : index
    %get3A_236 = arith.constant 0 : index
    %get3A_237 = vector.load %arg16[%get3A_234, %get3A_235, %get3A_236] : memref<8x128x128xf32, #tpu.memory_space<vmem>>, vector<1x128x128xf32>
    %get3A_238 = vector.shape_cast %get3A_237 : vector<1x128x128xf32> to vector<128x128xf32>
    %dot_general3A_239 = arith.constant dense<0.000000e+00> : vector<80x128xf32>
    %dot_general3A_240 = tpu.matmul %mul3A_233, %get3A_238, %dot_general3A_239 {dimension_numbers = #tpu.dot_dimension_numbers<[1], [0], [0], [1], [0, 0, 1, 1], [], []>, transpose_lhs_hint = false} : vector<80x128xf32>, vector<128x128xf32>, vector<80x128xf32> -> vector<80x128xf32>
    %add3A_241 = arith.addf %add3A_230, %dot_general3A_240 : vector<80x128xf32>
    %slice3A_242 = vector.extract_strided_slice %get3A_89 {offsets = [0, 5], sizes = [80, 1], strides = [1, 1]} : vector<80x8xf32> to vector<80x1xf32>
    %mul3A_243 = vector.broadcast %slice3A_242 : vector<80x1xf32> to vector<80x128xf32>
    %mul3A_244 = arith.mulf %mul3A_184, %mul3A_243 : vector<80x128xf32>
    %get3A_245 = arith.constant 5 : index
    %get3A_246 = arith.constant 0 : index
    %get3A_247 = arith.constant 0 : index
    %get3A_248 = vector.load %arg16[%get3A_245, %get3A_246, %get3A_247] : memref<8x128x128xf32, #tpu.memory_space<vmem>>, vector<1x128x128xf32>
    %get3A_249 = vector.shape_cast %get3A_248 : vector<1x128x128xf32> to vector<128x128xf32>
    %dot_general3A_250 = arith.constant dense<0.000000e+00> : vector<80x128xf32>
    %dot_general3A_251 = tpu.matmul %mul3A_244, %get3A_249, %dot_general3A_250 {dimension_numbers = #tpu.dot_dimension_numbers<[1], [0], [0], [1], [0, 0, 1, 1], [], []>, transpose_lhs_hint = false} : vector<80x128xf32>, vector<128x128xf32>, vector<80x128xf32> -> vector<80x128xf32>
    %add3A_252 = arith.addf %add3A_241, %dot_general3A_251 : vector<80x128xf32>
    %slice3A_253 = vector.extract_strided_slice %get3A_89 {offsets = [0, 6], sizes = [80, 1], strides = [1, 1]} : vector<80x8xf32> to vector<80x1xf32>
    %mul3A_254 = vector.broadcast %slice3A_253 : vector<80x1xf32> to vector<80x128xf32>
    %mul3A_255 = arith.mulf %mul3A_184, %mul3A_254 : vector<80x128xf32>
    %get3A_256 = arith.constant 6 : index
    %get3A_257 = arith.constant 0 : index
    %get3A_258 = arith.constant 0 : index
    %get3A_259 = vector.load %arg16[%get3A_256, %get3A_257, %get3A_258] : memref<8x128x128xf32, #tpu.memory_space<vmem>>, vector<1x128x128xf32>
    %get3A_260 = vector.shape_cast %get3A_259 : vector<1x128x128xf32> to vector<128x128xf32>
    %dot_general3A_261 = arith.constant dense<0.000000e+00> : vector<80x128xf32>
    %dot_general3A_262 = tpu.matmul %mul3A_255, %get3A_260, %dot_general3A_261 {dimension_numbers = #tpu.dot_dimension_numbers<[1], [0], [0], [1], [0, 0, 1, 1], [], []>, transpose_lhs_hint = false} : vector<80x128xf32>, vector<128x128xf32>, vector<80x128xf32> -> vector<80x128xf32>
    %add3A_263 = arith.addf %add3A_252, %dot_general3A_262 : vector<80x128xf32>
    %slice3A_264 = vector.extract_strided_slice %get3A_89 {offsets = [0, 7], sizes = [80, 1], strides = [1, 1]} : vector<80x8xf32> to vector<80x1xf32>
    %mul3A_265 = vector.broadcast %slice3A_264 : vector<80x1xf32> to vector<80x128xf32>
    %mul3A_266 = arith.mulf %mul3A_184, %mul3A_265 : vector<80x128xf32>
    %get3A_267 = arith.constant 7 : index
    %get3A_268 = arith.constant 0 : index
    %get3A_269 = arith.constant 0 : index
    %get3A_270 = vector.load %arg16[%get3A_267, %get3A_268, %get3A_269] : memref<8x128x128xf32, #tpu.memory_space<vmem>>, vector<1x128x128xf32>
    %get3A_271 = vector.shape_cast %get3A_270 : vector<1x128x128xf32> to vector<128x128xf32>
    %dot_general3A_272 = arith.constant dense<0.000000e+00> : vector<80x128xf32>
    %dot_general3A_273 = tpu.matmul %mul3A_266, %get3A_271, %dot_general3A_272 {dimension_numbers = #tpu.dot_dimension_numbers<[1], [0], [0], [1], [0, 0, 1, 1], [], []>, transpose_lhs_hint = false} : vector<80x128xf32>, vector<128x128xf32>, vector<80x128xf32> -> vector<80x128xf32>
    %add3A_274 = arith.addf %add3A_263, %dot_general3A_273 : vector<80x128xf32>
    %get3A_275 = arith.constant 0 : index
    %get3A_276 = arith.constant 0 : index
    %get3A_277 = vector.load %arg20[%get3A_275, %get3A_276] : memref<1x1xf32, #tpu.memory_space<vmem>>, vector<1x1xf32>
    %get3A_278 = vector.extract %get3A_277[0, 0] : f32 from vector<1x1xf32>
    %mul3A_279 = vector.broadcast %get3A_278 : f32 to vector<80x128xf32>
    %mul3A_280 = arith.mulf %add3A_274, %mul3A_279 : vector<80x128xf32>
    %add3A_281 = arith.addf %add3A_32, %mul3A_280 : vector<80x128xf32>
    %swap3A = arith.constant 0 : index
    %swap3A_282 = arith.constant 0 : index
    %swap3A_283 = vector.load %arg21[%swap3A, %swap3A_282] : memref<80x128xf32, #tpu.memory_space<vmem>>, vector<80x128xf32>
    tpu.vector_store %arg21[%swap3A, %swap3A_282], %add3A_281 {strides = array<i32>} : memref<80x128xf32, #tpu.memory_space<vmem>>, vector<80x128xf32>,
    %get3A_284 = arith.constant 0 : index
    %get3A_285 = arith.constant 0 : index
    %get3A_286 = vector.load %arg17[%get3A_284, %get3A_285] : memref<128x128xf32, #tpu.memory_space<vmem>>, vector<128x128xf32>
    %dot_general3A_287 = arith.constant dense<0.000000e+00> : vector<80x128xf32>
    %dot_general3A_288 = tpu.matmul %add3A_281, %get3A_286, %dot_general3A_287 {dimension_numbers = #tpu.dot_dimension_numbers<[1], [0], [0], [1], [0, 0, 1, 1], [], []>, transpose_lhs_hint = false} : vector<80x128xf32>, vector<128x128xf32>, vector<80x128xf32> -> vector<80x128xf32>
    %swap3A_289 = arith.constant 0 : index
    %swap3A_290 = arith.constant 0 : index
    %swap3A_291 = vector.load %arg22[%swap3A_289, %swap3A_290] : memref<80x128xf32, #tpu.memory_space<vmem>>, vector<80x128xf32>
    tpu.vector_store %arg22[%swap3A_289, %swap3A_290], %dot_general3A_288 {strides = array<i32>} : memref<80x128xf32, #tpu.memory_space<vmem>>, vector<80x128xf32>,
    %get3A_292 = arith.constant 0 : index
    %get3A_293 = arith.constant 0 : index
    %get3A_294 = vector.load %arg18[%get3A_292, %get3A_293] : memref<128x128xf32, #tpu.memory_space<vmem>>, vector<128x128xf32>
    %dot_general3A_295 = arith.constant dense<0.000000e+00> : vector<80x128xf32>
    %dot_general3A_296 = tpu.matmul %add3A_281, %get3A_294, %dot_general3A_295 {dimension_numbers = #tpu.dot_dimension_numbers<[1], [0], [0], [1], [0, 0, 1, 1], [], []>, transpose_lhs_hint = false} : vector<80x128xf32>, vector<128x128xf32>, vector<80x128xf32> -> vector<80x128xf32>
    %swap3A_297 = arith.constant 0 : index
    %swap3A_298 = arith.constant 0 : index
    %swap3A_299 = vector.load %arg23[%swap3A_297, %swap3A_298] : memref<80x128xf32, #tpu.memory_space<vmem>>, vector<80x128xf32>
    tpu.vector_store %arg23[%swap3A_297, %swap3A_298], %dot_general3A_296 {strides = array<i32>} : memref<80x128xf32, #tpu.memory_space<vmem>>, vector<80x128xf32>,
    return
  }
  func.func @transform_0(%arg0: i32) -> (i32, i32) {
    %c0_i32 = arith.constant 0 : i32
    %c0_i32_0 = arith.constant 0 : i32
    return %arg0, %c0_i32 : i32, i32
  }
  func.func @transform_1(%arg0: i32) -> (i32, i32) {
    %add3A = arith.constant 128 : i32
    %add3A_0 = arith.addi %add3A, %arg0 : i32
    %c0_i32 = arith.constant 0 : i32
    %c0_i32_1 = arith.constant 0 : i32
    return %add3A_0, %c0_i32 : i32, i32
  }
  func.func @transform_2(%arg0: i32) -> (i32, i32) {
    %c0_i32 = arith.constant 0 : i32
    %c0_i32_0 = arith.constant 0 : i32
    return %arg0, %c0_i32 : i32, i32
  }
  func.func @transform_3(%arg0: i32) -> (i32, i32) {
    %add3A = arith.constant 128 : i32
    %add3A_0 = arith.addi %add3A, %arg0 : i32
    %c0_i32 = arith.constant 0 : i32
    %c0_i32_1 = arith.constant 0 : i32
    return %add3A_0, %c0_i32 : i32, i32
  }
  func.func @transform_4(%arg0: i32) -> (i32, i32) {
    %c0_i32 = arith.constant 0 : i32
    %c0_i32_0 = arith.constant 0 : i32
    return %arg0, %c0_i32 : i32, i32
  }
  func.func @transform_5(%arg0: i32) -> (i32, i32) {
    %c0_i32 = arith.constant 0 : i32
    %c0_i32_0 = arith.constant 0 : i32
    return %arg0, %c0_i32 : i32, i32
  }
  func.func @transform_6(%arg0: i32) -> (i32, i32) {
    %c0_i32 = arith.constant 0 : i32
    %c0_i32_0 = arith.constant 0 : i32
    return %arg0, %c0_i32 : i32, i32
  }
  func.func @transform_7(%arg0: i32) -> (i32, i32) {
    %c0_i32 = arith.constant 0 : i32
    %c0_i32_0 = arith.constant 0 : i32
    %c0_i32_1 = arith.constant 0 : i32
    return %c0_i32, %c0_i32_0 : i32, i32
  }
  func.func @transform_8(%arg0: i32) -> (i32, i32) {
    %c0_i32 = arith.constant 0 : i32
    %c0_i32_0 = arith.constant 0 : i32
    %c0_i32_1 = arith.constant 0 : i32
    return %c0_i32, %c0_i32_0 : i32, i32
  }
  func.func @transform_9(%arg0: i32) -> (i32, i32) {
    %c0_i32 = arith.constant 0 : i32
    %c0_i32_0 = arith.constant 0 : i32
    %c0_i32_1 = arith.constant 0 : i32
    return %c0_i32, %c0_i32_0 : i32, i32
  }
  func.func @transform_10(%arg0: i32) -> (i32, i32) {
    %c0_i32 = arith.constant 0 : i32
    %c0_i32_0 = arith.constant 0 : i32
    %c0_i32_1 = arith.constant 0 : i32
    return %c0_i32, %c0_i32_0 : i32, i32
  }
  func.func @transform_11(%arg0: i32) -> (i32, i32) {
    %c0_i32 = arith.constant 0 : i32
    %c0_i32_0 = arith.constant 0 : i32
    %c0_i32_1 = arith.constant 0 : i32
    return %c0_i32, %c0_i32_0 : i32, i32
  }
  func.func @transform_12(%arg0: i32) -> (i32, i32) {
    %c0_i32 = arith.constant 0 : i32
    %c0_i32_0 = arith.constant 0 : i32
    %c0_i32_1 = arith.constant 0 : i32
    return %c0_i32, %c0_i32_0 : i32, i32
  }
  func.func @transform_13(%arg0: i32) -> (i32, i32) {
    %c0_i32 = arith.constant 0 : i32
    %c0_i32_0 = arith.constant 0 : i32
    %c0_i32_1 = arith.constant 0 : i32
    return %c0_i32, %c0_i32_0 : i32, i32
  }
  func.func @transform_14(%arg0: i32) -> (i32, i32, i32) {
    %c0_i32 = arith.constant 0 : i32
    %c0_i32_0 = arith.constant 0 : i32
    %c0_i32_1 = arith.constant 0 : i32
    %c0_i32_2 = arith.constant 0 : i32
    return %c0_i32, %c0_i32_0, %c0_i32_1 : i32, i32, i32
  }
  func.func @transform_15(%arg0: i32) -> (i32, i32, i32) {
    %c0_i32 = arith.constant 0 : i32
    %c0_i32_0 = arith.constant 0 : i32
    %c0_i32_1 = arith.constant 0 : i32
    %c0_i32_2 = arith.constant 0 : i32
    return %c0_i32, %c0_i32_0, %c0_i32_1 : i32, i32, i32
  }
  func.func @transform_16(%arg0: i32) -> (i32, i32) {
    %c0_i32 = arith.constant 0 : i32
    %c0_i32_0 = arith.constant 0 : i32
    %c0_i32_1 = arith.constant 0 : i32
    return %c0_i32, %c0_i32_0 : i32, i32
  }
  func.func @transform_17(%arg0: i32) -> (i32, i32) {
    %c0_i32 = arith.constant 0 : i32
    %c0_i32_0 = arith.constant 0 : i32
    %c0_i32_1 = arith.constant 0 : i32
    return %c0_i32, %c0_i32_0 : i32, i32
  }
  func.func @transform_18(%arg0: i32) -> (i32, i32) {
    %c0_i32 = arith.constant 0 : i32
    %c0_i32_0 = arith.constant 0 : i32
    %c0_i32_1 = arith.constant 0 : i32
    return %c0_i32, %c0_i32_0 : i32, i32
  }
  func.func @transform_19(%arg0: i32) -> (i32, i32) {
    %c0_i32 = arith.constant 0 : i32
    %c0_i32_0 = arith.constant 0 : i32
    %c0_i32_1 = arith.constant 0 : i32
    return %c0_i32, %c0_i32_0 : i32, i32
  }
  func.func @transform_20(%arg0: i32) -> (i32, i32) {
    %c0_i32 = arith.constant 0 : i32
    %c0_i32_0 = arith.constant 0 : i32
    return %arg0, %c0_i32 : i32, i32
  }
  func.func @transform_21(%arg0: i32) -> (i32, i32) {
    %c0_i32 = arith.constant 0 : i32
    %c0_i32_0 = arith.constant 0 : i32
    return %arg0, %c0_i32 : i32, i32
  }
  func.func @transform_22(%arg0: i32) -> (i32, i32) {
    %c0_i32 = arith.constant 0 : i32
    %c0_i32_0 = arith.constant 0 : i32
    return %arg0, %c0_i32 : i32, i32
  }
}

module attributes {stable_mosaic.version = 14 : i64} {
  func.func @_t4_body(%arg0: i32, %arg1: memref<2000x128xf32, #tpu.memory_space<vmem>>, %arg2: memref<2000x64xf32, #tpu.memory_space<vmem>>, %arg3: memref<2000x1xi32, #tpu.memory_space<vmem>>, %arg4: memref<125x16xf32, #tpu.memory_space<vmem>>, %arg5: memref<16x16xf32, #tpu.memory_space<vmem>>, %arg6: memref<2000x4xf32, #tpu.memory_space<vmem>>, %arg7: memref<16x128xf32, #tpu.memory_space<vmem>>, %arg8: memref<128x64xf32, #tpu.memory_space<vmem>>, %arg9: memref<1x64xf32, #tpu.memory_space<vmem>>, %arg10: memref<128x64xf32, #tpu.memory_space<vmem>>, %arg11: memref<1x64xf32, #tpu.memory_space<vmem>>, %arg12: memref<64x128xf32, #tpu.memory_space<vmem>>, %arg13: memref<1x128xf32, #tpu.memory_space<vmem>>, %arg14: memref<128x128xf32, #tpu.memory_space<vmem>>, %arg15: memref<128x64xf32, #tpu.memory_space<vmem>>, %arg16: memref<1x64xf32, #tpu.memory_space<vmem>>, %arg17: memref<128x64xf32, #tpu.memory_space<vmem>>, %arg18: memref<1x64xf32, #tpu.memory_space<vmem>>, %arg19: memref<128x64xf32, #tpu.memory_space<vmem>>, %arg20: memref<1x64xf32, #tpu.memory_space<vmem>>, %arg21: memref<4x64x128xf32, #tpu.memory_space<vmem>>, %arg22: memref<4x128x64xf32, #tpu.memory_space<vmem>>, %arg23: memref<1x1xf32, #tpu.memory_space<vmem>>, %arg24: memref<1x1xf32, #tpu.memory_space<vmem>>, %arg25: memref<2000x64xf32, #tpu.memory_space<vmem>>) attributes {dimension_semantics = [#tpu.dimension_semantics<arbitrary>], iteration_bounds = array<i64: 80>, scalar_prefetch = 0 : i64, scratch_operands = 0 : i64, tpu.core_type = #tpu.core_type<tc>, window_params = [{transform_indices = @transform_0, window_bounds = array<i64: 2000, 128>}, {transform_indices = @transform_1, window_bounds = array<i64: 2000, 64>}, {transform_indices = @transform_2, window_bounds = array<i64: 2000, 1>}, {pipeline_mode = #tpu.pipeline_mode<synchronous>, transform_indices = @transform_3, window_bounds = array<i64: 125, 16>}, {pipeline_mode = #tpu.pipeline_mode<synchronous>, transform_indices = @transform_4, window_bounds = array<i64: 16, 16>}, {transform_indices = @transform_5, window_bounds = array<i64: 2000, 4>}, {pipeline_mode = #tpu.pipeline_mode<synchronous>, transform_indices = @transform_6, window_bounds = array<i64: 16, 128>}, {pipeline_mode = #tpu.pipeline_mode<synchronous>, transform_indices = @transform_7, window_bounds = array<i64: 128, 64>}, {pipeline_mode = #tpu.pipeline_mode<synchronous>, transform_indices = @transform_8, window_bounds = array<i64: 1, 64>}, {pipeline_mode = #tpu.pipeline_mode<synchronous>, transform_indices = @transform_9, window_bounds = array<i64: 128, 64>}, {pipeline_mode = #tpu.pipeline_mode<synchronous>, transform_indices = @transform_10, window_bounds = array<i64: 1, 64>}, {pipeline_mode = #tpu.pipeline_mode<synchronous>, transform_indices = @transform_11, window_bounds = array<i64: 64, 128>}, {pipeline_mode = #tpu.pipeline_mode<synchronous>, transform_indices = @transform_12, window_bounds = array<i64: 1, 128>}, {pipeline_mode = #tpu.pipeline_mode<synchronous>, transform_indices = @transform_13, window_bounds = array<i64: 128, 128>}, {pipeline_mode = #tpu.pipeline_mode<synchronous>, transform_indices = @transform_14, window_bounds = array<i64: 128, 64>}, {pipeline_mode = #tpu.pipeline_mode<synchronous>, transform_indices = @transform_15, window_bounds = array<i64: 1, 64>}, {pipeline_mode = #tpu.pipeline_mode<synchronous>, transform_indices = @transform_16, window_bounds = array<i64: 128, 64>}, {pipeline_mode = #tpu.pipeline_mode<synchronous>, transform_indices = @transform_17, window_bounds = array<i64: 1, 64>}, {pipeline_mode = #tpu.pipeline_mode<synchronous>, transform_indices = @transform_18, window_bounds = array<i64: 128, 64>}, {pipeline_mode = #tpu.pipeline_mode<synchronous>, transform_indices = @transform_19, window_bounds = array<i64: 1, 64>}, {pipeline_mode = #tpu.pipeline_mode<synchronous>, transform_indices = @transform_20, window_bounds = array<i64: 4, 64, 128>}, {pipeline_mode = #tpu.pipeline_mode<synchronous>, transform_indices = @transform_21, window_bounds = array<i64: 4, 128, 64>}, {pipeline_mode = #tpu.pipeline_mode<synchronous>, transform_indices = @transform_22, window_bounds = array<i64: 1, 1>}, {pipeline_mode = #tpu.pipeline_mode<synchronous>, transform_indices = @transform_23, window_bounds = array<i64: 1, 1>}, {transform_indices = @transform_24, window_bounds = array<i64: 2000, 64>}]} {
    %get3A = arith.constant 0 : index
    %get3A_0 = arith.constant 0 : index
    %get3A_1 = vector.load %arg7[%get3A, %get3A_0] : memref<16x128xf32, #tpu.memory_space<vmem>>, vector<16x128xf32>
    %get3A_2 = arith.constant 0 : index
    %get3A_3 = arith.constant 0 : index
    %get3A_4 = vector.load %arg4[%get3A_2, %get3A_3] : memref<125x16xf32, #tpu.memory_space<vmem>>, vector<125x16xf32>
    %reduce_sum3A = arith.constant dense<0.000000e+00> : vector<16xf32>
    %reduce_sum3A_5 = vector.multi_reduction <add>, %get3A_4, %reduce_sum3A [0] : vector<125x16xf32> to vector<16xf32>
    %broadcast_in_dim3A = vector.shape_cast %reduce_sum3A_5 : vector<16xf32> to vector<1x16xf32>
    %get3A_6 = arith.constant 0 : index
    %get3A_7 = arith.constant 0 : index
    %get3A_8 = vector.load %arg3[%get3A_6, %get3A_7] : memref<2000x1xi32, #tpu.memory_space<vmem>>, vector<2000x1xi32>
    %convert_element_type3A = arith.sitofp %get3A_8 : vector<2000x1xi32> to vector<2000x1xf32>
    %lt3A = vector.broadcast %convert_element_type3A : vector<2000x1xf32> to vector<2000x16xf32>
    %lt3A_9 = vector.broadcast %broadcast_in_dim3A : vector<1x16xf32> to vector<2000x16xf32>
    %lt3A_10 = arith.cmpf olt, %lt3A, %lt3A_9 : vector<2000x16xf32>
    %convert_element_type3A_11 = arith.extui %lt3A_10 : vector<2000x16xi1> to vector<2000x16xi32>
    %convert_element_type3A_12 = arith.sitofp %convert_element_type3A_11 : vector<2000x16xi32> to vector<2000x16xf32>
    %get3A_13 = arith.constant 0 : index
    %get3A_14 = arith.constant 0 : index
    %get3A_15 = vector.load %arg5[%get3A_13, %get3A_14] : memref<16x16xf32, #tpu.memory_space<vmem>>, vector<16x16xf32>
    %dot_general3A = arith.constant dense<0.000000e+00> : vector<2000x16xf32>
    %dot_general3A_16 = tpu.matmul %convert_element_type3A_12, %get3A_15, %dot_general3A {dimension_numbers = #tpu.dot_dimension_numbers<[1], [0], [0], [1], [0, 0, 1, 1], [], []>, transpose_lhs_hint = false} : vector<2000x16xf32>, vector<16x16xf32>, vector<2000x16xf32> -> vector<2000x16xf32>
    %sub3A = arith.subf %convert_element_type3A_12, %dot_general3A_16 : vector<2000x16xf32>
    %get3A_17 = arith.constant 0 : index
    %get3A_18 = arith.constant 0 : index
    %get3A_19 = vector.load %arg8[%get3A_17, %get3A_18] : memref<128x64xf32, #tpu.memory_space<vmem>>, vector<128x64xf32>
    %dot_general3A_20 = arith.constant dense<0.000000e+00> : vector<16x64xf32>
    %dot_general3A_21 = tpu.matmul %get3A_1, %get3A_19, %dot_general3A_20 {dimension_numbers = #tpu.dot_dimension_numbers<[1], [0], [0], [1], [0, 0, 1, 1], [], []>, transpose_lhs_hint = false} : vector<16x128xf32>, vector<128x64xf32>, vector<16x64xf32> -> vector<16x64xf32>
    %add3A = arith.constant 1.000000e+00 : f32
    %add3A_22 = vector.broadcast %add3A : f32 to vector<16x64xf32>
    %add3A_23 = arith.addf %add3A_22, %dot_general3A_21 : vector<16x64xf32>
    %get3A_24 = arith.constant 0 : index
    %get3A_25 = arith.constant 0 : index
    %get3A_26 = vector.load %arg9[%get3A_24, %get3A_25] : memref<1x64xf32, #tpu.memory_space<vmem>>, vector<1x64xf32>
    %add3A_27 = vector.broadcast %get3A_26 : vector<1x64xf32> to vector<16x64xf32>
    %add3A_28 = arith.addf %add3A_23, %add3A_27 : vector<16x64xf32>
    %get3A_29 = arith.constant 0 : index
    %get3A_30 = arith.constant 0 : index
    %get3A_31 = vector.load %arg10[%get3A_29, %get3A_30] : memref<128x64xf32, #tpu.memory_space<vmem>>, vector<128x64xf32>
    %dot_general3A_32 = arith.constant dense<0.000000e+00> : vector<16x64xf32>
    %dot_general3A_33 = tpu.matmul %get3A_1, %get3A_31, %dot_general3A_32 {dimension_numbers = #tpu.dot_dimension_numbers<[1], [0], [0], [1], [0, 0, 1, 1], [], []>, transpose_lhs_hint = false} : vector<16x128xf32>, vector<128x64xf32>, vector<16x64xf32> -> vector<16x64xf32>
    %get3A_34 = arith.constant 0 : index
    %get3A_35 = arith.constant 0 : index
    %get3A_36 = vector.load %arg11[%get3A_34, %get3A_35] : memref<1x64xf32, #tpu.memory_space<vmem>>, vector<1x64xf32>
    %add3A_37 = vector.broadcast %get3A_36 : vector<1x64xf32> to vector<16x64xf32>
    %add3A_38 = arith.addf %dot_general3A_33, %add3A_37 : vector<16x64xf32>
    %get3A_39 = arith.constant 0 : index
    %get3A_40 = arith.constant 0 : index
    %get3A_41 = vector.load %arg2[%get3A_39, %get3A_40] : memref<2000x64xf32, #tpu.memory_space<vmem>>, vector<2000x64xf32>
    %reduce_sum3A_42 = arith.constant dense<0.000000e+00> : vector<2000xf32>
    %reduce_sum3A_43 = vector.multi_reduction <add>, %get3A_41, %reduce_sum3A_42 [1] : vector<2000x64xf32> to vector<2000xf32>
    %broadcast_in_dim3A_44 = vector.shape_cast %reduce_sum3A_43 : vector<2000xf32> to vector<2000x1xf32>
    %div3A = arith.constant 6.400000e+01 : f32
    %div3A_45 = vector.broadcast %div3A : f32 to vector<2000x1xf32>
    %div3A_46 = arith.divf %broadcast_in_dim3A_44, %div3A_45 : vector<2000x1xf32>
    %sub3A_47 = vector.broadcast %div3A_46 : vector<2000x1xf32> to vector<2000x64xf32>
    %sub3A_48 = arith.subf %get3A_41, %sub3A_47 : vector<2000x64xf32>
    %mul3A = arith.mulf %sub3A_48, %sub3A_48 : vector<2000x64xf32>
    %reduce_sum3A_49 = arith.constant dense<0.000000e+00> : vector<2000xf32>
    %reduce_sum3A_50 = vector.multi_reduction <add>, %mul3A, %reduce_sum3A_49 [1] : vector<2000x64xf32> to vector<2000xf32>
    %broadcast_in_dim3A_51 = vector.shape_cast %reduce_sum3A_50 : vector<2000xf32> to vector<2000x1xf32>
    %div3A_52 = arith.constant 6.400000e+01 : f32
    %div3A_53 = vector.broadcast %div3A_52 : f32 to vector<2000x1xf32>
    %div3A_54 = arith.divf %broadcast_in_dim3A_51, %div3A_53 : vector<2000x1xf32>
    %add3A_55 = arith.constant 9.99999974E-6 : f32
    %add3A_56 = vector.broadcast %add3A_55 : f32 to vector<2000x1xf32>
    %add3A_57 = arith.addf %div3A_54, %add3A_56 : vector<2000x1xf32>
    %rsqrt3A = math.rsqrt %add3A_57 : vector<2000x1xf32>
    %mul3A_58 = vector.broadcast %rsqrt3A : vector<2000x1xf32> to vector<2000x64xf32>
    %mul3A_59 = arith.mulf %sub3A_48, %mul3A_58 : vector<2000x64xf32>
    %dot_general3A_60 = arith.constant dense<0.000000e+00> : vector<2000x64xf32>
    %dot_general3A_61 = tpu.matmul %sub3A, %add3A_28, %dot_general3A_60 {dimension_numbers = #tpu.dot_dimension_numbers<[1], [0], [0], [1], [0, 0, 1, 1], [], []>, transpose_lhs_hint = false} : vector<2000x16xf32>, vector<16x64xf32>, vector<2000x64xf32> -> vector<2000x64xf32>
    %mul3A_62 = arith.mulf %mul3A_59, %dot_general3A_61 : vector<2000x64xf32>
    %dot_general3A_63 = arith.constant dense<0.000000e+00> : vector<2000x64xf32>
    %dot_general3A_64 = tpu.matmul %sub3A, %add3A_38, %dot_general3A_63 {dimension_numbers = #tpu.dot_dimension_numbers<[1], [0], [0], [1], [0, 0, 1, 1], [], []>, transpose_lhs_hint = false} : vector<2000x16xf32>, vector<16x64xf32>, vector<2000x64xf32> -> vector<2000x64xf32>
    %add3A_65 = arith.addf %mul3A_62, %dot_general3A_64 : vector<2000x64xf32>
    %get3A_66 = arith.constant 0 : index
    %get3A_67 = arith.constant 0 : index
    %get3A_68 = vector.load %arg14[%get3A_66, %get3A_67] : memref<128x128xf32, #tpu.memory_space<vmem>>, vector<128x128xf32>
    %dot_general3A_69 = arith.constant dense<0.000000e+00> : vector<16x128xf32>
    %dot_general3A_70 = tpu.matmul %get3A_1, %get3A_68, %dot_general3A_69 {dimension_numbers = #tpu.dot_dimension_numbers<[1], [0], [0], [1], [0, 0, 1, 1], [], []>, transpose_lhs_hint = false} : vector<16x128xf32>, vector<128x128xf32>, vector<16x128xf32> -> vector<16x128xf32>
    %get3A_71 = arith.constant 0 : index
    %get3A_72 = arith.constant 0 : index
    %get3A_73 = vector.load %arg1[%get3A_71, %get3A_72] : memref<2000x128xf32, #tpu.memory_space<vmem>>, vector<2000x128xf32>
    %get3A_74 = arith.constant 0 : index
    %get3A_75 = arith.constant 0 : index
    %get3A_76 = vector.load %arg12[%get3A_74, %get3A_75] : memref<64x128xf32, #tpu.memory_space<vmem>>, vector<64x128xf32>
    %dot_general3A_77 = arith.constant dense<0.000000e+00> : vector<2000x128xf32>
    %dot_general3A_78 = tpu.matmul %add3A_65, %get3A_76, %dot_general3A_77 {dimension_numbers = #tpu.dot_dimension_numbers<[1], [0], [0], [1], [0, 0, 1, 1], [], []>, transpose_lhs_hint = false} : vector<2000x64xf32>, vector<64x128xf32>, vector<2000x128xf32> -> vector<2000x128xf32>
    %add3A_79 = arith.addf %get3A_73, %dot_general3A_78 : vector<2000x128xf32>
    %get3A_80 = arith.constant 0 : index
    %get3A_81 = arith.constant 0 : index
    %get3A_82 = vector.load %arg13[%get3A_80, %get3A_81] : memref<1x128xf32, #tpu.memory_space<vmem>>, vector<1x128xf32>
    %add3A_83 = vector.broadcast %get3A_82 : vector<1x128xf32> to vector<2000x128xf32>
    %add3A_84 = arith.addf %add3A_79, %add3A_83 : vector<2000x128xf32>
    %dot_general3A_85 = arith.constant dense<0.000000e+00> : vector<2000x128xf32>
    %dot_general3A_86 = tpu.matmul %sub3A, %dot_general3A_70, %dot_general3A_85 {dimension_numbers = #tpu.dot_dimension_numbers<[1], [0], [0], [1], [0, 0, 1, 1], [], []>, transpose_lhs_hint = false} : vector<2000x16xf32>, vector<16x128xf32>, vector<2000x128xf32> -> vector<2000x128xf32>
    %add3A_87 = arith.addf %add3A_84, %dot_general3A_86 : vector<2000x128xf32>
    %logistic3A = arith.negf %add3A_87 : vector<2000x128xf32>
    %logistic3A_88 = math.exp %logistic3A : vector<2000x128xf32>
    %logistic3A_89 = arith.constant 1.000000e+00 : f32
    %logistic3A_90 = vector.broadcast %logistic3A_89 : f32 to vector<2000x128xf32>
    %logistic3A_91 = arith.addf %logistic3A_90, %logistic3A_88 : vector<2000x128xf32>
    %logistic3A_92 = arith.divf %logistic3A_90, %logistic3A_91 : vector<2000x128xf32>
    %mul3A_93 = arith.mulf %add3A_87, %logistic3A_92 : vector<2000x128xf32>
    %get3A_94 = arith.constant 0 : index
    %get3A_95 = arith.constant 0 : index
    %get3A_96 = vector.load %arg15[%get3A_94, %get3A_95] : memref<128x64xf32, #tpu.memory_space<vmem>>, vector<128x64xf32>
    %dot_general3A_97 = arith.constant dense<0.000000e+00> : vector<2000x64xf32>
    %dot_general3A_98 = tpu.matmul %mul3A_93, %get3A_96, %dot_general3A_97 {dimension_numbers = #tpu.dot_dimension_numbers<[1], [0], [0], [1], [0, 0, 1, 1], [], []>, transpose_lhs_hint = false} : vector<2000x128xf32>, vector<128x64xf32>, vector<2000x64xf32> -> vector<2000x64xf32>
    %get3A_99 = arith.constant 0 : index
    %get3A_100 = arith.constant 0 : index
    %get3A_101 = vector.load %arg16[%get3A_99, %get3A_100] : memref<1x64xf32, #tpu.memory_space<vmem>>, vector<1x64xf32>
    %add3A_102 = vector.broadcast %get3A_101 : vector<1x64xf32> to vector<2000x64xf32>
    %add3A_103 = arith.addf %dot_general3A_98, %add3A_102 : vector<2000x64xf32>
    %get3A_104 = arith.constant 0 : index
    %get3A_105 = arith.constant 0 : index
    %get3A_106 = vector.load %arg2[%get3A_104, %get3A_105] : memref<2000x64xf32, #tpu.memory_space<vmem>>, vector<2000x64xf32>
    %get3A_107 = arith.constant 0 : index
    %get3A_108 = arith.constant 0 : index
    %get3A_109 = vector.load %arg23[%get3A_107, %get3A_108] : memref<1x1xf32, #tpu.memory_space<vmem>>, vector<1x1xf32>
    %get3A_110 = vector.extract %get3A_109[0, 0] : f32 from vector<1x1xf32>
    %mul3A_111 = vector.broadcast %get3A_110 : f32 to vector<2000x64xf32>
    %mul3A_112 = arith.mulf %add3A_103, %mul3A_111 : vector<2000x64xf32>
    %add3A_113 = arith.addf %get3A_106, %mul3A_112 : vector<2000x64xf32>
    %get3A_114 = arith.constant 0 : index
    %get3A_115 = arith.constant 0 : index
    %get3A_116 = vector.load %arg17[%get3A_114, %get3A_115] : memref<128x64xf32, #tpu.memory_space<vmem>>, vector<128x64xf32>
    %dot_general3A_117 = arith.constant dense<0.000000e+00> : vector<16x64xf32>
    %dot_general3A_118 = tpu.matmul %get3A_1, %get3A_116, %dot_general3A_117 {dimension_numbers = #tpu.dot_dimension_numbers<[1], [0], [0], [1], [0, 0, 1, 1], [], []>, transpose_lhs_hint = false} : vector<16x128xf32>, vector<128x64xf32>, vector<16x64xf32> -> vector<16x64xf32>
    %add3A_119 = arith.constant 1.000000e+00 : f32
    %add3A_120 = vector.broadcast %add3A_119 : f32 to vector<16x64xf32>
    %add3A_121 = arith.addf %add3A_120, %dot_general3A_118 : vector<16x64xf32>
    %get3A_122 = arith.constant 0 : index
    %get3A_123 = arith.constant 0 : index
    %get3A_124 = vector.load %arg18[%get3A_122, %get3A_123] : memref<1x64xf32, #tpu.memory_space<vmem>>, vector<1x64xf32>
    %add3A_125 = vector.broadcast %get3A_124 : vector<1x64xf32> to vector<16x64xf32>
    %add3A_126 = arith.addf %add3A_121, %add3A_125 : vector<16x64xf32>
    %get3A_127 = arith.constant 0 : index
    %get3A_128 = arith.constant 0 : index
    %get3A_129 = vector.load %arg19[%get3A_127, %get3A_128] : memref<128x64xf32, #tpu.memory_space<vmem>>, vector<128x64xf32>
    %dot_general3A_130 = arith.constant dense<0.000000e+00> : vector<16x64xf32>
    %dot_general3A_131 = tpu.matmul %get3A_1, %get3A_129, %dot_general3A_130 {dimension_numbers = #tpu.dot_dimension_numbers<[1], [0], [0], [1], [0, 0, 1, 1], [], []>, transpose_lhs_hint = false} : vector<16x128xf32>, vector<128x64xf32>, vector<16x64xf32> -> vector<16x64xf32>
    %get3A_132 = arith.constant 0 : index
    %get3A_133 = arith.constant 0 : index
    %get3A_134 = vector.load %arg20[%get3A_132, %get3A_133] : memref<1x64xf32, #tpu.memory_space<vmem>>, vector<1x64xf32>
    %add3A_135 = vector.broadcast %get3A_134 : vector<1x64xf32> to vector<16x64xf32>
    %add3A_136 = arith.addf %dot_general3A_131, %add3A_135 : vector<16x64xf32>
    %reduce_sum3A_137 = arith.constant dense<0.000000e+00> : vector<2000xf32>
    %reduce_sum3A_138 = vector.multi_reduction <add>, %add3A_113, %reduce_sum3A_137 [1] : vector<2000x64xf32> to vector<2000xf32>
    %broadcast_in_dim3A_139 = vector.shape_cast %reduce_sum3A_138 : vector<2000xf32> to vector<2000x1xf32>
    %div3A_140 = arith.constant 6.400000e+01 : f32
    %div3A_141 = vector.broadcast %div3A_140 : f32 to vector<2000x1xf32>
    %div3A_142 = arith.divf %broadcast_in_dim3A_139, %div3A_141 : vector<2000x1xf32>
    %sub3A_143 = vector.broadcast %div3A_142 : vector<2000x1xf32> to vector<2000x64xf32>
    %sub3A_144 = arith.subf %add3A_113, %sub3A_143 : vector<2000x64xf32>
    %mul3A_145 = arith.mulf %sub3A_144, %sub3A_144 : vector<2000x64xf32>
    %reduce_sum3A_146 = arith.constant dense<0.000000e+00> : vector<2000xf32>
    %reduce_sum3A_147 = vector.multi_reduction <add>, %mul3A_145, %reduce_sum3A_146 [1] : vector<2000x64xf32> to vector<2000xf32>
    %broadcast_in_dim3A_148 = vector.shape_cast %reduce_sum3A_147 : vector<2000xf32> to vector<2000x1xf32>
    %div3A_149 = arith.constant 6.400000e+01 : f32
    %div3A_150 = vector.broadcast %div3A_149 : f32 to vector<2000x1xf32>
    %div3A_151 = arith.divf %broadcast_in_dim3A_148, %div3A_150 : vector<2000x1xf32>
    %add3A_152 = arith.constant 9.99999974E-6 : f32
    %add3A_153 = vector.broadcast %add3A_152 : f32 to vector<2000x1xf32>
    %add3A_154 = arith.addf %div3A_151, %add3A_153 : vector<2000x1xf32>
    %rsqrt3A_155 = math.rsqrt %add3A_154 : vector<2000x1xf32>
    %mul3A_156 = vector.broadcast %rsqrt3A_155 : vector<2000x1xf32> to vector<2000x64xf32>
    %mul3A_157 = arith.mulf %sub3A_144, %mul3A_156 : vector<2000x64xf32>
    %dot_general3A_158 = arith.constant dense<0.000000e+00> : vector<2000x64xf32>
    %dot_general3A_159 = tpu.matmul %sub3A, %add3A_126, %dot_general3A_158 {dimension_numbers = #tpu.dot_dimension_numbers<[1], [0], [0], [1], [0, 0, 1, 1], [], []>, transpose_lhs_hint = false} : vector<2000x16xf32>, vector<16x64xf32>, vector<2000x64xf32> -> vector<2000x64xf32>
    %mul3A_160 = arith.mulf %mul3A_157, %dot_general3A_159 : vector<2000x64xf32>
    %dot_general3A_161 = arith.constant dense<0.000000e+00> : vector<2000x64xf32>
    %dot_general3A_162 = tpu.matmul %sub3A, %add3A_136, %dot_general3A_161 {dimension_numbers = #tpu.dot_dimension_numbers<[1], [0], [0], [1], [0, 0, 1, 1], [], []>, transpose_lhs_hint = false} : vector<2000x16xf32>, vector<16x64xf32>, vector<2000x64xf32> -> vector<2000x64xf32>
    %add3A_163 = arith.addf %mul3A_160, %dot_general3A_162 : vector<2000x64xf32>
    %get3A_164 = arith.constant 0 : index
    %get3A_165 = arith.constant 0 : index
    %get3A_166 = vector.load %arg6[%get3A_164, %get3A_165] : memref<2000x4xf32, #tpu.memory_space<vmem>>, vector<2000x4xf32>
    %broadcast_in_dim3A_167 = arith.constant 0.000000e+00 : f32
    %broadcast_in_dim3A_168 = vector.broadcast %broadcast_in_dim3A_167 : f32 to vector<2000x128xf32>
    %slice3A = vector.extract_strided_slice %get3A_166 {offsets = [0, 0], sizes = [2000, 1], strides = [1, 1]} : vector<2000x4xf32> to vector<2000x1xf32>
    %mul3A_169 = vector.broadcast %slice3A : vector<2000x1xf32> to vector<2000x64xf32>
    %mul3A_170 = arith.mulf %add3A_163, %mul3A_169 : vector<2000x64xf32>
    %get3A_171 = arith.constant 0 : index
    %get3A_172 = arith.constant 0 : index
    %get3A_173 = arith.constant 0 : index
    %get3A_174 = vector.load %arg21[%get3A_171, %get3A_172, %get3A_173] : memref<4x64x128xf32, #tpu.memory_space<vmem>>, vector<1x64x128xf32>
    %get3A_175 = vector.shape_cast %get3A_174 : vector<1x64x128xf32> to vector<64x128xf32>
    %dot_general3A_176 = arith.constant dense<0.000000e+00> : vector<2000x128xf32>
    %dot_general3A_177 = tpu.matmul %mul3A_170, %get3A_175, %dot_general3A_176 {dimension_numbers = #tpu.dot_dimension_numbers<[1], [0], [0], [1], [0, 0, 1, 1], [], []>, transpose_lhs_hint = false} : vector<2000x64xf32>, vector<64x128xf32>, vector<2000x128xf32> -> vector<2000x128xf32>
    %add3A_178 = arith.addf %broadcast_in_dim3A_168, %dot_general3A_177 : vector<2000x128xf32>
    %slice3A_179 = vector.extract_strided_slice %get3A_166 {offsets = [0, 1], sizes = [2000, 1], strides = [1, 1]} : vector<2000x4xf32> to vector<2000x1xf32>
    %mul3A_180 = vector.broadcast %slice3A_179 : vector<2000x1xf32> to vector<2000x64xf32>
    %mul3A_181 = arith.mulf %add3A_163, %mul3A_180 : vector<2000x64xf32>
    %get3A_182 = arith.constant 1 : index
    %get3A_183 = arith.constant 0 : index
    %get3A_184 = arith.constant 0 : index
    %get3A_185 = vector.load %arg21[%get3A_182, %get3A_183, %get3A_184] : memref<4x64x128xf32, #tpu.memory_space<vmem>>, vector<1x64x128xf32>
    %get3A_186 = vector.shape_cast %get3A_185 : vector<1x64x128xf32> to vector<64x128xf32>
    %dot_general3A_187 = arith.constant dense<0.000000e+00> : vector<2000x128xf32>
    %dot_general3A_188 = tpu.matmul %mul3A_181, %get3A_186, %dot_general3A_187 {dimension_numbers = #tpu.dot_dimension_numbers<[1], [0], [0], [1], [0, 0, 1, 1], [], []>, transpose_lhs_hint = false} : vector<2000x64xf32>, vector<64x128xf32>, vector<2000x128xf32> -> vector<2000x128xf32>
    %add3A_189 = arith.addf %add3A_178, %dot_general3A_188 : vector<2000x128xf32>
    %slice3A_190 = vector.extract_strided_slice %get3A_166 {offsets = [0, 2], sizes = [2000, 1], strides = [1, 1]} : vector<2000x4xf32> to vector<2000x1xf32>
    %mul3A_191 = vector.broadcast %slice3A_190 : vector<2000x1xf32> to vector<2000x64xf32>
    %mul3A_192 = arith.mulf %add3A_163, %mul3A_191 : vector<2000x64xf32>
    %get3A_193 = arith.constant 2 : index
    %get3A_194 = arith.constant 0 : index
    %get3A_195 = arith.constant 0 : index
    %get3A_196 = vector.load %arg21[%get3A_193, %get3A_194, %get3A_195] : memref<4x64x128xf32, #tpu.memory_space<vmem>>, vector<1x64x128xf32>
    %get3A_197 = vector.shape_cast %get3A_196 : vector<1x64x128xf32> to vector<64x128xf32>
    %dot_general3A_198 = arith.constant dense<0.000000e+00> : vector<2000x128xf32>
    %dot_general3A_199 = tpu.matmul %mul3A_192, %get3A_197, %dot_general3A_198 {dimension_numbers = #tpu.dot_dimension_numbers<[1], [0], [0], [1], [0, 0, 1, 1], [], []>, transpose_lhs_hint = false} : vector<2000x64xf32>, vector<64x128xf32>, vector<2000x128xf32> -> vector<2000x128xf32>
    %add3A_200 = arith.addf %add3A_189, %dot_general3A_199 : vector<2000x128xf32>
    %slice3A_201 = vector.extract_strided_slice %get3A_166 {offsets = [0, 3], sizes = [2000, 1], strides = [1, 1]} : vector<2000x4xf32> to vector<2000x1xf32>
    %mul3A_202 = vector.broadcast %slice3A_201 : vector<2000x1xf32> to vector<2000x64xf32>
    %mul3A_203 = arith.mulf %add3A_163, %mul3A_202 : vector<2000x64xf32>
    %get3A_204 = arith.constant 3 : index
    %get3A_205 = arith.constant 0 : index
    %get3A_206 = arith.constant 0 : index
    %get3A_207 = vector.load %arg21[%get3A_204, %get3A_205, %get3A_206] : memref<4x64x128xf32, #tpu.memory_space<vmem>>, vector<1x64x128xf32>
    %get3A_208 = vector.shape_cast %get3A_207 : vector<1x64x128xf32> to vector<64x128xf32>
    %dot_general3A_209 = arith.constant dense<0.000000e+00> : vector<2000x128xf32>
    %dot_general3A_210 = tpu.matmul %mul3A_203, %get3A_208, %dot_general3A_209 {dimension_numbers = #tpu.dot_dimension_numbers<[1], [0], [0], [1], [0, 0, 1, 1], [], []>, transpose_lhs_hint = false} : vector<2000x64xf32>, vector<64x128xf32>, vector<2000x128xf32> -> vector<2000x128xf32>
    %add3A_211 = arith.addf %add3A_200, %dot_general3A_210 : vector<2000x128xf32>
    %logistic3A_212 = arith.negf %add3A_211 : vector<2000x128xf32>
    %logistic3A_213 = math.exp %logistic3A_212 : vector<2000x128xf32>
    %logistic3A_214 = arith.constant 1.000000e+00 : f32
    %logistic3A_215 = vector.broadcast %logistic3A_214 : f32 to vector<2000x128xf32>
    %logistic3A_216 = arith.addf %logistic3A_215, %logistic3A_213 : vector<2000x128xf32>
    %logistic3A_217 = arith.divf %logistic3A_215, %logistic3A_216 : vector<2000x128xf32>
    %mul3A_218 = arith.mulf %add3A_211, %logistic3A_217 : vector<2000x128xf32>
    %broadcast_in_dim3A_219 = arith.constant 0.000000e+00 : f32
    %broadcast_in_dim3A_220 = vector.broadcast %broadcast_in_dim3A_219 : f32 to vector<2000x64xf32>
    %slice3A_221 = vector.extract_strided_slice %get3A_166 {offsets = [0, 0], sizes = [2000, 1], strides = [1, 1]} : vector<2000x4xf32> to vector<2000x1xf32>
    %mul3A_222 = vector.broadcast %slice3A_221 : vector<2000x1xf32> to vector<2000x128xf32>
    %mul3A_223 = arith.mulf %mul3A_218, %mul3A_222 : vector<2000x128xf32>
    %get3A_224 = arith.constant 0 : index
    %get3A_225 = arith.constant 0 : index
    %get3A_226 = arith.constant 0 : index
    %get3A_227 = vector.load %arg22[%get3A_224, %get3A_225, %get3A_226] : memref<4x128x64xf32, #tpu.memory_space<vmem>>, vector<1x128x64xf32>
    %get3A_228 = vector.shape_cast %get3A_227 : vector<1x128x64xf32> to vector<128x64xf32>
    %dot_general3A_229 = arith.constant dense<0.000000e+00> : vector<2000x64xf32>
    %dot_general3A_230 = tpu.matmul %mul3A_223, %get3A_228, %dot_general3A_229 {dimension_numbers = #tpu.dot_dimension_numbers<[1], [0], [0], [1], [0, 0, 1, 1], [], []>, transpose_lhs_hint = false} : vector<2000x128xf32>, vector<128x64xf32>, vector<2000x64xf32> -> vector<2000x64xf32>
    %add3A_231 = arith.addf %broadcast_in_dim3A_220, %dot_general3A_230 : vector<2000x64xf32>
    %slice3A_232 = vector.extract_strided_slice %get3A_166 {offsets = [0, 1], sizes = [2000, 1], strides = [1, 1]} : vector<2000x4xf32> to vector<2000x1xf32>
    %mul3A_233 = vector.broadcast %slice3A_232 : vector<2000x1xf32> to vector<2000x128xf32>
    %mul3A_234 = arith.mulf %mul3A_218, %mul3A_233 : vector<2000x128xf32>
    %get3A_235 = arith.constant 1 : index
    %get3A_236 = arith.constant 0 : index
    %get3A_237 = arith.constant 0 : index
    %get3A_238 = vector.load %arg22[%get3A_235, %get3A_236, %get3A_237] : memref<4x128x64xf32, #tpu.memory_space<vmem>>, vector<1x128x64xf32>
    %get3A_239 = vector.shape_cast %get3A_238 : vector<1x128x64xf32> to vector<128x64xf32>
    %dot_general3A_240 = arith.constant dense<0.000000e+00> : vector<2000x64xf32>
    %dot_general3A_241 = tpu.matmul %mul3A_234, %get3A_239, %dot_general3A_240 {dimension_numbers = #tpu.dot_dimension_numbers<[1], [0], [0], [1], [0, 0, 1, 1], [], []>, transpose_lhs_hint = false} : vector<2000x128xf32>, vector<128x64xf32>, vector<2000x64xf32> -> vector<2000x64xf32>
    %add3A_242 = arith.addf %add3A_231, %dot_general3A_241 : vector<2000x64xf32>
    %slice3A_243 = vector.extract_strided_slice %get3A_166 {offsets = [0, 2], sizes = [2000, 1], strides = [1, 1]} : vector<2000x4xf32> to vector<2000x1xf32>
    %mul3A_244 = vector.broadcast %slice3A_243 : vector<2000x1xf32> to vector<2000x128xf32>
    %mul3A_245 = arith.mulf %mul3A_218, %mul3A_244 : vector<2000x128xf32>
    %get3A_246 = arith.constant 2 : index
    %get3A_247 = arith.constant 0 : index
    %get3A_248 = arith.constant 0 : index
    %get3A_249 = vector.load %arg22[%get3A_246, %get3A_247, %get3A_248] : memref<4x128x64xf32, #tpu.memory_space<vmem>>, vector<1x128x64xf32>
    %get3A_250 = vector.shape_cast %get3A_249 : vector<1x128x64xf32> to vector<128x64xf32>
    %dot_general3A_251 = arith.constant dense<0.000000e+00> : vector<2000x64xf32>
    %dot_general3A_252 = tpu.matmul %mul3A_245, %get3A_250, %dot_general3A_251 {dimension_numbers = #tpu.dot_dimension_numbers<[1], [0], [0], [1], [0, 0, 1, 1], [], []>, transpose_lhs_hint = false} : vector<2000x128xf32>, vector<128x64xf32>, vector<2000x64xf32> -> vector<2000x64xf32>
    %add3A_253 = arith.addf %add3A_242, %dot_general3A_252 : vector<2000x64xf32>
    %slice3A_254 = vector.extract_strided_slice %get3A_166 {offsets = [0, 3], sizes = [2000, 1], strides = [1, 1]} : vector<2000x4xf32> to vector<2000x1xf32>
    %mul3A_255 = vector.broadcast %slice3A_254 : vector<2000x1xf32> to vector<2000x128xf32>
    %mul3A_256 = arith.mulf %mul3A_218, %mul3A_255 : vector<2000x128xf32>
    %get3A_257 = arith.constant 3 : index
    %get3A_258 = arith.constant 0 : index
    %get3A_259 = arith.constant 0 : index
    %get3A_260 = vector.load %arg22[%get3A_257, %get3A_258, %get3A_259] : memref<4x128x64xf32, #tpu.memory_space<vmem>>, vector<1x128x64xf32>
    %get3A_261 = vector.shape_cast %get3A_260 : vector<1x128x64xf32> to vector<128x64xf32>
    %dot_general3A_262 = arith.constant dense<0.000000e+00> : vector<2000x64xf32>
    %dot_general3A_263 = tpu.matmul %mul3A_256, %get3A_261, %dot_general3A_262 {dimension_numbers = #tpu.dot_dimension_numbers<[1], [0], [0], [1], [0, 0, 1, 1], [], []>, transpose_lhs_hint = false} : vector<2000x128xf32>, vector<128x64xf32>, vector<2000x64xf32> -> vector<2000x64xf32>
    %add3A_264 = arith.addf %add3A_253, %dot_general3A_263 : vector<2000x64xf32>
    %get3A_265 = arith.constant 0 : index
    %get3A_266 = arith.constant 0 : index
    %get3A_267 = vector.load %arg24[%get3A_265, %get3A_266] : memref<1x1xf32, #tpu.memory_space<vmem>>, vector<1x1xf32>
    %get3A_268 = vector.extract %get3A_267[0, 0] : f32 from vector<1x1xf32>
    %mul3A_269 = vector.broadcast %get3A_268 : f32 to vector<2000x64xf32>
    %mul3A_270 = arith.mulf %add3A_264, %mul3A_269 : vector<2000x64xf32>
    %add3A_271 = arith.addf %add3A_113, %mul3A_270 : vector<2000x64xf32>
    %swap3A = arith.constant 0 : index
    %swap3A_272 = arith.constant 0 : index
    %swap3A_273 = vector.load %arg25[%swap3A, %swap3A_272] : memref<2000x64xf32, #tpu.memory_space<vmem>>, vector<2000x64xf32>
    tpu.vector_store %arg25[%swap3A, %swap3A_272], %add3A_271 {strides = array<i32>} : memref<2000x64xf32, #tpu.memory_space<vmem>>, vector<2000x64xf32>,
    return
  }
  func.func @transform_0(%arg0: i32) -> (i32, i32) {
    %c0_i32 = arith.constant 0 : i32
    %c0_i32_0 = arith.constant 0 : i32
    return %arg0, %c0_i32 : i32, i32
  }
  func.func @transform_1(%arg0: i32) -> (i32, i32) {
    %c0_i32 = arith.constant 0 : i32
    %c0_i32_0 = arith.constant 0 : i32
    return %arg0, %c0_i32 : i32, i32
  }
  func.func @transform_2(%arg0: i32) -> (i32, i32) {
    %c0_i32 = arith.constant 0 : i32
    %c0_i32_0 = arith.constant 0 : i32
    return %arg0, %c0_i32 : i32, i32
  }
  func.func @transform_3(%arg0: i32) -> (i32, i32) {
    %c0_i32 = arith.constant 0 : i32
    %c0_i32_0 = arith.constant 0 : i32
    %c0_i32_1 = arith.constant 0 : i32
    return %c0_i32, %c0_i32_0 : i32, i32
  }
  func.func @transform_4(%arg0: i32) -> (i32, i32) {
    %c0_i32 = arith.constant 0 : i32
    %c0_i32_0 = arith.constant 0 : i32
    %c0_i32_1 = arith.constant 0 : i32
    return %c0_i32, %c0_i32_0 : i32, i32
  }
  func.func @transform_5(%arg0: i32) -> (i32, i32) {
    %c0_i32 = arith.constant 0 : i32
    %c0_i32_0 = arith.constant 0 : i32
    return %arg0, %c0_i32 : i32, i32
  }
  func.func @transform_6(%arg0: i32) -> (i32, i32) {
    %c0_i32 = arith.constant 0 : i32
    %c0_i32_0 = arith.constant 0 : i32
    %c0_i32_1 = arith.constant 0 : i32
    return %c0_i32, %c0_i32_0 : i32, i32
  }
  func.func @transform_7(%arg0: i32) -> (i32, i32) {
    %c0_i32 = arith.constant 0 : i32
    %c0_i32_0 = arith.constant 0 : i32
    %c0_i32_1 = arith.constant 0 : i32
    return %c0_i32, %c0_i32_0 : i32, i32
  }
  func.func @transform_8(%arg0: i32) -> (i32, i32) {
    %c0_i32 = arith.constant 0 : i32
    %c0_i32_0 = arith.constant 0 : i32
    %c0_i32_1 = arith.constant 0 : i32
    return %c0_i32, %c0_i32_0 : i32, i32
  }
  func.func @transform_9(%arg0: i32) -> (i32, i32) {
    %c0_i32 = arith.constant 0 : i32
    %c0_i32_0 = arith.constant 0 : i32
    %c0_i32_1 = arith.constant 0 : i32
    return %c0_i32, %c0_i32_0 : i32, i32
  }
  func.func @transform_10(%arg0: i32) -> (i32, i32) {
    %c0_i32 = arith.constant 0 : i32
    %c0_i32_0 = arith.constant 0 : i32
    %c0_i32_1 = arith.constant 0 : i32
    return %c0_i32, %c0_i32_0 : i32, i32
  }
  func.func @transform_11(%arg0: i32) -> (i32, i32) {
    %c0_i32 = arith.constant 0 : i32
    %c0_i32_0 = arith.constant 0 : i32
    %c0_i32_1 = arith.constant 0 : i32
    return %c0_i32, %c0_i32_0 : i32, i32
  }
  func.func @transform_12(%arg0: i32) -> (i32, i32) {
    %c0_i32 = arith.constant 0 : i32
    %c0_i32_0 = arith.constant 0 : i32
    %c0_i32_1 = arith.constant 0 : i32
    return %c0_i32, %c0_i32_0 : i32, i32
  }
  func.func @transform_13(%arg0: i32) -> (i32, i32) {
    %c0_i32 = arith.constant 0 : i32
    %c0_i32_0 = arith.constant 0 : i32
    %c0_i32_1 = arith.constant 0 : i32
    return %c0_i32, %c0_i32_0 : i32, i32
  }
  func.func @transform_14(%arg0: i32) -> (i32, i32) {
    %c0_i32 = arith.constant 0 : i32
    %c0_i32_0 = arith.constant 0 : i32
    %c0_i32_1 = arith.constant 0 : i32
    return %c0_i32, %c0_i32_0 : i32, i32
  }
  func.func @transform_15(%arg0: i32) -> (i32, i32) {
    %c0_i32 = arith.constant 0 : i32
    %c0_i32_0 = arith.constant 0 : i32
    %c0_i32_1 = arith.constant 0 : i32
    return %c0_i32, %c0_i32_0 : i32, i32
  }
  func.func @transform_16(%arg0: i32) -> (i32, i32) {
    %c0_i32 = arith.constant 0 : i32
    %c0_i32_0 = arith.constant 0 : i32
    %c0_i32_1 = arith.constant 0 : i32
    return %c0_i32, %c0_i32_0 : i32, i32
  }
  func.func @transform_17(%arg0: i32) -> (i32, i32) {
    %c0_i32 = arith.constant 0 : i32
    %c0_i32_0 = arith.constant 0 : i32
    %c0_i32_1 = arith.constant 0 : i32
    return %c0_i32, %c0_i32_0 : i32, i32
  }
  func.func @transform_18(%arg0: i32) -> (i32, i32) {
    %c0_i32 = arith.constant 0 : i32
    %c0_i32_0 = arith.constant 0 : i32
    %c0_i32_1 = arith.constant 0 : i32
    return %c0_i32, %c0_i32_0 : i32, i32
  }
  func.func @transform_19(%arg0: i32) -> (i32, i32) {
    %c0_i32 = arith.constant 0 : i32
    %c0_i32_0 = arith.constant 0 : i32
    %c0_i32_1 = arith.constant 0 : i32
    return %c0_i32, %c0_i32_0 : i32, i32
  }
  func.func @transform_20(%arg0: i32) -> (i32, i32, i32) {
    %c0_i32 = arith.constant 0 : i32
    %c0_i32_0 = arith.constant 0 : i32
    %c0_i32_1 = arith.constant 0 : i32
    %c0_i32_2 = arith.constant 0 : i32
    return %c0_i32, %c0_i32_0, %c0_i32_1 : i32, i32, i32
  }
  func.func @transform_21(%arg0: i32) -> (i32, i32, i32) {
    %c0_i32 = arith.constant 0 : i32
    %c0_i32_0 = arith.constant 0 : i32
    %c0_i32_1 = arith.constant 0 : i32
    %c0_i32_2 = arith.constant 0 : i32
    return %c0_i32, %c0_i32_0, %c0_i32_1 : i32, i32, i32
  }
  func.func @transform_22(%arg0: i32) -> (i32, i32) {
    %c0_i32 = arith.constant 0 : i32
    %c0_i32_0 = arith.constant 0 : i32
    %c0_i32_1 = arith.constant 0 : i32
    return %c0_i32, %c0_i32_0 : i32, i32
  }
  func.func @transform_23(%arg0: i32) -> (i32, i32) {
    %c0_i32 = arith.constant 0 : i32
    %c0_i32_0 = arith.constant 0 : i32
    %c0_i32_1 = arith.constant 0 : i32
    return %c0_i32, %c0_i32_0 : i32, i32
  }
  func.func @transform_24(%arg0: i32) -> (i32, i32) {
    %c0_i32 = arith.constant 0 : i32
    %c0_i32_0 = arith.constant 0 : i32
    return %arg0, %c0_i32 : i32, i32
  }
}

</mosaic_0001>

<sc_bundles>
// kernel: kernel.11.cloned.1.call-start
scs
__scs_entry_jumppad:
0x0: {  	(pc) =	sbr.rel $0x88, $3  }
0x1: {  	(tag) =	ssettag $0x0;
	lr =	simm.s32 $0x1  }
0x2: {  	[smem:$0x3F70] =	sst lr;
	_ =	strace $0xD0000000  }
0x3: {  	_ = 	snop  }
0x4: {  	_ = 	snop  }
0x5: {  	_ = 	snop  }
0x6: {  	_ = 	snop  }
0x7: {  	_ = 	snop  }
__scs_overlays_trampoline_lowered:
0x8: {  	[smem:$0x3F7F] =	sst s0  }
0x9: {  	[smem:$0x3F80] =	sst s1  }
0xa: {  	[smem:$0x3F81] =	sst s2  }
0xb: {  	[smem:$0x3F82] =	sst s3  }
0xc: {  	[smem:$0x3F83] =	sst s4  }
0xd: {  	[smem:$0x3F84] =	sst s5  }
0xe: {  	[smem:$0x3F85] =	sst s6  }
0xf: {  	[smem:$0x3F86] =	sst s7  }
0x10: {  	[smem:$0x3F87] =	sst s8  }
0x11: {  	[smem:$0x3F88] =	sst s9;
	s0 =	simm.s32 @!p0 $0x0  }
0x12: {  	s1 =	sld [smem:$0x3F6E];
	s0 =	simm.s32 @p0 $0x1  }
0x13: {  	[smem:$0x3F89] =	sst s0;
	s0 =	simm.s32 @!p1 $0x0  }
0x14: {  	s2 =	sld [smem:$0x3F6D];
	s0 =	simm.s32 @p1 $0x1  }
0x15: {  	[smem:$0x3F8A] =	sst s0;
	s0 =	simm.s32 @!p2 $0x0  }
0x16: {  	s3 =	sld [smem:$0x3FDB];
	s0 =	simm.s32 @p2 $0x1  }
0x17: {  	s4 =	simm.s32 $0x1BF5;
	[smem:$0x3F8C] =	sst s0  }
0x18: {  	s0 =	sld [smem:$0x3F6F];
	_ =	swait.ge [sflag:s4], $0x0  }
0x19: {  	s7 =	sld [smem:$0x3F70]  }
0x1a: {  	s8 =	sadd.s32 $0xFFFFE003, lr  }
0x1b: {  	s9 =	sadd.s32 $0xFFFFFEF7, lr;
	s5 =	simm.s32 $0xFFFFFFFF;
	p2 =	slt.u32 s8, $0xFFFFF086  }
0x1c: {  	p1 =	slt.u32 s9, $0xF7A;
	s5 =	simm.s32 @!p2 $0x0  }
0x1d: {  	s5 =	simm.s32 @p1 $0x1;
	p0 =	seq.s32 s7, s2  }
0x1e: {  	s7 =	smul.u32 @!p0 $0xF7A, s2;
	p2 =	seq.s32 @!p0 s5, $0x0  }
0x1f: {  	s9 =	smul.u32 $0xF7A, s1;
	s8 =	simm.s32 @!p0 $0x1BF5;
	p2 =	por !p2, p0  }
0x20: {  	[sflag:s8] =	ssyncset.s32 @!p0 $0xFFFFF086;
	s6 =	sadd.s32 @!p0 s3, s7;
	s7 =	simm.s32 @!p0 $0x108  }
0x21: {  	s3 =	sadd.s32 s3, s9;
	s6 =	sadd.s32 @!p0 $0x88, s6;
	s7 =	simm.s32 @p2 $0x1082  }
0x22: {  	[simem:s7], [sflag:s8] =	dma.local @!p0 [hbm:s6], $0xF7A  }
0x23: {  	s9 =	sor.u32 $0xD0000000, s2;
	s6 =	simm.s32 $0x108;
	_ =	swait.ge @!p0 [sflag:s8], $0x0  }
0x24: {  	s3 =	sadd.s32 $0x88, s3;
	s6 =	simm.s32 @!p1 $0x1082;
	[sflag:s4] =	ssyncset.s32 $0xFFFFF086  }
0x25: {  	[simem:s6], [sflag:s4] =	dma.local [hbm:s3], $0xF7A  }
0x26: {  	[smem:$0x3F70] =	sst s1;
	(tag) =	ssettag s2;
	_ =	strace s9  }
0x27: {  	s1 =	sld [smem:$0x3F80]  }
0x28: {  	s2 =	sld [smem:$0x3F81]  }
0x29: {  	s4 =	sld [smem:$0x3F83]  }
0x2a: {  	p0 =	seq.s32 s5, $0x0;
	s5 =	sld [smem:$0x3F84]  }
0x2b: {  	s6 =	sld [smem:$0x3F85]  }
0x2c: {  	s7 =	sld [smem:$0x3F86]  }
0x2d: {  	s3 =	simm.s32 $0x108;
	s8 =	sld [smem:$0x3F87]  }
0x2e: {  	s3 =	simm.s32 @!p0 $0x1082;
	s9 =	sld [smem:$0x3F88]  }
0x2f: {  	lr =	sadd.s32 s0, s3;
	s0 =	sld [smem:$0x3F7F]  }
0x30: {  	s3 =	sld [smem:$0x3F82]  }
0x31: {  	[smem:$0x3F8B] =	sst s10  }
0x32: {  	s10 =	sld [smem:$0x3F89];
	_ =	sdelay $0x3  }
0x33: {  	p0 =	seq.s32 s10, $0x1;
	s10 =	sld [smem:$0x3F8B];
	_ =	sdelay $0x3  }
0x34: {  	[smem:$0x3F8B] =	sst s10  }
0x35: {  	s10 =	sld [smem:$0x3F8A];
	_ =	sdelay $0x3  }
0x36: {  	p1 =	seq.s32 s10, $0x1;
	s10 =	sld [smem:$0x3F8B];
	_ =	sdelay $0x3  }
0x37: {  	[smem:$0x3F8B] =	sst s10  }
0x38: {  	s10 =	sld [smem:$0x3F8C]  }
0x39: {  	_ = 	snop;
	(pc) =	sbr.ind lr, $3  }
0x3a: {  	_ = 	snop  }
0x3b: {  	_ = 	snop  }
0x3c: {  	p2 =	seq.s32 s10, $0x1;
	s10 =	sld [smem:$0x3F8B]  }
0x3d: {  	_ =	shalt  }
0x3e: {  	_ =	shalt  }
0x3f: {  	_ =	shalt  }
0x40: {  	_ =	shalt  }
0x41: {  	_ =	shalt  }
0x42: {  	_ =	shalt  }
0x43: {  	_ =	shalt  }
0x44: {  	_ =	shalt  }
0x45: {  	_ =	shalt  }
0x46: {  	_ =	shalt  }
0x47: {  	_ =	shalt  }
0x48: {  	_ =	shalt  }
0x49: {  	_ =	shalt  }
0x4a: {  	_ =	shalt  }
0x4b: {  	_ =	shalt  }
0x4c: {  	_ =	shalt  }
0x4d: {  	_ =	shalt  }
0x4e: {  	_ =	shalt  }
0x4f: {  	_ =	shalt  }
0x50: {  	_ =	shalt  }
0x51: {  	_ =	shalt  }
0x52: {  	_ =	shalt  }
0x53: {  	_ =	shalt  }
0x54: {  	_ =	shalt  }
0x55: {  	_ =	shalt  }
0x56: {  	_ =	shalt  }
0x57: {  	_ =	shalt  }
0x58: {  	_ =	shalt  }
0x59: {  	_ =	shalt  }
0x5a: {  	_ =	shalt  }
0x5b: {  	_ =	shalt  }
0x5c: {  	_ =	shalt  }
0x5d: {  	_ =	shalt  }
0x5e: {  	_ =	shalt  }
0x5f: {  	_ =	shalt  }
0x60: {  	_ =	shalt  }
0x61: {  	_ =	shalt  }
0x62: {  	_ =	shalt  }
0x63: {  	_ =	shalt  }
0x64: {  	_ =	shalt  }
0x65: {  	_ =	shalt  }
0x66: {  	_ =	shalt  }
0x67: {  	_ =	shalt  }
0x68: {  	_ =	shalt  }
0x69: {  	_ =	shalt  }
0x6a: {  	_ =	shalt  }
0x6b: {  	_ =	shalt  }
0x6c: {  	_ =	shalt  }
0x6d: {  	_ =	shalt  }
0x6e: {  	_ =	shalt  }
0x6f: {  	_ =	shalt  }
0x70: {  	_ =	shalt  }
0x71: {  	_ =	shalt  }
0x72: {  	_ =	shalt  }
0x73: {  	_ =	shalt  }
0x74: {  	_ =	shalt  }
0x75: {  	_ =	shalt  }
0x76: {  	_ =	shalt  }
0x77: {  	_ =	shalt  }
0x78: {  	_ =	shalt  }
0x79: {  	_ =	shalt  }
0x7a: {  	_ =	shalt  }
0x7b: {  	_ =	shalt  }
0x7c: {  	_ =	shalt  }
0x7d: {  	_ =	shalt  }
0x7e: {  	_ =	shalt  }
0x7f: {  	_ =	shalt  }
0x80: {  	_ =	shalt  }
0x81: {  	_ =	shalt  }
0x82: {  	_ =	shalt  }
0x83: {  	_ =	shalt  }
0x84: {  	_ =	shalt  }
0x85: {  	_ =	shalt  }
0x86: {  	_ =	shalt  }
0x87: {  	_ =	shalt  }
.Lfunc_end0:
.L_simem_size_0:
called_computation_lowered:
.L_overlay_start_0:
0x88: {  	s2 =	sld [smem:$0x3FD9]  }
0x89: {  	s3 =	sld [smem:$0x3FFE];
	_ =	sdelay $0x1  }
0x8a: {  	s1 =	srdreg.scid  }
0x8b: {  	s0 =	sand.u32 $0x1, s1  }
0x8c: {  	s14 =	sshll.u32 s0, $0xA;
	s2 =	sadd.s32 s3, s2  }
0x8d: {  	s2 =	sadd.s32 s2, s14  }
0x8e: {  	[smem:$0x3F97] =	sst s2  }
0x8f: {  	_ = 	snop  }
0x90: {  	s2 =	sld [smem:$0x3FD0];
	_ =	sdelay $0x2  }
0x91: {  	s15 =	simm.s32 $0xB;
	s4 =	simm.s32 $0x10  }
0x92: {  	[smem:s4], [sflag:s15] =	dma.local [hbm:s2], $0x1  }
0x93: {  	_ =	swait.eq [sflag:s15], $0x1  }
0x94: {  	[sflag:s15] =	ssyncset.done $0x0  }
0x95: {  	s16 =	sld [smem:$0x10];
	[sflag:s15] =	ssyncadd.s32 $0xFFFFFFFF  }
0x96: {  	s17 =	sld [smem:$0x11];
	(tm) =	ssettm $0x1  }
0x97: {  	s18 =	sld [smem:$0x3FFB];
	_ =	sdelay $0x3  }
0x98: {  	_ =	strace s18  }
0x99: {  	s4 =	sld [smem:$0x3FFC];
	_ =	sdelay $0x3  }
0x9a: {  	_ =	strace s4  }
0x9b: {  	s4 =	sld [smem:$0x3FFD];
	_ =	sdelay $0x3  }
0x9c: {  	_ =	strace s4  }
0x9d: {  	_ =	strace $0x8FFFFFFF  }
0x9e: {  	s19 =	sld [smem:$0x3FDB];
	_ =	sdelay $0x1  }
0x9f: {  	s5 =	simm.s32 $_scs_section_size  }
0xa0: {  	s6 =	simm.s32 $_size__tile_overlayer_lowered;
	s7 =	simm.s32 $_tile_overlayer_lowered  }
0xa1: {  	s22 =	simm.s32 $0x1BFF;
	s21 =	sshll.u32 s7, $0x1;
	s4 =	sadd.s32 s5, s19  }
0xa2: {  	s8 =	simm.s32 $0x0;
	s20 =	sshll.u32 s6, $0x1;
	s6 =	sadd.s32 s21, s4  }
0xa3: {  	[timem:s8], [sflag:s22] =	dma.local [hbm:s6], s20  }
0xa4: {  	_ =	swait.ge [sflag:s22], s20  }
0xa5: {  	s5 =	ssub.s32 $0x0, s20;
	[sflag:s22] =	ssyncset.done $0x0  }
0xa6: {  	[sflag:s22] =	ssyncadd.s32 s5;
	_ =	sdelay $0x1  }
0xa7: {  	s23 =	simm.s32 $0x1B8B  }
0xa8: {  	_ =	swait.ge [sflag:s23], $0x1  }
0xa9: {  	[sflag:s23] =	ssyncset.done $0x0  }
0xaa: {  	s25 =	simm.s32 $0x1B8E;
	s24 =	sld [smem:$0x3FFE];
	[sflag:s23] =	ssyncadd.s32 $0xFFFFFFFF  }
0xab: {  	s26 =	simm.s32 $execute0_lowered;
	[smem:$0x3FD2] =	sst s25  }
0xac: {  	s6 =	sshll.u32 s26, $0x1;
	_ =	strace $0x80000046;
	[dreg:$0x1] =	wrdreg $0xFFFFFFFF  }
0xad: {  	s28 =	simm.s32 $_size_execute0_lowered;
	s4 =	sadd.s32 s4, s6;
	[dreg:$0x0] =	wrdreg $0x0  }
0xae: {  	s6 =	sshll.u32 s28, $0x1;
	[dreg:$0x2] =	wrdreg s4  }
0xaf: {  	[dreg:$0x3] =	wrdreg s6  }
0xb0: {  	[dreg:$0x4] =	wrdreg $0xC0  }
0xb1: {  	_ =	task [dreg:s8], $0x5FFFF  }
0xb2: {  	[dreg:$0x1] =	wrdreg $0xFFFFFFFF  }
0xb3: {  	[dreg:$0x0] =	wrdreg $0x60  }
0xb4: {  	[dreg:$0x2] =	wrdreg s16  }
0xb5: {  	[dreg:$0x3] =	wrdreg s17  }
0xb6: {  	[dreg:$0x4] =	wrdreg s24  }
0xb7: {  	[dreg:$0x5] =	wrdreg $0x9  }
0xb8: {  	_ =	task.clear_ibuf [dreg:s8], $0x6FFFF;
	_ =	strace $0x90000046  }
0xb9: {  	s29 =	simm.s32 $0x9;
	_ =	strace $0x80000048  }
0xba: {  	_ =	swait.ge [sflag:s29], $0x1  }
0xbb: {  	[sflag:s29] =	ssyncadd.s32 $0xFFFFFFFF  }
0xbc: {  	_ =	strace $0x90000048  }
0xbd: {  	_ =	sfence  }
0xbe: {  	s30 =	sld [smem:$0x0];
	_ =	sdelay $0x2  }
0xbf: {  	s31 =	sshll.u32 s1, $0xD;
	s1 =	sshrl.u32 s1, $0x2  }
0xc0: {  	s3 =	sand.u32 $0x4000, s31;
	s1 =	sadd.s32 s1, s30  }
0xc1: {  	s0 =	sor.u32 s3, s0;
	s1 =	sshll.u32 s1, $0x11  }
0xc2: {  	s0 =	sor.u32 s1, s0  }
0xc3: {  	s0 =	sadd.s32 $0x8F2B, s0  }
0xc4: {  	[sflag:s0] =	ssyncadd.remote.s32 $0x1  }
0xc5: {  	_ =	sfence.sel $0xFFFF  }
0xc6: {  	[dreg:$0x0] =	wrdreg $0xFFFFFFFF;
	(pc) =	sbr.abs _section_cstart, $3  }
0xc7: {  	[dreg:$0x1] =	wrdreg $0xFFFFFFFF  }
0xc8: {  	_ =	task.clear_ibuf [dreg:s8], $0x2FFFF;
	_ =	strace $0x9FFFFFFF  }
0xc9: {  	(tm) =	ssettm $0x7FFFFFFF  }
tec
execute0_lowered:
.L_overlay_start_1:
0x0: {  	(tag) =	ssettag $0x1  }
0x1: {  	s1 =	rddreg [dreg:$0x0]  }
0x2: {  	s2 =	rddreg [dreg:$0x1]  }
0x3: {  	s0 =	rddreg [dreg:$0x2];
	s4 =	simm.s32 $0x0;
	s5 =	stileid.u32  }
0x4: {  	s3 =	srdreg.scid;
	s13 =	simm.s32 $0x7;
	s15 =	simm.s32 $0x80  }
0x5: {  	s18 =	simm.s32 $0x180;
	s19 =	simm.s32 $0x4200;
	s20 =	simm.s32 $0xC200  }
0x6: {  	s21 =	simm.s32 $0x1;
	s22 =	simm.s32 $0x3;
	s23 =	simm.s32 $0x10200  }
0x7: {  	s24 =	simm.s32 $0x2;
	s28 =	simm.s32 $0x5;
	s29 =	simm.s32 $0x6  }
0x8: {  	s30 =	simm.s32 $0x0;
	[smem:$0x7FF] =	sst s4;
	s8 =	smul.u32 $0x28, s5  }
0x9: {  	s5 =	sadd.s32 $0x34E00, s0;
	s3 =	sand.u32 $0x1, s3;
	s7 =	sadd.s32 $0x2FE00, s0  }
0xa: {  	s9 =	ssub.s32 $0x2, s3;
	p0 =	seq.s32 s3, $0x0;
	s6 =	sadd.s32 $0x280, s8  }
0xb: {  	_ =	strace $0x80000047;
	s25 =	sshrl.u32 s9, $0x1;
	s6 =	smov.u32 @p0 s8  }
0xc: {  	s8 =	sadd.s32 $0x3A600, s0;
	s26 =	ssub.s32 s9, s25;
	s25 =	simm.s32 $0x4  }
0xd: {  	s31 =	sshll.u32 s6, $0x4;
	s11 =	sor.u32 $0x2, s6;
	s12 =	smax.u32 s26, $0x1  }
0xe: {  	s26 =	simm.s32 $0x14200;
	s9 =	sadd.s32 s5, s31;
	s10 =	sadd.s32 s7, s31  }
.LBB2_1:
0xf: {  	[tilespmem:s4], [sflag:$0x7] =	stream.linear.gather [hbm4b:s9+s4], $0x80, $0x38;
	[tilespmem:$0x18200] =	vst v63  }
0x10: {  	_ =	swait.ge [sflag:s13], $0x80  }
0x11: {  	[sflag:s13] =	ssyncset.done $0x0  }
0x12: {  	s0 =	simm.s32 $0x100;
	[sflag:s13] =	ssyncadd.s32 $0xFFFFFF80  }
0x13: {  	[tilespmem:s0], [sflag:$0x7] =	stream.linear.gather [hbm4b:s10+s4], $0x80, $0x38;
	[tilespmem:$0x18200] =	vst v63  }
0x14: {  	_ =	swait.ge [sflag:s13], $0x80  }
0x15: {  	[sflag:s13] =	ssyncset.done $0x0  }
0x16: {  	s3 =	simm.s32 $0x200;
	[sflag:s13] =	ssyncadd.s32 $0xFFFFFF80  }
0x17: {  	[tilespmem:s3], [sflag:$0x1] =	stream.indirect.gather [hbm4b:s1+s15], $0x80, s4, s15, $0xb8;
	[tilespmem:$0x18200] =	vst v63  }
0x18: {  	s17 =	simm.s32 $0x8200;
	s31 =	simm.s32 $0x0  }
0x19: {  	[tilespmem:s17], [sflag:$0x3] =	stream.indirect.gather [hbm4b:s2+s15], $0x80, s0, s15, $0xb8;
	[tilespmem:$0x18200] =	vst v63  }
.LBB2_2:
0x1a: {  	s3 =	sshll.u32 s31, $0x1  }
0x1b: {  	s0 =	sadd.s32 s3, s6  }
0x1c: {  	s0 =	sadd.s32 $0x1, s0  }
0x1d: {  	s14 =	sshll.u32 s0, $0x4  }
0x1e: {  	s16 =	sadd.s32 s5, s14  }
0x1f: {  	[tilespmem:s15], [sflag:$0x7] =	stream.linear.gather [hbm4b:s16+s4], $0x80, $0x38;
	[tilespmem:$0x18200] =	vst v63  }
0x20: {  	_ =	swait.ge [sflag:s13], $0x80  }
0x21: {  	[sflag:s13] =	ssyncset.done $0x0  }
0x22: {  	s14 =	sadd.s32 s7, s14;
	[sflag:s13] =	ssyncadd.s32 $0xFFFFFF80  }
0x23: {  	[tilespmem:s18], [sflag:$0x7] =	stream.linear.gather [hbm4b:s14+s4], $0x80, $0x38;
	[tilespmem:$0x18200] =	vst v63  }
0x24: {  	_ =	swait.ge [sflag:s13], $0x80  }
0x25: {  	[sflag:s13] =	ssyncset.done $0x0  }
0x26: {  	[sflag:s13] =	ssyncadd.s32 $0xFFFFFF80  }
0x27: {  	[tilespmem:s19], [sflag:$0x2] =	stream.indirect.gather [hbm4b:s1+s15], $0x80, s15, s15, $0xb8;
	[tilespmem:$0x18200] =	vst v63  }
0x28: {  	_ = 	snop  }
0x29: {  	[tilespmem:s20], [sflag:$0x4] =	stream.indirect.gather [hbm4b:s2+s15], $0x80, s18, s15, $0xb8;
	[tilespmem:$0x18200] =	vst v63  }
0x2a: {  	_ =	swait.ge [sflag:s21], $0x4000  }
0x2b: {  	[sflag:s21] =	ssyncset.done $0x0  }
0x2c: {  	[sflag:s21] =	ssyncadd.s32 $0xFFFFC000  }
0x2d: {  	_ =	swait.ge [sflag:s22], $0x4000  }
0x2e: {  	p0 =	seq.s32 s31, $0x0;
	[sflag:s22] =	ssyncset.done $0x0  }
0x2f: {  	s14 =	simm.s32 @!p0 $0x5;
	[sflag:s22] =	ssyncadd.s32 $0xFFFFC000  }
0x30: {  	_ =	swait.ge @!p0 [sflag:s14], $0x4000  }
0x31: {  	[sflag:s14] =	ssyncset.done @!p0 $0x0  }
0x32: {  	s16 =	simm.s32 $0x0;
	[sflag:s14] =	ssyncadd.s32 @!p0 $0xFFFFC000  }
0x33: {  	v0 =	vld [tilespmem:s16+$0x2F0]  }
0x34: {  	v1 =	vld [tilespmem:s16+$0x82F0]  }
0x35: {  	v2 =	vld [tilespmem:s16+$0x200]  }
0x36: {  	v3 =	vld [tilespmem:s16+$0x8200]  }
0x37: {  	v4 =	vld [tilespmem:s16+$0x210]  }
0x38: {  	v5 =	vld [tilespmem:s16+$0x8210]  }
0x39: {  	v6 =	vld [tilespmem:s16+$0x220]  }
0x3a: {  	v7 =	vld [tilespmem:s16+$0x230]  }
0x3b: {  	v0 =	vadd.f32 v1, v0;
	v1 =	vld [tilespmem:s16+$0x8220]  }
0x3c: {  	v2 =	vadd.f32 v3, v2;
	v3 =	vld [tilespmem:s16+$0x240]  }
0x3d: {  	[tilespmem:s16+$0x102F0] =	vst v0;
	v0 =	vld [tilespmem:s16+$0x8230]  }
0x3e: {  	[tilespmem:s16+$0x10200] =	vst v2;
	v2 =	vadd.f32 v5, v4;
	v4 =	vld [tilespmem:s16+$0x8240]  }
0x3f: {  	v5 =	vld [tilespmem:s16+$0x8250]  }
0x40: {  	[tilespmem:s16+$0x10210] =	vst v2;
	v2 =	vld [tilespmem:s16+$0x250];
	v1 =	vadd.f32 v1, v6  }
0x41: {  	v6 =	vld [tilespmem:s16+$0x8260]  }
0x42: {  	[tilespmem:s16+$0x10220] =	vst v1;
	v0 =	vadd.f32 v0, v7;
	v1 =	vld [tilespmem:s16+$0x260]  }
0x43: {  	v7 =	vld [tilespmem:s16+$0x82B0]  }
0x44: {  	[tilespmem:s16+$0x10230] =	vst v0;
	v0 =	vadd.f32 v4, v3;
	v3 =	vld [tilespmem:s16+$0x270]  }
0x45: {  	v4 =	vld [tilespmem:s16+$0x8270]  }
0x46: {  	[tilespmem:s16+$0x10240] =	vst v0;
	v0 =	vadd.f32 v5, v2;
	v2 =	vld [tilespmem:s16+$0x280]  }
0x47: {  	v5 =	vld [tilespmem:s16+$0x8280]  }
0x48: {  	[tilespmem:s16+$0x10250] =	vst v0;
	v0 =	vadd.f32 v6, v1;
	v1 =	vld [tilespmem:s16+$0x290]  }
0x49: {  	v6 =	vld [tilespmem:s16+$0x8290]  }
0x4a: {  	[tilespmem:s16+$0x10260] =	vst v0;
	v0 =	vadd.f32 v4, v3;
	v3 =	vld [tilespmem:s16+$0x2A0]  }
0x4b: {  	v4 =	vld [tilespmem:s16+$0x82A0]  }
0x4c: {  	[tilespmem:s16+$0x10270] =	vst v0;
	v0 =	vadd.f32 v5, v2;
	v5 =	vld [tilespmem:s16+$0x2B0]  }
0x4d: {  	v8 =	vld [tilespmem:s16+$0x82C0]  }
0x4e: {  	[tilespmem:s16+$0x10280] =	vst v0;
	v0 =	vadd.f32 v6, v1;
	v6 =	vld [tilespmem:s16+$0x2C0]  }
0x4f: {  	v2 =	vld [tilespmem:s16+$0x2D0]  }
0x50: {  	[tilespmem:s16+$0x10290] =	vst v0;
	v0 =	vadd.f32 v4, v3;
	v3 =	vld [tilespmem:s16+$0x82D0]  }
0x51: {  	v4 =	vld [tilespmem:s16+$0x82E0];
	v5 =	vadd.f32 v7, v5  }
0x52: {  	s17 =	simm.s32 $0x100;
	[tilespmem:s16+$0x102A0] =	vst v0;
	v0 =	vld [tilespmem:s16+$0x2E0]  }
0x53: {  	s14 =	simm.s32 $0x800;
	v1 =	vld [tilespmem:s17+$0x2F0];
	[tilespmem:s16+$0x102B0] =	vst v5;
	v5 =	vadd.f32 v8, v6  }
.LBB2_3:
0x54: {  	p1 =	sne.s32 s14, $0xFC00;
	v6 =	vld [tilespmem:s17+$0x82F0]  }
0x55: {  	v7 =	vld [tilespmem:s17+$0x200];
	[tilespmem:s16+$0x102C0] =	vst v5;
	v2 =	vadd.f32 v3, v2  }
0x56: {  	v3 =	vld [tilespmem:s17+$0x8200]  }
0x57: {  	v5 =	vld [tilespmem:s17+$0x210];
	[tilespmem:s16+$0x102D0] =	vst v2;
	v0 =	vadd.f32 v4, v0  }
0x58: {  	v2 =	vld [tilespmem:s17+$0x8210]  }
0x59: {  	v4 =	vld [tilespmem:s17+$0x220];
	v1 =	vadd.f32 v6, v1;
	[tilespmem:s16+$0x102E0] =	vst v0;
	s16 =	smov.u32 s17  }
0x5a: {  	v0 =	vld [tilespmem:s16+$0x8220]  }
0x5b: {  	v3 =	vadd.f32 v3, v7;
	v6 =	vld [tilespmem:s16+$0x230];
	[tilespmem:s16+$0x102F0] =	vst v1  }
0x5c: {  	v1 =	vld [tilespmem:s16+$0x8230]  }
0x5d: {  	[tilespmem:s16+$0x10200] =	vst v3;
	v2 =	vadd.f32 v2, v5;
	v3 =	vld [tilespmem:s16+$0x240]  }
0x5e: {  	v5 =	vld [tilespmem:s16+$0x8240]  }
0x5f: {  	[tilespmem:s16+$0x10210] =	vst v2;
	v0 =	vadd.f32 v0, v4;
	v2 =	vld [tilespmem:s16+$0x250]  }
0x60: {  	v4 =	vld [tilespmem:s16+$0x8250]  }
0x61: {  	[tilespmem:s16+$0x10220] =	vst v0;
	v0 =	vadd.f32 v1, v6;
	v1 =	vld [tilespmem:s16+$0x260]  }
0x62: {  	v6 =	vld [tilespmem:s16+$0x8260]  }
0x63: {  	[tilespmem:s16+$0x10230] =	vst v0;
	v0 =	vadd.f32 v5, v3;
	v3 =	vld [tilespmem:s16+$0x270]  }
0x64: {  	v5 =	vld [tilespmem:s16+$0x8270]  }
0x65: {  	[tilespmem:s16+$0x10240] =	vst v0;
	v0 =	vadd.f32 v4, v2;
	v2 =	vld [tilespmem:s16+$0x280]  }
0x66: {  	v4 =	vld [tilespmem:s16+$0x8280]  }
0x67: {  	[tilespmem:s16+$0x10250] =	vst v0;
	v0 =	vadd.f32 v6, v1;
	v1 =	vld [tilespmem:s16+$0x290]  }
0x68: {  	v6 =	vld [tilespmem:s16+$0x8290]  }
0x69: {  	[tilespmem:s16+$0x10260] =	vst v0;
	v0 =	vadd.f32 v5, v3;
	v3 =	vld [tilespmem:s16+$0x2A0]  }
0x6a: {  	v5 =	vld [tilespmem:s16+$0x82A0]  }
0x6b: {  	[tilespmem:s16+$0x10270] =	vst v0;
	v0 =	vadd.f32 v4, v2;
	v4 =	vld [tilespmem:s16+$0x2B0]  }
0x6c: {  	v7 =	vld [tilespmem:s16+$0x82B0]  }
0x6d: {  	[tilespmem:s16+$0x10280] =	vst v0;
	v0 =	vadd.f32 v6, v1;
	v6 =	vld [tilespmem:s16+$0x2C0]  }
0x6e: {  	v8 =	vld [tilespmem:s16+$0x82C0]  }
.Ltmp0:
0x6f: {  	[tilespmem:s16+$0x10290] =	vst v0;
	v0 =	vadd.f32 v5, v3;
	v2 =	vld [tilespmem:s16+$0x2D0];
	(pc) =	sbr.rel @p1 .LBB2_3-.Ltmp0, $4  }
0x70: {  	v3 =	vld [tilespmem:s16+$0x82D0]  }
0x71: {  	[tilespmem:s16+$0x102A0] =	vst v0;
	v5 =	vadd.f32 v7, v4;
	v0 =	vld [tilespmem:s16+$0x2E0]  }
0x72: {  	s17 =	sshra.s32 s14, $0x2;
	v4 =	vld [tilespmem:s16+$0x82E0]  }
0x73: {  	s14 =	sadd.s32 $0x400, s14;
	v1 =	vld [tilespmem:s17+$0x2F0];
	[tilespmem:s16+$0x102B0] =	vst v5;
	v5 =	vadd.f32 v8, v6  }
0x74: {  	v6 =	vld [tilespmem:s17+$0x82F0]  }
0x75: {  	v7 =	vld [tilespmem:s17+$0x200];
	[tilespmem:s16+$0x102C0] =	vst v5;
	v2 =	vadd.f32 v3, v2  }
0x76: {  	v3 =	vld [tilespmem:s17+$0x8200]  }
0x77: {  	v5 =	vld [tilespmem:s17+$0x210];
	[tilespmem:s16+$0x102D0] =	vst v2;
	v0 =	vadd.f32 v4, v0  }
0x78: {  	v2 =	vld [tilespmem:s17+$0x8210]  }
0x79: {  	v4 =	vld [tilespmem:s17+$0x220];
	[tilespmem:s16+$0x102E0] =	vst v0  }
0x7a: {  	v0 =	vadd.f32 v6, v1;
	v1 =	vld [tilespmem:s17+$0x8220]  }
0x7b: {  	v6 =	vld [tilespmem:s17+$0x230]  }
0x7c: {  	v3 =	vadd.f32 v3, v7;
	[tilespmem:s17+$0x102F0] =	vst v0;
	v0 =	vld [tilespmem:s17+$0x8230]  }
0x7d: {  	v7 =	vld [tilespmem:s17+$0x82E0]  }
0x7e: {  	[tilespmem:s17+$0x10200] =	vst v3;
	v2 =	vadd.f32 v2, v5;
	v3 =	vld [tilespmem:s17+$0x240]  }
0x7f: {  	v5 =	vld [tilespmem:s17+$0x8240]  }
0x80: {  	[tilespmem:s17+$0x10210] =	vst v2;
	v2 =	vld [tilespmem:s17+$0x250]  }
0x81: {  	v1 =	vadd.f32 v1, v4;
	v4 =	vld [tilespmem:s17+$0x8250]  }
0x82: {  	v0 =	vadd.f32 v0, v6;
	v6 =	vld [tilespmem:s17+$0x8260]  }
0x83: {  	[tilespmem:s17+$0x10220] =	vst v1;
	v1 =	vld [tilespmem:s17+$0x260]  }
0x84: {  	[tilespmem:s17+$0x10230] =	vst v0;
	v0 =	vadd.f32 v5, v3;
	v3 =	vld [tilespmem:s17+$0x270]  }
0x85: {  	v5 =	vld [tilespmem:s17+$0x8270]  }
0x86: {  	[tilespmem:s17+$0x10240] =	vst v0;
	v0 =	vadd.f32 v4, v2;
	v2 =	vld [tilespmem:s17+$0x280]  }
0x87: {  	v4 =	vld [tilespmem:s17+$0x8280]  }
0x88: {  	[tilespmem:s17+$0x10250] =	vst v0;
	v0 =	vadd.f32 v6, v1;
	v1 =	vld [tilespmem:s17+$0x290]  }
0x89: {  	v6 =	vld [tilespmem:s17+$0x8290]  }
0x8a: {  	[tilespmem:s17+$0x10260] =	vst v0;
	v0 =	vadd.f32 v5, v3;
	v3 =	vld [tilespmem:s17+$0x2A0]  }
0x8b: {  	v5 =	vld [tilespmem:s17+$0x82A0]  }
0x8c: {  	[tilespmem:s17+$0x10270] =	vst v0;
	v0 =	vadd.f32 v4, v2;
	v2 =	vld [tilespmem:s17+$0x2B0]  }
0x8d: {  	v4 =	vld [tilespmem:s17+$0x82B0]  }
0x8e: {  	[tilespmem:s17+$0x10280] =	vst v0;
	v0 =	vadd.f32 v6, v1;
	v1 =	vld [tilespmem:s17+$0x2C0]  }
0x8f: {  	v6 =	vld [tilespmem:s17+$0x82C0]  }
0x90: {  	[tilespmem:s17+$0x10290] =	vst v0;
	v0 =	vadd.f32 v5, v3;
	v3 =	vld [tilespmem:s17+$0x2D0]  }
0x91: {  	v5 =	vld [tilespmem:s17+$0x82D0]  }
0x92: {  	[tilespmem:s17+$0x102A0] =	vst v0;
	v0 =	vld [tilespmem:s17+$0x2E0];
	_ =	sdelay $0x1  }
0x93: {  	v2 =	vadd.f32 v4, v2  }
0x94: {  	v1 =	vadd.f32 v6, v1  }
0x95: {  	s14 =	sadd.s32 s6, s3;
	[tilespmem:s17+$0x102B0] =	vst v2;
	v2 =	vadd.f32 v5, v3  }
0x96: {  	p1 =	seq.s32 s31, $0x13;
	s14 =	sshll.u32 s14, $0xB;
	[tilespmem:s17+$0x102C0] =	vst v1;
	v0 =	vadd.f32 v7, v0  }
0x97: {  	s3 =	sadd.s32 @!p1 s3, s11;
	s14 =	sand.u32 $0x1FFFF000, s14;
	[tilespmem:s17+$0x102D0] =	vst v2  }
0x98: {  	s3 =	sshll.u32 @!p1 s3, $0x4;
	s14 =	sadd.s32 s8, s14;
	[tilespmem:s17+$0x102E0] =	vst v0  }
0x99: {  	[hbm4b:s14+s4] =	stream.linear.scatter [tilespmem:s23], [sflag:$0x5], $0x4000, $0x38;
	[tilespmem:$0x18200] =	vst v63  }
0x9a: {  	s16 =	simm.s32 @!p1 $0x0;
	s14 =	sadd.s32 @!p1 s5, s3  }
0x9b: {  	[tilespmem:s16], [sflag:$0x7] =	stream.linear.gather @!p1 [hbm4b:s14+s16], $0x80, $0x38;
	[tilespmem:$0x18200] =	vst v63  }
0x9c: {  	s14 =	simm.s32 @!p1 $0x7  }
0x9d: {  	_ =	swait.ge @!p1 [sflag:s14], $0x80  }
0x9e: {  	[sflag:s14] =	ssyncset.done @!p1 $0x0  }
0x9f: {  	s17 =	simm.s32 @!p1 $0x100;
	s3 =	sadd.s32 @!p1 s7, s3;
	[sflag:s14] =	ssyncadd.s32 @!p1 $0xFFFFFF80  }
0xa0: {  	[tilespmem:s17], [sflag:$0x7] =	stream.linear.gather @!p1 [hbm4b:s3+s16], $0x80, $0x38;
	[tilespmem:$0x18200] =	vst v63  }
0xa1: {  	_ =	swait.ge @!p1 [sflag:s14], $0x80  }
0xa2: {  	[sflag:s14] =	ssyncset.done @!p1 $0x0  }
0xa3: {  	s3 =	simm.s32 @!p1 $0x80;
	[sflag:s14] =	ssyncadd.s32 @!p1 $0xFFFFFF80;
	s14 =	simm.s32 @!p1 $0x200  }
0xa4: {  	[tilespmem:s14], [sflag:$0x1] =	stream.indirect.gather @!p1 [hbm4b:s1+s3], $0x80, s16, s3, $0xb8;
	[tilespmem:$0x18200] =	vst v63  }
0xa5: {  	s14 =	simm.s32 @!p1 $0x8200  }
0xa6: {  	[tilespmem:s14], [sflag:$0x3] =	stream.indirect.gather @!p1 [hbm4b:s2+s3], $0x80, s17, s3, $0xb8;
	[tilespmem:$0x18200] =	vst v63  }
0xa7: {  	_ =	swait.ge [sflag:s24], $0x4000  }
0xa8: {  	[sflag:s24] =	ssyncset.done $0x0  }
0xa9: {  	[sflag:s24] =	ssyncadd.s32 $0xFFFFC000  }
0xaa: {  	_ =	swait.ge [sflag:s25], $0x4000  }
0xab: {  	[sflag:s25] =	ssyncset.done $0x0  }
0xac: {  	s3 =	simm.s32 @!p0 $0x6;
	[sflag:s25] =	ssyncadd.s32 $0xFFFFC000  }
0xad: {  	_ =	swait.ge @!p0 [sflag:s3], $0x4000  }
0xae: {  	[sflag:s3] =	ssyncset.done @!p0 $0x0  }
0xaf: {  	[sflag:s3] =	ssyncadd.s32 @!p0 $0xFFFFC000;
	s3 =	simm.s32 $0x0  }
0xb0: {  	v0 =	vld [tilespmem:s3+$0x42F0]  }
0xb1: {  	v1 =	vld [tilespmem:s3+$0xC2F0]  }
0xb2: {  	v2 =	vld [tilespmem:s3+$0x4200]  }
0xb3: {  	v3 =	vld [tilespmem:s3+$0xC200]  }
0xb4: {  	v4 =	vld [tilespmem:s3+$0x4210]  }
0xb5: {  	v5 =	vld [tilespmem:s3+$0xC210]  }
0xb6: {  	v6 =	vld [tilespmem:s3+$0x4220]  }
0xb7: {  	v7 =	vld [tilespmem:s3+$0x4230]  }
0xb8: {  	v0 =	vadd.f32 v1, v0;
	v1 =	vld [tilespmem:s3+$0xC220]  }
0xb9: {  	v2 =	vadd.f32 v3, v2;
	v3 =	vld [tilespmem:s3+$0x4240]  }
0xba: {  	[tilespmem:s3+$0x142F0] =	vst v0;
	v0 =	vld [tilespmem:s3+$0xC230]  }
0xbb: {  	[tilespmem:s3+$0x14200] =	vst v2;
	v2 =	vadd.f32 v5, v4;
	v4 =	vld [tilespmem:s3+$0xC240]  }
0xbc: {  	v5 =	vld [tilespmem:s3+$0xC250]  }
0xbd: {  	[tilespmem:s3+$0x14210] =	vst v2;
	v2 =	vld [tilespmem:s3+$0x4250];
	v1 =	vadd.f32 v1, v6  }
0xbe: {  	v6 =	vld [tilespmem:s3+$0xC260]  }
0xbf: {  	[tilespmem:s3+$0x14220] =	vst v1;
	v0 =	vadd.f32 v0, v7;
	v1 =	vld [tilespmem:s3+$0x4260]  }
0xc0: {  	v7 =	vld [tilespmem:s3+$0xC2B0]  }
0xc1: {  	[tilespmem:s3+$0x14230] =	vst v0;
	v0 =	vadd.f32 v4, v3;
	v3 =	vld [tilespmem:s3+$0x4270]  }
0xc2: {  	v4 =	vld [tilespmem:s3+$0xC270]  }
0xc3: {  	[tilespmem:s3+$0x14240] =	vst v0;
	v0 =	vadd.f32 v5, v2;
	v2 =	vld [tilespmem:s3+$0x4280]  }
0xc4: {  	v5 =	vld [tilespmem:s3+$0xC280]  }
0xc5: {  	[tilespmem:s3+$0x14250] =	vst v0;
	v0 =	vadd.f32 v6, v1;
	v1 =	vld [tilespmem:s3+$0x4290]  }
0xc6: {  	v6 =	vld [tilespmem:s3+$0xC290]  }
0xc7: {  	[tilespmem:s3+$0x14260] =	vst v0;
	v0 =	vadd.f32 v4, v3;
	v3 =	vld [tilespmem:s3+$0x42A0]  }
0xc8: {  	v4 =	vld [tilespmem:s3+$0xC2A0]  }
0xc9: {  	[tilespmem:s3+$0x14270] =	vst v0;
	v0 =	vadd.f32 v5, v2;
	v5 =	vld [tilespmem:s3+$0x42B0]  }
0xca: {  	v8 =	vld [tilespmem:s3+$0xC2C0]  }
0xcb: {  	[tilespmem:s3+$0x14280] =	vst v0;
	v0 =	vadd.f32 v6, v1;
	v6 =	vld [tilespmem:s3+$0x42C0]  }
0xcc: {  	v2 =	vld [tilespmem:s3+$0x42D0]  }
0xcd: {  	[tilespmem:s3+$0x14290] =	vst v0;
	v0 =	vadd.f32 v4, v3;
	v3 =	vld [tilespmem:s3+$0xC2D0]  }
0xce: {  	v4 =	vld [tilespmem:s3+$0xC2E0];
	v5 =	vadd.f32 v7, v5  }
0xcf: {  	s16 =	simm.s32 $0x100;
	[tilespmem:s3+$0x142A0] =	vst v0;
	v0 =	vld [tilespmem:s3+$0x42E0]  }
0xd0: {  	s14 =	simm.s32 $0x800;
	v1 =	vld [tilespmem:s16+$0x42F0];
	[tilespmem:s3+$0x142B0] =	vst v5;
	v5 =	vadd.f32 v8, v6  }
.LBB2_5:
0xd1: {  	p0 =	sne.s32 s14, $0xFC00;
	v6 =	vld [tilespmem:s16+$0xC2F0]  }
0xd2: {  	v7 =	vld [tilespmem:s16+$0x4200];
	[tilespmem:s3+$0x142C0] =	vst v5;
	v2 =	vadd.f32 v3, v2  }
0xd3: {  	v3 =	vld [tilespmem:s16+$0xC200]  }
0xd4: {  	v5 =	vld [tilespmem:s16+$0x4210];
	[tilespmem:s3+$0x142D0] =	vst v2;
	v0 =	vadd.f32 v4, v0  }
0xd5: {  	v2 =	vld [tilespmem:s16+$0xC210]  }
0xd6: {  	v4 =	vld [tilespmem:s16+$0x4220];
	v1 =	vadd.f32 v6, v1;
	[tilespmem:s3+$0x142E0] =	vst v0;
	s3 =	smov.u32 s16  }
0xd7: {  	v0 =	vld [tilespmem:s3+$0xC220]  }
0xd8: {  	v3 =	vadd.f32 v3, v7;
	v6 =	vld [tilespmem:s3+$0x4230];
	[tilespmem:s3+$0x142F0] =	vst v1  }
0xd9: {  	v1 =	vld [tilespmem:s3+$0xC230]  }
0xda: {  	[tilespmem:s3+$0x14200] =	vst v3;
	v2 =	vadd.f32 v2, v5;
	v3 =	vld [tilespmem:s3+$0x4240]  }
0xdb: {  	v5 =	vld [tilespmem:s3+$0xC240]  }
0xdc: {  	[tilespmem:s3+$0x14210] =	vst v2;
	v0 =	vadd.f32 v0, v4;
	v2 =	vld [tilespmem:s3+$0x4250]  }
0xdd: {  	v4 =	vld [tilespmem:s3+$0xC250]  }
0xde: {  	[tilespmem:s3+$0x14220] =	vst v0;
	v0 =	vadd.f32 v1, v6;
	v1 =	vld [tilespmem:s3+$0x4260]  }
0xdf: {  	v6 =	vld [tilespmem:s3+$0xC260]  }
0xe0: {  	[tilespmem:s3+$0x14230] =	vst v0;
	v0 =	vadd.f32 v5, v3;
	v3 =	vld [tilespmem:s3+$0x4270]  }
0xe1: {  	v5 =	vld [tilespmem:s3+$0xC270]  }
0xe2: {  	[tilespmem:s3+$0x14240] =	vst v0;
	v0 =	vadd.f32 v4, v2;
	v2 =	vld [tilespmem:s3+$0x4280]  }
0xe3: {  	v4 =	vld [tilespmem:s3+$0xC280]  }
0xe4: {  	[tilespmem:s3+$0x14250] =	vst v0;
	v0 =	vadd.f32 v6, v1;
	v1 =	vld [tilespmem:s3+$0x4290]  }
0xe5: {  	v6 =	vld [tilespmem:s3+$0xC290]  }
0xe6: {  	[tilespmem:s3+$0x14260] =	vst v0;
	v0 =	vadd.f32 v5, v3;
	v3 =	vld [tilespmem:s3+$0x42A0]  }
0xe7: {  	v5 =	vld [tilespmem:s3+$0xC2A0]  }
0xe8: {  	[tilespmem:s3+$0x14270] =	vst v0;
	v0 =	vadd.f32 v4, v2;
	v4 =	vld [tilespmem:s3+$0x42B0]  }
0xe9: {  	v7 =	vld [tilespmem:s3+$0xC2B0]  }
0xea: {  	[tilespmem:s3+$0x14280] =	vst v0;
	v0 =	vadd.f32 v6, v1;
	v6 =	vld [tilespmem:s3+$0x42C0]  }
0xeb: {  	v8 =	vld [tilespmem:s3+$0xC2C0]  }
.Ltmp1:
0xec: {  	[tilespmem:s3+$0x14290] =	vst v0;
	v0 =	vadd.f32 v5, v3;
	v2 =	vld [tilespmem:s3+$0x42D0];
	(pc) =	sbr.rel @p0 .LBB2_5-.Ltmp1, $4  }
0xed: {  	v3 =	vld [tilespmem:s3+$0xC2D0]  }
0xee: {  	[tilespmem:s3+$0x142A0] =	vst v0;
	v5 =	vadd.f32 v7, v4;
	v0 =	vld [tilespmem:s3+$0x42E0]  }
0xef: {  	s16 =	sshra.s32 s14, $0x2;
	v4 =	vld [tilespmem:s3+$0xC2E0]  }
0xf0: {  	s14 =	sadd.s32 $0x400, s14;
	v1 =	vld [tilespmem:s16+$0x42F0];
	[tilespmem:s3+$0x142B0] =	vst v5;
	v5 =	vadd.f32 v8, v6  }
0xf1: {  	v6 =	vld [tilespmem:s16+$0xC2F0]  }
0xf2: {  	v7 =	vld [tilespmem:s16+$0x4200];
	[tilespmem:s3+$0x142C0] =	vst v5;
	v2 =	vadd.f32 v3, v2  }
0xf3: {  	v28 =	vld [tilespmem:s16+$0xC200]  }
0xf4: {  	v5 =	vld [tilespmem:s16+$0x4210];
	[tilespmem:s3+$0x142D0] =	vst v2;
	v0 =	vadd.f32 v4, v0  }
0xf5: {  	v2 =	vld [tilespmem:s16+$0xC210]  }
0xf6: {  	v29 =	vld [tilespmem:s16+$0x4220];
	[tilespmem:s3+$0x142E0] =	vst v0  }
0xf7: {  	v31 =	vld [tilespmem:s16+$0xC220]  }
0xf8: {  	v32 =	vld [tilespmem:s16+$0x4230]  }
0xf9: {  	v33 =	vld [tilespmem:s16+$0xC230]  }
0xfa: {  	v34 =	vld [tilespmem:s16+$0x4240]  }
0xfb: {  	v35 =	vld [tilespmem:s16+$0xC240]  }
0xfc: {  	v36 =	vld [tilespmem:s16+$0x4250]  }
0xfd: {  	v37 =	vld [tilespmem:s16+$0xC250]  }
0xfe: {  	v38 =	vld [tilespmem:s16+$0x4260]  }
0xff: {  	v39 =	vld [tilespmem:s16+$0xC260]  }
0x100: {  	v41 =	vld [tilespmem:s16+$0x4270]  }
0x101: {  	v42 =	vld [tilespmem:s16+$0xC270]  }
0x102: {  	v44 =	vld [tilespmem:s16+$0x4280]  }
0x103: {  	v45 =	vld [tilespmem:s16+$0xC280]  }
0x104: {  	v47 =	vld [tilespmem:s16+$0x4290]  }
0x105: {  	v30 =	vadd.f32 v6, v1;
	v48 =	vld [tilespmem:s16+$0xC290]  }
0x106: {  	v50 =	vld [tilespmem:s16+$0x42A0];
	v3 =	vadd.f32 v28, v7  }
0x107: {  	v51 =	vld [tilespmem:s16+$0xC2A0];
	[tilespmem:s16+$0x142F0] =	vst v30;
	v2 =	vadd.f32 v2, v5  }
0x108: {  	v53 =	vld [tilespmem:s16+$0x42B0];
	[tilespmem:s16+$0x14200] =	vst v3;
	v1 =	vadd.f32 v31, v29  }
0x109: {  	v54 =	vld [tilespmem:s16+$0xC2B0];
	[tilespmem:s16+$0x14210] =	vst v2;
	v0 =	vadd.f32 v33, v32  }
0x10a: {  	v56 =	vld [tilespmem:s16+$0x42C0];
	v40 =	vadd.f32 v35, v34;
	[tilespmem:s16+$0x14220] =	vst v1  }
0x10b: {  	v57 =	vld [tilespmem:s16+$0xC2C0];
	v43 =	vadd.f32 v37, v36;
	[tilespmem:s16+$0x14230] =	vst v0  }
0x10c: {  	v59 =	vld [tilespmem:s16+$0x42D0];
	v46 =	vadd.f32 v39, v38;
	[tilespmem:s16+$0x14240] =	vst v40  }
0x10d: {  	v60 =	vld [tilespmem:s16+$0xC2D0];
	v49 =	vadd.f32 v42, v41;
	[tilespmem:s16+$0x14250] =	vst v43  }
0x10e: {  	v61 =	vld [tilespmem:s16+$0x42E0];
	v52 =	vadd.f32 v45, v44;
	[tilespmem:s16+$0x14260] =	vst v46  }
0x10f: {  	v62 =	vld [tilespmem:s16+$0xC2E0];
	v55 =	vadd.f32 v48, v47;
	[tilespmem:s16+$0x14270] =	vst v49  }
0x110: {  	v58 =	vadd.f32 v51, v50;
	[tilespmem:s16+$0x14280] =	vst v52  }
0x111: {  	s31 =	sadd.s32 $0x1, s31;
	v2 =	vadd.f32 v54, v53;
	[tilespmem:s16+$0x14290] =	vst v55  }
0x112: {  	p0 =	sne.s32 s31, $0x14;
	v63 =	vadd.f32 v60, v59;
	[tilespmem:s16+$0x142A0] =	vst v58  }
.Ltmp2:
0x113: {  	v1 =	vadd.f32 v57, v56;
	[tilespmem:s16+$0x142B0] =	vst v2;
	(pc) =	sbr.rel @p0 .LBB2_2-.Ltmp2, $4  }
0x114: {  	v0 =	vadd.f32 v62, v61;
	[tilespmem:s16+$0x142D0] =	vst v63  }
0x115: {  	s0 =	sshll.u32 s0, $0xB;
	[tilespmem:s16+$0x142C0] =	vst v1  }
0x116: {  	s0 =	sadd.s32 s8, s0;
	[tilespmem:s16+$0x142E0] =	vst v0  }
0x117: {  	[hbm4b:s0+s4] =	stream.linear.scatter [tilespmem:s26], [sflag:$0x6], $0x4000, $0x38;
	[tilespmem:$0x18200] =	vst v63  }
0x118: {  	s30 =	sadd.s32 $0x1, s30  }
0x119: {  	_ =	swait.ge [sflag:s28], $0x4000;
	p0 =	sne.s32 s30, s12  }
.Ltmp3:
0x11a: {  	[sflag:s28] =	ssyncset.done $0x0;
	(pc) =	sbr.rel @p0 .LBB2_1-.Ltmp3, $4  }
0x11b: {  	[sflag:s28] =	ssyncadd.s32 $0xFFFFC000  }
0x11c: {  	_ =	swait.ge [sflag:s29], $0x4000  }
0x11d: {  	[sflag:s29] =	ssyncset.done $0x0  }
0x11e: {  	[sflag:s29] =	ssyncadd.s32 $0xFFFFC000  }
0x11f: {  	_ =	sfence.sel $0x180000  }
0x120: {  	[bflag:$0x0] =	sbarrier.arrive $0xFFFF  }
0x121: {  	_ =	strace $0x90000047  }
0x122: {  	s0 =	stileid.u32;
	[bflag:$0x2] =	sbarrier.arrive $0xFFFF  }
0x123: {  	p0 =	sne.s32 s0, $0x0;
	s0 =	rddreg [dreg:$0x3]  }
0x124: {  	s0 =	sadd.s32 @!p0 $0x100000, s0  }
0x125: {  	[sflag:s0] =	ssyncadd.tile.s32 @!p0 $0x1;
	_ =	shalt  }
.Lfunc_end2:
_tile_overlayer_lowered:
.L_overlay_start_2:
0x126: {  	(tag) =	ssettag $0x2  }
0x127: {  	s0 =	rddreg [dreg:$0x0];
	s2 =	stileid.u32  }
0x128: {  	s1 =	rddreg [dreg:$0x1];
	p0 =	sne.s32 s2, $0x0  }
0x129: {  	s3 =	rddreg [dreg:$0x2];
	[bflag:$0x3] =	sbarrier.arrive $0xFFFF;
	s2 =	simm.s32 @!p0 $0x1C07  }
0x12a: {  	[timem:s3], [sflag:s2] =	dma.local @!p0 [hbm:s0], s1  }
0x12b: {  	s0 =	simm.s32 @!p0 $0x7  }
0x12c: {  	_ =	swait.ge @!p0 [sflag:s0], s1  }
0x12d: {  	s1 =	ssub.s32 @!p0 $0x0, s1;
	[sflag:s0] =	ssyncset.done @!p0 $0x0  }
0x12e: {  	[sflag:s0] =	ssyncadd.s32 @!p0 s1  }
0x12f: {  	[bflag:$0x3] =	sbarrier.arrive $0xFFFF  }
0x130: {  	_ =	shalt  }

// kernel: kernel.14.cloned.1.call-start
scs
__scs_entry_jumppad:
0x0: {  	(pc) =	sbr.rel $0x88, $3  }
0x1: {  	(tag) =	ssettag $0x0;
	lr =	simm.s32 $0x1  }
0x2: {  	[smem:$0x3F70] =	sst lr;
	_ =	strace $0xD0000000  }
0x3: {  	_ = 	snop  }
0x4: {  	_ = 	snop  }
0x5: {  	_ = 	snop  }
0x6: {  	_ = 	snop  }
0x7: {  	_ = 	snop  }
__scs_overlays_trampoline_lowered:
0x8: {  	[smem:$0x3F7F] =	sst s0  }
0x9: {  	[smem:$0x3F80] =	sst s1  }
0xa: {  	[smem:$0x3F81] =	sst s2  }
0xb: {  	[smem:$0x3F82] =	sst s3  }
0xc: {  	[smem:$0x3F83] =	sst s4  }
0xd: {  	[smem:$0x3F84] =	sst s5  }
0xe: {  	[smem:$0x3F85] =	sst s6  }
0xf: {  	[smem:$0x3F86] =	sst s7  }
0x10: {  	[smem:$0x3F87] =	sst s8  }
0x11: {  	[smem:$0x3F88] =	sst s9;
	s0 =	simm.s32 @!p0 $0x0  }
0x12: {  	s1 =	sld [smem:$0x3F6E];
	s0 =	simm.s32 @p0 $0x1  }
0x13: {  	[smem:$0x3F89] =	sst s0;
	s0 =	simm.s32 @!p1 $0x0  }
0x14: {  	s2 =	sld [smem:$0x3F6D];
	s0 =	simm.s32 @p1 $0x1  }
0x15: {  	[smem:$0x3F8A] =	sst s0;
	s0 =	simm.s32 @!p2 $0x0  }
0x16: {  	s3 =	sld [smem:$0x3FDB];
	s0 =	simm.s32 @p2 $0x1  }
0x17: {  	s4 =	simm.s32 $0x1BF5;
	[smem:$0x3F8C] =	sst s0  }
0x18: {  	s0 =	sld [smem:$0x3F6F];
	_ =	swait.ge [sflag:s4], $0x0  }
0x19: {  	s7 =	sld [smem:$0x3F70]  }
0x1a: {  	s8 =	sadd.s32 $0xFFFFE003, lr  }
0x1b: {  	s9 =	sadd.s32 $0xFFFFFEF7, lr;
	s5 =	simm.s32 $0xFFFFFFFF;
	p2 =	slt.u32 s8, $0xFFFFF086  }
0x1c: {  	p1 =	slt.u32 s9, $0xF7A;
	s5 =	simm.s32 @!p2 $0x0  }
0x1d: {  	s5 =	simm.s32 @p1 $0x1;
	p0 =	seq.s32 s7, s2  }
0x1e: {  	s7 =	smul.u32 @!p0 $0xF7A, s2;
	p2 =	seq.s32 @!p0 s5, $0x0  }
0x1f: {  	s9 =	smul.u32 $0xF7A, s1;
	s8 =	simm.s32 @!p0 $0x1BF5;
	p2 =	por !p2, p0  }
0x20: {  	[sflag:s8] =	ssyncset.s32 @!p0 $0xFFFFF086;
	s6 =	sadd.s32 @!p0 s3, s7;
	s7 =	simm.s32 @!p0 $0x108  }
0x21: {  	s3 =	sadd.s32 s3, s9;
	s6 =	sadd.s32 @!p0 $0x88, s6;
	s7 =	simm.s32 @p2 $0x1082  }
0x22: {  	[simem:s7], [sflag:s8] =	dma.local @!p0 [hbm:s6], $0xF7A  }
0x23: {  	s9 =	sor.u32 $0xD0000000, s2;
	s6 =	simm.s32 $0x108;
	_ =	swait.ge @!p0 [sflag:s8], $0x0  }
0x24: {  	s3 =	sadd.s32 $0x88, s3;
	s6 =	simm.s32 @!p1 $0x1082;
	[sflag:s4] =	ssyncset.s32 $0xFFFFF086  }
0x25: {  	[simem:s6], [sflag:s4] =	dma.local [hbm:s3], $0xF7A  }
0x26: {  	[smem:$0x3F70] =	sst s1;
	(tag) =	ssettag s2;
	_ =	strace s9  }
0x27: {  	s1 =	sld [smem:$0x3F80]  }
0x28: {  	s2 =	sld [smem:$0x3F81]  }
0x29: {  	s4 =	sld [smem:$0x3F83]  }
0x2a: {  	p0 =	seq.s32 s5, $0x0;
	s5 =	sld [smem:$0x3F84]  }
0x2b: {  	s6 =	sld [smem:$0x3F85]  }
0x2c: {  	s7 =	sld [smem:$0x3F86]  }
0x2d: {  	s3 =	simm.s32 $0x108;
	s8 =	sld [smem:$0x3F87]  }
0x2e: {  	s3 =	simm.s32 @!p0 $0x1082;
	s9 =	sld [smem:$0x3F88]  }
0x2f: {  	lr =	sadd.s32 s0, s3;
	s0 =	sld [smem:$0x3F7F]  }
0x30: {  	s3 =	sld [smem:$0x3F82]  }
0x31: {  	[smem:$0x3F8B] =	sst s10  }
0x32: {  	s10 =	sld [smem:$0x3F89];
	_ =	sdelay $0x3  }
0x33: {  	p0 =	seq.s32 s10, $0x1;
	s10 =	sld [smem:$0x3F8B];
	_ =	sdelay $0x3  }
0x34: {  	[smem:$0x3F8B] =	sst s10  }
0x35: {  	s10 =	sld [smem:$0x3F8A];
	_ =	sdelay $0x3  }
0x36: {  	p1 =	seq.s32 s10, $0x1;
	s10 =	sld [smem:$0x3F8B];
	_ =	sdelay $0x3  }
0x37: {  	[smem:$0x3F8B] =	sst s10  }
0x38: {  	s10 =	sld [smem:$0x3F8C]  }
0x39: {  	_ = 	snop;
	(pc) =	sbr.ind lr, $3  }
0x3a: {  	_ = 	snop  }
0x3b: {  	_ = 	snop  }
0x3c: {  	p2 =	seq.s32 s10, $0x1;
	s10 =	sld [smem:$0x3F8B]  }
0x3d: {  	_ =	shalt  }
0x3e: {  	_ =	shalt  }
0x3f: {  	_ =	shalt  }
0x40: {  	_ =	shalt  }
0x41: {  	_ =	shalt  }
0x42: {  	_ =	shalt  }
0x43: {  	_ =	shalt  }
0x44: {  	_ =	shalt  }
0x45: {  	_ =	shalt  }
0x46: {  	_ =	shalt  }
0x47: {  	_ =	shalt  }
0x48: {  	_ =	shalt  }
0x49: {  	_ =	shalt  }
0x4a: {  	_ =	shalt  }
0x4b: {  	_ =	shalt  }
0x4c: {  	_ =	shalt  }
0x4d: {  	_ =	shalt  }
0x4e: {  	_ =	shalt  }
0x4f: {  	_ =	shalt  }
0x50: {  	_ =	shalt  }
0x51: {  	_ =	shalt  }
0x52: {  	_ =	shalt  }
0x53: {  	_ =	shalt  }
0x54: {  	_ =	shalt  }
0x55: {  	_ =	shalt  }
0x56: {  	_ =	shalt  }
0x57: {  	_ =	shalt  }
0x58: {  	_ =	shalt  }
0x59: {  	_ =	shalt  }
0x5a: {  	_ =	shalt  }
0x5b: {  	_ =	shalt  }
0x5c: {  	_ =	shalt  }
0x5d: {  	_ =	shalt  }
0x5e: {  	_ =	shalt  }
0x5f: {  	_ =	shalt  }
0x60: {  	_ =	shalt  }
0x61: {  	_ =	shalt  }
0x62: {  	_ =	shalt  }
0x63: {  	_ =	shalt  }
0x64: {  	_ =	shalt  }
0x65: {  	_ =	shalt  }
0x66: {  	_ =	shalt  }
0x67: {  	_ =	shalt  }
0x68: {  	_ =	shalt  }
0x69: {  	_ =	shalt  }
0x6a: {  	_ =	shalt  }
0x6b: {  	_ =	shalt  }
0x6c: {  	_ =	shalt  }
0x6d: {  	_ =	shalt  }
0x6e: {  	_ =	shalt  }
0x6f: {  	_ =	shalt  }
0x70: {  	_ =	shalt  }
0x71: {  	_ =	shalt  }
0x72: {  	_ =	shalt  }
0x73: {  	_ =	shalt  }
0x74: {  	_ =	shalt  }
0x75: {  	_ =	shalt  }
0x76: {  	_ =	shalt  }
0x77: {  	_ =	shalt  }
0x78: {  	_ =	shalt  }
0x79: {  	_ =	shalt  }
0x7a: {  	_ =	shalt  }
0x7b: {  	_ =	shalt  }
0x7c: {  	_ =	shalt  }
0x7d: {  	_ =	shalt  }
0x7e: {  	_ =	shalt  }
0x7f: {  	_ =	shalt  }
0x80: {  	_ =	shalt  }
0x81: {  	_ =	shalt  }
0x82: {  	_ =	shalt  }
0x83: {  	_ =	shalt  }
0x84: {  	_ =	shalt  }
0x85: {  	_ =	shalt  }
0x86: {  	_ =	shalt  }
0x87: {  	_ =	shalt  }
.Lfunc_end0:
.L_simem_size_0:
called_computation.1_lowered:
.L_overlay_start_0:
0x88: {  	s2 =	sld [smem:$0x3FD9]  }
0x89: {  	s3 =	sld [smem:$0x3FFE];
	_ =	sdelay $0x1  }
0x8a: {  	s1 =	srdreg.scid  }
0x8b: {  	s0 =	sand.u32 $0x1, s1  }
0x8c: {  	s14 =	sshll.u32 s0, $0xA;
	s2 =	sadd.s32 s3, s2  }
0x8d: {  	s2 =	sadd.s32 s2, s14  }
0x8e: {  	[smem:$0x3F97] =	sst s2  }
0x8f: {  	_ = 	snop  }
0x90: {  	s2 =	sld [smem:$0x3FD0];
	_ =	sdelay $0x2  }
0x91: {  	s15 =	simm.s32 $0xB;
	s4 =	simm.s32 $0x10  }
0x92: {  	[smem:s4], [sflag:s15] =	dma.local [hbm:s2], $0x1  }
0x93: {  	_ =	swait.eq [sflag:s15], $0x1  }
0x94: {  	[sflag:s15] =	ssyncset.done $0x0  }
0x95: {  	[sflag:s15] =	ssyncadd.s32 $0xFFFFFFFF  }
0x96: {  	s16 =	sld [smem:$0x10];
	(tm) =	ssettm $0x1  }
0x97: {  	s17 =	sld [smem:$0x3FFB];
	_ =	sdelay $0x3  }
0x98: {  	_ =	strace s17  }
0x99: {  	s3 =	sld [smem:$0x3FFC];
	_ =	sdelay $0x3  }
0x9a: {  	_ =	strace s3  }
0x9b: {  	s3 =	sld [smem:$0x3FFD];
	_ =	sdelay $0x3  }
0x9c: {  	_ =	strace s3  }
0x9d: {  	_ =	strace $0x8FFFFFFF  }
0x9e: {  	s18 =	sld [smem:$0x3FDB];
	_ =	sdelay $0x1  }
0x9f: {  	s19 =	simm.s32 $_scs_section_size  }
0xa0: {  	s5 =	simm.s32 $_size__tile_overlayer_lowered;
	s6 =	simm.s32 $_tile_overlayer_lowered  }
0xa1: {  	s22 =	simm.s32 $0x1BFF;
	s21 =	sshll.u32 s6, $0x1;
	s3 =	sadd.s32 s19, s18  }
0xa2: {  	s7 =	simm.s32 $0x0;
	s20 =	sshll.u32 s5, $0x1;
	s5 =	sadd.s32 s21, s3  }
0xa3: {  	[timem:s7], [sflag:s22] =	dma.local [hbm:s5], s20  }
0xa4: {  	_ =	swait.ge [sflag:s22], s20  }
0xa5: {  	s4 =	ssub.s32 $0x0, s20;
	[sflag:s22] =	ssyncset.done $0x0  }
0xa6: {  	[sflag:s22] =	ssyncadd.s32 s4;
	_ =	sdelay $0x1  }
0xa7: {  	s23 =	simm.s32 $0x1B8B  }
0xa8: {  	_ =	swait.ge [sflag:s23], $0x1  }
0xa9: {  	[sflag:s23] =	ssyncset.done $0x0  }
0xaa: {  	s25 =	simm.s32 $0x1B8E;
	s24 =	sld [smem:$0x3FFE];
	[sflag:s23] =	ssyncadd.s32 $0xFFFFFFFF  }
0xab: {  	s26 =	simm.s32 $execute0_lowered;
	[smem:$0x3FD2] =	sst s25  }
0xac: {  	s5 =	sshll.u32 s26, $0x1;
	_ =	strace $0x80000049;
	[dreg:$0x1] =	wrdreg $0xFFFFFFFF  }
0xad: {  	s28 =	simm.s32 $_size_execute0_lowered;
	s3 =	sadd.s32 s3, s5;
	[dreg:$0x0] =	wrdreg $0x0  }
0xae: {  	s5 =	sshll.u32 s28, $0x1;
	[dreg:$0x2] =	wrdreg s3  }
0xaf: {  	[dreg:$0x3] =	wrdreg s5  }
0xb0: {  	[dreg:$0x4] =	wrdreg $0xC0  }
0xb1: {  	_ =	task [dreg:s7], $0x5FFFF  }
0xb2: {  	[dreg:$0x1] =	wrdreg $0xFFFFFFFF  }
0xb3: {  	[dreg:$0x0] =	wrdreg $0x60  }
0xb4: {  	[dreg:$0x2] =	wrdreg s24  }
0xb5: {  	[dreg:$0x3] =	wrdreg s16  }
0xb6: {  	[dreg:$0x4] =	wrdreg $0x81000  }
0xb7: {  	[dreg:$0x5] =	wrdreg $0x9  }
0xb8: {  	_ =	task.clear_ibuf [dreg:s7], $0x6FFFF;
	_ =	strace $0x90000049  }
0xb9: {  	s29 =	simm.s32 $0x9;
	_ =	strace $0x8000004B  }
0xba: {  	_ =	swait.ge [sflag:s29], $0x1  }
0xbb: {  	[sflag:s29] =	ssyncadd.s32 $0xFFFFFFFF  }
0xbc: {  	_ =	strace $0x9000004B  }
0xbd: {  	_ =	sfence  }
0xbe: {  	s30 =	sld [smem:$0x0];
	_ =	sdelay $0x2  }
0xbf: {  	s31 =	sshll.u32 s1, $0xD;
	s1 =	sshrl.u32 s1, $0x2  }
0xc0: {  	s3 =	sand.u32 $0x4000, s31;
	s1 =	sadd.s32 s1, s30  }
0xc1: {  	s0 =	sor.u32 s3, s0;
	s1 =	sshll.u32 s1, $0x11  }
0xc2: {  	s0 =	sor.u32 s1, s0  }
0xc3: {  	s0 =	sadd.s32 $0x8F2B, s0  }
0xc4: {  	[sflag:s0] =	ssyncadd.remote.s32 $0x1  }
0xc5: {  	_ =	sfence.sel $0xFFFF  }
0xc6: {  	[dreg:$0x0] =	wrdreg $0xFFFFFFFF;
	(pc) =	sbr.abs _section_cstart, $3  }
0xc7: {  	[dreg:$0x1] =	wrdreg $0xFFFFFFFF  }
0xc8: {  	_ =	task.clear_ibuf [dreg:s7], $0x2FFFF;
	_ =	strace $0x9FFFFFFF  }
0xc9: {  	(tm) =	ssettm $0x7FFFFFFF  }
tec
execute0_lowered:
.L_overlay_start_1:
0x0: {  	(tag) =	ssettag $0x1  }
0x1: {  	s5 =	rddreg [dreg:$0x0]  }
0x2: {  	s2 =	rddreg [dreg:$0x1]  }
0x3: {  	s3 =	rddreg [dreg:$0x2];
	s1 =	stileid.u32  }
0x4: {  	s6 =	srdreg.scid;
	s4 =	simm.s32 $0x0;
	s12 =	smul.u32 $0x2800, s1  }
0x5: {  	s20 =	simm.s32 $0x1;
	s21 =	simm.s32 $0x3;
	s10 =	smul.u32 $0x50000, s1  }
0x6: {  	s22 =	simm.s32 $0x6;
	s11 =	sand.u32 $0x1, s6;
	s18 =	smul.u32 $0x28000, s1  }
0x7: {  	[smem:$0x7FF] =	sst s4;
	s13 =	sadd.s32 $0x3A600, s5;
	s6 =	smul.u32 $0x28000, s11  }
0x8: {  	s14 =	sadd.s32 $0x2FE00, s5;
	s8 =	sshll.u32 s1, $0x1;
	s29 =	smul.u32 $0x1400, s11  }
0x9: {  	s24 =	sshll.u32 s1, $0x6;
	s8 =	sor.u32 s11, s8;
	s19 =	smul.u32 $0x14000, s11  }
0xa: {  	_ =	strace $0x8000004A;
	s7 =	ssub.s32 $0x2, s11;
	s16 =	smul.u32 $0x1400, s8  }
0xb: {  	s9 =	sshrl.u32 s7, $0x1;
	s23 =	sshrl.u32 s10, $0x2;
	s25 =	smul.u32 $0x14000, s8  }
0xc: {  	s6 =	sadd.s32 s12, s6;
	s9 =	ssub.s32 s7, s9;
	s17 =	sadd.s32 s23, s3  }
0xd: {  	s12 =	sadd.s32 s29, s12;
	s23 =	simm.s32 $0x2;
	s15 =	sadd.s32 s6, s5  }
0xe: {  	s5 =	sor.u32 $0x1C05, s24;
	s26 =	sshrl.u32 s16, $0x3;
	s7 =	sadd.s32 s13, s25  }
0xf: {  	s16 =	sadd.s32 $0x1380, s16;
	s9 =	smax.u32 s9, $0x1;
	s30 =	sor.u32 $0x80, s12  }
0x10: {  	s24 =	simm.s32 $0x4;
	s25 =	simm.s32 $0x0;
	s6 =	sadd.s32 s14, s26  }
0x11: {  	s8 =	sadd.s32 $0x53A600, s15;
	s28 =	sshrl.u32 s16, $0x3;
	s16 =	sshll.u32 s16, $0x4  }
0x12: {  	s15 =	sor.u32 $0x100, s12;
	s31 =	sshrl.u32 s30, $0x3;
	s10 =	sadd.s32 s14, s28  }
0x13: {  	s11 =	sadd.s32 s13, s16;
	s13 =	sadd.s32 s18, s13;
	s15 =	sshrl.u32 s15, $0x3  }
0x14: {  	s16 =	simm.s32 $0x5;
	s18 =	simm.s32 $0x80;
	s13 =	sadd.s32 s19, s13  }
0x15: {  	s19 =	simm.s32 $0x4100;
	s12 =	sadd.s32 $0x1000, s13;
	s13 =	sadd.s32 s15, s14  }
0x16: {  	s14 =	sadd.s32 s31, s14;
	s15 =	sshrl.u32 s17, $0x3;
	s17 =	simm.s32 $0x100  }
.LBB2_1:
0x17: {  	[spmem:s15], [sflag:s5] =	dma.local [hbm:s2], $0x2800  }
0x18: {  	_ =	swait.ge [sflag:s16], $0x2800  }
0x19: {  	[sflag:s16] =	ssyncset.done $0x0  }
0x1a: {  	[sflag:s16] =	ssyncadd.s32 $0xFFFFD800  }
0x1b: {  	[bflag:$0x0] =	sbarrier.arrive $0xFFFF  }
0x1c: {  	[tilespmem:s4], [sflag:$0x1] =	stream.linear.gather [hbm4b:s6+s4], $0x80, $0x38;
	[tilespmem:$0x1C100] =	vst v63  }
0x1d: {  	_ = 	snop  }
0x1e: {  	[tilespmem:s17], [sflag:$0x3] =	stream.linear.gather [hbm4b:s7+s4], $0x4000, $0x38;
	[tilespmem:$0x1C100] =	vst v63  }
0x1f: {  	s26 =	sadd.s32 $0x0, s14  }
0x20: {  	[tilespmem:s18], [sflag:$0x2] =	stream.linear.gather [hbm4b:s26+s4], $0x80, $0x38;
	[tilespmem:$0x1C100] =	vst v63  }
0x21: {  	s30 =	sadd.s32 $0xFFFFF800, s12  }
0x22: {  	[tilespmem:s19], [sflag:$0x4] =	stream.linear.gather [hbm4b:s30+s4], $0x4000, $0x38;
	[tilespmem:$0x1C100] =	vst v63  }
0x23: {  	_ =	swait.ge [sflag:s20], $0x80  }
0x24: {  	[sflag:s20] =	ssyncset.done $0x0  }
0x25: {  	[sflag:s20] =	ssyncadd.s32 $0xFFFFFF80  }
0x26: {  	_ =	swait.ge [sflag:s21], $0x4000  }
0x27: {  	[sflag:s21] =	ssyncset.done $0x0  }
0x28: {  	[sflag:s21] =	ssyncadd.s32 $0xFFFFC000  }
0x29: {  	[spmem:s3] =	stream.indirect.scatter.add.f32 [tilespmem:s17], [sflag:$0x6], $0x80, s4, s18, $0xb8;
	[tilespmem:$0x1C100] =	vst v63  }
0x2a: {  	_ =	swait.ge [sflag:s22], $0x4000  }
0x2b: {  	[sflag:s22] =	ssyncset.done $0x0  }
0x2c: {  	s31 =	sadd.s32 $0x0, s13;
	[sflag:s22] =	ssyncadd.s32 $0xFFFFC000  }
0x2d: {  	[tilespmem:s4], [sflag:$0x1] =	stream.linear.gather [hbm4b:s31+s4], $0x80, $0x38;
	[tilespmem:$0x1C100] =	vst v63  }
0x2e: {  	_ = 	snop  }
0x2f: {  	[tilespmem:s17], [sflag:$0x3] =	stream.linear.gather [hbm4b:s12+s4], $0x4000, $0x38;
	[tilespmem:$0x1C100] =	vst v63  }
0x30: {  	_ =	swait.ge [sflag:s23], $0x80  }
0x31: {  	[sflag:s23] =	ssyncset.done $0x0  }
0x32: {  	[sflag:s23] =	ssyncadd.s32 $0xFFFFFF80  }
0x33: {  	_ =	swait.ge [sflag:s24], $0x4000  }
0x34: {  	[sflag:s24] =	ssyncset.done $0x0  }
0x35: {  	[sflag:s24] =	ssyncadd.s32 $0xFFFFC000  }
0x36: {  	[spmem:s3] =	stream.indirect.scatter.add.f32 [tilespmem:s19], [sflag:$0x5], $0x80, s18, s18, $0xb8;
	[tilespmem:$0x1C100] =	vst v63  }
0x37: {  	s29 =	simm.s32 $0x40;
	_ =	swait.ge [sflag:s16], $0x4000  }
0x38: {  	s28 =	sadd.s32 $0x1000, s12;
	s26 =	simm.s32 $0x20;
	[sflag:s16] =	ssyncset.done $0x0  }
.LBB2_2:
0x39: {  	s30 =	sadd.s32 s26, s14  }
0x3a: {  	[sflag:s16] =	ssyncadd.s32 $0xFFFFC000;
	s31 =	smov.u32 s29;
	s0 =	sadd.s32 $0x20, s29  }
0x3b: {  	[tilespmem:s18], [sflag:$0x2] =	stream.linear.gather [hbm4b:s30+s4], $0x80, $0x38;
	[tilespmem:$0x1C100] =	vst v63  }
0x3c: {  	p0 =	sne.s32 s29, $0x240;
	s29 =	sadd.s32 $0xFFFFF800, s28  }
0x3d: {  	[tilespmem:s19], [sflag:$0x4] =	stream.linear.gather [hbm4b:s29+s4], $0x4000, $0x38;
	[tilespmem:$0x1C100] =	vst v63  }
0x3e: {  	_ =	swait.ge [sflag:s20], $0x80  }
0x3f: {  	[sflag:s20] =	ssyncset.done $0x0  }
0x40: {  	[sflag:s20] =	ssyncadd.s32 $0xFFFFFF80  }
0x41: {  	_ =	swait.ge [sflag:s21], $0x4000  }
0x42: {  	[sflag:s21] =	ssyncset.done $0x0  }
0x43: {  	[sflag:s21] =	ssyncadd.s32 $0xFFFFC000  }
0x44: {  	[spmem:s3] =	stream.indirect.scatter.add.f32 [tilespmem:s17], [sflag:$0x6], $0x80, s4, s18, $0xb8;
	[tilespmem:$0x1C100] =	vst v63  }
0x45: {  	_ =	swait.ge [sflag:s22], $0x4000  }
0x46: {  	[sflag:s22] =	ssyncset.done $0x0  }
0x47: {  	s29 =	sadd.s32 s26, s13;
	s26 =	smov.u32 s31;
	[sflag:s22] =	ssyncadd.s32 $0xFFFFC000  }
0x48: {  	[tilespmem:s4], [sflag:$0x1] =	stream.linear.gather [hbm4b:s29+s4], $0x80, $0x38;
	[tilespmem:$0x1C100] =	vst v63  }
0x49: {  	_ = 	snop  }
0x4a: {  	[tilespmem:s17], [sflag:$0x3] =	stream.linear.gather [hbm4b:s28+s4], $0x4000, $0x38;
	[tilespmem:$0x1C100] =	vst v63  }
0x4b: {  	_ =	swait.ge [sflag:s23], $0x80  }
0x4c: {  	[sflag:s23] =	ssyncset.done $0x0  }
0x4d: {  	[sflag:s23] =	ssyncadd.s32 $0xFFFFFF80  }
0x4e: {  	_ =	swait.ge [sflag:s24], $0x4000  }
.Ltmp0:
0x4f: {  	[sflag:s24] =	ssyncset.done $0x0;
	(pc) =	sbr.rel @p0 .LBB2_2-.Ltmp0, $4  }
0x50: {  	[sflag:s24] =	ssyncadd.s32 $0xFFFFC000  }
0x51: {  	[spmem:s3] =	stream.indirect.scatter.add.f32 [tilespmem:s19], [sflag:$0x5], $0x80, s18, s18, $0xb8;
	[tilespmem:$0x1C100] =	vst v63  }
0x52: {  	_ =	swait.ge [sflag:s16], $0x4000  }
0x53: {  	s29 =	smov.u32 s0;
	s28 =	sadd.s32 $0x1000, s28;
	[sflag:s16] =	ssyncset.done $0x0  }
0x54: {  	s0 =	sadd.s32 s26, s14;
	[sflag:s16] =	ssyncadd.s32 $0xFFFFC000  }
0x55: {  	[tilespmem:s18], [sflag:$0x2] =	stream.linear.gather [hbm4b:s0+s4], $0x80, $0x38;
	[tilespmem:$0x1C100] =	vst v63  }
0x56: {  	s30 =	sadd.s32 $0xFFFFF800, s28  }
0x57: {  	[tilespmem:s19], [sflag:$0x4] =	stream.linear.gather [hbm4b:s30+s4], $0x4000, $0x38;
	[tilespmem:$0x1C100] =	vst v63  }
0x58: {  	_ =	swait.ge [sflag:s20], $0x80  }
0x59: {  	[sflag:s20] =	ssyncset.done $0x0  }
0x5a: {  	[sflag:s20] =	ssyncadd.s32 $0xFFFFFF80  }
0x5b: {  	_ =	swait.ge [sflag:s21], $0x4000  }
0x5c: {  	[sflag:s21] =	ssyncset.done $0x0  }
0x5d: {  	[sflag:s21] =	ssyncadd.s32 $0xFFFFC000  }
0x5e: {  	[spmem:s3] =	stream.indirect.scatter.add.f32 [tilespmem:s17], [sflag:$0x6], $0x80, s4, s18, $0xb8;
	[tilespmem:$0x1C100] =	vst v63  }
0x5f: {  	_ =	swait.ge [sflag:s22], $0x4000  }
0x60: {  	[sflag:s22] =	ssyncset.done $0x0  }
0x61: {  	s31 =	sadd.s32 s26, s13;
	[sflag:s22] =	ssyncadd.s32 $0xFFFFC000  }
0x62: {  	[tilespmem:s4], [sflag:$0x1] =	stream.linear.gather [hbm4b:s31+s4], $0x80, $0x38;
	[tilespmem:$0x1C100] =	vst v63  }
0x63: {  	_ = 	snop  }
0x64: {  	[tilespmem:s17], [sflag:$0x3] =	stream.linear.gather [hbm4b:s28+s4], $0x4000, $0x38;
	[tilespmem:$0x1C100] =	vst v63  }
0x65: {  	_ =	swait.ge [sflag:s23], $0x80  }
0x66: {  	[sflag:s23] =	ssyncset.done $0x0  }
0x67: {  	[sflag:s23] =	ssyncadd.s32 $0xFFFFFF80  }
0x68: {  	_ =	swait.ge [sflag:s24], $0x4000  }
0x69: {  	[sflag:s24] =	ssyncset.done $0x0  }
0x6a: {  	[sflag:s24] =	ssyncadd.s32 $0xFFFFC000  }
0x6b: {  	[spmem:s3] =	stream.indirect.scatter.add.f32 [tilespmem:s19], [sflag:$0x5], $0x80, s18, s18, $0xb8;
	[tilespmem:$0x1C100] =	vst v63  }
0x6c: {  	_ =	swait.ge [sflag:s16], $0x4000  }
0x6d: {  	[sflag:s16] =	ssyncset.done $0x0  }
0x6e: {  	[sflag:s16] =	ssyncadd.s32 $0xFFFFC000  }
0x6f: {  	[tilespmem:s18], [sflag:$0x2] =	stream.linear.gather [hbm4b:s10+s4], $0x80, $0x38;
	[tilespmem:$0x1C100] =	vst v63  }
0x70: {  	_ = 	snop  }
0x71: {  	[tilespmem:s19], [sflag:$0x4] =	stream.linear.gather [hbm4b:s11+s4], $0x4000, $0x38;
	[tilespmem:$0x1C100] =	vst v63  }
0x72: {  	_ =	swait.ge [sflag:s20], $0x80  }
0x73: {  	[sflag:s20] =	ssyncset.done $0x0  }
0x74: {  	[sflag:s20] =	ssyncadd.s32 $0xFFFFFF80  }
0x75: {  	_ =	swait.ge [sflag:s21], $0x4000  }
0x76: {  	[sflag:s21] =	ssyncset.done $0x0  }
0x77: {  	[sflag:s21] =	ssyncadd.s32 $0xFFFFC000  }
0x78: {  	[spmem:s3] =	stream.indirect.scatter.add.f32 [tilespmem:s17], [sflag:$0x6], $0x80, s4, s18, $0xb8;
	[tilespmem:$0x1C100] =	vst v63  }
0x79: {  	_ =	swait.ge [sflag:s22], $0x4000  }
0x7a: {  	[sflag:s22] =	ssyncset.done $0x0  }
0x7b: {  	[sflag:s22] =	ssyncadd.s32 $0xFFFFC000  }
0x7c: {  	_ =	swait.ge [sflag:s23], $0x80  }
0x7d: {  	[sflag:s23] =	ssyncset.done $0x0  }
0x7e: {  	[sflag:s23] =	ssyncadd.s32 $0xFFFFFF80  }
0x7f: {  	_ =	swait.ge [sflag:s24], $0x4000  }
0x80: {  	[sflag:s24] =	ssyncset.done $0x0  }
0x81: {  	[sflag:s24] =	ssyncadd.s32 $0xFFFFC000  }
0x82: {  	[spmem:s3] =	stream.indirect.scatter.add.f32 [tilespmem:s19], [sflag:$0x5], $0x80, s18, s18, $0xb8;
	[tilespmem:$0x1C100] =	vst v63  }
0x83: {  	_ =	swait.ge [sflag:s16], $0x4000  }
0x84: {  	s25 =	sadd.s32 $0x1, s25;
	[sflag:s16] =	ssyncset.done $0x0  }
0x85: {  	p0 =	sne.s32 s25, s9;
	[sflag:s16] =	ssyncadd.s32 $0xFFFFC000  }
.Ltmp1:
0x86: {  	[bflag:$0x0] =	sbarrier.arrive $0xFFFF;
	(pc) =	sbr.rel @p0 .LBB2_1-.Ltmp1, $4  }
0x87: {  	[hbm:s8], [sflag:s5] =	dma.local [spmem:s15], $0x2800  }
0x88: {  	_ =	swait.ge [sflag:s16], $0x2800  }
0x89: {  	[sflag:s16] =	ssyncset.done $0x0  }
0x8a: {  	[sflag:s16] =	ssyncadd.s32 $0xFFFFD800  }
0x8b: {  	_ =	sfence.sel $0x180000  }
0x8c: {  	[bflag:$0x0] =	sbarrier.arrive $0xFFFF  }
0x8d: {  	_ =	strace $0x9000004A  }
0x8e: {  	[bflag:$0x2] =	sbarrier.arrive $0xFFFF  }
0x8f: {  	p0 =	sne.s32 s1, $0x0;
	s0 =	rddreg [dreg:$0x3]  }
0x90: {  	s0 =	sadd.s32 @!p0 $0x100000, s0  }
0x91: {  	[sflag:s0] =	ssyncadd.tile.s32 @!p0 $0x1;
	_ =	shalt  }
.Lfunc_end2:
_tile_overlayer_lowered:
.L_overlay_start_2:
0x92: {  	(tag) =	ssettag $0x2  }
0x93: {  	s0 =	rddreg [dreg:$0x0];
	s2 =	stileid.u32  }
0x94: {  	s1 =	rddreg [dreg:$0x1];
	p0 =	sne.s32 s2, $0x0  }
0x95: {  	s3 =	rddreg [dreg:$0x2];
	[bflag:$0x3] =	sbarrier.arrive $0xFFFF;
	s2 =	simm.s32 @!p0 $0x1C05  }
0x96: {  	[timem:s3], [sflag:s2] =	dma.local @!p0 [hbm:s0], s1  }
0x97: {  	s0 =	simm.s32 @!p0 $0x5  }
0x98: {  	_ =	swait.ge @!p0 [sflag:s0], s1  }
0x99: {  	s1 =	ssub.s32 @!p0 $0x0, s1;
	[sflag:s0] =	ssyncset.done @!p0 $0x0  }
0x9a: {  	[sflag:s0] =	ssyncadd.s32 @!p0 s1  }
0x9b: {  	[bflag:$0x3] =	sbarrier.arrive $0xFFFF  }
0x9c: {  	_ =	shalt  }

// kernel: kernel.17.cloned.1.call-start
scs
__scs_entry_jumppad:
0x0: {  	(pc) =	sbr.rel $0x88, $3  }
0x1: {  	(tag) =	ssettag $0x0;
	lr =	simm.s32 $0x1  }
0x2: {  	[smem:$0x3F70] =	sst lr;
	_ =	strace $0xD0000000  }
0x3: {  	_ = 	snop  }
0x4: {  	_ = 	snop  }
0x5: {  	_ = 	snop  }
0x6: {  	_ = 	snop  }
0x7: {  	_ = 	snop  }
__scs_overlays_trampoline_lowered:
0x8: {  	[smem:$0x3F7F] =	sst s0  }
0x9: {  	[smem:$0x3F80] =	sst s1  }
0xa: {  	[smem:$0x3F81] =	sst s2  }
0xb: {  	[smem:$0x3F82] =	sst s3  }
0xc: {  	[smem:$0x3F83] =	sst s4  }
0xd: {  	[smem:$0x3F84] =	sst s5  }
0xe: {  	[smem:$0x3F85] =	sst s6  }
0xf: {  	[smem:$0x3F86] =	sst s7  }
0x10: {  	[smem:$0x3F87] =	sst s8  }
0x11: {  	[smem:$0x3F88] =	sst s9;
	s0 =	simm.s32 @!p0 $0x0  }
0x12: {  	s1 =	sld [smem:$0x3F6E];
	s0 =	simm.s32 @p0 $0x1  }
0x13: {  	[smem:$0x3F89] =	sst s0;
	s0 =	simm.s32 @!p1 $0x0  }
0x14: {  	s2 =	sld [smem:$0x3F6D];
	s0 =	simm.s32 @p1 $0x1  }
0x15: {  	[smem:$0x3F8A] =	sst s0;
	s0 =	simm.s32 @!p2 $0x0  }
0x16: {  	s3 =	sld [smem:$0x3FDB];
	s0 =	simm.s32 @p2 $0x1  }
0x17: {  	s4 =	simm.s32 $0x1BF5;
	[smem:$0x3F8C] =	sst s0  }
0x18: {  	s0 =	sld [smem:$0x3F6F];
	_ =	swait.ge [sflag:s4], $0x0  }
0x19: {  	s7 =	sld [smem:$0x3F70]  }
0x1a: {  	s8 =	sadd.s32 $0xFFFFE003, lr  }
0x1b: {  	s9 =	sadd.s32 $0xFFFFFEF7, lr;
	s5 =	simm.s32 $0xFFFFFFFF;
	p2 =	slt.u32 s8, $0xFFFFF086  }
0x1c: {  	p1 =	slt.u32 s9, $0xF7A;
	s5 =	simm.s32 @!p2 $0x0  }
0x1d: {  	s5 =	simm.s32 @p1 $0x1;
	p0 =	seq.s32 s7, s2  }
0x1e: {  	s7 =	smul.u32 @!p0 $0xF7A, s2;
	p2 =	seq.s32 @!p0 s5, $0x0  }
0x1f: {  	s9 =	smul.u32 $0xF7A, s1;
	s8 =	simm.s32 @!p0 $0x1BF5;
	p2 =	por !p2, p0  }
0x20: {  	[sflag:s8] =	ssyncset.s32 @!p0 $0xFFFFF086;
	s6 =	sadd.s32 @!p0 s3, s7;
	s7 =	simm.s32 @!p0 $0x108  }
0x21: {  	s3 =	sadd.s32 s3, s9;
	s6 =	sadd.s32 @!p0 $0x88, s6;
	s7 =	simm.s32 @p2 $0x1082  }
0x22: {  	[simem:s7], [sflag:s8] =	dma.local @!p0 [hbm:s6], $0xF7A  }
0x23: {  	s9 =	sor.u32 $0xD0000000, s2;
	s6 =	simm.s32 $0x108;
	_ =	swait.ge @!p0 [sflag:s8], $0x0  }
0x24: {  	s3 =	sadd.s32 $0x88, s3;
	s6 =	simm.s32 @!p1 $0x1082;
	[sflag:s4] =	ssyncset.s32 $0xFFFFF086  }
0x25: {  	[simem:s6], [sflag:s4] =	dma.local [hbm:s3], $0xF7A  }
0x26: {  	[smem:$0x3F70] =	sst s1;
	(tag) =	ssettag s2;
	_ =	strace s9  }
0x27: {  	s1 =	sld [smem:$0x3F80]  }
0x28: {  	s2 =	sld [smem:$0x3F81]  }
0x29: {  	s4 =	sld [smem:$0x3F83]  }
0x2a: {  	p0 =	seq.s32 s5, $0x0;
	s5 =	sld [smem:$0x3F84]  }
0x2b: {  	s6 =	sld [smem:$0x3F85]  }
0x2c: {  	s7 =	sld [smem:$0x3F86]  }
0x2d: {  	s3 =	simm.s32 $0x108;
	s8 =	sld [smem:$0x3F87]  }
0x2e: {  	s3 =	simm.s32 @!p0 $0x1082;
	s9 =	sld [smem:$0x3F88]  }
0x2f: {  	lr =	sadd.s32 s0, s3;
	s0 =	sld [smem:$0x3F7F]  }
0x30: {  	s3 =	sld [smem:$0x3F82]  }
0x31: {  	[smem:$0x3F8B] =	sst s10  }
0x32: {  	s10 =	sld [smem:$0x3F89];
	_ =	sdelay $0x3  }
0x33: {  	p0 =	seq.s32 s10, $0x1;
	s10 =	sld [smem:$0x3F8B];
	_ =	sdelay $0x3  }
0x34: {  	[smem:$0x3F8B] =	sst s10  }
0x35: {  	s10 =	sld [smem:$0x3F8A];
	_ =	sdelay $0x3  }
0x36: {  	p1 =	seq.s32 s10, $0x1;
	s10 =	sld [smem:$0x3F8B];
	_ =	sdelay $0x3  }
0x37: {  	[smem:$0x3F8B] =	sst s10  }
0x38: {  	s10 =	sld [smem:$0x3F8C]  }
0x39: {  	_ = 	snop;
	(pc) =	sbr.ind lr, $3  }
0x3a: {  	_ = 	snop  }
0x3b: {  	_ = 	snop  }
0x3c: {  	p2 =	seq.s32 s10, $0x1;
	s10 =	sld [smem:$0x3F8B]  }
0x3d: {  	_ =	shalt  }
0x3e: {  	_ =	shalt  }
0x3f: {  	_ =	shalt  }
0x40: {  	_ =	shalt  }
0x41: {  	_ =	shalt  }
0x42: {  	_ =	shalt  }
0x43: {  	_ =	shalt  }
0x44: {  	_ =	shalt  }
0x45: {  	_ =	shalt  }
0x46: {  	_ =	shalt  }
0x47: {  	_ =	shalt  }
0x48: {  	_ =	shalt  }
0x49: {  	_ =	shalt  }
0x4a: {  	_ =	shalt  }
0x4b: {  	_ =	shalt  }
0x4c: {  	_ =	shalt  }
0x4d: {  	_ =	shalt  }
0x4e: {  	_ =	shalt  }
0x4f: {  	_ =	shalt  }
0x50: {  	_ =	shalt  }
0x51: {  	_ =	shalt  }
0x52: {  	_ =	shalt  }
0x53: {  	_ =	shalt  }
0x54: {  	_ =	shalt  }
0x55: {  	_ =	shalt  }
0x56: {  	_ =	shalt  }
0x57: {  	_ =	shalt  }
0x58: {  	_ =	shalt  }
0x59: {  	_ =	shalt  }
0x5a: {  	_ =	shalt  }
0x5b: {  	_ =	shalt  }
0x5c: {  	_ =	shalt  }
0x5d: {  	_ =	shalt  }
0x5e: {  	_ =	shalt  }
0x5f: {  	_ =	shalt  }
0x60: {  	_ =	shalt  }
0x61: {  	_ =	shalt  }
0x62: {  	_ =	shalt  }
0x63: {  	_ =	shalt  }
0x64: {  	_ =	shalt  }
0x65: {  	_ =	shalt  }
0x66: {  	_ =	shalt  }
0x67: {  	_ =	shalt  }
0x68: {  	_ =	shalt  }
0x69: {  	_ =	shalt  }
0x6a: {  	_ =	shalt  }
0x6b: {  	_ =	shalt  }
0x6c: {  	_ =	shalt  }
0x6d: {  	_ =	shalt  }
0x6e: {  	_ =	shalt  }
0x6f: {  	_ =	shalt  }
0x70: {  	_ =	shalt  }
0x71: {  	_ =	shalt  }
0x72: {  	_ =	shalt  }
0x73: {  	_ =	shalt  }
0x74: {  	_ =	shalt  }
0x75: {  	_ =	shalt  }
0x76: {  	_ =	shalt  }
0x77: {  	_ =	shalt  }
0x78: {  	_ =	shalt  }
0x79: {  	_ =	shalt  }
0x7a: {  	_ =	shalt  }
0x7b: {  	_ =	shalt  }
0x7c: {  	_ =	shalt  }
0x7d: {  	_ =	shalt  }
0x7e: {  	_ =	shalt  }
0x7f: {  	_ =	shalt  }
0x80: {  	_ =	shalt  }
0x81: {  	_ =	shalt  }
0x82: {  	_ =	shalt  }
0x83: {  	_ =	shalt  }
0x84: {  	_ =	shalt  }
0x85: {  	_ =	shalt  }
0x86: {  	_ =	shalt  }
0x87: {  	_ =	shalt  }
.Lfunc_end0:
.L_simem_size_0:
called_computation.2_lowered:
.L_overlay_start_0:
0x88: {  	s2 =	sld [smem:$0x3FD9]  }
0x89: {  	s3 =	sld [smem:$0x3FFE];
	_ =	sdelay $0x1  }
0x8a: {  	s1 =	srdreg.scid  }
0x8b: {  	s0 =	sand.u32 $0x1, s1  }
0x8c: {  	s15 =	sshll.u32 s0, $0xA;
	s2 =	sadd.s32 s3, s2  }
0x8d: {  	s2 =	sadd.s32 s2, s15  }
0x8e: {  	[smem:$0x3F97] =	sst s2  }
0x8f: {  	_ = 	snop  }
0x90: {  	s2 =	sld [smem:$0x3FD0];
	_ =	sdelay $0x2  }
0x91: {  	s4 =	simm.s32 $0xB;
	s16 =	simm.s32 $0x10  }
0x92: {  	[smem:s16], [sflag:s4] =	dma.local [hbm:s2], $0x1  }
0x93: {  	_ =	swait.eq [sflag:s4], $0x1  }
0x94: {  	[sflag:s4] =	ssyncset.done $0x0  }
0x95: {  	s17 =	sld [smem:$0x10];
	[sflag:s4] =	ssyncadd.s32 $0xFFFFFFFF  }
0x96: {  	s18 =	sld [smem:$0x11];
	(tm) =	ssettm $0x1  }
0x97: {  	s19 =	sld [smem:$0x3FFB];
	_ =	sdelay $0x3  }
0x98: {  	_ =	strace s19  }
0x99: {  	s2 =	sld [smem:$0x3FFC];
	_ =	sdelay $0x3  }
0x9a: {  	_ =	strace s2  }
0x9b: {  	s2 =	sld [smem:$0x3FFD];
	_ =	sdelay $0x3  }
0x9c: {  	_ =	strace s2  }
0x9d: {  	_ =	strace $0x8FFFFFFF  }
0x9e: {  	s20 =	sld [smem:$0x3FDB];
	_ =	sdelay $0x1  }
0x9f: {  	s5 =	simm.s32 $_scs_section_size  }
0xa0: {  	s6 =	simm.s32 $_size__tile_overlayer_lowered;
	s7 =	simm.s32 $_tile_overlayer_lowered  }
0xa1: {  	s8 =	simm.s32 $0x1BFF;
	s21 =	sshll.u32 s7, $0x1;
	s5 =	sadd.s32 s5, s20  }
0xa2: {  	s22 =	simm.s32 $0x0;
	s6 =	sshll.u32 s6, $0x1;
	s7 =	sadd.s32 s21, s5  }
0xa3: {  	[timem:s22], [sflag:s8] =	dma.local [hbm:s7], s6  }
0xa4: {  	_ =	swait.ge [sflag:s8], s6  }
0xa5: {  	s6 =	ssub.s32 $0x0, s6;
	[sflag:s8] =	ssyncset.done $0x0  }
0xa6: {  	[sflag:s8] =	ssyncadd.s32 s6;
	_ =	sdelay $0x1  }
0xa7: {  	s23 =	simm.s32 $0x1B8B  }
0xa8: {  	_ =	swait.ge [sflag:s23], $0x1  }
0xa9: {  	[sflag:s23] =	ssyncset.done $0x0  }
0xaa: {  	[sflag:s23] =	ssyncadd.s32 $0xFFFFFFFF  }
0xab: {  	s6 =	sld [smem:$0x0]  }
0xac: {  	s7 =	sand.u32 $0xFFFFFFFE, s1  }
0xad: {  	p0 =	sne.s32 s1, s7  }
0xae: {  	s7 =	sshll.u32 @p0 s7, $0xE  }
0xaf: {  	s7 =	sadd.s32 @p0 $0x11B8D, s7;
	s8 =	sshll.u32 @p0 s6, $0x11  }
0xb0: {  	s7 =	sor.u32 @p0 s8, s7  }
0xb1: {  	[sflag:s7] =	ssyncadd.remote.s32 @p0 $0x1;
	_ =	sdelay $0x1  }
0xb2: {  	s7 =	simm.s32 @p0 $0x1B8D  }
0xb3: {  	_ =	swait.eq @p0 [sflag:s7], $0x1  }
0xb4: {  	[sflag:s7] =	ssyncadd.s32 @p0 $0xFFFFFFFF  }
0xb5: {  	s8 =	sshll.u32 @!p0 s1, $0xE  }
0xb6: {  	s8 =	sor.u32 @!p0 $0x4000, s8;
	s7 =	simm.s32 @!p0 $0x1B8D  }
0xb7: {  	s6 =	sshll.u32 @!p0 s6, $0x11;
	s8 =	sadd.s32 @!p0 $0x11B8D, s8;
	_ =	swait.eq @!p0 [sflag:s7], $0x1  }
0xb8: {  	s6 =	sor.u32 @!p0 s6, s8;
	[sflag:s7] =	ssyncadd.s32 @!p0 $0xFFFFFFFF  }
0xb9: {  	s25 =	simm.s32 $0x1B8E;
	s24 =	sld [smem:$0x3FFE];
	[sflag:s6] =	ssyncadd.remote.s32 @!p0 $0x1  }
0xba: {  	s26 =	simm.s32 $execute0_lowered;
	[smem:$0x3FD2] =	sst s25  }
0xbb: {  	s7 =	sshll.u32 s26, $0x1;
	_ =	strace $0x8000004C;
	[dreg:$0x1] =	wrdreg $0xFFFFFFFF  }
0xbc: {  	s28 =	simm.s32 $_size_execute0_lowered;
	s5 =	sadd.s32 s5, s7;
	[dreg:$0x0] =	wrdreg $0x0  }
0xbd: {  	s7 =	sshll.u32 s28, $0x1;
	[dreg:$0x2] =	wrdreg s5  }
0xbe: {  	[dreg:$0x3] =	wrdreg s7  }
0xbf: {  	[dreg:$0x4] =	wrdreg $0xC0  }
0xc0: {  	_ =	task [dreg:s22], $0x5FFFF  }
0xc1: {  	[dreg:$0x1] =	wrdreg $0xFFFFFFFF  }
0xc2: {  	[dreg:$0x0] =	wrdreg $0x60  }
0xc3: {  	[dreg:$0x2] =	wrdreg s24  }
0xc4: {  	[dreg:$0x3] =	wrdreg s17  }
0xc5: {  	[dreg:$0x4] =	wrdreg s18  }
0xc6: {  	[dreg:$0x5] =	wrdreg $0x81000  }
0xc7: {  	[dreg:$0x6] =	wrdreg $0xA  }
0xc8: {  	_ =	task.clear_ibuf [dreg:s22], $0x7FFFF;
	_ =	strace $0x9000004C  }
0xc9: {  	s29 =	simm.s32 $0xA;
	_ =	strace $0x8000004E  }
0xca: {  	_ =	swait.ge [sflag:s29], $0x1  }
0xcb: {  	[sflag:s29] =	ssyncadd.s32 $0xFFFFFFFF  }
0xcc: {  	_ =	strace $0x9000004E  }
0xcd: {  	_ =	sfence  }
0xce: {  	s30 =	sld [smem:$0x0];
	_ =	sdelay $0x2  }
0xcf: {  	s31 =	sshll.u32 s1, $0xD;
	s1 =	sshrl.u32 s1, $0x2  }
0xd0: {  	s4 =	sand.u32 $0x4000, s31;
	s1 =	sadd.s32 s1, s30  }
0xd1: {  	s0 =	sor.u32 s4, s0;
	s1 =	sshll.u32 s1, $0x11  }
0xd2: {  	s0 =	sor.u32 s1, s0  }
0xd3: {  	s0 =	sadd.s32 $0x8F2B, s0  }
0xd4: {  	[sflag:s0] =	ssyncadd.remote.s32 $0x1  }
0xd5: {  	_ =	sfence.sel $0xFFFF  }
0xd6: {  	[dreg:$0x0] =	wrdreg $0xFFFFFFFF;
	(pc) =	sbr.abs _section_cstart, $3  }
0xd7: {  	[dreg:$0x1] =	wrdreg $0xFFFFFFFF  }
0xd8: {  	_ =	task.clear_ibuf [dreg:s22], $0x2FFFF;
	_ =	strace $0x9FFFFFFF  }
0xd9: {  	(tm) =	ssettm $0x7FFFFFFF  }
tec
execute0_lowered:
.L_overlay_start_1:
0x0: {  	(tag) =	ssettag $0x1  }
0x1: {  	s5 =	rddreg [dreg:$0x0]  }
0x2: {  	s1 =	rddreg [dreg:$0x1]  }
0x3: {  	s8 =	rddreg [dreg:$0x2]  }
0x4: {  	s3 =	rddreg [dreg:$0x3]  }
0x5: {  	s6 =	srdreg.scid;
	s2 =	stileid.u32;
	s4 =	simm.s32 $0x0  }
0x6: {  	s11 =	sand.u32 $0x1, s6;
	s18 =	sshll.u32 s2, $0x1;
	s10 =	smul.u32 $0x50000, s2  }
0x7: {  	[smem:$0x7FF] =	sst s4;
	s12 =	sadd.s32 $0x2BA600, s5;
	s13 =	smul.u32 $0x2800, s2  }
0x8: {  	s14 =	sadd.s32 $0x2FE00, s5;
	s22 =	sshll.u32 s2, $0x6;
	s28 =	smul.u32 $0x28000, s2  }
0x9: {  	s6 =	sor.u32 s11, s18;
	_ =	strace $0x8000004D;
	s16 =	smul.u32 $0x28000, s11  }
0xa: {  	s7 =	ssub.s32 $0x2, s11;
	s5 =	sor.u32 $0x1C05, s22;
	s18 =	smul.u32 $0x1400, s11  }
0xb: {  	s22 =	simm.s32 $0x6;
	s9 =	smul.u32 $0x1400, s6;
	s19 =	sshrl.u32 s7, $0x1  }
0xc: {  	s20 =	sshrl.u32 s10, $0x2;
	s21 =	smul.u32 $0x14000, s6;
	s15 =	ssub.s32 s7, s19  }
0xd: {  	s17 =	sadd.s32 s20, s3;
	s24 =	sadd.s32 s13, s16;
	s19 =	smul.u32 $0x14000, s11  }
0xe: {  	s13 =	sadd.s32 s18, s13;
	s18 =	simm.s32 $0x80;
	s20 =	simm.s32 $0x1  }
0xf: {  	s23 =	sshrl.u32 s9, $0x3;
	s7 =	sadd.s32 s12, s21;
	s25 =	sadd.s32 $0x1380, s9  }
0x10: {  	s8 =	sadd.s32 s8, s24;
	s9 =	smax.u32 s15, $0x1;
	s29 =	sor.u32 $0x100, s13  }
0x11: {  	s30 =	sor.u32 $0x80, s13;
	s21 =	simm.s32 $0x3;
	s24 =	simm.s32 $0x4  }
0x12: {  	s6 =	sadd.s32 s14, s23;
	s26 =	sshrl.u32 s25, $0x3;
	s16 =	sshll.u32 s25, $0x4  }
0x13: {  	s15 =	sshrl.u32 s29, $0x3;
	s31 =	sshrl.u32 s30, $0x3;
	s23 =	simm.s32 $0x2  }
0x14: {  	s25 =	simm.s32 $0x0;
	s10 =	sadd.s32 s14, s26;
	s11 =	sadd.s32 s12, s16  }
0x15: {  	s12 =	sadd.s32 s28, s12;
	s13 =	sadd.s32 s15, s14;
	s14 =	sadd.s32 s31, s14  }
0x16: {  	s15 =	sshrl.u32 s17, $0x3;
	s16 =	simm.s32 $0x5;
	s12 =	sadd.s32 s19, s12  }
0x17: {  	s17 =	simm.s32 $0x100;
	s19 =	simm.s32 $0x4100;
	s12 =	sadd.s32 $0x1000, s12  }
.LBB2_1:
0x18: {  	[spmem:s15], [sflag:s5] =	dma.local [hbm:s1], $0x2800  }
0x19: {  	_ =	swait.ge [sflag:s16], $0x2800  }
0x1a: {  	[sflag:s16] =	ssyncset.done $0x0  }
0x1b: {  	[sflag:s16] =	ssyncadd.s32 $0xFFFFD800  }
0x1c: {  	[bflag:$0x0] =	sbarrier.arrive $0xFFFF  }
0x1d: {  	[tilespmem:s4], [sflag:$0x1] =	stream.linear.gather [hbm4b:s6+s4], $0x80, $0x38;
	[tilespmem:$0x1C100] =	vst v63  }
0x1e: {  	_ = 	snop  }
0x1f: {  	[tilespmem:s17], [sflag:$0x3] =	stream.linear.gather [hbm4b:s7+s4], $0x4000, $0x38;
	[tilespmem:$0x1C100] =	vst v63  }
0x20: {  	s26 =	sadd.s32 $0x0, s14  }
0x21: {  	[tilespmem:s18], [sflag:$0x2] =	stream.linear.gather [hbm4b:s26+s4], $0x80, $0x38;
	[tilespmem:$0x1C100] =	vst v63  }
0x22: {  	s30 =	sadd.s32 $0xFFFFF800, s12  }
0x23: {  	[tilespmem:s19], [sflag:$0x4] =	stream.linear.gather [hbm4b:s30+s4], $0x4000, $0x38;
	[tilespmem:$0x1C100] =	vst v63  }
0x24: {  	_ =	swait.ge [sflag:s20], $0x80  }
0x25: {  	[sflag:s20] =	ssyncset.done $0x0  }
0x26: {  	[sflag:s20] =	ssyncadd.s32 $0xFFFFFF80  }
0x27: {  	_ =	swait.ge [sflag:s21], $0x4000  }
0x28: {  	[sflag:s21] =	ssyncset.done $0x0  }
0x29: {  	[sflag:s21] =	ssyncadd.s32 $0xFFFFC000  }
0x2a: {  	[spmem:s3] =	stream.indirect.scatter.add.f32 [tilespmem:s17], [sflag:$0x6], $0x80, s4, s18, $0xb8;
	[tilespmem:$0x1C100] =	vst v63  }
0x2b: {  	_ =	swait.ge [sflag:s22], $0x4000  }
0x2c: {  	[sflag:s22] =	ssyncset.done $0x0  }
0x2d: {  	s31 =	sadd.s32 $0x0, s13;
	[sflag:s22] =	ssyncadd.s32 $0xFFFFC000  }
0x2e: {  	[tilespmem:s4], [sflag:$0x1] =	stream.linear.gather [hbm4b:s31+s4], $0x80, $0x38;
	[tilespmem:$0x1C100] =	vst v63  }
0x2f: {  	_ = 	snop  }
0x30: {  	[tilespmem:s17], [sflag:$0x3] =	stream.linear.gather [hbm4b:s12+s4], $0x4000, $0x38;
	[tilespmem:$0x1C100] =	vst v63  }
0x31: {  	_ =	swait.ge [sflag:s23], $0x80  }
0x32: {  	[sflag:s23] =	ssyncset.done $0x0  }
0x33: {  	[sflag:s23] =	ssyncadd.s32 $0xFFFFFF80  }
0x34: {  	_ =	swait.ge [sflag:s24], $0x4000  }
0x35: {  	[sflag:s24] =	ssyncset.done $0x0  }
0x36: {  	[sflag:s24] =	ssyncadd.s32 $0xFFFFC000  }
0x37: {  	[spmem:s3] =	stream.indirect.scatter.add.f32 [tilespmem:s19], [sflag:$0x5], $0x80, s18, s18, $0xb8;
	[tilespmem:$0x1C100] =	vst v63  }
0x38: {  	s29 =	simm.s32 $0x40;
	_ =	swait.ge [sflag:s16], $0x4000  }
0x39: {  	s28 =	sadd.s32 $0x1000, s12;
	s26 =	simm.s32 $0x20;
	[sflag:s16] =	ssyncset.done $0x0  }
.LBB2_2:
0x3a: {  	s30 =	sadd.s32 s26, s14  }
0x3b: {  	[sflag:s16] =	ssyncadd.s32 $0xFFFFC000;
	s31 =	smov.u32 s29;
	s0 =	sadd.s32 $0x20, s29  }
0x3c: {  	[tilespmem:s18], [sflag:$0x2] =	stream.linear.gather [hbm4b:s30+s4], $0x80, $0x38;
	[tilespmem:$0x1C100] =	vst v63  }
0x3d: {  	p0 =	sne.s32 s29, $0x240;
	s29 =	sadd.s32 $0xFFFFF800, s28  }
0x3e: {  	[tilespmem:s19], [sflag:$0x4] =	stream.linear.gather [hbm4b:s29+s4], $0x4000, $0x38;
	[tilespmem:$0x1C100] =	vst v63  }
0x3f: {  	_ =	swait.ge [sflag:s20], $0x80  }
0x40: {  	[sflag:s20] =	ssyncset.done $0x0  }
0x41: {  	[sflag:s20] =	ssyncadd.s32 $0xFFFFFF80  }
0x42: {  	_ =	swait.ge [sflag:s21], $0x4000  }
0x43: {  	[sflag:s21] =	ssyncset.done $0x0  }
0x44: {  	[sflag:s21] =	ssyncadd.s32 $0xFFFFC000  }
0x45: {  	[spmem:s3] =	stream.indirect.scatter.add.f32 [tilespmem:s17], [sflag:$0x6], $0x80, s4, s18, $0xb8;
	[tilespmem:$0x1C100] =	vst v63  }
0x46: {  	_ =	swait.ge [sflag:s22], $0x4000  }
0x47: {  	[sflag:s22] =	ssyncset.done $0x0  }
0x48: {  	s29 =	sadd.s32 s26, s13;
	s26 =	smov.u32 s31;
	[sflag:s22] =	ssyncadd.s32 $0xFFFFC000  }
0x49: {  	[tilespmem:s4], [sflag:$0x1] =	stream.linear.gather [hbm4b:s29+s4], $0x80, $0x38;
	[tilespmem:$0x1C100] =	vst v63  }
0x4a: {  	_ = 	snop  }
0x4b: {  	[tilespmem:s17], [sflag:$0x3] =	stream.linear.gather [hbm4b:s28+s4], $0x4000, $0x38;
	[tilespmem:$0x1C100] =	vst v63  }
0x4c: {  	_ =	swait.ge [sflag:s23], $0x80  }
0x4d: {  	[sflag:s23] =	ssyncset.done $0x0  }
0x4e: {  	[sflag:s23] =	ssyncadd.s32 $0xFFFFFF80  }
0x4f: {  	_ =	swait.ge [sflag:s24], $0x4000  }
.Ltmp0:
0x50: {  	[sflag:s24] =	ssyncset.done $0x0;
	(pc) =	sbr.rel @p0 .LBB2_2-.Ltmp0, $4  }
0x51: {  	[sflag:s24] =	ssyncadd.s32 $0xFFFFC000  }
0x52: {  	[spmem:s3] =	stream.indirect.scatter.add.f32 [tilespmem:s19], [sflag:$0x5], $0x80, s18, s18, $0xb8;
	[tilespmem:$0x1C100] =	vst v63  }
0x53: {  	_ =	swait.ge [sflag:s16], $0x4000  }
0x54: {  	s29 =	smov.u32 s0;
	s28 =	sadd.s32 $0x1000, s28;
	[sflag:s16] =	ssyncset.done $0x0  }
0x55: {  	s0 =	sadd.s32 s26, s14;
	[sflag:s16] =	ssyncadd.s32 $0xFFFFC000  }
0x56: {  	[tilespmem:s18], [sflag:$0x2] =	stream.linear.gather [hbm4b:s0+s4], $0x80, $0x38;
	[tilespmem:$0x1C100] =	vst v63  }
0x57: {  	s30 =	sadd.s32 $0xFFFFF800, s28  }
0x58: {  	[tilespmem:s19], [sflag:$0x4] =	stream.linear.gather [hbm4b:s30+s4], $0x4000, $0x38;
	[tilespmem:$0x1C100] =	vst v63  }
0x59: {  	_ =	swait.ge [sflag:s20], $0x80  }
0x5a: {  	[sflag:s20] =	ssyncset.done $0x0  }
0x5b: {  	[sflag:s20] =	ssyncadd.s32 $0xFFFFFF80  }
0x5c: {  	_ =	swait.ge [sflag:s21], $0x4000  }
0x5d: {  	[sflag:s21] =	ssyncset.done $0x0  }
0x5e: {  	[sflag:s21] =	ssyncadd.s32 $0xFFFFC000  }
0x5f: {  	[spmem:s3] =	stream.indirect.scatter.add.f32 [tilespmem:s17], [sflag:$0x6], $0x80, s4, s18, $0xb8;
	[tilespmem:$0x1C100] =	vst v63  }
0x60: {  	_ =	swait.ge [sflag:s22], $0x4000  }
0x61: {  	[sflag:s22] =	ssyncset.done $0x0  }
0x62: {  	s31 =	sadd.s32 s26, s13;
	[sflag:s22] =	ssyncadd.s32 $0xFFFFC000  }
0x63: {  	[tilespmem:s4], [sflag:$0x1] =	stream.linear.gather [hbm4b:s31+s4], $0x80, $0x38;
	[tilespmem:$0x1C100] =	vst v63  }
0x64: {  	_ = 	snop  }
0x65: {  	[tilespmem:s17], [sflag:$0x3] =	stream.linear.gather [hbm4b:s28+s4], $0x4000, $0x38;
	[tilespmem:$0x1C100] =	vst v63  }
0x66: {  	_ =	swait.ge [sflag:s23], $0x80  }
0x67: {  	[sflag:s23] =	ssyncset.done $0x0  }
0x68: {  	[sflag:s23] =	ssyncadd.s32 $0xFFFFFF80  }
0x69: {  	_ =	swait.ge [sflag:s24], $0x4000  }
0x6a: {  	[sflag:s24] =	ssyncset.done $0x0  }
0x6b: {  	[sflag:s24] =	ssyncadd.s32 $0xFFFFC000  }
0x6c: {  	[spmem:s3] =	stream.indirect.scatter.add.f32 [tilespmem:s19], [sflag:$0x5], $0x80, s18, s18, $0xb8;
	[tilespmem:$0x1C100] =	vst v63  }
0x6d: {  	_ =	swait.ge [sflag:s16], $0x4000  }
0x6e: {  	[sflag:s16] =	ssyncset.done $0x0  }
0x6f: {  	[sflag:s16] =	ssyncadd.s32 $0xFFFFC000  }
0x70: {  	[tilespmem:s18], [sflag:$0x2] =	stream.linear.gather [hbm4b:s10+s4], $0x80, $0x38;
	[tilespmem:$0x1C100] =	vst v63  }
0x71: {  	_ = 	snop  }
0x72: {  	[tilespmem:s19], [sflag:$0x4] =	stream.linear.gather [hbm4b:s11+s4], $0x4000, $0x38;
	[tilespmem:$0x1C100] =	vst v63  }
0x73: {  	_ =	swait.ge [sflag:s20], $0x80  }
0x74: {  	[sflag:s20] =	ssyncset.done $0x0  }
0x75: {  	[sflag:s20] =	ssyncadd.s32 $0xFFFFFF80  }
0x76: {  	_ =	swait.ge [sflag:s21], $0x4000  }
0x77: {  	[sflag:s21] =	ssyncset.done $0x0  }
0x78: {  	[sflag:s21] =	ssyncadd.s32 $0xFFFFC000  }
0x79: {  	[spmem:s3] =	stream.indirect.scatter.add.f32 [tilespmem:s17], [sflag:$0x6], $0x80, s4, s18, $0xb8;
	[tilespmem:$0x1C100] =	vst v63  }
0x7a: {  	_ =	swait.ge [sflag:s22], $0x4000  }
0x7b: {  	[sflag:s22] =	ssyncset.done $0x0  }
0x7c: {  	[sflag:s22] =	ssyncadd.s32 $0xFFFFC000  }
0x7d: {  	_ =	swait.ge [sflag:s23], $0x80  }
0x7e: {  	[sflag:s23] =	ssyncset.done $0x0  }
0x7f: {  	[sflag:s23] =	ssyncadd.s32 $0xFFFFFF80  }
0x80: {  	_ =	swait.ge [sflag:s24], $0x4000  }
0x81: {  	[sflag:s24] =	ssyncset.done $0x0  }
0x82: {  	[sflag:s24] =	ssyncadd.s32 $0xFFFFC000  }
0x83: {  	[spmem:s3] =	stream.indirect.scatter.add.f32 [tilespmem:s19], [sflag:$0x5], $0x80, s18, s18, $0xb8;
	[tilespmem:$0x1C100] =	vst v63  }
0x84: {  	_ =	swait.ge [sflag:s16], $0x4000  }
0x85: {  	s25 =	sadd.s32 $0x1, s25;
	[sflag:s16] =	ssyncset.done $0x0  }
0x86: {  	p0 =	sne.s32 s25, s9;
	[sflag:s16] =	ssyncadd.s32 $0xFFFFC000  }
.Ltmp1:
0x87: {  	[bflag:$0x0] =	sbarrier.arrive $0xFFFF;
	(pc) =	sbr.rel @p0 .LBB2_1-.Ltmp1, $4  }
0x88: {  	[hbm:s8], [sflag:s5] =	dma.local [spmem:s15], $0x2800  }
0x89: {  	_ =	swait.ge [sflag:s16], $0x2800  }
0x8a: {  	[sflag:s16] =	ssyncset.done $0x0  }
0x8b: {  	[sflag:s16] =	ssyncadd.s32 $0xFFFFD800  }
0x8c: {  	_ =	sfence.sel $0x180000  }
0x8d: {  	[bflag:$0x0] =	sbarrier.arrive $0xFFFF  }
0x8e: {  	_ =	strace $0x9000004D  }
0x8f: {  	[bflag:$0x2] =	sbarrier.arrive $0xFFFF  }
0x90: {  	p0 =	sne.s32 s2, $0x0;
	s0 =	rddreg [dreg:$0x4]  }
0x91: {  	s0 =	sadd.s32 @!p0 $0x100000, s0  }
0x92: {  	[sflag:s0] =	ssyncadd.tile.s32 @!p0 $0x1;
	_ =	shalt  }
.Lfunc_end2:
_tile_overlayer_lowered:
.L_overlay_start_2:
0x93: {  	(tag) =	ssettag $0x2  }
0x94: {  	s0 =	rddreg [dreg:$0x0];
	s2 =	stileid.u32  }
0x95: {  	s1 =	rddreg [dreg:$0x1];
	p0 =	sne.s32 s2, $0x0  }
0x96: {  	s3 =	rddreg [dreg:$0x2];
	[bflag:$0x3] =	sbarrier.arrive $0xFFFF;
	s2 =	simm.s32 @!p0 $0x1C05  }
0x97: {  	[timem:s3], [sflag:s2] =	dma.local @!p0 [hbm:s0], s1  }
0x98: {  	s0 =	simm.s32 @!p0 $0x5  }
0x99: {  	_ =	swait.ge @!p0 [sflag:s0], s1  }
0x9a: {  	s1 =	ssub.s32 @!p0 $0x0, s1;
	[sflag:s0] =	ssyncset.done @!p0 $0x0  }
0x9b: {  	[sflag:s0] =	ssyncadd.s32 @!p0 s1  }
0x9c: {  	[bflag:$0x3] =	sbarrier.arrive $0xFFFF  }
0x9d: {  	_ =	shalt  }

// kernel: kernel.20.cloned.1.call-start
scs
__scs_entry_jumppad:
0x0: {  	(pc) =	sbr.rel $0x88, $3  }
0x1: {  	(tag) =	ssettag $0x0;
	lr =	simm.s32 $0x1  }
0x2: {  	[smem:$0x3F70] =	sst lr;
	_ =	strace $0xD0000000  }
0x3: {  	_ = 	snop  }
0x4: {  	_ = 	snop  }
0x5: {  	_ = 	snop  }
0x6: {  	_ = 	snop  }
0x7: {  	_ = 	snop  }
__scs_overlays_trampoline_lowered:
0x8: {  	[smem:$0x3F7F] =	sst s0  }
0x9: {  	[smem:$0x3F80] =	sst s1  }
0xa: {  	[smem:$0x3F81] =	sst s2  }
0xb: {  	[smem:$0x3F82] =	sst s3  }
0xc: {  	[smem:$0x3F83] =	sst s4  }
0xd: {  	[smem:$0x3F84] =	sst s5  }
0xe: {  	[smem:$0x3F85] =	sst s6  }
0xf: {  	[smem:$0x3F86] =	sst s7  }
0x10: {  	[smem:$0x3F87] =	sst s8  }
0x11: {  	[smem:$0x3F88] =	sst s9;
	s0 =	simm.s32 @!p0 $0x0  }
0x12: {  	s1 =	sld [smem:$0x3F6E];
	s0 =	simm.s32 @p0 $0x1  }
0x13: {  	[smem:$0x3F89] =	sst s0;
	s0 =	simm.s32 @!p1 $0x0  }
0x14: {  	s2 =	sld [smem:$0x3F6D];
	s0 =	simm.s32 @p1 $0x1  }
0x15: {  	[smem:$0x3F8A] =	sst s0;
	s0 =	simm.s32 @!p2 $0x0  }
0x16: {  	s3 =	sld [smem:$0x3FDB];
	s0 =	simm.s32 @p2 $0x1  }
0x17: {  	s4 =	simm.s32 $0x1BF5;
	[smem:$0x3F8C] =	sst s0  }
0x18: {  	s0 =	sld [smem:$0x3F6F];
	_ =	swait.ge [sflag:s4], $0x0  }
0x19: {  	s7 =	sld [smem:$0x3F70]  }
0x1a: {  	s8 =	sadd.s32 $0xFFFFE003, lr  }
0x1b: {  	s9 =	sadd.s32 $0xFFFFFEF7, lr;
	s5 =	simm.s32 $0xFFFFFFFF;
	p2 =	slt.u32 s8, $0xFFFFF086  }
0x1c: {  	p1 =	slt.u32 s9, $0xF7A;
	s5 =	simm.s32 @!p2 $0x0  }
0x1d: {  	s5 =	simm.s32 @p1 $0x1;
	p0 =	seq.s32 s7, s2  }
0x1e: {  	s7 =	smul.u32 @!p0 $0xF7A, s2;
	p2 =	seq.s32 @!p0 s5, $0x0  }
0x1f: {  	s9 =	smul.u32 $0xF7A, s1;
	s8 =	simm.s32 @!p0 $0x1BF5;
	p2 =	por !p2, p0  }
0x20: {  	[sflag:s8] =	ssyncset.s32 @!p0 $0xFFFFF086;
	s6 =	sadd.s32 @!p0 s3, s7;
	s7 =	simm.s32 @!p0 $0x108  }
0x21: {  	s3 =	sadd.s32 s3, s9;
	s6 =	sadd.s32 @!p0 $0x88, s6;
	s7 =	simm.s32 @p2 $0x1082  }
0x22: {  	[simem:s7], [sflag:s8] =	dma.local @!p0 [hbm:s6], $0xF7A  }
0x23: {  	s9 =	sor.u32 $0xD0000000, s2;
	s6 =	simm.s32 $0x108;
	_ =	swait.ge @!p0 [sflag:s8], $0x0  }
0x24: {  	s3 =	sadd.s32 $0x88, s3;
	s6 =	simm.s32 @!p1 $0x1082;
	[sflag:s4] =	ssyncset.s32 $0xFFFFF086  }
0x25: {  	[simem:s6], [sflag:s4] =	dma.local [hbm:s3], $0xF7A  }
0x26: {  	[smem:$0x3F70] =	sst s1;
	(tag) =	ssettag s2;
	_ =	strace s9  }
0x27: {  	s1 =	sld [smem:$0x3F80]  }
0x28: {  	s2 =	sld [smem:$0x3F81]  }
0x29: {  	s4 =	sld [smem:$0x3F83]  }
0x2a: {  	p0 =	seq.s32 s5, $0x0;
	s5 =	sld [smem:$0x3F84]  }
0x2b: {  	s6 =	sld [smem:$0x3F85]  }
0x2c: {  	s7 =	sld [smem:$0x3F86]  }
0x2d: {  	s3 =	simm.s32 $0x108;
	s8 =	sld [smem:$0x3F87]  }
0x2e: {  	s3 =	simm.s32 @!p0 $0x1082;
	s9 =	sld [smem:$0x3F88]  }
0x2f: {  	lr =	sadd.s32 s0, s3;
	s0 =	sld [smem:$0x3F7F]  }
0x30: {  	s3 =	sld [smem:$0x3F82]  }
0x31: {  	[smem:$0x3F8B] =	sst s10  }
0x32: {  	s10 =	sld [smem:$0x3F89];
	_ =	sdelay $0x3  }
0x33: {  	p0 =	seq.s32 s10, $0x1;
	s10 =	sld [smem:$0x3F8B];
	_ =	sdelay $0x3  }
0x34: {  	[smem:$0x3F8B] =	sst s10  }
0x35: {  	s10 =	sld [smem:$0x3F8A];
	_ =	sdelay $0x3  }
0x36: {  	p1 =	seq.s32 s10, $0x1;
	s10 =	sld [smem:$0x3F8B];
	_ =	sdelay $0x3  }
0x37: {  	[smem:$0x3F8B] =	sst s10  }
0x38: {  	s10 =	sld [smem:$0x3F8C]  }
0x39: {  	_ = 	snop;
	(pc) =	sbr.ind lr, $3  }
0x3a: {  	_ = 	snop  }
0x3b: {  	_ = 	snop  }
0x3c: {  	p2 =	seq.s32 s10, $0x1;
	s10 =	sld [smem:$0x3F8B]  }
0x3d: {  	_ =	shalt  }
0x3e: {  	_ =	shalt  }
0x3f: {  	_ =	shalt  }
0x40: {  	_ =	shalt  }
0x41: {  	_ =	shalt  }
0x42: {  	_ =	shalt  }
0x43: {  	_ =	shalt  }
0x44: {  	_ =	shalt  }
0x45: {  	_ =	shalt  }
0x46: {  	_ =	shalt  }
0x47: {  	_ =	shalt  }
0x48: {  	_ =	shalt  }
0x49: {  	_ =	shalt  }
0x4a: {  	_ =	shalt  }
0x4b: {  	_ =	shalt  }
0x4c: {  	_ =	shalt  }
0x4d: {  	_ =	shalt  }
0x4e: {  	_ =	shalt  }
0x4f: {  	_ =	shalt  }
0x50: {  	_ =	shalt  }
0x51: {  	_ =	shalt  }
0x52: {  	_ =	shalt  }
0x53: {  	_ =	shalt  }
0x54: {  	_ =	shalt  }
0x55: {  	_ =	shalt  }
0x56: {  	_ =	shalt  }
0x57: {  	_ =	shalt  }
0x58: {  	_ =	shalt  }
0x59: {  	_ =	shalt  }
0x5a: {  	_ =	shalt  }
0x5b: {  	_ =	shalt  }
0x5c: {  	_ =	shalt  }
0x5d: {  	_ =	shalt  }
0x5e: {  	_ =	shalt  }
0x5f: {  	_ =	shalt  }
0x60: {  	_ =	shalt  }
0x61: {  	_ =	shalt  }
0x62: {  	_ =	shalt  }
0x63: {  	_ =	shalt  }
0x64: {  	_ =	shalt  }
0x65: {  	_ =	shalt  }
0x66: {  	_ =	shalt  }
0x67: {  	_ =	shalt  }
0x68: {  	_ =	shalt  }
0x69: {  	_ =	shalt  }
0x6a: {  	_ =	shalt  }
0x6b: {  	_ =	shalt  }
0x6c: {  	_ =	shalt  }
0x6d: {  	_ =	shalt  }
0x6e: {  	_ =	shalt  }
0x6f: {  	_ =	shalt  }
0x70: {  	_ =	shalt  }
0x71: {  	_ =	shalt  }
0x72: {  	_ =	shalt  }
0x73: {  	_ =	shalt  }
0x74: {  	_ =	shalt  }
0x75: {  	_ =	shalt  }
0x76: {  	_ =	shalt  }
0x77: {  	_ =	shalt  }
0x78: {  	_ =	shalt  }
0x79: {  	_ =	shalt  }
0x7a: {  	_ =	shalt  }
0x7b: {  	_ =	shalt  }
0x7c: {  	_ =	shalt  }
0x7d: {  	_ =	shalt  }
0x7e: {  	_ =	shalt  }
0x7f: {  	_ =	shalt  }
0x80: {  	_ =	shalt  }
0x81: {  	_ =	shalt  }
0x82: {  	_ =	shalt  }
0x83: {  	_ =	shalt  }
0x84: {  	_ =	shalt  }
0x85: {  	_ =	shalt  }
0x86: {  	_ =	shalt  }
0x87: {  	_ =	shalt  }
.Lfunc_end0:
.L_simem_size_0:
called_computation.3_lowered:
.L_overlay_start_0:
0x88: {  	s2 =	sld [smem:$0x3FD9]  }
0x89: {  	s3 =	sld [smem:$0x3FFE];
	_ =	sdelay $0x1  }
0x8a: {  	s1 =	srdreg.scid  }
0x8b: {  	s0 =	sand.u32 $0x1, s1  }
0x8c: {  	s14 =	sshll.u32 s0, $0xA;
	s2 =	sadd.s32 s3, s2  }
0x8d: {  	s2 =	sadd.s32 s2, s14  }
0x8e: {  	[smem:$0x3F97] =	sst s2  }
0x8f: {  	_ = 	snop  }
0x90: {  	s2 =	sld [smem:$0x3FD0];
	_ =	sdelay $0x2  }
0x91: {  	s15 =	simm.s32 $0xB;
	s4 =	simm.s32 $0x10  }
0x92: {  	[smem:s4], [sflag:s15] =	dma.local [hbm:s2], $0x1  }
0x93: {  	_ =	swait.eq [sflag:s15], $0x1  }
0x94: {  	[sflag:s15] =	ssyncset.done $0x0  }
0x95: {  	[sflag:s15] =	ssyncadd.s32 $0xFFFFFFFF  }
0x96: {  	s16 =	sld [smem:$0x11];
	(tm) =	ssettm $0x1  }
0x97: {  	s17 =	sld [smem:$0x3FFB];
	_ =	sdelay $0x3  }
0x98: {  	_ =	strace s17  }
0x99: {  	s3 =	sld [smem:$0x3FFC];
	_ =	sdelay $0x3  }
0x9a: {  	_ =	strace s3  }
0x9b: {  	s3 =	sld [smem:$0x3FFD];
	_ =	sdelay $0x3  }
0x9c: {  	_ =	strace s3  }
0x9d: {  	_ =	strace $0x8FFFFFFF  }
0x9e: {  	s18 =	sld [smem:$0x3FDB];
	_ =	sdelay $0x1  }
0x9f: {  	s19 =	simm.s32 $_scs_section_size  }
0xa0: {  	s5 =	simm.s32 $_size__tile_overlayer_lowered;
	s6 =	simm.s32 $_tile_overlayer_lowered  }
0xa1: {  	s22 =	simm.s32 $0x1BFF;
	s21 =	sshll.u32 s6, $0x1;
	s3 =	sadd.s32 s19, s18  }
0xa2: {  	s7 =	simm.s32 $0x0;
	s20 =	sshll.u32 s5, $0x1;
	s5 =	sadd.s32 s21, s3  }
0xa3: {  	[timem:s7], [sflag:s22] =	dma.local [hbm:s5], s20  }
0xa4: {  	_ =	swait.ge [sflag:s22], s20  }
0xa5: {  	s4 =	ssub.s32 $0x0, s20;
	[sflag:s22] =	ssyncset.done $0x0  }
0xa6: {  	[sflag:s22] =	ssyncadd.s32 s4;
	_ =	sdelay $0x1  }
0xa7: {  	s23 =	simm.s32 $0x1B8B  }
0xa8: {  	_ =	swait.ge [sflag:s23], $0x1  }
0xa9: {  	[sflag:s23] =	ssyncset.done $0x0  }
0xaa: {  	s25 =	simm.s32 $0x1B8E;
	s24 =	sld [smem:$0x3FFE];
	[sflag:s23] =	ssyncadd.s32 $0xFFFFFFFF  }
0xab: {  	s26 =	simm.s32 $execute0_lowered;
	[smem:$0x3FD2] =	sst s25  }
0xac: {  	s5 =	sshll.u32 s26, $0x1;
	_ =	strace $0x8000004F;
	[dreg:$0x1] =	wrdreg $0xFFFFFFFF  }
0xad: {  	s28 =	simm.s32 $_size_execute0_lowered;
	s3 =	sadd.s32 s3, s5;
	[dreg:$0x0] =	wrdreg $0x0  }
0xae: {  	s5 =	sshll.u32 s28, $0x1;
	[dreg:$0x2] =	wrdreg s3  }
0xaf: {  	[dreg:$0x3] =	wrdreg s5  }
0xb0: {  	[dreg:$0x4] =	wrdreg $0xC0  }
0xb1: {  	_ =	task [dreg:s7], $0x5FFFF  }
0xb2: {  	[dreg:$0x1] =	wrdreg $0xFFFFFFFF  }
0xb3: {  	[dreg:$0x0] =	wrdreg $0x60  }
0xb4: {  	[dreg:$0x2] =	wrdreg s16  }
0xb5: {  	[dreg:$0x3] =	wrdreg s24  }
0xb6: {  	[dreg:$0x4] =	wrdreg $0x9  }
0xb7: {  	_ =	task.clear_ibuf [dreg:s7], $0x5FFFF;
	_ =	strace $0x9000004F  }
0xb8: {  	s29 =	simm.s32 $0x9;
	_ =	strace $0x80000051  }
0xb9: {  	_ =	swait.ge [sflag:s29], $0x1  }
0xba: {  	[sflag:s29] =	ssyncadd.s32 $0xFFFFFFFF  }
0xbb: {  	_ =	strace $0x90000051  }
0xbc: {  	_ =	sfence  }
0xbd: {  	s30 =	sld [smem:$0x0];
	_ =	sdelay $0x2  }
0xbe: {  	s31 =	sshll.u32 s1, $0xD;
	s1 =	sshrl.u32 s1, $0x2  }
0xbf: {  	s3 =	sand.u32 $0x4000, s31;
	s1 =	sadd.s32 s1, s30  }
0xc0: {  	s0 =	sor.u32 s3, s0;
	s1 =	sshll.u32 s1, $0x11  }
0xc1: {  	s0 =	sor.u32 s1, s0  }
0xc2: {  	s0 =	sadd.s32 $0x8F2B, s0  }
0xc3: {  	[sflag:s0] =	ssyncadd.remote.s32 $0x1  }
0xc4: {  	_ =	sfence.sel $0xFFFF  }
0xc5: {  	[dreg:$0x0] =	wrdreg $0xFFFFFFFF;
	(pc) =	sbr.abs _section_cstart, $3  }
0xc6: {  	[dreg:$0x1] =	wrdreg $0xFFFFFFFF  }
0xc7: {  	_ =	task.clear_ibuf [dreg:s7], $0x2FFFF;
	_ =	strace $0x9FFFFFFF  }
0xc8: {  	(tm) =	ssettm $0x7FFFFFFF  }
0xc9: {  	_ =	shalt  }
tec
execute0_lowered:
.L_overlay_start_1:
0x0: {  	(tag) =	ssettag $0x1  }
0x1: {  	s1 =	rddreg [dreg:$0x0]  }
0x2: {  	s0 =	rddreg [dreg:$0x1]  }
0x3: {  	s3 =	simm.s32 $0x0;
	s4 =	stileid.u32;
	s2 =	srdreg.scid  }
0x4: {  	s13 =	simm.s32 $0x7;
	s15 =	simm.s32 $0x80;
	s18 =	simm.s32 $0x180  }
0x5: {  	s19 =	simm.s32 $0x4200;
	s20 =	simm.s32 $0xC200;
	s21 =	simm.s32 $0x1  }
0x6: {  	s22 =	simm.s32 $0x3;
	s23 =	simm.s32 $0x10200;
	s24 =	simm.s32 $0x2  }
0x7: {  	s28 =	simm.s32 $0x5;
	s29 =	simm.s32 $0x6;
	s30 =	simm.s32 $0x0  }
0x8: {  	[smem:$0x7FF] =	sst s3;
	s8 =	smul.u32 $0x28, s4;
	s4 =	sadd.s32 $0x8C00, s0  }
0x9: {  	s5 =	sadd.s32 $0x34E00, s0;
	s2 =	sand.u32 $0x1, s2;
	s7 =	sadd.s32 $0x2FE00, s0  }
0xa: {  	s9 =	ssub.s32 $0x2, s2;
	p0 =	seq.s32 s2, $0x0;
	s6 =	sadd.s32 $0x280, s8  }
0xb: {  	_ =	strace $0x80000050;
	s25 =	sshrl.u32 s9, $0x1;
	s6 =	smov.u32 @p0 s8  }
0xc: {  	s8 =	sadd.s32 $0x3A600, s0;
	s26 =	ssub.s32 s9, s25;
	s25 =	simm.s32 $0x4  }
0xd: {  	s31 =	sshll.u32 s6, $0x4;
	s11 =	sor.u32 $0x2, s6;
	s12 =	smax.u32 s26, $0x1  }
0xe: {  	s26 =	simm.s32 $0x14200;
	s9 =	sadd.s32 s5, s31;
	s10 =	sadd.s32 s7, s31  }
.LBB2_1:
0xf: {  	[tilespmem:s3], [sflag:$0x7] =	stream.linear.gather [hbm4b:s9+s3], $0x80, $0x38;
	[tilespmem:$0x18200] =	vst v63  }
0x10: {  	_ =	swait.ge [sflag:s13], $0x80  }
0x11: {  	[sflag:s13] =	ssyncset.done $0x0  }
0x12: {  	s0 =	simm.s32 $0x100;
	[sflag:s13] =	ssyncadd.s32 $0xFFFFFF80  }
0x13: {  	[tilespmem:s0], [sflag:$0x7] =	stream.linear.gather [hbm4b:s10+s3], $0x80, $0x38;
	[tilespmem:$0x18200] =	vst v63  }
0x14: {  	_ =	swait.ge [sflag:s13], $0x80  }
0x15: {  	[sflag:s13] =	ssyncset.done $0x0  }
0x16: {  	s2 =	simm.s32 $0x200;
	[sflag:s13] =	ssyncadd.s32 $0xFFFFFF80  }
0x17: {  	[tilespmem:s2], [sflag:$0x1] =	stream.indirect.gather [hbm4b:s1+s15], $0x80, s3, s15, $0xb8;
	[tilespmem:$0x18200] =	vst v63  }
0x18: {  	s17 =	simm.s32 $0x8200;
	s31 =	simm.s32 $0x0  }
0x19: {  	[tilespmem:s17], [sflag:$0x3] =	stream.indirect.gather [hbm4b:s4+s15], $0x80, s0, s15, $0xb8;
	[tilespmem:$0x18200] =	vst v63  }
.LBB2_2:
0x1a: {  	s2 =	sshll.u32 s31, $0x1  }
0x1b: {  	s0 =	sadd.s32 s2, s6  }
0x1c: {  	s0 =	sadd.s32 $0x1, s0  }
0x1d: {  	s14 =	sshll.u32 s0, $0x4  }
0x1e: {  	s16 =	sadd.s32 s5, s14  }
0x1f: {  	[tilespmem:s15], [sflag:$0x7] =	stream.linear.gather [hbm4b:s16+s3], $0x80, $0x38;
	[tilespmem:$0x18200] =	vst v63  }
0x20: {  	_ =	swait.ge [sflag:s13], $0x80  }
0x21: {  	[sflag:s13] =	ssyncset.done $0x0  }
0x22: {  	s14 =	sadd.s32 s7, s14;
	[sflag:s13] =	ssyncadd.s32 $0xFFFFFF80  }
0x23: {  	[tilespmem:s18], [sflag:$0x7] =	stream.linear.gather [hbm4b:s14+s3], $0x80, $0x38;
	[tilespmem:$0x18200] =	vst v63  }
0x24: {  	_ =	swait.ge [sflag:s13], $0x80  }
0x25: {  	[sflag:s13] =	ssyncset.done $0x0  }
0x26: {  	[sflag:s13] =	ssyncadd.s32 $0xFFFFFF80  }
0x27: {  	[tilespmem:s19], [sflag:$0x2] =	stream.indirect.gather [hbm4b:s1+s15], $0x80, s15, s15, $0xb8;
	[tilespmem:$0x18200] =	vst v63  }
0x28: {  	_ = 	snop  }
0x29: {  	[tilespmem:s20], [sflag:$0x4] =	stream.indirect.gather [hbm4b:s4+s15], $0x80, s18, s15, $0xb8;
	[tilespmem:$0x18200] =	vst v63  }
0x2a: {  	_ =	swait.ge [sflag:s21], $0x4000  }
0x2b: {  	[sflag:s21] =	ssyncset.done $0x0  }
0x2c: {  	[sflag:s21] =	ssyncadd.s32 $0xFFFFC000  }
0x2d: {  	_ =	swait.ge [sflag:s22], $0x4000  }
0x2e: {  	p0 =	seq.s32 s31, $0x0;
	[sflag:s22] =	ssyncset.done $0x0  }
0x2f: {  	s14 =	simm.s32 @!p0 $0x5;
	[sflag:s22] =	ssyncadd.s32 $0xFFFFC000  }
0x30: {  	_ =	swait.ge @!p0 [sflag:s14], $0x4000  }
0x31: {  	[sflag:s14] =	ssyncset.done @!p0 $0x0  }
0x32: {  	s16 =	simm.s32 $0x0;
	[sflag:s14] =	ssyncadd.s32 @!p0 $0xFFFFC000  }
0x33: {  	v0 =	vld [tilespmem:s16+$0x2F0]  }
0x34: {  	v1 =	vld [tilespmem:s16+$0x82F0]  }
0x35: {  	v2 =	vld [tilespmem:s16+$0x200]  }
0x36: {  	v3 =	vld [tilespmem:s16+$0x8200]  }
0x37: {  	v4 =	vld [tilespmem:s16+$0x210]  }
0x38: {  	v5 =	vld [tilespmem:s16+$0x8210]  }
0x39: {  	v6 =	vld [tilespmem:s16+$0x220]  }
0x3a: {  	v7 =	vld [tilespmem:s16+$0x230]  }
0x3b: {  	v0 =	vadd.f32 v1, v0;
	v1 =	vld [tilespmem:s16+$0x8220]  }
0x3c: {  	v2 =	vadd.f32 v3, v2;
	v3 =	vld [tilespmem:s16+$0x240]  }
0x3d: {  	[tilespmem:s16+$0x102F0] =	vst v0;
	v0 =	vld [tilespmem:s16+$0x8230]  }
0x3e: {  	[tilespmem:s16+$0x10200] =	vst v2;
	v2 =	vadd.f32 v5, v4;
	v4 =	vld [tilespmem:s16+$0x8240]  }
0x3f: {  	v5 =	vld [tilespmem:s16+$0x8250]  }
0x40: {  	[tilespmem:s16+$0x10210] =	vst v2;
	v2 =	vld [tilespmem:s16+$0x250];
	v1 =	vadd.f32 v1, v6  }
0x41: {  	v6 =	vld [tilespmem:s16+$0x8260]  }
0x42: {  	[tilespmem:s16+$0x10220] =	vst v1;
	v0 =	vadd.f32 v0, v7;
	v1 =	vld [tilespmem:s16+$0x260]  }
0x43: {  	v7 =	vld [tilespmem:s16+$0x82B0]  }
0x44: {  	[tilespmem:s16+$0x10230] =	vst v0;
	v0 =	vadd.f32 v4, v3;
	v3 =	vld [tilespmem:s16+$0x270]  }
0x45: {  	v4 =	vld [tilespmem:s16+$0x8270]  }
0x46: {  	[tilespmem:s16+$0x10240] =	vst v0;
	v0 =	vadd.f32 v5, v2;
	v2 =	vld [tilespmem:s16+$0x280]  }
0x47: {  	v5 =	vld [tilespmem:s16+$0x8280]  }
0x48: {  	[tilespmem:s16+$0x10250] =	vst v0;
	v0 =	vadd.f32 v6, v1;
	v1 =	vld [tilespmem:s16+$0x290]  }
0x49: {  	v6 =	vld [tilespmem:s16+$0x8290]  }
0x4a: {  	[tilespmem:s16+$0x10260] =	vst v0;
	v0 =	vadd.f32 v4, v3;
	v3 =	vld [tilespmem:s16+$0x2A0]  }
0x4b: {  	v4 =	vld [tilespmem:s16+$0x82A0]  }
0x4c: {  	[tilespmem:s16+$0x10270] =	vst v0;
	v0 =	vadd.f32 v5, v2;
	v5 =	vld [tilespmem:s16+$0x2B0]  }
0x4d: {  	v8 =	vld [tilespmem:s16+$0x82C0]  }
0x4e: {  	[tilespmem:s16+$0x10280] =	vst v0;
	v0 =	vadd.f32 v6, v1;
	v6 =	vld [tilespmem:s16+$0x2C0]  }
0x4f: {  	v2 =	vld [tilespmem:s16+$0x2D0]  }
0x50: {  	[tilespmem:s16+$0x10290] =	vst v0;
	v0 =	vadd.f32 v4, v3;
	v3 =	vld [tilespmem:s16+$0x82D0]  }
0x51: {  	v4 =	vld [tilespmem:s16+$0x82E0];
	v5 =	vadd.f32 v7, v5  }
0x52: {  	s17 =	simm.s32 $0x100;
	[tilespmem:s16+$0x102A0] =	vst v0;
	v0 =	vld [tilespmem:s16+$0x2E0]  }
0x53: {  	s14 =	simm.s32 $0x800;
	v1 =	vld [tilespmem:s17+$0x2F0];
	[tilespmem:s16+$0x102B0] =	vst v5;
	v5 =	vadd.f32 v8, v6  }
.LBB2_3:
0x54: {  	p1 =	sne.s32 s14, $0xFC00;
	v6 =	vld [tilespmem:s17+$0x82F0]  }
0x55: {  	v7 =	vld [tilespmem:s17+$0x200];
	[tilespmem:s16+$0x102C0] =	vst v5;
	v2 =	vadd.f32 v3, v2  }
0x56: {  	v3 =	vld [tilespmem:s17+$0x8200]  }
0x57: {  	v5 =	vld [tilespmem:s17+$0x210];
	[tilespmem:s16+$0x102D0] =	vst v2;
	v0 =	vadd.f32 v4, v0  }
0x58: {  	v2 =	vld [tilespmem:s17+$0x8210]  }
0x59: {  	v4 =	vld [tilespmem:s17+$0x220];
	v1 =	vadd.f32 v6, v1;
	[tilespmem:s16+$0x102E0] =	vst v0;
	s16 =	smov.u32 s17  }
0x5a: {  	v0 =	vld [tilespmem:s16+$0x8220]  }
0x5b: {  	v3 =	vadd.f32 v3, v7;
	v6 =	vld [tilespmem:s16+$0x230];
	[tilespmem:s16+$0x102F0] =	vst v1  }
0x5c: {  	v1 =	vld [tilespmem:s16+$0x8230]  }
0x5d: {  	[tilespmem:s16+$0x10200] =	vst v3;
	v2 =	vadd.f32 v2, v5;
	v3 =	vld [tilespmem:s16+$0x240]  }
0x5e: {  	v5 =	vld [tilespmem:s16+$0x8240]  }
0x5f: {  	[tilespmem:s16+$0x10210] =	vst v2;
	v0 =	vadd.f32 v0, v4;
	v2 =	vld [tilespmem:s16+$0x250]  }
0x60: {  	v4 =	vld [tilespmem:s16+$0x8250]  }
0x61: {  	[tilespmem:s16+$0x10220] =	vst v0;
	v0 =	vadd.f32 v1, v6;
	v1 =	vld [tilespmem:s16+$0x260]  }
0x62: {  	v6 =	vld [tilespmem:s16+$0x8260]  }
0x63: {  	[tilespmem:s16+$0x10230] =	vst v0;
	v0 =	vadd.f32 v5, v3;
	v3 =	vld [tilespmem:s16+$0x270]  }
0x64: {  	v5 =	vld [tilespmem:s16+$0x8270]  }
0x65: {  	[tilespmem:s16+$0x10240] =	vst v0;
	v0 =	vadd.f32 v4, v2;
	v2 =	vld [tilespmem:s16+$0x280]  }
0x66: {  	v4 =	vld [tilespmem:s16+$0x8280]  }
0x67: {  	[tilespmem:s16+$0x10250] =	vst v0;
	v0 =	vadd.f32 v6, v1;
	v1 =	vld [tilespmem:s16+$0x290]  }
0x68: {  	v6 =	vld [tilespmem:s16+$0x8290]  }
0x69: {  	[tilespmem:s16+$0x10260] =	vst v0;
	v0 =	vadd.f32 v5, v3;
	v3 =	vld [tilespmem:s16+$0x2A0]  }
0x6a: {  	v5 =	vld [tilespmem:s16+$0x82A0]  }
0x6b: {  	[tilespmem:s16+$0x10270] =	vst v0;
	v0 =	vadd.f32 v4, v2;
	v4 =	vld [tilespmem:s16+$0x2B0]  }
0x6c: {  	v7 =	vld [tilespmem:s16+$0x82B0]  }
0x6d: {  	[tilespmem:s16+$0x10280] =	vst v0;
	v0 =	vadd.f32 v6, v1;
	v6 =	vld [tilespmem:s16+$0x2C0]  }
0x6e: {  	v8 =	vld [tilespmem:s16+$0x82C0]  }
.Ltmp0:
0x6f: {  	[tilespmem:s16+$0x10290] =	vst v0;
	v0 =	vadd.f32 v5, v3;
	v2 =	vld [tilespmem:s16+$0x2D0];
	(pc) =	sbr.rel @p1 .LBB2_3-.Ltmp0, $4  }
0x70: {  	v3 =	vld [tilespmem:s16+$0x82D0]  }
0x71: {  	[tilespmem:s16+$0x102A0] =	vst v0;
	v5 =	vadd.f32 v7, v4;
	v0 =	vld [tilespmem:s16+$0x2E0]  }
0x72: {  	s17 =	sshra.s32 s14, $0x2;
	v4 =	vld [tilespmem:s16+$0x82E0]  }
0x73: {  	s14 =	sadd.s32 $0x400, s14;
	v1 =	vld [tilespmem:s17+$0x2F0];
	[tilespmem:s16+$0x102B0] =	vst v5;
	v5 =	vadd.f32 v8, v6  }
0x74: {  	v6 =	vld [tilespmem:s17+$0x82F0]  }
0x75: {  	v7 =	vld [tilespmem:s17+$0x200];
	[tilespmem:s16+$0x102C0] =	vst v5;
	v2 =	vadd.f32 v3, v2  }
0x76: {  	v3 =	vld [tilespmem:s17+$0x8200]  }
0x77: {  	v5 =	vld [tilespmem:s17+$0x210];
	[tilespmem:s16+$0x102D0] =	vst v2;
	v0 =	vadd.f32 v4, v0  }
0x78: {  	v2 =	vld [tilespmem:s17+$0x8210]  }
0x79: {  	v4 =	vld [tilespmem:s17+$0x220];
	[tilespmem:s16+$0x102E0] =	vst v0  }
0x7a: {  	v0 =	vadd.f32 v6, v1;
	v1 =	vld [tilespmem:s17+$0x8220]  }
0x7b: {  	v6 =	vld [tilespmem:s17+$0x230]  }
0x7c: {  	v3 =	vadd.f32 v3, v7;
	[tilespmem:s17+$0x102F0] =	vst v0;
	v0 =	vld [tilespmem:s17+$0x8230]  }
0x7d: {  	v7 =	vld [tilespmem:s17+$0x82E0]  }
0x7e: {  	[tilespmem:s17+$0x10200] =	vst v3;
	v2 =	vadd.f32 v2, v5;
	v3 =	vld [tilespmem:s17+$0x240]  }
0x7f: {  	v5 =	vld [tilespmem:s17+$0x8240]  }
0x80: {  	[tilespmem:s17+$0x10210] =	vst v2;
	v2 =	vld [tilespmem:s17+$0x250]  }
0x81: {  	v1 =	vadd.f32 v1, v4;
	v4 =	vld [tilespmem:s17+$0x8250]  }
0x82: {  	v0 =	vadd.f32 v0, v6;
	v6 =	vld [tilespmem:s17+$0x8260]  }
0x83: {  	[tilespmem:s17+$0x10220] =	vst v1;
	v1 =	vld [tilespmem:s17+$0x260]  }
0x84: {  	[tilespmem:s17+$0x10230] =	vst v0;
	v0 =	vadd.f32 v5, v3;
	v3 =	vld [tilespmem:s17+$0x270]  }
0x85: {  	v5 =	vld [tilespmem:s17+$0x8270]  }
0x86: {  	[tilespmem:s17+$0x10240] =	vst v0;
	v0 =	vadd.f32 v4, v2;
	v2 =	vld [tilespmem:s17+$0x280]  }
0x87: {  	v4 =	vld [tilespmem:s17+$0x8280]  }
0x88: {  	[tilespmem:s17+$0x10250] =	vst v0;
	v0 =	vadd.f32 v6, v1;
	v1 =	vld [tilespmem:s17+$0x290]  }
0x89: {  	v6 =	vld [tilespmem:s17+$0x8290]  }
0x8a: {  	[tilespmem:s17+$0x10260] =	vst v0;
	v0 =	vadd.f32 v5, v3;
	v3 =	vld [tilespmem:s17+$0x2A0]  }
0x8b: {  	v5 =	vld [tilespmem:s17+$0x82A0]  }
0x8c: {  	[tilespmem:s17+$0x10270] =	vst v0;
	v0 =	vadd.f32 v4, v2;
	v2 =	vld [tilespmem:s17+$0x2B0]  }
0x8d: {  	v4 =	vld [tilespmem:s17+$0x82B0]  }
0x8e: {  	[tilespmem:s17+$0x10280] =	vst v0;
	v0 =	vadd.f32 v6, v1;
	v1 =	vld [tilespmem:s17+$0x2C0]  }
0x8f: {  	v6 =	vld [tilespmem:s17+$0x82C0]  }
0x90: {  	[tilespmem:s17+$0x10290] =	vst v0;
	v0 =	vadd.f32 v5, v3;
	v3 =	vld [tilespmem:s17+$0x2D0]  }
0x91: {  	v5 =	vld [tilespmem:s17+$0x82D0]  }
0x92: {  	[tilespmem:s17+$0x102A0] =	vst v0;
	v0 =	vld [tilespmem:s17+$0x2E0];
	_ =	sdelay $0x1  }
0x93: {  	v2 =	vadd.f32 v4, v2  }
0x94: {  	v1 =	vadd.f32 v6, v1  }
0x95: {  	s14 =	sadd.s32 s6, s2;
	[tilespmem:s17+$0x102B0] =	vst v2;
	v2 =	vadd.f32 v5, v3  }
0x96: {  	p1 =	seq.s32 s31, $0x13;
	s14 =	sshll.u32 s14, $0xB;
	[tilespmem:s17+$0x102C0] =	vst v1;
	v0 =	vadd.f32 v7, v0  }
0x97: {  	s2 =	sadd.s32 @!p1 s2, s11;
	s14 =	sand.u32 $0x1FFFF000, s14;
	[tilespmem:s17+$0x102D0] =	vst v2  }
0x98: {  	s2 =	sshll.u32 @!p1 s2, $0x4;
	s14 =	sadd.s32 s8, s14;
	[tilespmem:s17+$0x102E0] =	vst v0  }
0x99: {  	[hbm4b:s14+s3] =	stream.linear.scatter [tilespmem:s23], [sflag:$0x5], $0x4000, $0x38;
	[tilespmem:$0x18200] =	vst v63  }
0x9a: {  	s16 =	simm.s32 @!p1 $0x0;
	s14 =	sadd.s32 @!p1 s5, s2  }
0x9b: {  	[tilespmem:s16], [sflag:$0x7] =	stream.linear.gather @!p1 [hbm4b:s14+s16], $0x80, $0x38;
	[tilespmem:$0x18200] =	vst v63  }
0x9c: {  	s14 =	simm.s32 @!p1 $0x7  }
0x9d: {  	_ =	swait.ge @!p1 [sflag:s14], $0x80  }
0x9e: {  	[sflag:s14] =	ssyncset.done @!p1 $0x0  }
0x9f: {  	s17 =	simm.s32 @!p1 $0x100;
	s2 =	sadd.s32 @!p1 s7, s2;
	[sflag:s14] =	ssyncadd.s32 @!p1 $0xFFFFFF80  }
0xa0: {  	[tilespmem:s17], [sflag:$0x7] =	stream.linear.gather @!p1 [hbm4b:s2+s16], $0x80, $0x38;
	[tilespmem:$0x18200] =	vst v63  }
0xa1: {  	_ =	swait.ge @!p1 [sflag:s14], $0x80  }
0xa2: {  	[sflag:s14] =	ssyncset.done @!p1 $0x0  }
0xa3: {  	s2 =	simm.s32 @!p1 $0x80;
	[sflag:s14] =	ssyncadd.s32 @!p1 $0xFFFFFF80;
	s14 =	simm.s32 @!p1 $0x200  }
0xa4: {  	[tilespmem:s14], [sflag:$0x1] =	stream.indirect.gather @!p1 [hbm4b:s1+s2], $0x80, s16, s2, $0xb8;
	[tilespmem:$0x18200] =	vst v63  }
0xa5: {  	s14 =	simm.s32 @!p1 $0x8200  }
0xa6: {  	[tilespmem:s14], [sflag:$0x3] =	stream.indirect.gather @!p1 [hbm4b:s4+s2], $0x80, s17, s2, $0xb8;
	[tilespmem:$0x18200] =	vst v63  }
0xa7: {  	_ =	swait.ge [sflag:s24], $0x4000  }
0xa8: {  	[sflag:s24] =	ssyncset.done $0x0  }
0xa9: {  	[sflag:s24] =	ssyncadd.s32 $0xFFFFC000  }
0xaa: {  	_ =	swait.ge [sflag:s25], $0x4000  }
0xab: {  	[sflag:s25] =	ssyncset.done $0x0  }
0xac: {  	s2 =	simm.s32 @!p0 $0x6;
	[sflag:s25] =	ssyncadd.s32 $0xFFFFC000  }
0xad: {  	_ =	swait.ge @!p0 [sflag:s2], $0x4000  }
0xae: {  	[sflag:s2] =	ssyncset.done @!p0 $0x0  }
0xaf: {  	[sflag:s2] =	ssyncadd.s32 @!p0 $0xFFFFC000;
	s2 =	simm.s32 $0x0  }
0xb0: {  	v0 =	vld [tilespmem:s2+$0x42F0]  }
0xb1: {  	v1 =	vld [tilespmem:s2+$0xC2F0]  }
0xb2: {  	v2 =	vld [tilespmem:s2+$0x4200]  }
0xb3: {  	v3 =	vld [tilespmem:s2+$0xC200]  }
0xb4: {  	v4 =	vld [tilespmem:s2+$0x4210]  }
0xb5: {  	v5 =	vld [tilespmem:s2+$0xC210]  }
0xb6: {  	v6 =	vld [tilespmem:s2+$0x4220]  }
0xb7: {  	v7 =	vld [tilespmem:s2+$0x4230]  }
0xb8: {  	v0 =	vadd.f32 v1, v0;
	v1 =	vld [tilespmem:s2+$0xC220]  }
0xb9: {  	v2 =	vadd.f32 v3, v2;
	v3 =	vld [tilespmem:s2+$0x4240]  }
0xba: {  	[tilespmem:s2+$0x142F0] =	vst v0;
	v0 =	vld [tilespmem:s2+$0xC230]  }
0xbb: {  	[tilespmem:s2+$0x14200] =	vst v2;
	v2 =	vadd.f32 v5, v4;
	v4 =	vld [tilespmem:s2+$0xC240]  }
0xbc: {  	v5 =	vld [tilespmem:s2+$0xC250]  }
0xbd: {  	[tilespmem:s2+$0x14210] =	vst v2;
	v2 =	vld [tilespmem:s2+$0x4250];
	v1 =	vadd.f32 v1, v6  }
0xbe: {  	v6 =	vld [tilespmem:s2+$0xC260]  }
0xbf: {  	[tilespmem:s2+$0x14220] =	vst v1;
	v0 =	vadd.f32 v0, v7;
	v1 =	vld [tilespmem:s2+$0x4260]  }
0xc0: {  	v7 =	vld [tilespmem:s2+$0xC2B0]  }
0xc1: {  	[tilespmem:s2+$0x14230] =	vst v0;
	v0 =	vadd.f32 v4, v3;
	v3 =	vld [tilespmem:s2+$0x4270]  }
0xc2: {  	v4 =	vld [tilespmem:s2+$0xC270]  }
0xc3: {  	[tilespmem:s2+$0x14240] =	vst v0;
	v0 =	vadd.f32 v5, v2;
	v2 =	vld [tilespmem:s2+$0x4280]  }
0xc4: {  	v5 =	vld [tilespmem:s2+$0xC280]  }
0xc5: {  	[tilespmem:s2+$0x14250] =	vst v0;
	v0 =	vadd.f32 v6, v1;
	v1 =	vld [tilespmem:s2+$0x4290]  }
0xc6: {  	v6 =	vld [tilespmem:s2+$0xC290]  }
0xc7: {  	[tilespmem:s2+$0x14260] =	vst v0;
	v0 =	vadd.f32 v4, v3;
	v3 =	vld [tilespmem:s2+$0x42A0]  }
0xc8: {  	v4 =	vld [tilespmem:s2+$0xC2A0]  }
0xc9: {  	[tilespmem:s2+$0x14270] =	vst v0;
	v0 =	vadd.f32 v5, v2;
	v5 =	vld [tilespmem:s2+$0x42B0]  }
0xca: {  	v8 =	vld [tilespmem:s2+$0xC2C0]  }
0xcb: {  	[tilespmem:s2+$0x14280] =	vst v0;
	v0 =	vadd.f32 v6, v1;
	v6 =	vld [tilespmem:s2+$0x42C0]  }
0xcc: {  	v2 =	vld [tilespmem:s2+$0x42D0]  }
0xcd: {  	[tilespmem:s2+$0x14290] =	vst v0;
	v0 =	vadd.f32 v4, v3;
	v3 =	vld [tilespmem:s2+$0xC2D0]  }
0xce: {  	v4 =	vld [tilespmem:s2+$0xC2E0];
	v5 =	vadd.f32 v7, v5  }
0xcf: {  	s16 =	simm.s32 $0x100;
	[tilespmem:s2+$0x142A0] =	vst v0;
	v0 =	vld [tilespmem:s2+$0x42E0]  }
0xd0: {  	s14 =	simm.s32 $0x800;
	v1 =	vld [tilespmem:s16+$0x42F0];
	[tilespmem:s2+$0x142B0] =	vst v5;
	v5 =	vadd.f32 v8, v6  }
.LBB2_5:
0xd1: {  	p0 =	sne.s32 s14, $0xFC00;
	v6 =	vld [tilespmem:s16+$0xC2F0]  }
0xd2: {  	v7 =	vld [tilespmem:s16+$0x4200];
	[tilespmem:s2+$0x142C0] =	vst v5;
	v2 =	vadd.f32 v3, v2  }
0xd3: {  	v3 =	vld [tilespmem:s16+$0xC200]  }
0xd4: {  	v5 =	vld [tilespmem:s16+$0x4210];
	[tilespmem:s2+$0x142D0] =	vst v2;
	v0 =	vadd.f32 v4, v0  }
0xd5: {  	v2 =	vld [tilespmem:s16+$0xC210]  }
0xd6: {  	v4 =	vld [tilespmem:s16+$0x4220];
	v1 =	vadd.f32 v6, v1;
	[tilespmem:s2+$0x142E0] =	vst v0;
	s2 =	smov.u32 s16  }
0xd7: {  	v0 =	vld [tilespmem:s2+$0xC220]  }
0xd8: {  	v3 =	vadd.f32 v3, v7;
	v6 =	vld [tilespmem:s2+$0x4230];
	[tilespmem:s2+$0x142F0] =	vst v1  }
0xd9: {  	v1 =	vld [tilespmem:s2+$0xC230]  }
0xda: {  	[tilespmem:s2+$0x14200] =	vst v3;
	v2 =	vadd.f32 v2, v5;
	v3 =	vld [tilespmem:s2+$0x4240]  }
0xdb: {  	v5 =	vld [tilespmem:s2+$0xC240]  }
0xdc: {  	[tilespmem:s2+$0x14210] =	vst v2;
	v0 =	vadd.f32 v0, v4;
	v2 =	vld [tilespmem:s2+$0x4250]  }
0xdd: {  	v4 =	vld [tilespmem:s2+$0xC250]  }
0xde: {  	[tilespmem:s2+$0x14220] =	vst v0;
	v0 =	vadd.f32 v1, v6;
	v1 =	vld [tilespmem:s2+$0x4260]  }
0xdf: {  	v6 =	vld [tilespmem:s2+$0xC260]  }
0xe0: {  	[tilespmem:s2+$0x14230] =	vst v0;
	v0 =	vadd.f32 v5, v3;
	v3 =	vld [tilespmem:s2+$0x4270]  }
0xe1: {  	v5 =	vld [tilespmem:s2+$0xC270]  }
0xe2: {  	[tilespmem:s2+$0x14240] =	vst v0;
	v0 =	vadd.f32 v4, v2;
	v2 =	vld [tilespmem:s2+$0x4280]  }
0xe3: {  	v4 =	vld [tilespmem:s2+$0xC280]  }
0xe4: {  	[tilespmem:s2+$0x14250] =	vst v0;
	v0 =	vadd.f32 v6, v1;
	v1 =	vld [tilespmem:s2+$0x4290]  }
0xe5: {  	v6 =	vld [tilespmem:s2+$0xC290]  }
0xe6: {  	[tilespmem:s2+$0x14260] =	vst v0;
	v0 =	vadd.f32 v5, v3;
	v3 =	vld [tilespmem:s2+$0x42A0]  }
0xe7: {  	v5 =	vld [tilespmem:s2+$0xC2A0]  }
0xe8: {  	[tilespmem:s2+$0x14270] =	vst v0;
	v0 =	vadd.f32 v4, v2;
	v4 =	vld [tilespmem:s2+$0x42B0]  }
0xe9: {  	v7 =	vld [tilespmem:s2+$0xC2B0]  }
0xea: {  	[tilespmem:s2+$0x14280] =	vst v0;
	v0 =	vadd.f32 v6, v1;
	v6 =	vld [tilespmem:s2+$0x42C0]  }
0xeb: {  	v8 =	vld [tilespmem:s2+$0xC2C0]  }
.Ltmp1:
0xec: {  	[tilespmem:s2+$0x14290] =	vst v0;
	v0 =	vadd.f32 v5, v3;
	v2 =	vld [tilespmem:s2+$0x42D0];
	(pc) =	sbr.rel @p0 .LBB2_5-.Ltmp1, $4  }
0xed: {  	v3 =	vld [tilespmem:s2+$0xC2D0]  }
0xee: {  	[tilespmem:s2+$0x142A0] =	vst v0;
	v5 =	vadd.f32 v7, v4;
	v0 =	vld [tilespmem:s2+$0x42E0]  }
0xef: {  	s16 =	sshra.s32 s14, $0x2;
	v4 =	vld [tilespmem:s2+$0xC2E0]  }
0xf0: {  	s14 =	sadd.s32 $0x400, s14;
	v1 =	vld [tilespmem:s16+$0x42F0];
	[tilespmem:s2+$0x142B0] =	vst v5;
	v5 =	vadd.f32 v8, v6  }
0xf1: {  	v6 =	vld [tilespmem:s16+$0xC2F0]  }
0xf2: {  	v7 =	vld [tilespmem:s16+$0x4200];
	[tilespmem:s2+$0x142C0] =	vst v5;
	v2 =	vadd.f32 v3, v2  }
0xf3: {  	v28 =	vld [tilespmem:s16+$0xC200]  }
0xf4: {  	v5 =	vld [tilespmem:s16+$0x4210];
	[tilespmem:s2+$0x142D0] =	vst v2;
	v0 =	vadd.f32 v4, v0  }
0xf5: {  	v2 =	vld [tilespmem:s16+$0xC210]  }
0xf6: {  	v29 =	vld [tilespmem:s16+$0x4220];
	[tilespmem:s2+$0x142E0] =	vst v0  }
0xf7: {  	v31 =	vld [tilespmem:s16+$0xC220]  }
0xf8: {  	v32 =	vld [tilespmem:s16+$0x4230]  }
0xf9: {  	v33 =	vld [tilespmem:s16+$0xC230]  }
0xfa: {  	v34 =	vld [tilespmem:s16+$0x4240]  }
0xfb: {  	v35 =	vld [tilespmem:s16+$0xC240]  }
0xfc: {  	v36 =	vld [tilespmem:s16+$0x4250]  }
0xfd: {  	v37 =	vld [tilespmem:s16+$0xC250]  }
0xfe: {  	v38 =	vld [tilespmem:s16+$0x4260]  }
0xff: {  	v39 =	vld [tilespmem:s16+$0xC260]  }
0x100: {  	v41 =	vld [tilespmem:s16+$0x4270]  }
0x101: {  	v42 =	vld [tilespmem:s16+$0xC270]  }
0x102: {  	v44 =	vld [tilespmem:s16+$0x4280]  }
0x103: {  	v45 =	vld [tilespmem:s16+$0xC280]  }
0x104: {  	v47 =	vld [tilespmem:s16+$0x4290]  }
0x105: {  	v30 =	vadd.f32 v6, v1;
	v48 =	vld [tilespmem:s16+$0xC290]  }
0x106: {  	v50 =	vld [tilespmem:s16+$0x42A0];
	v3 =	vadd.f32 v28, v7  }
0x107: {  	v51 =	vld [tilespmem:s16+$0xC2A0];
	[tilespmem:s16+$0x142F0] =	vst v30;
	v2 =	vadd.f32 v2, v5  }
0x108: {  	v53 =	vld [tilespmem:s16+$0x42B0];
	[tilespmem:s16+$0x14200] =	vst v3;
	v1 =	vadd.f32 v31, v29  }
0x109: {  	v54 =	vld [tilespmem:s16+$0xC2B0];
	[tilespmem:s16+$0x14210] =	vst v2;
	v0 =	vadd.f32 v33, v32  }
0x10a: {  	v56 =	vld [tilespmem:s16+$0x42C0];
	v40 =	vadd.f32 v35, v34;
	[tilespmem:s16+$0x14220] =	vst v1  }
0x10b: {  	v57 =	vld [tilespmem:s16+$0xC2C0];
	v43 =	vadd.f32 v37, v36;
	[tilespmem:s16+$0x14230] =	vst v0  }
0x10c: {  	v59 =	vld [tilespmem:s16+$0x42D0];
	v46 =	vadd.f32 v39, v38;
	[tilespmem:s16+$0x14240] =	vst v40  }
0x10d: {  	v60 =	vld [tilespmem:s16+$0xC2D0];
	v49 =	vadd.f32 v42, v41;
	[tilespmem:s16+$0x14250] =	vst v43  }
0x10e: {  	v61 =	vld [tilespmem:s16+$0x42E0];
	v52 =	vadd.f32 v45, v44;
	[tilespmem:s16+$0x14260] =	vst v46  }
0x10f: {  	v62 =	vld [tilespmem:s16+$0xC2E0];
	v55 =	vadd.f32 v48, v47;
	[tilespmem:s16+$0x14270] =	vst v49  }
0x110: {  	v58 =	vadd.f32 v51, v50;
	[tilespmem:s16+$0x14280] =	vst v52  }
0x111: {  	s31 =	sadd.s32 $0x1, s31;
	v2 =	vadd.f32 v54, v53;
	[tilespmem:s16+$0x14290] =	vst v55  }
0x112: {  	p0 =	sne.s32 s31, $0x14;
	v63 =	vadd.f32 v60, v59;
	[tilespmem:s16+$0x142A0] =	vst v58  }
.Ltmp2:
0x113: {  	v1 =	vadd.f32 v57, v56;
	[tilespmem:s16+$0x142B0] =	vst v2;
	(pc) =	sbr.rel @p0 .LBB2_2-.Ltmp2, $4  }
0x114: {  	v0 =	vadd.f32 v62, v61;
	[tilespmem:s16+$0x142D0] =	vst v63  }
0x115: {  	s0 =	sshll.u32 s0, $0xB;
	[tilespmem:s16+$0x142C0] =	vst v1  }
0x116: {  	s0 =	sadd.s32 s8, s0;
	[tilespmem:s16+$0x142E0] =	vst v0  }
0x117: {  	[hbm4b:s0+s3] =	stream.linear.scatter [tilespmem:s26], [sflag:$0x6], $0x4000, $0x38;
	[tilespmem:$0x18200] =	vst v63  }
0x118: {  	s30 =	sadd.s32 $0x1, s30  }
0x119: {  	_ =	swait.ge [sflag:s28], $0x4000;
	p0 =	sne.s32 s30, s12  }
.Ltmp3:
0x11a: {  	[sflag:s28] =	ssyncset.done $0x0;
	(pc) =	sbr.rel @p0 .LBB2_1-.Ltmp3, $4  }
0x11b: {  	[sflag:s28] =	ssyncadd.s32 $0xFFFFC000  }
0x11c: {  	_ =	swait.ge [sflag:s29], $0x4000  }
0x11d: {  	[sflag:s29] =	ssyncset.done $0x0  }
0x11e: {  	[sflag:s29] =	ssyncadd.s32 $0xFFFFC000  }
0x11f: {  	_ =	sfence.sel $0x180000  }
0x120: {  	[bflag:$0x0] =	sbarrier.arrive $0xFFFF  }
0x121: {  	_ =	strace $0x90000050  }
0x122: {  	s0 =	stileid.u32;
	[bflag:$0x2] =	sbarrier.arrive $0xFFFF  }
0x123: {  	p0 =	sne.s32 s0, $0x0;
	s0 =	rddreg [dreg:$0x2]  }
0x124: {  	s0 =	sadd.s32 @!p0 $0x100000, s0  }
0x125: {  	[sflag:s0] =	ssyncadd.tile.s32 @!p0 $0x1;
	_ =	shalt  }
.Lfunc_end2:
_tile_overlayer_lowered:
.L_overlay_start_2:
0x126: {  	(tag) =	ssettag $0x2  }
0x127: {  	s0 =	rddreg [dreg:$0x0];
	s2 =	stileid.u32  }
0x128: {  	s1 =	rddreg [dreg:$0x1];
	p0 =	sne.s32 s2, $0x0  }
0x129: {  	s3 =	rddreg [dreg:$0x2];
	[bflag:$0x3] =	sbarrier.arrive $0xFFFF;
	s2 =	simm.s32 @!p0 $0x1C07  }
0x12a: {  	[timem:s3], [sflag:s2] =	dma.local @!p0 [hbm:s0], s1  }
0x12b: {  	s0 =	simm.s32 @!p0 $0x7  }
0x12c: {  	_ =	swait.ge @!p0 [sflag:s0], s1  }
0x12d: {  	s1 =	ssub.s32 @!p0 $0x0, s1;
	[sflag:s0] =	ssyncset.done @!p0 $0x0  }
0x12e: {  	[sflag:s0] =	ssyncadd.s32 @!p0 s1  }
0x12f: {  	[bflag:$0x3] =	sbarrier.arrive $0xFFFF  }
0x130: {  	_ =	shalt  }

</sc_bundles>
